<compile_context>
chip_gen: v7x
topology: tpu7x:2x2x1
jax: 0.10.2.dev20260603
libtpu: 0.0.44.dev20260713+nightly
codegen_flags: <defaults>
</compile_context>

<pallas_src>
import functools

import jax
import jax.numpy as jnp
from jax import lax
from jax.experimental import pallas as pl
from jax.experimental.pallas import tpu as pltpu
from jax.experimental.pallas import tpu_sc as plsc

N = 10000
E = 320000
G = 128
NC = 2
NS = 16
HN = N // NC
CH = 125
EPT = E // NS
NCH = EPT // CH
NBUF = 2
SPAN, CZ = 320, 40

_F32 = jnp.float32


@functools.cache
def _mesh():
  return plsc.VectorSubcoreMesh(core_axis_name="c", subcore_axis_name="s")


@functools.cache
def _agg_sc():
  return pl.kernel(
      _agg_sc_body,
      out_type=jax.ShapeDtypeStruct((NC, HN, 128), _F32),
      mesh=_mesh(),
      scratch_types=[
          pltpu.VMEM((NCH, CH), jnp.int32),
          pltpu.VMEM((NCH, CH), jnp.int32),
          [pltpu.VMEM((CH, 128), _F32)] * NBUF,
          pltpu.VMEM((CZ, 128), _F32),
          pltpu.VMEM_SHARED((HN + 8, 128), _F32),
          [pltpu.SemaphoreType.DMA] * NBUF,
      ])


def _agg_sc_body(t_hbm, src_hbm, dst0_hbm, dst1_hbm, zeros_hbm, out_hbm,
                 idx_s, idx_d, rows, zbuf, acc, sem):
  c = lax.axis_index("c")
  s = lax.axis_index("s")
  pltpu.sync_copy(src_hbm.at[s], idx_s)

  @pl.when(c == 0)
  def _():
    pltpu.sync_copy(dst0_hbm.at[s], idx_d)

  @pl.when(c == 1)
  def _():
    pltpu.sync_copy(dst1_hbm.at[s], idx_d)

  pltpu.sync_copy(zeros_hbm.at[pl.ds(0, CZ)], zbuf)

  def zcp(k, _):
    pltpu.sync_copy(zbuf, acc.at[pl.ds(s * SPAN + k * CZ, CZ)])
    return 0

  lax.fori_loop(0, 5, zcp, 0)

  @pl.when(s < NS - 1)
  def _():
    lax.fori_loop(5, 8, zcp, 0)

  plsc.subcore_barrier()

  for b in range(NBUF):
    pltpu.async_copy(t_hbm.at[idx_s.at[b]], rows[b], sem[b])

  def group(g, _):
    base = NBUF * g
    for b in range(NBUF):
      j = base + b
      pltpu.make_async_copy(t_hbm.at[idx_s.at[0]], rows[b], sem[b]).wait()
      pltpu.sync_copy(rows[b], acc.at[idx_d.at[j]], add=True)

      @pl.when(g < NCH // NBUF - 1)
      def _():
        pltpu.async_copy(t_hbm.at[idx_s.at[j + NBUF]], rows[b], sem[b])

    return 0

  lax.fori_loop(0, NCH // NBUF, group, 0)
  plsc.subcore_barrier()

  def rcp(k, _):
    o = s * SPAN + k * CZ
    pltpu.sync_copy(acc.at[pl.ds(o, CZ)], out_hbm.at[c, pl.ds(o, CZ)])
    return 0

  lax.fori_loop(0, 5, rcp, 0)

  @pl.when(s < NS - 1)
  def _():
    lax.fori_loop(5, 8, rcp, 0)


@functools.cache
def _pool_sc():
  return pl.kernel(
      _pool_sc_body,
      out_type=jax.ShapeDtypeStruct((4, 8, G, 128), _F32),
      mesh=_mesh(),
      scratch_types=[
          pltpu.VMEM((632, 128), _F32),
          pltpu.VMEM((1280,), jnp.int32),
          pltpu.VMEM((G, 128), _F32),
      ])


def _pool_sc_body(h3_hbm, batch_hbm, zeros_hbm, out_hbm, buf, batchv, outv):
  c = lax.axis_index("c")
  s = lax.axis_index("s")
  wid = c * NS + s
  r = wid % 8
  cs = wid // 8
  base = r * 1248
  pltpu.sync_copy(batch_hbm.at[pl.ds(base, 1264)], batchv.at[pl.ds(0, 1264)])
  pltpu.sync_copy(zeros_hbm, outv)
  for half in range(2):
    pltpu.sync_copy(h3_hbm.at[cs, pl.ds(base + half * 632, 632)], buf)

    def row(k, _):
      seg = batchv[pl.ds(half * 632 + k, 16)][0]
      for j in range(8):
        v = buf[k, pl.ds(j * 16, 16)]
        m = outv[seg, pl.ds(j * 16, 16)]
        outv[seg, pl.ds(j * 16, 16)] = jnp.maximum(m, v)
      return 0

    lax.fori_loop(0, 632, row, 0)
  pltpu.sync_copy(outv, out_hbm.at[cs, r])


_NB = 1000


def _row_spec(width):
  return pl.BlockSpec((_NB, width), lambda i: (i, 0))


def _half_spec():
  return pl.BlockSpec((1, _NB, 128), lambda i: (i // 5, i % 5, 0))


def _full_spec(shape):
  nd = len(shape)
  return pl.BlockSpec(shape, lambda i, _n=nd: (0,) * _n)


def _tc_pre(sdeg, x):

  def body(sdeg_r, x_r, dinv_o, t_o):
    deg = 1.0 + sdeg_r[0][:, 0]
    dinv = lax.rsqrt(deg)[:, None]
    dinv_o[...] = dinv
    t_o[...] = dinv * x_r[...]

  return pl.pallas_call(
      body,
      grid=(N // _NB,),
      in_specs=[_half_spec(), _row_spec(128)],
      out_specs=[_row_spec(1), _row_spec(128)],
      out_shape=[
          jax.ShapeDtypeStruct((N, 1), _F32),
          jax.ShapeDtypeStruct((N, 128), _F32),
      ],
  )(sdeg, x)


def _tc_layer12(s_part, t, dinv, W, b):
  fo = W.shape[1]
  ng = fo // 128

  def body(s_r, t_r, dinv_r, w_r, b_r, *outs):
    di = dinv_r[...]
    agg = di * (s_r[0] + t_r[...])
    h = jnp.dot(agg, w_r[...], preferred_element_type=_F32) + b_r[...]
    tn = di * jnp.maximum(h, 0.0)
    for k in range(ng):
      outs[k][...] = tn[:, 128 * k:128 * (k + 1)]

  return pl.pallas_call(
      body,
      grid=(N // _NB,),
      in_specs=[
          _half_spec(),
          _row_spec(128),
          _row_spec(1),
          _full_spec(W.shape),
          _full_spec(b.shape),
      ],
      out_specs=[_row_spec(128)] * ng,
      out_shape=[jax.ShapeDtypeStruct((N, 128), _F32)] * ng,
  )(s_part, t, dinv, W, b)


def _tc_layer3(s01, s23, t01, t23, dinv, W, b):

  def body(s01_r, s23_r, t01_r, t23_r, dinv_r, w_r, b_r, o):
    di = dinv_r[...]
    s_full = jnp.concatenate([s01_r[0], s23_r[0]], axis=1)
    t_full = jnp.concatenate([t01_r[...], t23_r[...]], axis=1)
    agg = di * (s_full + t_full)
    h = jnp.dot(agg, w_r[...], preferred_element_type=_F32) + b_r[...]
    h = jnp.maximum(h, 0.0)
    o[...] = jnp.stack(
        [h[:, 0:128], h[:, 128:256], h[:, 256:384], h[:, 384:512]], axis=0)

  return pl.pallas_call(
      body,
      grid=(N // _NB,),
      in_specs=[
          _half_spec(),
          _half_spec(),
          _row_spec(128),
          _row_spec(128),
          _row_spec(1),
          _full_spec(W.shape),
          _full_spec(b.shape),
      ],
      out_specs=pl.BlockSpec((4, _NB, 128), lambda i: (0, i, 0)),
      out_shape=jax.ShapeDtypeStruct((4, N, 128), _F32),
  )(s01, s23, t01, t23, dinv, W, b)


def _tc_head(part, Wf1, bf1, Wf2, bf2):

  def body(p_r, w1_r, b1_r, w2_r, b2_r, o):
    p = p_r[...]
    strips = [jnp.max(p[8 * i:8 * (i + 1)], axis=0) for i in range(4)]
    pooled = jnp.concatenate(strips, axis=1)
    g = jnp.dot(pooled, w1_r[...], preferred_element_type=_F32) + b1_r[...]
    g = jnp.maximum(g, 0.0)
    o[...] = jnp.dot(g, w2_r[...], preferred_element_type=_F32) + b2_r[...]

  return pl.pallas_call(
      body,
      out_shape=jax.ShapeDtypeStruct((G, 128), _F32),
  )(part, Wf1, bf1, Wf2, bf2)


@jax.jit
def _impl(x, edge_index, batch, W1, b1, W2, b2, W3, b3, Wf1, bf1, Wf2, bf2):
  src = edge_index[0]
  dst = edge_index[1]
  srcC = src.reshape(NS, NCH, CH)
  low = dst < HN
  dst0 = jnp.where(low, dst, HN).reshape(NS, NCH, CH)
  dst1 = jnp.where(low, HN, dst - HN).reshape(NS, NCH, CH)
  zeros = jnp.zeros((G, 128), _F32)
  ones = jnp.ones((N, 128), _F32)

  agg = _agg_sc()
  sdeg = agg(ones, srcC, dst0, dst1, zeros)
  dinv, t1 = _tc_pre(sdeg, x)
  s1 = agg(t1, srcC, dst0, dst1, zeros)
  (t2,) = _tc_layer12(s1, t1, dinv, W1, b1.reshape(1, -1))
  s2 = agg(t2, srcC, dst0, dst1, zeros)
  t01, t23 = _tc_layer12(s2, t2, dinv, W2, b2.reshape(1, -1))
  s01 = agg(t01, srcC, dst0, dst1, zeros)
  s23 = agg(t23, srcC, dst0, dst1, zeros)
  h3 = _tc_layer3(s01, s23, t01, t23, dinv, W3, b3.reshape(1, -1))
  part = _pool_sc()(h3, batch, zeros)
  return _tc_head(part.reshape(NC * NS, G, 128), Wf1, bf1.reshape(1, -1),
                  Wf2, bf2.reshape(1, -1))


def kernel(x, edge_index, batch, W1, b1, W2, b2, W3, b3, Wf1, bf1, Wf2, bf2):
  return _impl(x, edge_index, batch, W1, b1, W2, b2, W3, b3,
               Wf1, bf1, Wf2, bf2)

# --- scband reference (transcript-rebuilt; emitter-appended) ---
"""Pipeline reference for scband-gcnnet-53970559042042 (READ-ONLY COPY).

The authoritative reference and input builder live on the scoring server;
editing this copy changes nothing except your own understanding.
"""

import jax, jax.numpy as jnp
import numpy as np

N_NODES = 10000
N_EDGES = 320000
D = 128
N_GRAPHS = 128


def setup_inputs(seed: int = 0) -> dict:
    key = jax.random.key(seed)
    ks = jax.random.split(key, 16)
    x = jax.random.normal(ks[0], (N_NODES, D), dtype=jnp.float32)
    edge_index = jax.random.randint(ks[1], (2, N_EDGES), 0, N_NODES, dtype=jnp.int32)
    batch = jnp.sort(jax.random.randint(ks[2], (N_NODES,), 0, N_GRAPHS, dtype=jnp.int32))

    def lin(k, fan_in, fan_out):
        kw, kb = jax.random.split(k)
        s = 1.0 / np.sqrt(fan_in)
        W = jax.random.uniform(kw, (fan_in, fan_out), jnp.float32, -s, s)
        b = jax.random.uniform(kb, (fan_out,), jnp.float32, -s, s)
        return W, b

    W1, b1 = lin(ks[3], D, D)
    W2, b2 = lin(ks[4], D, D * 2)
    W3, b3 = lin(ks[5], D * 2, D * 4)
    Wf1, bf1 = lin(ks[6], D * 4, 1024)
    Wf2, bf2 = lin(ks[7], 1024, 128)
    return {"x": x, "edge_index": edge_index, "batch": batch,
            "W1": W1, "b1": b1, "W2": W2, "b2": b2, "W3": W3, "b3": b3,
            "Wf1": Wf1, "bf1": bf1, "Wf2": Wf2, "bf2": bf2}


def _gcn_conv(x, edge_index, W, b):
    # PyG GCNConv: add self-loops, sym-normalize, aggregate, then linear (fused here as XW first)
    loop = jnp.arange(N_NODES, dtype=edge_index.dtype)
    src = jnp.concatenate([edge_index[0], loop])
    dst = jnp.concatenate([edge_index[1], loop])
    deg = jnp.zeros((N_NODES,), x.dtype).at[dst].add(1.0)
    dinv = jnp.where(deg > 0, jax.lax.rsqrt(deg), 0.0)
    norm = dinv[src] * dinv[dst]
    xw = x @ W
    msg = jnp.take(xw, src, axis=0) * norm[:, None]
    out = jnp.zeros((N_NODES, W.shape[1]), x.dtype).at[dst].add(msg)
    return out + b


def reference(x, edge_index, batch, W1, b1, W2, b2, W3, b3, Wf1, bf1, Wf2, bf2):
    h = jax.nn.relu(_gcn_conv(x, edge_index, W1, b1))
    h = jax.nn.relu(_gcn_conv(h, edge_index, W2, b2))
    h = jax.nn.relu(_gcn_conv(h, edge_index, W3, b3))
    # global max pool per graph (inputs are >= 0 post-relu, so clamp empty segments to 0)
    pooled = jax.ops.segment_max(h, batch, num_segments=N_GRAPHS, indices_are_sorted=True)
    pooled = jnp.maximum(pooled, 0.0)
    g = jax.nn.relu(pooled @ Wf1 + bf1)
    # dropout is identity in eval mode
    g = g @ Wf2 + bf2
    return g

if __name__ == "__main__":
    import jax
    _d = setup_inputs()
    print(jax.jit(kernel)(*tuple(_d.values())))

</pallas_src>

<mosaic_0001>
#map = affine_map<(d0, d1) -> (0, 0)>
#map1 = affine_map<(d0, d1) -> (0, 0, 0)>
module attributes {stable_mosaic.version = 14 : i64} {
  func.func @_agg_sc_body(%arg0: i32, %arg1: i32, %arg2: memref<10000x128xf32, #tpu.memory_space<hbm>>, %arg3: memref<16x160x125xi32, #tpu.memory_space<hbm>>, %arg4: memref<16x160x125xi32, #tpu.memory_space<hbm>>, %arg5: memref<16x160x125xi32, #tpu.memory_space<hbm>>, %arg6: memref<128x128xf32, #tpu.memory_space<hbm>>, %arg7: memref<2x5000x128xf32, #tpu.memory_space<hbm>>, %arg8: memref<160x125xi32, #tpu.memory_space<vmem>>, %arg9: memref<160x125xi32, #tpu.memory_space<vmem>>, %arg10: memref<125x128xf32, #tpu.memory_space<vmem>>, %arg11: memref<125x128xf32, #tpu.memory_space<vmem>>, %arg12: memref<40x128xf32, #tpu.memory_space<vmem>>, %arg13: memref<5008x128xf32, #tpu.memory_space<vmem_shared>>, %arg14: memref<!tpu.dma_semaphore, #tpu.memory_space<semaphore_mem>>, %arg15: memref<!tpu.dma_semaphore, #tpu.memory_space<semaphore_mem>>) attributes {dimension_semantics = [#tpu.dimension_semantics<core_parallel>, #tpu.dimension_semantics<subcore_parallel>], iteration_bounds = array<i64: 2, 16>, scalar_prefetch = 0 : i64, scratch_operands = 8 : i64, tpu.core_type = #tpu.core_type<sc_vector_subcore>, window_params = [{transform_indices = #map}, {transform_indices = #map1}, {transform_indices = #map1}, {transform_indices = #map1}, {transform_indices = #map}, {transform_indices = #map1}]} {
    "tpu.region"() ({
      %run_scoped3A = tpu.sem_alloc : memref<!tpu.dma_semaphore, #tpu.memory_space<semaphore_mem>>
      %dma_start3A_50 = arith.constant 0 : i32
      %dma_start3A_51 = arith.constant 0 : i32
      %dma_start3A_52 = tpu.memref_slice %arg3[%arg1, %dma_start3A_50, %dma_start3A_51] : memref<16x160x125xi32, #tpu.memory_space<hbm>> -> memref<1x160x125xi32, #tpu.memory_space<hbm>>
      %dma_start3A_53 = tpu.memref_squeeze %dma_start3A_52 : memref<1x160x125xi32, #tpu.memory_space<hbm>> -> memref<160x125xi32, #tpu.memory_space<hbm>>
      %dma_start3A_54 = arith.constant 0 : i32
      %dma_start3A_55 = arith.constant 0 : i32
      %dma_start3A_56 = tpu.memref_slice %arg3[%arg1, %dma_start3A_54, %dma_start3A_55] : memref<16x160x125xi32, #tpu.memory_space<hbm>> -> memref<1x160x125xi32, #tpu.memory_space<hbm>>
      %dma_start3A_57 = tpu.memref_squeeze %dma_start3A_56 : memref<1x160x125xi32, #tpu.memory_space<hbm>> -> memref<160x125xi32, #tpu.memory_space<hbm>>
      tpu.enqueue_dma source(%dma_start3A_57 : memref<160x125xi32, #tpu.memory_space<hbm>>) target(%arg8 : memref<160x125xi32, #tpu.memory_space<vmem>>) target_semaphore(%run_scoped3A : memref<!tpu.dma_semaphore, #tpu.memory_space<semaphore_mem>>)
      %dma_wait3A = arith.constant 0 : i32
      %dma_wait3A_58 = arith.constant 0 : i32
      %dma_wait3A_59 = tpu.memref_slice %arg3[%arg1, %dma_wait3A, %dma_wait3A_58] : memref<16x160x125xi32, #tpu.memory_space<hbm>> -> memref<1x160x125xi32, #tpu.memory_space<hbm>>
      %dma_wait3A_60 = tpu.memref_squeeze %dma_wait3A_59 : memref<1x160x125xi32, #tpu.memory_space<hbm>> -> memref<160x125xi32, #tpu.memory_space<hbm>>
      %dma_wait3A_61 = arith.constant 0 : i32
      %dma_wait3A_62 = arith.constant 0 : i32
      %dma_wait3A_63 = tpu.memref_slice %arg3[%arg1, %dma_wait3A_61, %dma_wait3A_62] : memref<16x160x125xi32, #tpu.memory_space<hbm>> -> memref<1x160x125xi32, #tpu.memory_space<hbm>>
      %dma_wait3A_64 = tpu.memref_squeeze %dma_wait3A_63 : memref<1x160x125xi32, #tpu.memory_space<hbm>> -> memref<160x125xi32, #tpu.memory_space<hbm>>
      tpu.wait_dma2 semaphore(%run_scoped3A : memref<!tpu.dma_semaphore, #tpu.memory_space<semaphore_mem>>) src(%dma_wait3A_64 : memref<160x125xi32, #tpu.memory_space<hbm>>) dst(%arg8 : memref<160x125xi32, #tpu.memory_space<vmem>>)
      tpu.yield
    }) : () -> ()
    %eq3A = arith.constant 0 : i32
    %eq3A_0 = arith.cmpi eq, %arg0, %eq3A : i32
    %convert_element_type3A = arith.extui %eq3A_0 : i1 to i32
    %cond3A = arith.constant 0 : i32
    %cond3A_1 = arith.cmpi ne, %convert_element_type3A, %cond3A : i32
    scf.if %cond3A_1 {
      "tpu.region"() ({
        %run_scoped3A = tpu.sem_alloc : memref<!tpu.dma_semaphore, #tpu.memory_space<semaphore_mem>>
        %dma_start3A_50 = arith.constant 0 : i32
        %dma_start3A_51 = arith.constant 0 : i32
        %dma_start3A_52 = tpu.memref_slice %arg4[%arg1, %dma_start3A_50, %dma_start3A_51] : memref<16x160x125xi32, #tpu.memory_space<hbm>> -> memref<1x160x125xi32, #tpu.memory_space<hbm>>
        %dma_start3A_53 = tpu.memref_squeeze %dma_start3A_52 : memref<1x160x125xi32, #tpu.memory_space<hbm>> -> memref<160x125xi32, #tpu.memory_space<hbm>>
        %dma_start3A_54 = arith.constant 0 : i32
        %dma_start3A_55 = arith.constant 0 : i32
        %dma_start3A_56 = tpu.memref_slice %arg4[%arg1, %dma_start3A_54, %dma_start3A_55] : memref<16x160x125xi32, #tpu.memory_space<hbm>> -> memref<1x160x125xi32, #tpu.memory_space<hbm>>
        %dma_start3A_57 = tpu.memref_squeeze %dma_start3A_56 : memref<1x160x125xi32, #tpu.memory_space<hbm>> -> memref<160x125xi32, #tpu.memory_space<hbm>>
        tpu.enqueue_dma source(%dma_start3A_57 : memref<160x125xi32, #tpu.memory_space<hbm>>) target(%arg9 : memref<160x125xi32, #tpu.memory_space<vmem>>) target_semaphore(%run_scoped3A : memref<!tpu.dma_semaphore, #tpu.memory_space<semaphore_mem>>)
        %dma_wait3A = arith.constant 0 : i32
        %dma_wait3A_58 = arith.constant 0 : i32
        %dma_wait3A_59 = tpu.memref_slice %arg4[%arg1, %dma_wait3A, %dma_wait3A_58] : memref<16x160x125xi32, #tpu.memory_space<hbm>> -> memref<1x160x125xi32, #tpu.memory_space<hbm>>
        %dma_wait3A_60 = tpu.memref_squeeze %dma_wait3A_59 : memref<1x160x125xi32, #tpu.memory_space<hbm>> -> memref<160x125xi32, #tpu.memory_space<hbm>>
        %dma_wait3A_61 = arith.constant 0 : i32
        %dma_wait3A_62 = arith.constant 0 : i32
        %dma_wait3A_63 = tpu.memref_slice %arg4[%arg1, %dma_wait3A_61, %dma_wait3A_62] : memref<16x160x125xi32, #tpu.memory_space<hbm>> -> memref<1x160x125xi32, #tpu.memory_space<hbm>>
        %dma_wait3A_64 = tpu.memref_squeeze %dma_wait3A_63 : memref<1x160x125xi32, #tpu.memory_space<hbm>> -> memref<160x125xi32, #tpu.memory_space<hbm>>
        tpu.wait_dma2 semaphore(%run_scoped3A : memref<!tpu.dma_semaphore, #tpu.memory_space<semaphore_mem>>) src(%dma_wait3A_64 : memref<160x125xi32, #tpu.memory_space<hbm>>) dst(%arg9 : memref<160x125xi32, #tpu.memory_space<vmem>>)
        tpu.yield
      }) : () -> ()
    } else {
    }
    %eq3A_2 = arith.constant 1 : i32
    %eq3A_3 = arith.cmpi eq, %arg0, %eq3A_2 : i32
    %convert_element_type3A_4 = arith.extui %eq3A_3 : i1 to i32
    %cond3A_5 = arith.constant 0 : i32
    %cond3A_6 = arith.cmpi ne, %convert_element_type3A_4, %cond3A_5 : i32
    scf.if %cond3A_6 {
      "tpu.region"() ({
        %run_scoped3A = tpu.sem_alloc : memref<!tpu.dma_semaphore, #tpu.memory_space<semaphore_mem>>
        %dma_start3A_50 = arith.constant 0 : i32
        %dma_start3A_51 = arith.constant 0 : i32
        %dma_start3A_52 = tpu.memref_slice %arg5[%arg1, %dma_start3A_50, %dma_start3A_51] : memref<16x160x125xi32, #tpu.memory_space<hbm>> -> memref<1x160x125xi32, #tpu.memory_space<hbm>>
        %dma_start3A_53 = tpu.memref_squeeze %dma_start3A_52 : memref<1x160x125xi32, #tpu.memory_space<hbm>> -> memref<160x125xi32, #tpu.memory_space<hbm>>
        %dma_start3A_54 = arith.constant 0 : i32
        %dma_start3A_55 = arith.constant 0 : i32
        %dma_start3A_56 = tpu.memref_slice %arg5[%arg1, %dma_start3A_54, %dma_start3A_55] : memref<16x160x125xi32, #tpu.memory_space<hbm>> -> memref<1x160x125xi32, #tpu.memory_space<hbm>>
        %dma_start3A_57 = tpu.memref_squeeze %dma_start3A_56 : memref<1x160x125xi32, #tpu.memory_space<hbm>> -> memref<160x125xi32, #tpu.memory_space<hbm>>
        tpu.enqueue_dma source(%dma_start3A_57 : memref<160x125xi32, #tpu.memory_space<hbm>>) target(%arg9 : memref<160x125xi32, #tpu.memory_space<vmem>>) target_semaphore(%run_scoped3A : memref<!tpu.dma_semaphore, #tpu.memory_space<semaphore_mem>>)
        %dma_wait3A = arith.constant 0 : i32
        %dma_wait3A_58 = arith.constant 0 : i32
        %dma_wait3A_59 = tpu.memref_slice %arg5[%arg1, %dma_wait3A, %dma_wait3A_58] : memref<16x160x125xi32, #tpu.memory_space<hbm>> -> memref<1x160x125xi32, #tpu.memory_space<hbm>>
        %dma_wait3A_60 = tpu.memref_squeeze %dma_wait3A_59 : memref<1x160x125xi32, #tpu.memory_space<hbm>> -> memref<160x125xi32, #tpu.memory_space<hbm>>
        %dma_wait3A_61 = arith.constant 0 : i32
        %dma_wait3A_62 = arith.constant 0 : i32
        %dma_wait3A_63 = tpu.memref_slice %arg5[%arg1, %dma_wait3A_61, %dma_wait3A_62] : memref<16x160x125xi32, #tpu.memory_space<hbm>> -> memref<1x160x125xi32, #tpu.memory_space<hbm>>
        %dma_wait3A_64 = tpu.memref_squeeze %dma_wait3A_63 : memref<1x160x125xi32, #tpu.memory_space<hbm>> -> memref<160x125xi32, #tpu.memory_space<hbm>>
        tpu.wait_dma2 semaphore(%run_scoped3A : memref<!tpu.dma_semaphore, #tpu.memory_space<semaphore_mem>>) src(%dma_wait3A_64 : memref<160x125xi32, #tpu.memory_space<hbm>>) dst(%arg9 : memref<160x125xi32, #tpu.memory_space<vmem>>)
        tpu.yield
      }) : () -> ()
    } else {
    }
    "tpu.region"() ({
      %run_scoped3A = tpu.sem_alloc : memref<!tpu.dma_semaphore, #tpu.memory_space<semaphore_mem>>
      %dma_start3A_50 = arith.constant 0 : i32
      %dma_start3A_51 = arith.constant 0 : i32
      %dma_start3A_52 = tpu.memref_slice %arg6[%dma_start3A_50, %dma_start3A_51] : memref<128x128xf32, #tpu.memory_space<hbm>> -> memref<40x128xf32, #tpu.memory_space<hbm>>
      %dma_start3A_53 = arith.constant 0 : i32
      %dma_start3A_54 = arith.constant 0 : i32
      %dma_start3A_55 = tpu.memref_slice %arg6[%dma_start3A_53, %dma_start3A_54] : memref<128x128xf32, #tpu.memory_space<hbm>> -> memref<40x128xf32, #tpu.memory_space<hbm>>
      tpu.enqueue_dma source(%dma_start3A_55 : memref<40x128xf32, #tpu.memory_space<hbm>>) target(%arg12 : memref<40x128xf32, #tpu.memory_space<vmem>>) target_semaphore(%run_scoped3A : memref<!tpu.dma_semaphore, #tpu.memory_space<semaphore_mem>>)
      %dma_wait3A = arith.constant 0 : i32
      %dma_wait3A_56 = arith.constant 0 : i32
      %dma_wait3A_57 = tpu.memref_slice %arg6[%dma_wait3A, %dma_wait3A_56] : memref<128x128xf32, #tpu.memory_space<hbm>> -> memref<40x128xf32, #tpu.memory_space<hbm>>
      %dma_wait3A_58 = arith.constant 0 : i32
      %dma_wait3A_59 = arith.constant 0 : i32
      %dma_wait3A_60 = tpu.memref_slice %arg6[%dma_wait3A_58, %dma_wait3A_59] : memref<128x128xf32, #tpu.memory_space<hbm>> -> memref<40x128xf32, #tpu.memory_space<hbm>>
      tpu.wait_dma2 semaphore(%run_scoped3A : memref<!tpu.dma_semaphore, #tpu.memory_space<semaphore_mem>>) src(%dma_wait3A_60 : memref<40x128xf32, #tpu.memory_space<hbm>>) dst(%arg12 : memref<40x128xf32, #tpu.memory_space<vmem>>)
      tpu.yield
    }) : () -> ()
    %scan3A = arith.constant 0 : i32
    %scan3A_7 = arith.constant 0 : i32
    %scan3A_8 = arith.constant 5 : i32
    %scan3A_9 = arith.addi %scan3A_7, %scan3A_8 : i32
    %scan3A_10 = arith.constant 1 : i32
    %scan3A_11 = scf.for %scan3A_50 = %scan3A_7 to %scan3A_9 step %scan3A_10 iter_args(%scan3A_51 = %scan3A) -> (i32)  : i32 {
      %mul3A = arith.constant 320 : i32
      %mul3A_52 = arith.muli %arg1, %mul3A : i32
      %mul3A_53 = arith.constant 40 : i32
      %mul3A_54 = arith.muli %scan3A_50, %mul3A_53 : i32
      %add3A = arith.addi %mul3A_52, %mul3A_54 : i32
      "tpu.region"() ({
        %run_scoped3A = tpu.sem_alloc : memref<!tpu.dma_semaphore, #tpu.memory_space<semaphore_mem>>
        %dma_start3A_56 = arith.constant 0 : i32
        %dma_start3A_57 = tpu.memref_slice %arg13[%add3A, %dma_start3A_56] : memref<5008x128xf32, #tpu.memory_space<vmem_shared>> -> memref<40x128xf32, #tpu.memory_space<vmem_shared>>
        %dma_start3A_58 = arith.constant 0 : i32
        %dma_start3A_59 = tpu.memref_slice %arg13[%add3A, %dma_start3A_58] : memref<5008x128xf32, #tpu.memory_space<vmem_shared>> -> memref<40x128xf32, #tpu.memory_space<vmem_shared>>
        tpu.enqueue_dma source(%arg12 : memref<40x128xf32, #tpu.memory_space<vmem>>) target(%dma_start3A_59 : memref<40x128xf32, #tpu.memory_space<vmem_shared>>) target_semaphore(%run_scoped3A : memref<!tpu.dma_semaphore, #tpu.memory_space<semaphore_mem>>)
        %dma_wait3A = arith.constant 0 : i32
        %dma_wait3A_60 = tpu.memref_slice %arg13[%add3A, %dma_wait3A] : memref<5008x128xf32, #tpu.memory_space<vmem_shared>> -> memref<40x128xf32, #tpu.memory_space<vmem_shared>>
        %dma_wait3A_61 = arith.constant 0 : i32
        %dma_wait3A_62 = tpu.memref_slice %arg13[%add3A, %dma_wait3A_61] : memref<5008x128xf32, #tpu.memory_space<vmem_shared>> -> memref<40x128xf32, #tpu.memory_space<vmem_shared>>
        tpu.wait_dma2 semaphore(%run_scoped3A : memref<!tpu.dma_semaphore, #tpu.memory_space<semaphore_mem>>) src(%arg12 : memref<40x128xf32, #tpu.memory_space<vmem>>) dst(%dma_wait3A_62 : memref<40x128xf32, #tpu.memory_space<vmem_shared>>)
        tpu.yield
      }) : () -> ()
      %scan3A_55 = arith.constant 0 : i32
      scf.yield %scan3A_55 : i32
    }
    %scan3A_12 = arith.constant 5 : i32
    %lt3A = arith.constant 15 : i32
    %lt3A_13 = arith.cmpi slt, %arg1, %lt3A : i32
    %convert_element_type3A_14 = arith.extui %lt3A_13 : i1 to i32
    %cond3A_15 = arith.constant 0 : i32
    %cond3A_16 = arith.cmpi ne, %convert_element_type3A_14, %cond3A_15 : i32
    scf.if %cond3A_16 {
      %scan3A_50 = arith.constant 0 : i32
      %scan3A_51 = arith.constant 5 : i32
      %scan3A_52 = arith.constant 3 : i32
      %scan3A_53 = arith.addi %scan3A_51, %scan3A_52 : i32
      %scan3A_54 = arith.constant 1 : i32
      %scan3A_55 = scf.for %scan3A_57 = %scan3A_51 to %scan3A_53 step %scan3A_54 iter_args(%scan3A_58 = %scan3A_50) -> (i32)  : i32 {
        %mul3A = arith.constant 320 : i32
        %mul3A_59 = arith.muli %arg1, %mul3A : i32
        %mul3A_60 = arith.constant 40 : i32
        %mul3A_61 = arith.muli %scan3A_57, %mul3A_60 : i32
        %add3A = arith.addi %mul3A_59, %mul3A_61 : i32
        "tpu.region"() ({
          %run_scoped3A = tpu.sem_alloc : memref<!tpu.dma_semaphore, #tpu.memory_space<semaphore_mem>>
          %dma_start3A_63 = arith.constant 0 : i32
          %dma_start3A_64 = tpu.memref_slice %arg13[%add3A, %dma_start3A_63] : memref<5008x128xf32, #tpu.memory_space<vmem_shared>> -> memref<40x128xf32, #tpu.memory_space<vmem_shared>>
          %dma_start3A_65 = arith.constant 0 : i32
          %dma_start3A_66 = tpu.memref_slice %arg13[%add3A, %dma_start3A_65] : memref<5008x128xf32, #tpu.memory_space<vmem_shared>> -> memref<40x128xf32, #tpu.memory_space<vmem_shared>>
          tpu.enqueue_dma source(%arg12 : memref<40x128xf32, #tpu.memory_space<vmem>>) target(%dma_start3A_66 : memref<40x128xf32, #tpu.memory_space<vmem_shared>>) target_semaphore(%run_scoped3A : memref<!tpu.dma_semaphore, #tpu.memory_space<semaphore_mem>>)
          %dma_wait3A = arith.constant 0 : i32
          %dma_wait3A_67 = tpu.memref_slice %arg13[%add3A, %dma_wait3A] : memref<5008x128xf32, #tpu.memory_space<vmem_shared>> -> memref<40x128xf32, #tpu.memory_space<vmem_shared>>
          %dma_wait3A_68 = arith.constant 0 : i32
          %dma_wait3A_69 = tpu.memref_slice %arg13[%add3A, %dma_wait3A_68] : memref<5008x128xf32, #tpu.memory_space<vmem_shared>> -> memref<40x128xf32, #tpu.memory_space<vmem_shared>>
          tpu.wait_dma2 semaphore(%run_scoped3A : memref<!tpu.dma_semaphore, #tpu.memory_space<semaphore_mem>>) src(%arg12 : memref<40x128xf32, #tpu.memory_space<vmem>>) dst(%dma_wait3A_69 : memref<40x128xf32, #tpu.memory_space<vmem_shared>>)
          tpu.yield
        }) : () -> ()
        %scan3A_62 = arith.constant 0 : i32
        scf.yield %scan3A_62 : i32
      }
      %scan3A_56 = arith.constant 3 : i32
    } else {
    }
    %barrier3A = arith.constant 0 : index
    tpu.barrier barrier_id(%barrier3A)
    %dma_start3A = arith.constant 0 : i32
    %dma_start3A_17 = arith.constant 0 : i32
    %dma_start3A_18 = tpu.memref_slice %arg8[%dma_start3A, %dma_start3A_17] : memref<160x125xi32, #tpu.memory_space<vmem>> -> memref<1x125xi32, #tpu.memory_space<vmem>>
    %dma_start3A_19 = tpu.memref_squeeze %dma_start3A_18 : memref<1x125xi32, #tpu.memory_space<vmem>> -> memref<125xi32, #tpu.memory_space<vmem>>
    %dma_start3A_20 = arith.constant 0 : i32
    %dma_start3A_21 = arith.constant 0 : i32
    %dma_start3A_22 = tpu.memref_slice %arg2[%dma_start3A_20, %dma_start3A_21] : memref<10000x128xf32, #tpu.memory_space<hbm>> -> memref<10000x128xf32, #tpu.memory_space<hbm>>
    tpu.enqueue_indirect_dma source(%dma_start3A_22 : memref<10000x128xf32, #tpu.memory_space<hbm>>) target(%arg10 : memref<125x128xf32, #tpu.memory_space<vmem>>) offsets(%dma_start3A_19 : memref<125xi32, #tpu.memory_space<vmem>>) semaphore(%arg14 : memref<!tpu.dma_semaphore, #tpu.memory_space<semaphore_mem>>)
    %dma_start3A_23 = arith.constant 1 : i32
    %dma_start3A_24 = arith.constant 0 : i32
    %dma_start3A_25 = tpu.memref_slice %arg8[%dma_start3A_23, %dma_start3A_24] : memref<160x125xi32, #tpu.memory_space<vmem>> -> memref<1x125xi32, #tpu.memory_space<vmem>>
    %dma_start3A_26 = tpu.memref_squeeze %dma_start3A_25 : memref<1x125xi32, #tpu.memory_space<vmem>> -> memref<125xi32, #tpu.memory_space<vmem>>
    %dma_start3A_27 = arith.constant 0 : i32
    %dma_start3A_28 = arith.constant 0 : i32
    %dma_start3A_29 = tpu.memref_slice %arg2[%dma_start3A_27, %dma_start3A_28] : memref<10000x128xf32, #tpu.memory_space<hbm>> -> memref<10000x128xf32, #tpu.memory_space<hbm>>
    tpu.enqueue_indirect_dma source(%dma_start3A_29 : memref<10000x128xf32, #tpu.memory_space<hbm>>) target(%arg11 : memref<125x128xf32, #tpu.memory_space<vmem>>) offsets(%dma_start3A_26 : memref<125xi32, #tpu.memory_space<vmem>>) semaphore(%arg15 : memref<!tpu.dma_semaphore, #tpu.memory_space<semaphore_mem>>)
    %scan3A_30 = arith.constant 0 : i32
    %scan3A_31 = arith.constant 0 : i32
    %scan3A_32 = arith.constant 80 : i32
    %scan3A_33 = arith.addi %scan3A_31, %scan3A_32 : i32
    %scan3A_34 = arith.constant 1 : i32
    %scan3A_35 = scf.for %scan3A_50 = %scan3A_31 to %scan3A_33 step %scan3A_34 iter_args(%scan3A_51 = %scan3A_30) -> (i32)  : i32 {
      %mul3A = arith.constant 2 : i32
      %mul3A_52 = arith.muli %mul3A, %scan3A_50 : i32
      %add3A = arith.constant 0 : i32
      %add3A_53 = arith.addi %mul3A_52, %add3A : i32
      %dma_wait3A = arith.constant 0 : i32
      %dma_wait3A_54 = arith.constant 0 : i32
      %dma_wait3A_55 = tpu.memref_slice %arg8[%dma_wait3A, %dma_wait3A_54] : memref<160x125xi32, #tpu.memory_space<vmem>> -> memref<1x125xi32, #tpu.memory_space<vmem>>
      %dma_wait3A_56 = tpu.memref_squeeze %dma_wait3A_55 : memref<1x125xi32, #tpu.memory_space<vmem>> -> memref<125xi32, #tpu.memory_space<vmem>>
      %dma_wait3A_57 = arith.constant 0 : i32
      %dma_wait3A_58 = arith.constant 0 : i32
      %dma_wait3A_59 = tpu.memref_slice %arg2[%dma_wait3A_57, %dma_wait3A_58] : memref<10000x128xf32, #tpu.memory_space<hbm>> -> memref<10000x128xf32, #tpu.memory_space<hbm>>
      tpu.wait_indirect_dma semaphore(%arg14 : memref<!tpu.dma_semaphore, #tpu.memory_space<semaphore_mem>>) src(%dma_wait3A_59 : memref<10000x128xf32, #tpu.memory_space<hbm>>) dst(%arg10 : memref<125x128xf32, #tpu.memory_space<vmem>>)
      "tpu.region"() ({
        %run_scoped3A = tpu.sem_alloc : memref<!tpu.dma_semaphore, #tpu.memory_space<semaphore_mem>>
        %dma_start3A_80 = arith.constant 0 : i32
        %dma_start3A_81 = tpu.memref_slice %arg9[%add3A_53, %dma_start3A_80] : memref<160x125xi32, #tpu.memory_space<vmem>> -> memref<1x125xi32, #tpu.memory_space<vmem>>
        %dma_start3A_82 = tpu.memref_squeeze %dma_start3A_81 : memref<1x125xi32, #tpu.memory_space<vmem>> -> memref<125xi32, #tpu.memory_space<vmem>>
        %dma_start3A_83 = arith.constant 0 : i32
        %dma_start3A_84 = arith.constant 0 : i32
        %dma_start3A_85 = tpu.memref_slice %arg13[%dma_start3A_83, %dma_start3A_84] : memref<5008x128xf32, #tpu.memory_space<vmem_shared>> -> memref<5008x128xf32, #tpu.memory_space<vmem_shared>>
        tpu.enqueue_indirect_dma source(%arg10 : memref<125x128xf32, #tpu.memory_space<vmem>>) target(%dma_start3A_85 : memref<5008x128xf32, #tpu.memory_space<vmem_shared>>) offsets(%dma_start3A_82 : memref<125xi32, #tpu.memory_space<vmem>>) semaphore(%run_scoped3A : memref<!tpu.dma_semaphore, #tpu.memory_space<semaphore_mem>>) {add = true}
        %dma_wait3A_86 = arith.constant 0 : i32
        %dma_wait3A_87 = tpu.memref_slice %arg9[%add3A_53, %dma_wait3A_86] : memref<160x125xi32, #tpu.memory_space<vmem>> -> memref<1x125xi32, #tpu.memory_space<vmem>>
        %dma_wait3A_88 = tpu.memref_squeeze %dma_wait3A_87 : memref<1x125xi32, #tpu.memory_space<vmem>> -> memref<125xi32, #tpu.memory_space<vmem>>
        %dma_wait3A_89 = arith.constant 0 : i32
        %dma_wait3A_90 = arith.constant 0 : i32
        %dma_wait3A_91 = tpu.memref_slice %arg13[%dma_wait3A_89, %dma_wait3A_90] : memref<5008x128xf32, #tpu.memory_space<vmem_shared>> -> memref<5008x128xf32, #tpu.memory_space<vmem_shared>>
        tpu.wait_indirect_dma semaphore(%run_scoped3A : memref<!tpu.dma_semaphore, #tpu.memory_space<semaphore_mem>>) src(%arg10 : memref<125x128xf32, #tpu.memory_space<vmem>>) dst(%dma_wait3A_91 : memref<5008x128xf32, #tpu.memory_space<vmem_shared>>)
        tpu.yield
      }) : () -> ()
      %lt3A_60 = arith.constant 79 : i32
      %lt3A_61 = arith.cmpi slt, %scan3A_50, %lt3A_60 : i32
      %convert_element_type3A_62 = arith.extui %lt3A_61 : i1 to i32
      %cond3A_63 = arith.constant 0 : i32
      %cond3A_64 = arith.cmpi ne, %convert_element_type3A_62, %cond3A_63 : i32
      scf.if %cond3A_64 {
        %add3A_80 = arith.constant 2 : i32
        %add3A_81 = arith.addi %add3A_53, %add3A_80 : i32
        %dma_start3A_82 = arith.constant 0 : i32
        %dma_start3A_83 = tpu.memref_slice %arg8[%add3A_81, %dma_start3A_82] : memref<160x125xi32, #tpu.memory_space<vmem>> -> memref<1x125xi32, #tpu.memory_space<vmem>>
        %dma_start3A_84 = tpu.memref_squeeze %dma_start3A_83 : memref<1x125xi32, #tpu.memory_space<vmem>> -> memref<125xi32, #tpu.memory_space<vmem>>
        %dma_start3A_85 = arith.constant 0 : i32
        %dma_start3A_86 = arith.constant 0 : i32
        %dma_start3A_87 = tpu.memref_slice %arg2[%dma_start3A_85, %dma_start3A_86] : memref<10000x128xf32, #tpu.memory_space<hbm>> -> memref<10000x128xf32, #tpu.memory_space<hbm>>
        tpu.enqueue_indirect_dma source(%dma_start3A_87 : memref<10000x128xf32, #tpu.memory_space<hbm>>) target(%arg10 : memref<125x128xf32, #tpu.memory_space<vmem>>) offsets(%dma_start3A_84 : memref<125xi32, #tpu.memory_space<vmem>>) semaphore(%arg14 : memref<!tpu.dma_semaphore, #tpu.memory_space<semaphore_mem>>)
      } else {
      }
      %add3A_65 = arith.constant 1 : i32
      %add3A_66 = arith.addi %mul3A_52, %add3A_65 : i32
      %dma_wait3A_67 = arith.constant 0 : i32
      %dma_wait3A_68 = arith.constant 0 : i32
      %dma_wait3A_69 = tpu.memref_slice %arg8[%dma_wait3A_67, %dma_wait3A_68] : memref<160x125xi32, #tpu.memory_space<vmem>> -> memref<1x125xi32, #tpu.memory_space<vmem>>
      %dma_wait3A_70 = tpu.memref_squeeze %dma_wait3A_69 : memref<1x125xi32, #tpu.memory_space<vmem>> -> memref<125xi32, #tpu.memory_space<vmem>>
      %dma_wait3A_71 = arith.constant 0 : i32
      %dma_wait3A_72 = arith.constant 0 : i32
      %dma_wait3A_73 = tpu.memref_slice %arg2[%dma_wait3A_71, %dma_wait3A_72] : memref<10000x128xf32, #tpu.memory_space<hbm>> -> memref<10000x128xf32, #tpu.memory_space<hbm>>
      tpu.wait_indirect_dma semaphore(%arg15 : memref<!tpu.dma_semaphore, #tpu.memory_space<semaphore_mem>>) src(%dma_wait3A_73 : memref<10000x128xf32, #tpu.memory_space<hbm>>) dst(%arg11 : memref<125x128xf32, #tpu.memory_space<vmem>>)
      "tpu.region"() ({
        %run_scoped3A = tpu.sem_alloc : memref<!tpu.dma_semaphore, #tpu.memory_space<semaphore_mem>>
        %dma_start3A_80 = arith.constant 0 : i32
        %dma_start3A_81 = tpu.memref_slice %arg9[%add3A_66, %dma_start3A_80] : memref<160x125xi32, #tpu.memory_space<vmem>> -> memref<1x125xi32, #tpu.memory_space<vmem>>
        %dma_start3A_82 = tpu.memref_squeeze %dma_start3A_81 : memref<1x125xi32, #tpu.memory_space<vmem>> -> memref<125xi32, #tpu.memory_space<vmem>>
        %dma_start3A_83 = arith.constant 0 : i32
        %dma_start3A_84 = arith.constant 0 : i32
        %dma_start3A_85 = tpu.memref_slice %arg13[%dma_start3A_83, %dma_start3A_84] : memref<5008x128xf32, #tpu.memory_space<vmem_shared>> -> memref<5008x128xf32, #tpu.memory_space<vmem_shared>>
        tpu.enqueue_indirect_dma source(%arg11 : memref<125x128xf32, #tpu.memory_space<vmem>>) target(%dma_start3A_85 : memref<5008x128xf32, #tpu.memory_space<vmem_shared>>) offsets(%dma_start3A_82 : memref<125xi32, #tpu.memory_space<vmem>>) semaphore(%run_scoped3A : memref<!tpu.dma_semaphore, #tpu.memory_space<semaphore_mem>>) {add = true}
        %dma_wait3A_86 = arith.constant 0 : i32
        %dma_wait3A_87 = tpu.memref_slice %arg9[%add3A_66, %dma_wait3A_86] : memref<160x125xi32, #tpu.memory_space<vmem>> -> memref<1x125xi32, #tpu.memory_space<vmem>>
        %dma_wait3A_88 = tpu.memref_squeeze %dma_wait3A_87 : memref<1x125xi32, #tpu.memory_space<vmem>> -> memref<125xi32, #tpu.memory_space<vmem>>
        %dma_wait3A_89 = arith.constant 0 : i32
        %dma_wait3A_90 = arith.constant 0 : i32
        %dma_wait3A_91 = tpu.memref_slice %arg13[%dma_wait3A_89, %dma_wait3A_90] : memref<5008x128xf32, #tpu.memory_space<vmem_shared>> -> memref<5008x128xf32, #tpu.memory_space<vmem_shared>>
        tpu.wait_indirect_dma semaphore(%run_scoped3A : memref<!tpu.dma_semaphore, #tpu.memory_space<semaphore_mem>>) src(%arg11 : memref<125x128xf32, #tpu.memory_space<vmem>>) dst(%dma_wait3A_91 : memref<5008x128xf32, #tpu.memory_space<vmem_shared>>)
        tpu.yield
      }) : () -> ()
      %lt3A_74 = arith.constant 79 : i32
      %lt3A_75 = arith.cmpi slt, %scan3A_50, %lt3A_74 : i32
      %convert_element_type3A_76 = arith.extui %lt3A_75 : i1 to i32
      %cond3A_77 = arith.constant 0 : i32
      %cond3A_78 = arith.cmpi ne, %convert_element_type3A_76, %cond3A_77 : i32
      scf.if %cond3A_78 {
        %add3A_80 = arith.constant 2 : i32
        %add3A_81 = arith.addi %add3A_66, %add3A_80 : i32
        %dma_start3A_82 = arith.constant 0 : i32
        %dma_start3A_83 = tpu.memref_slice %arg8[%add3A_81, %dma_start3A_82] : memref<160x125xi32, #tpu.memory_space<vmem>> -> memref<1x125xi32, #tpu.memory_space<vmem>>
        %dma_start3A_84 = tpu.memref_squeeze %dma_start3A_83 : memref<1x125xi32, #tpu.memory_space<vmem>> -> memref<125xi32, #tpu.memory_space<vmem>>
        %dma_start3A_85 = arith.constant 0 : i32
        %dma_start3A_86 = arith.constant 0 : i32
        %dma_start3A_87 = tpu.memref_slice %arg2[%dma_start3A_85, %dma_start3A_86] : memref<10000x128xf32, #tpu.memory_space<hbm>> -> memref<10000x128xf32, #tpu.memory_space<hbm>>
        tpu.enqueue_indirect_dma source(%dma_start3A_87 : memref<10000x128xf32, #tpu.memory_space<hbm>>) target(%arg11 : memref<125x128xf32, #tpu.memory_space<vmem>>) offsets(%dma_start3A_84 : memref<125xi32, #tpu.memory_space<vmem>>) semaphore(%arg15 : memref<!tpu.dma_semaphore, #tpu.memory_space<semaphore_mem>>)
      } else {
      }
      %scan3A_79 = arith.constant 0 : i32
      scf.yield %scan3A_79 : i32
    }
    %scan3A_36 = arith.constant 80 : i32
    %barrier3A_37 = arith.constant 0 : index
    tpu.barrier barrier_id(%barrier3A_37)
    %scan3A_38 = arith.constant 0 : i32
    %scan3A_39 = arith.constant 0 : i32
    %scan3A_40 = arith.constant 5 : i32
    %scan3A_41 = arith.addi %scan3A_39, %scan3A_40 : i32
    %scan3A_42 = arith.constant 1 : i32
    %scan3A_43 = scf.for %scan3A_50 = %scan3A_39 to %scan3A_41 step %scan3A_42 iter_args(%scan3A_51 = %scan3A_38) -> (i32)  : i32 {
      %mul3A = arith.constant 320 : i32
      %mul3A_52 = arith.muli %arg1, %mul3A : i32
      %mul3A_53 = arith.constant 40 : i32
      %mul3A_54 = arith.muli %scan3A_50, %mul3A_53 : i32
      %add3A = arith.addi %mul3A_52, %mul3A_54 : i32
      "tpu.region"() ({
        %run_scoped3A = tpu.sem_alloc : memref<!tpu.dma_semaphore, #tpu.memory_space<semaphore_mem>>
        %dma_start3A_56 = arith.constant 0 : i32
        %dma_start3A_57 = tpu.memref_slice %arg7[%arg0, %add3A, %dma_start3A_56] : memref<2x5000x128xf32, #tpu.memory_space<hbm>> -> memref<1x40x128xf32, #tpu.memory_space<hbm>>
        %dma_start3A_58 = tpu.memref_squeeze %dma_start3A_57 : memref<1x40x128xf32, #tpu.memory_space<hbm>> -> memref<40x128xf32, #tpu.memory_space<hbm>>
        %dma_start3A_59 = arith.constant 0 : i32
        %dma_start3A_60 = tpu.memref_slice %arg13[%add3A, %dma_start3A_59] : memref<5008x128xf32, #tpu.memory_space<vmem_shared>> -> memref<40x128xf32, #tpu.memory_space<vmem_shared>>
        tpu.enqueue_dma source(%dma_start3A_60 : memref<40x128xf32, #tpu.memory_space<vmem_shared>>) target(%dma_start3A_58 : memref<40x128xf32, #tpu.memory_space<hbm>>) target_semaphore(%run_scoped3A : memref<!tpu.dma_semaphore, #tpu.memory_space<semaphore_mem>>)
        %dma_wait3A = arith.constant 0 : i32
        %dma_wait3A_61 = tpu.memref_slice %arg7[%arg0, %add3A, %dma_wait3A] : memref<2x5000x128xf32, #tpu.memory_space<hbm>> -> memref<1x40x128xf32, #tpu.memory_space<hbm>>
        %dma_wait3A_62 = tpu.memref_squeeze %dma_wait3A_61 : memref<1x40x128xf32, #tpu.memory_space<hbm>> -> memref<40x128xf32, #tpu.memory_space<hbm>>
        %dma_wait3A_63 = arith.constant 0 : i32
        %dma_wait3A_64 = tpu.memref_slice %arg13[%add3A, %dma_wait3A_63] : memref<5008x128xf32, #tpu.memory_space<vmem_shared>> -> memref<40x128xf32, #tpu.memory_space<vmem_shared>>
        tpu.wait_dma2 semaphore(%run_scoped3A : memref<!tpu.dma_semaphore, #tpu.memory_space<semaphore_mem>>) src(%dma_wait3A_64 : memref<40x128xf32, #tpu.memory_space<vmem_shared>>) dst(%dma_wait3A_62 : memref<40x128xf32, #tpu.memory_space<hbm>>)
        tpu.yield
      }) : () -> ()
      %scan3A_55 = arith.constant 0 : i32
      scf.yield %scan3A_55 : i32
    }
    %scan3A_44 = arith.constant 5 : i32
    %lt3A_45 = arith.constant 15 : i32
    %lt3A_46 = arith.cmpi slt, %arg1, %lt3A_45 : i32
    %convert_element_type3A_47 = arith.extui %lt3A_46 : i1 to i32
    %cond3A_48 = arith.constant 0 : i32
    %cond3A_49 = arith.cmpi ne, %convert_element_type3A_47, %cond3A_48 : i32
    scf.if %cond3A_49 {
      %scan3A_50 = arith.constant 0 : i32
      %scan3A_51 = arith.constant 5 : i32
      %scan3A_52 = arith.constant 3 : i32
      %scan3A_53 = arith.addi %scan3A_51, %scan3A_52 : i32
      %scan3A_54 = arith.constant 1 : i32
      %scan3A_55 = scf.for %scan3A_57 = %scan3A_51 to %scan3A_53 step %scan3A_54 iter_args(%scan3A_58 = %scan3A_50) -> (i32)  : i32 {
        %mul3A = arith.constant 320 : i32
        %mul3A_59 = arith.muli %arg1, %mul3A : i32
        %mul3A_60 = arith.constant 40 : i32
        %mul3A_61 = arith.muli %scan3A_57, %mul3A_60 : i32
        %add3A = arith.addi %mul3A_59, %mul3A_61 : i32
        "tpu.region"() ({
          %run_scoped3A = tpu.sem_alloc : memref<!tpu.dma_semaphore, #tpu.memory_space<semaphore_mem>>
          %dma_start3A_63 = arith.constant 0 : i32
          %dma_start3A_64 = tpu.memref_slice %arg7[%arg0, %add3A, %dma_start3A_63] : memref<2x5000x128xf32, #tpu.memory_space<hbm>> -> memref<1x40x128xf32, #tpu.memory_space<hbm>>
          %dma_start3A_65 = tpu.memref_squeeze %dma_start3A_64 : memref<1x40x128xf32, #tpu.memory_space<hbm>> -> memref<40x128xf32, #tpu.memory_space<hbm>>
          %dma_start3A_66 = arith.constant 0 : i32
          %dma_start3A_67 = tpu.memref_slice %arg13[%add3A, %dma_start3A_66] : memref<5008x128xf32, #tpu.memory_space<vmem_shared>> -> memref<40x128xf32, #tpu.memory_space<vmem_shared>>
          tpu.enqueue_dma source(%dma_start3A_67 : memref<40x128xf32, #tpu.memory_space<vmem_shared>>) target(%dma_start3A_65 : memref<40x128xf32, #tpu.memory_space<hbm>>) target_semaphore(%run_scoped3A : memref<!tpu.dma_semaphore, #tpu.memory_space<semaphore_mem>>)
          %dma_wait3A = arith.constant 0 : i32
          %dma_wait3A_68 = tpu.memref_slice %arg7[%arg0, %add3A, %dma_wait3A] : memref<2x5000x128xf32, #tpu.memory_space<hbm>> -> memref<1x40x128xf32, #tpu.memory_space<hbm>>
          %dma_wait3A_69 = tpu.memref_squeeze %dma_wait3A_68 : memref<1x40x128xf32, #tpu.memory_space<hbm>> -> memref<40x128xf32, #tpu.memory_space<hbm>>
          %dma_wait3A_70 = arith.constant 0 : i32
          %dma_wait3A_71 = tpu.memref_slice %arg13[%add3A, %dma_wait3A_70] : memref<5008x128xf32, #tpu.memory_space<vmem_shared>> -> memref<40x128xf32, #tpu.memory_space<vmem_shared>>
          tpu.wait_dma2 semaphore(%run_scoped3A : memref<!tpu.dma_semaphore, #tpu.memory_space<semaphore_mem>>) src(%dma_wait3A_71 : memref<40x128xf32, #tpu.memory_space<vmem_shared>>) dst(%dma_wait3A_69 : memref<40x128xf32, #tpu.memory_space<hbm>>)
          tpu.yield
        }) : () -> ()
        %scan3A_62 = arith.constant 0 : i32
        scf.yield %scan3A_62 : i32
      }
      %scan3A_56 = arith.constant 3 : i32
    } else {
    }
    return
  }
}

#map = affine_map<(d0, d1) -> (0, 0)>
#map1 = affine_map<(d0, d1) -> (0, 0, 0)>
module attributes {stable_mosaic.version = 14 : i64} {
  func.func @_agg_sc_body(%arg0: i32, %arg1: i32, %arg2: memref<10000x128xf32, #tpu.memory_space<hbm>>, %arg3: memref<16x160x125xi32, #tpu.memory_space<hbm>>, %arg4: memref<16x160x125xi32, #tpu.memory_space<hbm>>, %arg5: memref<16x160x125xi32, #tpu.memory_space<hbm>>, %arg6: memref<128x128xf32, #tpu.memory_space<hbm>>, %arg7: memref<2x5000x128xf32, #tpu.memory_space<hbm>>, %arg8: memref<160x125xi32, #tpu.memory_space<vmem>>, %arg9: memref<160x125xi32, #tpu.memory_space<vmem>>, %arg10: memref<125x128xf32, #tpu.memory_space<vmem>>, %arg11: memref<125x128xf32, #tpu.memory_space<vmem>>, %arg12: memref<40x128xf32, #tpu.memory_space<vmem>>, %arg13: memref<5008x128xf32, #tpu.memory_space<vmem_shared>>, %arg14: memref<!tpu.dma_semaphore, #tpu.memory_space<semaphore_mem>>, %arg15: memref<!tpu.dma_semaphore, #tpu.memory_space<semaphore_mem>>) attributes {dimension_semantics = [#tpu.dimension_semantics<core_parallel>, #tpu.dimension_semantics<subcore_parallel>], iteration_bounds = array<i64: 2, 16>, scalar_prefetch = 0 : i64, scratch_operands = 8 : i64, tpu.core_type = #tpu.core_type<sc_vector_subcore>, window_params = [{transform_indices = #map}, {transform_indices = #map1}, {transform_indices = #map1}, {transform_indices = #map1}, {transform_indices = #map}, {transform_indices = #map1}]} {
    "tpu.region"() ({
      %run_scoped3A = tpu.sem_alloc : memref<!tpu.dma_semaphore, #tpu.memory_space<semaphore_mem>>
      %dma_start3A_50 = arith.constant 0 : i32
      %dma_start3A_51 = arith.constant 0 : i32
      %dma_start3A_52 = tpu.memref_slice %arg3[%arg1, %dma_start3A_50, %dma_start3A_51] : memref<16x160x125xi32, #tpu.memory_space<hbm>> -> memref<1x160x125xi32, #tpu.memory_space<hbm>>
      %dma_start3A_53 = tpu.memref_squeeze %dma_start3A_52 : memref<1x160x125xi32, #tpu.memory_space<hbm>> -> memref<160x125xi32, #tpu.memory_space<hbm>>
      %dma_start3A_54 = arith.constant 0 : i32
      %dma_start3A_55 = arith.constant 0 : i32
      %dma_start3A_56 = tpu.memref_slice %arg3[%arg1, %dma_start3A_54, %dma_start3A_55] : memref<16x160x125xi32, #tpu.memory_space<hbm>> -> memref<1x160x125xi32, #tpu.memory_space<hbm>>
      %dma_start3A_57 = tpu.memref_squeeze %dma_start3A_56 : memref<1x160x125xi32, #tpu.memory_space<hbm>> -> memref<160x125xi32, #tpu.memory_space<hbm>>
      tpu.enqueue_dma source(%dma_start3A_57 : memref<160x125xi32, #tpu.memory_space<hbm>>) target(%arg8 : memref<160x125xi32, #tpu.memory_space<vmem>>) target_semaphore(%run_scoped3A : memref<!tpu.dma_semaphore, #tpu.memory_space<semaphore_mem>>)
      %dma_wait3A = arith.constant 0 : i32
      %dma_wait3A_58 = arith.constant 0 : i32
      %dma_wait3A_59 = tpu.memref_slice %arg3[%arg1, %dma_wait3A, %dma_wait3A_58] : memref<16x160x125xi32, #tpu.memory_space<hbm>> -> memref<1x160x125xi32, #tpu.memory_space<hbm>>
      %dma_wait3A_60 = tpu.memref_squeeze %dma_wait3A_59 : memref<1x160x125xi32, #tpu.memory_space<hbm>> -> memref<160x125xi32, #tpu.memory_space<hbm>>
      %dma_wait3A_61 = arith.constant 0 : i32
      %dma_wait3A_62 = arith.constant 0 : i32
      %dma_wait3A_63 = tpu.memref_slice %arg3[%arg1, %dma_wait3A_61, %dma_wait3A_62] : memref<16x160x125xi32, #tpu.memory_space<hbm>> -> memref<1x160x125xi32, #tpu.memory_space<hbm>>
      %dma_wait3A_64 = tpu.memref_squeeze %dma_wait3A_63 : memref<1x160x125xi32, #tpu.memory_space<hbm>> -> memref<160x125xi32, #tpu.memory_space<hbm>>
      tpu.wait_dma2 semaphore(%run_scoped3A : memref<!tpu.dma_semaphore, #tpu.memory_space<semaphore_mem>>) src(%dma_wait3A_64 : memref<160x125xi32, #tpu.memory_space<hbm>>) dst(%arg8 : memref<160x125xi32, #tpu.memory_space<vmem>>)
      tpu.yield
    }) : () -> ()
    %eq3A = arith.constant 0 : i32
    %eq3A_0 = arith.cmpi eq, %arg0, %eq3A : i32
    %convert_element_type3A = arith.extui %eq3A_0 : i1 to i32
    %cond3A = arith.constant 0 : i32
    %cond3A_1 = arith.cmpi ne, %convert_element_type3A, %cond3A : i32
    scf.if %cond3A_1 {
      "tpu.region"() ({
        %run_scoped3A = tpu.sem_alloc : memref<!tpu.dma_semaphore, #tpu.memory_space<semaphore_mem>>
        %dma_start3A_50 = arith.constant 0 : i32
        %dma_start3A_51 = arith.constant 0 : i32
        %dma_start3A_52 = tpu.memref_slice %arg4[%arg1, %dma_start3A_50, %dma_start3A_51] : memref<16x160x125xi32, #tpu.memory_space<hbm>> -> memref<1x160x125xi32, #tpu.memory_space<hbm>>
        %dma_start3A_53 = tpu.memref_squeeze %dma_start3A_52 : memref<1x160x125xi32, #tpu.memory_space<hbm>> -> memref<160x125xi32, #tpu.memory_space<hbm>>
        %dma_start3A_54 = arith.constant 0 : i32
        %dma_start3A_55 = arith.constant 0 : i32
        %dma_start3A_56 = tpu.memref_slice %arg4[%arg1, %dma_start3A_54, %dma_start3A_55] : memref<16x160x125xi32, #tpu.memory_space<hbm>> -> memref<1x160x125xi32, #tpu.memory_space<hbm>>
        %dma_start3A_57 = tpu.memref_squeeze %dma_start3A_56 : memref<1x160x125xi32, #tpu.memory_space<hbm>> -> memref<160x125xi32, #tpu.memory_space<hbm>>
        tpu.enqueue_dma source(%dma_start3A_57 : memref<160x125xi32, #tpu.memory_space<hbm>>) target(%arg9 : memref<160x125xi32, #tpu.memory_space<vmem>>) target_semaphore(%run_scoped3A : memref<!tpu.dma_semaphore, #tpu.memory_space<semaphore_mem>>)
        %dma_wait3A = arith.constant 0 : i32
        %dma_wait3A_58 = arith.constant 0 : i32
        %dma_wait3A_59 = tpu.memref_slice %arg4[%arg1, %dma_wait3A, %dma_wait3A_58] : memref<16x160x125xi32, #tpu.memory_space<hbm>> -> memref<1x160x125xi32, #tpu.memory_space<hbm>>
        %dma_wait3A_60 = tpu.memref_squeeze %dma_wait3A_59 : memref<1x160x125xi32, #tpu.memory_space<hbm>> -> memref<160x125xi32, #tpu.memory_space<hbm>>
        %dma_wait3A_61 = arith.constant 0 : i32
        %dma_wait3A_62 = arith.constant 0 : i32
        %dma_wait3A_63 = tpu.memref_slice %arg4[%arg1, %dma_wait3A_61, %dma_wait3A_62] : memref<16x160x125xi32, #tpu.memory_space<hbm>> -> memref<1x160x125xi32, #tpu.memory_space<hbm>>
        %dma_wait3A_64 = tpu.memref_squeeze %dma_wait3A_63 : memref<1x160x125xi32, #tpu.memory_space<hbm>> -> memref<160x125xi32, #tpu.memory_space<hbm>>
        tpu.wait_dma2 semaphore(%run_scoped3A : memref<!tpu.dma_semaphore, #tpu.memory_space<semaphore_mem>>) src(%dma_wait3A_64 : memref<160x125xi32, #tpu.memory_space<hbm>>) dst(%arg9 : memref<160x125xi32, #tpu.memory_space<vmem>>)
        tpu.yield
      }) : () -> ()
    } else {
    }
    %eq3A_2 = arith.constant 1 : i32
    %eq3A_3 = arith.cmpi eq, %arg0, %eq3A_2 : i32
    %convert_element_type3A_4 = arith.extui %eq3A_3 : i1 to i32
    %cond3A_5 = arith.constant 0 : i32
    %cond3A_6 = arith.cmpi ne, %convert_element_type3A_4, %cond3A_5 : i32
    scf.if %cond3A_6 {
      "tpu.region"() ({
        %run_scoped3A = tpu.sem_alloc : memref<!tpu.dma_semaphore, #tpu.memory_space<semaphore_mem>>
        %dma_start3A_50 = arith.constant 0 : i32
        %dma_start3A_51 = arith.constant 0 : i32
        %dma_start3A_52 = tpu.memref_slice %arg5[%arg1, %dma_start3A_50, %dma_start3A_51] : memref<16x160x125xi32, #tpu.memory_space<hbm>> -> memref<1x160x125xi32, #tpu.memory_space<hbm>>
        %dma_start3A_53 = tpu.memref_squeeze %dma_start3A_52 : memref<1x160x125xi32, #tpu.memory_space<hbm>> -> memref<160x125xi32, #tpu.memory_space<hbm>>
        %dma_start3A_54 = arith.constant 0 : i32
        %dma_start3A_55 = arith.constant 0 : i32
        %dma_start3A_56 = tpu.memref_slice %arg5[%arg1, %dma_start3A_54, %dma_start3A_55] : memref<16x160x125xi32, #tpu.memory_space<hbm>> -> memref<1x160x125xi32, #tpu.memory_space<hbm>>
        %dma_start3A_57 = tpu.memref_squeeze %dma_start3A_56 : memref<1x160x125xi32, #tpu.memory_space<hbm>> -> memref<160x125xi32, #tpu.memory_space<hbm>>
        tpu.enqueue_dma source(%dma_start3A_57 : memref<160x125xi32, #tpu.memory_space<hbm>>) target(%arg9 : memref<160x125xi32, #tpu.memory_space<vmem>>) target_semaphore(%run_scoped3A : memref<!tpu.dma_semaphore, #tpu.memory_space<semaphore_mem>>)
        %dma_wait3A = arith.constant 0 : i32
        %dma_wait3A_58 = arith.constant 0 : i32
        %dma_wait3A_59 = tpu.memref_slice %arg5[%arg1, %dma_wait3A, %dma_wait3A_58] : memref<16x160x125xi32, #tpu.memory_space<hbm>> -> memref<1x160x125xi32, #tpu.memory_space<hbm>>
        %dma_wait3A_60 = tpu.memref_squeeze %dma_wait3A_59 : memref<1x160x125xi32, #tpu.memory_space<hbm>> -> memref<160x125xi32, #tpu.memory_space<hbm>>
        %dma_wait3A_61 = arith.constant 0 : i32
        %dma_wait3A_62 = arith.constant 0 : i32
        %dma_wait3A_63 = tpu.memref_slice %arg5[%arg1, %dma_wait3A_61, %dma_wait3A_62] : memref<16x160x125xi32, #tpu.memory_space<hbm>> -> memref<1x160x125xi32, #tpu.memory_space<hbm>>
        %dma_wait3A_64 = tpu.memref_squeeze %dma_wait3A_63 : memref<1x160x125xi32, #tpu.memory_space<hbm>> -> memref<160x125xi32, #tpu.memory_space<hbm>>
        tpu.wait_dma2 semaphore(%run_scoped3A : memref<!tpu.dma_semaphore, #tpu.memory_space<semaphore_mem>>) src(%dma_wait3A_64 : memref<160x125xi32, #tpu.memory_space<hbm>>) dst(%arg9 : memref<160x125xi32, #tpu.memory_space<vmem>>)
        tpu.yield
      }) : () -> ()
    } else {
    }
    "tpu.region"() ({
      %run_scoped3A = tpu.sem_alloc : memref<!tpu.dma_semaphore, #tpu.memory_space<semaphore_mem>>
      %dma_start3A_50 = arith.constant 0 : i32
      %dma_start3A_51 = arith.constant 0 : i32
      %dma_start3A_52 = tpu.memref_slice %arg6[%dma_start3A_50, %dma_start3A_51] : memref<128x128xf32, #tpu.memory_space<hbm>> -> memref<40x128xf32, #tpu.memory_space<hbm>>
      %dma_start3A_53 = arith.constant 0 : i32
      %dma_start3A_54 = arith.constant 0 : i32
      %dma_start3A_55 = tpu.memref_slice %arg6[%dma_start3A_53, %dma_start3A_54] : memref<128x128xf32, #tpu.memory_space<hbm>> -> memref<40x128xf32, #tpu.memory_space<hbm>>
      tpu.enqueue_dma source(%dma_start3A_55 : memref<40x128xf32, #tpu.memory_space<hbm>>) target(%arg12 : memref<40x128xf32, #tpu.memory_space<vmem>>) target_semaphore(%run_scoped3A : memref<!tpu.dma_semaphore, #tpu.memory_space<semaphore_mem>>)
      %dma_wait3A = arith.constant 0 : i32
      %dma_wait3A_56 = arith.constant 0 : i32
      %dma_wait3A_57 = tpu.memref_slice %arg6[%dma_wait3A, %dma_wait3A_56] : memref<128x128xf32, #tpu.memory_space<hbm>> -> memref<40x128xf32, #tpu.memory_space<hbm>>
      %dma_wait3A_58 = arith.constant 0 : i32
      %dma_wait3A_59 = arith.constant 0 : i32
      %dma_wait3A_60 = tpu.memref_slice %arg6[%dma_wait3A_58, %dma_wait3A_59] : memref<128x128xf32, #tpu.memory_space<hbm>> -> memref<40x128xf32, #tpu.memory_space<hbm>>
      tpu.wait_dma2 semaphore(%run_scoped3A : memref<!tpu.dma_semaphore, #tpu.memory_space<semaphore_mem>>) src(%dma_wait3A_60 : memref<40x128xf32, #tpu.memory_space<hbm>>) dst(%arg12 : memref<40x128xf32, #tpu.memory_space<vmem>>)
      tpu.yield
    }) : () -> ()
    %scan3A = arith.constant 0 : i32
    %scan3A_7 = arith.constant 0 : i32
    %scan3A_8 = arith.constant 5 : i32
    %scan3A_9 = arith.addi %scan3A_7, %scan3A_8 : i32
    %scan3A_10 = arith.constant 1 : i32
    %scan3A_11 = scf.for %scan3A_50 = %scan3A_7 to %scan3A_9 step %scan3A_10 iter_args(%scan3A_51 = %scan3A) -> (i32)  : i32 {
      %mul3A = arith.constant 320 : i32
      %mul3A_52 = arith.muli %arg1, %mul3A : i32
      %mul3A_53 = arith.constant 40 : i32
      %mul3A_54 = arith.muli %scan3A_50, %mul3A_53 : i32
      %add3A = arith.addi %mul3A_52, %mul3A_54 : i32
      "tpu.region"() ({
        %run_scoped3A = tpu.sem_alloc : memref<!tpu.dma_semaphore, #tpu.memory_space<semaphore_mem>>
        %dma_start3A_56 = arith.constant 0 : i32
        %dma_start3A_57 = tpu.memref_slice %arg13[%add3A, %dma_start3A_56] : memref<5008x128xf32, #tpu.memory_space<vmem_shared>> -> memref<40x128xf32, #tpu.memory_space<vmem_shared>>
        %dma_start3A_58 = arith.constant 0 : i32
        %dma_start3A_59 = tpu.memref_slice %arg13[%add3A, %dma_start3A_58] : memref<5008x128xf32, #tpu.memory_space<vmem_shared>> -> memref<40x128xf32, #tpu.memory_space<vmem_shared>>
        tpu.enqueue_dma source(%arg12 : memref<40x128xf32, #tpu.memory_space<vmem>>) target(%dma_start3A_59 : memref<40x128xf32, #tpu.memory_space<vmem_shared>>) target_semaphore(%run_scoped3A : memref<!tpu.dma_semaphore, #tpu.memory_space<semaphore_mem>>)
        %dma_wait3A = arith.constant 0 : i32
        %dma_wait3A_60 = tpu.memref_slice %arg13[%add3A, %dma_wait3A] : memref<5008x128xf32, #tpu.memory_space<vmem_shared>> -> memref<40x128xf32, #tpu.memory_space<vmem_shared>>
        %dma_wait3A_61 = arith.constant 0 : i32
        %dma_wait3A_62 = tpu.memref_slice %arg13[%add3A, %dma_wait3A_61] : memref<5008x128xf32, #tpu.memory_space<vmem_shared>> -> memref<40x128xf32, #tpu.memory_space<vmem_shared>>
        tpu.wait_dma2 semaphore(%run_scoped3A : memref<!tpu.dma_semaphore, #tpu.memory_space<semaphore_mem>>) src(%arg12 : memref<40x128xf32, #tpu.memory_space<vmem>>) dst(%dma_wait3A_62 : memref<40x128xf32, #tpu.memory_space<vmem_shared>>)
        tpu.yield
      }) : () -> ()
      %scan3A_55 = arith.constant 0 : i32
      scf.yield %scan3A_55 : i32
    }
    %scan3A_12 = arith.constant 5 : i32
    %lt3A = arith.constant 15 : i32
    %lt3A_13 = arith.cmpi slt, %arg1, %lt3A : i32
    %convert_element_type3A_14 = arith.extui %lt3A_13 : i1 to i32
    %cond3A_15 = arith.constant 0 : i32
    %cond3A_16 = arith.cmpi ne, %convert_element_type3A_14, %cond3A_15 : i32
    scf.if %cond3A_16 {
      %scan3A_50 = arith.constant 0 : i32
      %scan3A_51 = arith.constant 5 : i32
      %scan3A_52 = arith.constant 3 : i32
      %scan3A_53 = arith.addi %scan3A_51, %scan3A_52 : i32
      %scan3A_54 = arith.constant 1 : i32
      %scan3A_55 = scf.for %scan3A_57 = %scan3A_51 to %scan3A_53 step %scan3A_54 iter_args(%scan3A_58 = %scan3A_50) -> (i32)  : i32 {
        %mul3A = arith.constant 320 : i32
        %mul3A_59 = arith.muli %arg1, %mul3A : i32
        %mul3A_60 = arith.constant 40 : i32
        %mul3A_61 = arith.muli %scan3A_57, %mul3A_60 : i32
        %add3A = arith.addi %mul3A_59, %mul3A_61 : i32
        "tpu.region"() ({
          %run_scoped3A = tpu.sem_alloc : memref<!tpu.dma_semaphore, #tpu.memory_space<semaphore_mem>>
          %dma_start3A_63 = arith.constant 0 : i32
          %dma_start3A_64 = tpu.memref_slice %arg13[%add3A, %dma_start3A_63] : memref<5008x128xf32, #tpu.memory_space<vmem_shared>> -> memref<40x128xf32, #tpu.memory_space<vmem_shared>>
          %dma_start3A_65 = arith.constant 0 : i32
          %dma_start3A_66 = tpu.memref_slice %arg13[%add3A, %dma_start3A_65] : memref<5008x128xf32, #tpu.memory_space<vmem_shared>> -> memref<40x128xf32, #tpu.memory_space<vmem_shared>>
          tpu.enqueue_dma source(%arg12 : memref<40x128xf32, #tpu.memory_space<vmem>>) target(%dma_start3A_66 : memref<40x128xf32, #tpu.memory_space<vmem_shared>>) target_semaphore(%run_scoped3A : memref<!tpu.dma_semaphore, #tpu.memory_space<semaphore_mem>>)
          %dma_wait3A = arith.constant 0 : i32
          %dma_wait3A_67 = tpu.memref_slice %arg13[%add3A, %dma_wait3A] : memref<5008x128xf32, #tpu.memory_space<vmem_shared>> -> memref<40x128xf32, #tpu.memory_space<vmem_shared>>
          %dma_wait3A_68 = arith.constant 0 : i32
          %dma_wait3A_69 = tpu.memref_slice %arg13[%add3A, %dma_wait3A_68] : memref<5008x128xf32, #tpu.memory_space<vmem_shared>> -> memref<40x128xf32, #tpu.memory_space<vmem_shared>>
          tpu.wait_dma2 semaphore(%run_scoped3A : memref<!tpu.dma_semaphore, #tpu.memory_space<semaphore_mem>>) src(%arg12 : memref<40x128xf32, #tpu.memory_space<vmem>>) dst(%dma_wait3A_69 : memref<40x128xf32, #tpu.memory_space<vmem_shared>>)
          tpu.yield
        }) : () -> ()
        %scan3A_62 = arith.constant 0 : i32
        scf.yield %scan3A_62 : i32
      }
      %scan3A_56 = arith.constant 3 : i32
    } else {
    }
    %barrier3A = arith.constant 0 : index
    tpu.barrier barrier_id(%barrier3A)
    %dma_start3A = arith.constant 0 : i32
    %dma_start3A_17 = arith.constant 0 : i32
    %dma_start3A_18 = tpu.memref_slice %arg8[%dma_start3A, %dma_start3A_17] : memref<160x125xi32, #tpu.memory_space<vmem>> -> memref<1x125xi32, #tpu.memory_space<vmem>>
    %dma_start3A_19 = tpu.memref_squeeze %dma_start3A_18 : memref<1x125xi32, #tpu.memory_space<vmem>> -> memref<125xi32, #tpu.memory_space<vmem>>
    %dma_start3A_20 = arith.constant 0 : i32
    %dma_start3A_21 = arith.constant 0 : i32
    %dma_start3A_22 = tpu.memref_slice %arg2[%dma_start3A_20, %dma_start3A_21] : memref<10000x128xf32, #tpu.memory_space<hbm>> -> memref<10000x128xf32, #tpu.memory_space<hbm>>
    tpu.enqueue_indirect_dma source(%dma_start3A_22 : memref<10000x128xf32, #tpu.memory_space<hbm>>) target(%arg10 : memref<125x128xf32, #tpu.memory_space<vmem>>) offsets(%dma_start3A_19 : memref<125xi32, #tpu.memory_space<vmem>>) semaphore(%arg14 : memref<!tpu.dma_semaphore, #tpu.memory_space<semaphore_mem>>)
    %dma_start3A_23 = arith.constant 1 : i32
    %dma_start3A_24 = arith.constant 0 : i32
    %dma_start3A_25 = tpu.memref_slice %arg8[%dma_start3A_23, %dma_start3A_24] : memref<160x125xi32, #tpu.memory_space<vmem>> -> memref<1x125xi32, #tpu.memory_space<vmem>>
    %dma_start3A_26 = tpu.memref_squeeze %dma_start3A_25 : memref<1x125xi32, #tpu.memory_space<vmem>> -> memref<125xi32, #tpu.memory_space<vmem>>
    %dma_start3A_27 = arith.constant 0 : i32
    %dma_start3A_28 = arith.constant 0 : i32
    %dma_start3A_29 = tpu.memref_slice %arg2[%dma_start3A_27, %dma_start3A_28] : memref<10000x128xf32, #tpu.memory_space<hbm>> -> memref<10000x128xf32, #tpu.memory_space<hbm>>
    tpu.enqueue_indirect_dma source(%dma_start3A_29 : memref<10000x128xf32, #tpu.memory_space<hbm>>) target(%arg11 : memref<125x128xf32, #tpu.memory_space<vmem>>) offsets(%dma_start3A_26 : memref<125xi32, #tpu.memory_space<vmem>>) semaphore(%arg15 : memref<!tpu.dma_semaphore, #tpu.memory_space<semaphore_mem>>)
    %scan3A_30 = arith.constant 0 : i32
    %scan3A_31 = arith.constant 0 : i32
    %scan3A_32 = arith.constant 80 : i32
    %scan3A_33 = arith.addi %scan3A_31, %scan3A_32 : i32
    %scan3A_34 = arith.constant 1 : i32
    %scan3A_35 = scf.for %scan3A_50 = %scan3A_31 to %scan3A_33 step %scan3A_34 iter_args(%scan3A_51 = %scan3A_30) -> (i32)  : i32 {
      %mul3A = arith.constant 2 : i32
      %mul3A_52 = arith.muli %mul3A, %scan3A_50 : i32
      %add3A = arith.constant 0 : i32
      %add3A_53 = arith.addi %mul3A_52, %add3A : i32
      %dma_wait3A = arith.constant 0 : i32
      %dma_wait3A_54 = arith.constant 0 : i32
      %dma_wait3A_55 = tpu.memref_slice %arg8[%dma_wait3A, %dma_wait3A_54] : memref<160x125xi32, #tpu.memory_space<vmem>> -> memref<1x125xi32, #tpu.memory_space<vmem>>
      %dma_wait3A_56 = tpu.memref_squeeze %dma_wait3A_55 : memref<1x125xi32, #tpu.memory_space<vmem>> -> memref<125xi32, #tpu.memory_space<vmem>>
      %dma_wait3A_57 = arith.constant 0 : i32
      %dma_wait3A_58 = arith.constant 0 : i32
      %dma_wait3A_59 = tpu.memref_slice %arg2[%dma_wait3A_57, %dma_wait3A_58] : memref<10000x128xf32, #tpu.memory_space<hbm>> -> memref<10000x128xf32, #tpu.memory_space<hbm>>
      tpu.wait_indirect_dma semaphore(%arg14 : memref<!tpu.dma_semaphore, #tpu.memory_space<semaphore_mem>>) src(%dma_wait3A_59 : memref<10000x128xf32, #tpu.memory_space<hbm>>) dst(%arg10 : memref<125x128xf32, #tpu.memory_space<vmem>>)
      "tpu.region"() ({
        %run_scoped3A = tpu.sem_alloc : memref<!tpu.dma_semaphore, #tpu.memory_space<semaphore_mem>>
        %dma_start3A_80 = arith.constant 0 : i32
        %dma_start3A_81 = tpu.memref_slice %arg9[%add3A_53, %dma_start3A_80] : memref<160x125xi32, #tpu.memory_space<vmem>> -> memref<1x125xi32, #tpu.memory_space<vmem>>
        %dma_start3A_82 = tpu.memref_squeeze %dma_start3A_81 : memref<1x125xi32, #tpu.memory_space<vmem>> -> memref<125xi32, #tpu.memory_space<vmem>>
        %dma_start3A_83 = arith.constant 0 : i32
        %dma_start3A_84 = arith.constant 0 : i32
        %dma_start3A_85 = tpu.memref_slice %arg13[%dma_start3A_83, %dma_start3A_84] : memref<5008x128xf32, #tpu.memory_space<vmem_shared>> -> memref<5008x128xf32, #tpu.memory_space<vmem_shared>>
        tpu.enqueue_indirect_dma source(%arg10 : memref<125x128xf32, #tpu.memory_space<vmem>>) target(%dma_start3A_85 : memref<5008x128xf32, #tpu.memory_space<vmem_shared>>) offsets(%dma_start3A_82 : memref<125xi32, #tpu.memory_space<vmem>>) semaphore(%run_scoped3A : memref<!tpu.dma_semaphore, #tpu.memory_space<semaphore_mem>>) {add = true}
        %dma_wait3A_86 = arith.constant 0 : i32
        %dma_wait3A_87 = tpu.memref_slice %arg9[%add3A_53, %dma_wait3A_86] : memref<160x125xi32, #tpu.memory_space<vmem>> -> memref<1x125xi32, #tpu.memory_space<vmem>>
        %dma_wait3A_88 = tpu.memref_squeeze %dma_wait3A_87 : memref<1x125xi32, #tpu.memory_space<vmem>> -> memref<125xi32, #tpu.memory_space<vmem>>
        %dma_wait3A_89 = arith.constant 0 : i32
        %dma_wait3A_90 = arith.constant 0 : i32
        %dma_wait3A_91 = tpu.memref_slice %arg13[%dma_wait3A_89, %dma_wait3A_90] : memref<5008x128xf32, #tpu.memory_space<vmem_shared>> -> memref<5008x128xf32, #tpu.memory_space<vmem_shared>>
        tpu.wait_indirect_dma semaphore(%run_scoped3A : memref<!tpu.dma_semaphore, #tpu.memory_space<semaphore_mem>>) src(%arg10 : memref<125x128xf32, #tpu.memory_space<vmem>>) dst(%dma_wait3A_91 : memref<5008x128xf32, #tpu.memory_space<vmem_shared>>)
        tpu.yield
      }) : () -> ()
      %lt3A_60 = arith.constant 79 : i32
      %lt3A_61 = arith.cmpi slt, %scan3A_50, %lt3A_60 : i32
      %convert_element_type3A_62 = arith.extui %lt3A_61 : i1 to i32
      %cond3A_63 = arith.constant 0 : i32
      %cond3A_64 = arith.cmpi ne, %convert_element_type3A_62, %cond3A_63 : i32
      scf.if %cond3A_64 {
        %add3A_80 = arith.constant 2 : i32
        %add3A_81 = arith.addi %add3A_53, %add3A_80 : i32
        %dma_start3A_82 = arith.constant 0 : i32
        %dma_start3A_83 = tpu.memref_slice %arg8[%add3A_81, %dma_start3A_82] : memref<160x125xi32, #tpu.memory_space<vmem>> -> memref<1x125xi32, #tpu.memory_space<vmem>>
        %dma_start3A_84 = tpu.memref_squeeze %dma_start3A_83 : memref<1x125xi32, #tpu.memory_space<vmem>> -> memref<125xi32, #tpu.memory_space<vmem>>
        %dma_start3A_85 = arith.constant 0 : i32
        %dma_start3A_86 = arith.constant 0 : i32
        %dma_start3A_87 = tpu.memref_slice %arg2[%dma_start3A_85, %dma_start3A_86] : memref<10000x128xf32, #tpu.memory_space<hbm>> -> memref<10000x128xf32, #tpu.memory_space<hbm>>
        tpu.enqueue_indirect_dma source(%dma_start3A_87 : memref<10000x128xf32, #tpu.memory_space<hbm>>) target(%arg10 : memref<125x128xf32, #tpu.memory_space<vmem>>) offsets(%dma_start3A_84 : memref<125xi32, #tpu.memory_space<vmem>>) semaphore(%arg14 : memref<!tpu.dma_semaphore, #tpu.memory_space<semaphore_mem>>)
      } else {
      }
      %add3A_65 = arith.constant 1 : i32
      %add3A_66 = arith.addi %mul3A_52, %add3A_65 : i32
      %dma_wait3A_67 = arith.constant 0 : i32
      %dma_wait3A_68 = arith.constant 0 : i32
      %dma_wait3A_69 = tpu.memref_slice %arg8[%dma_wait3A_67, %dma_wait3A_68] : memref<160x125xi32, #tpu.memory_space<vmem>> -> memref<1x125xi32, #tpu.memory_space<vmem>>
      %dma_wait3A_70 = tpu.memref_squeeze %dma_wait3A_69 : memref<1x125xi32, #tpu.memory_space<vmem>> -> memref<125xi32, #tpu.memory_space<vmem>>
      %dma_wait3A_71 = arith.constant 0 : i32
      %dma_wait3A_72 = arith.constant 0 : i32
      %dma_wait3A_73 = tpu.memref_slice %arg2[%dma_wait3A_71, %dma_wait3A_72] : memref<10000x128xf32, #tpu.memory_space<hbm>> -> memref<10000x128xf32, #tpu.memory_space<hbm>>
      tpu.wait_indirect_dma semaphore(%arg15 : memref<!tpu.dma_semaphore, #tpu.memory_space<semaphore_mem>>) src(%dma_wait3A_73 : memref<10000x128xf32, #tpu.memory_space<hbm>>) dst(%arg11 : memref<125x128xf32, #tpu.memory_space<vmem>>)
      "tpu.region"() ({
        %run_scoped3A = tpu.sem_alloc : memref<!tpu.dma_semaphore, #tpu.memory_space<semaphore_mem>>
        %dma_start3A_80 = arith.constant 0 : i32
        %dma_start3A_81 = tpu.memref_slice %arg9[%add3A_66, %dma_start3A_80] : memref<160x125xi32, #tpu.memory_space<vmem>> -> memref<1x125xi32, #tpu.memory_space<vmem>>
        %dma_start3A_82 = tpu.memref_squeeze %dma_start3A_81 : memref<1x125xi32, #tpu.memory_space<vmem>> -> memref<125xi32, #tpu.memory_space<vmem>>
        %dma_start3A_83 = arith.constant 0 : i32
        %dma_start3A_84 = arith.constant 0 : i32
        %dma_start3A_85 = tpu.memref_slice %arg13[%dma_start3A_83, %dma_start3A_84] : memref<5008x128xf32, #tpu.memory_space<vmem_shared>> -> memref<5008x128xf32, #tpu.memory_space<vmem_shared>>
        tpu.enqueue_indirect_dma source(%arg11 : memref<125x128xf32, #tpu.memory_space<vmem>>) target(%dma_start3A_85 : memref<5008x128xf32, #tpu.memory_space<vmem_shared>>) offsets(%dma_start3A_82 : memref<125xi32, #tpu.memory_space<vmem>>) semaphore(%run_scoped3A : memref<!tpu.dma_semaphore, #tpu.memory_space<semaphore_mem>>) {add = true}
        %dma_wait3A_86 = arith.constant 0 : i32
        %dma_wait3A_87 = tpu.memref_slice %arg9[%add3A_66, %dma_wait3A_86] : memref<160x125xi32, #tpu.memory_space<vmem>> -> memref<1x125xi32, #tpu.memory_space<vmem>>
        %dma_wait3A_88 = tpu.memref_squeeze %dma_wait3A_87 : memref<1x125xi32, #tpu.memory_space<vmem>> -> memref<125xi32, #tpu.memory_space<vmem>>
        %dma_wait3A_89 = arith.constant 0 : i32
        %dma_wait3A_90 = arith.constant 0 : i32
        %dma_wait3A_91 = tpu.memref_slice %arg13[%dma_wait3A_89, %dma_wait3A_90] : memref<5008x128xf32, #tpu.memory_space<vmem_shared>> -> memref<5008x128xf32, #tpu.memory_space<vmem_shared>>
        tpu.wait_indirect_dma semaphore(%run_scoped3A : memref<!tpu.dma_semaphore, #tpu.memory_space<semaphore_mem>>) src(%arg11 : memref<125x128xf32, #tpu.memory_space<vmem>>) dst(%dma_wait3A_91 : memref<5008x128xf32, #tpu.memory_space<vmem_shared>>)
        tpu.yield
      }) : () -> ()
      %lt3A_74 = arith.constant 79 : i32
      %lt3A_75 = arith.cmpi slt, %scan3A_50, %lt3A_74 : i32
      %convert_element_type3A_76 = arith.extui %lt3A_75 : i1 to i32
      %cond3A_77 = arith.constant 0 : i32
      %cond3A_78 = arith.cmpi ne, %convert_element_type3A_76, %cond3A_77 : i32
      scf.if %cond3A_78 {
        %add3A_80 = arith.constant 2 : i32
        %add3A_81 = arith.addi %add3A_66, %add3A_80 : i32
        %dma_start3A_82 = arith.constant 0 : i32
        %dma_start3A_83 = tpu.memref_slice %arg8[%add3A_81, %dma_start3A_82] : memref<160x125xi32, #tpu.memory_space<vmem>> -> memref<1x125xi32, #tpu.memory_space<vmem>>
        %dma_start3A_84 = tpu.memref_squeeze %dma_start3A_83 : memref<1x125xi32, #tpu.memory_space<vmem>> -> memref<125xi32, #tpu.memory_space<vmem>>
        %dma_start3A_85 = arith.constant 0 : i32
        %dma_start3A_86 = arith.constant 0 : i32
        %dma_start3A_87 = tpu.memref_slice %arg2[%dma_start3A_85, %dma_start3A_86] : memref<10000x128xf32, #tpu.memory_space<hbm>> -> memref<10000x128xf32, #tpu.memory_space<hbm>>
        tpu.enqueue_indirect_dma source(%dma_start3A_87 : memref<10000x128xf32, #tpu.memory_space<hbm>>) target(%arg11 : memref<125x128xf32, #tpu.memory_space<vmem>>) offsets(%dma_start3A_84 : memref<125xi32, #tpu.memory_space<vmem>>) semaphore(%arg15 : memref<!tpu.dma_semaphore, #tpu.memory_space<semaphore_mem>>)
      } else {
      }
      %scan3A_79 = arith.constant 0 : i32
      scf.yield %scan3A_79 : i32
    }
    %scan3A_36 = arith.constant 80 : i32
    %barrier3A_37 = arith.constant 0 : index
    tpu.barrier barrier_id(%barrier3A_37)
    %scan3A_38 = arith.constant 0 : i32
    %scan3A_39 = arith.constant 0 : i32
    %scan3A_40 = arith.constant 5 : i32
    %scan3A_41 = arith.addi %scan3A_39, %scan3A_40 : i32
    %scan3A_42 = arith.constant 1 : i32
    %scan3A_43 = scf.for %scan3A_50 = %scan3A_39 to %scan3A_41 step %scan3A_42 iter_args(%scan3A_51 = %scan3A_38) -> (i32)  : i32 {
      %mul3A = arith.constant 320 : i32
      %mul3A_52 = arith.muli %arg1, %mul3A : i32
      %mul3A_53 = arith.constant 40 : i32
      %mul3A_54 = arith.muli %scan3A_50, %mul3A_53 : i32
      %add3A = arith.addi %mul3A_52, %mul3A_54 : i32
      "tpu.region"() ({
        %run_scoped3A = tpu.sem_alloc : memref<!tpu.dma_semaphore, #tpu.memory_space<semaphore_mem>>
        %dma_start3A_56 = arith.constant 0 : i32
        %dma_start3A_57 = tpu.memref_slice %arg7[%arg0, %add3A, %dma_start3A_56] : memref<2x5000x128xf32, #tpu.memory_space<hbm>> -> memref<1x40x128xf32, #tpu.memory_space<hbm>>
        %dma_start3A_58 = tpu.memref_squeeze %dma_start3A_57 : memref<1x40x128xf32, #tpu.memory_space<hbm>> -> memref<40x128xf32, #tpu.memory_space<hbm>>
        %dma_start3A_59 = arith.constant 0 : i32
        %dma_start3A_60 = tpu.memref_slice %arg13[%add3A, %dma_start3A_59] : memref<5008x128xf32, #tpu.memory_space<vmem_shared>> -> memref<40x128xf32, #tpu.memory_space<vmem_shared>>
        tpu.enqueue_dma source(%dma_start3A_60 : memref<40x128xf32, #tpu.memory_space<vmem_shared>>) target(%dma_start3A_58 : memref<40x128xf32, #tpu.memory_space<hbm>>) target_semaphore(%run_scoped3A : memref<!tpu.dma_semaphore, #tpu.memory_space<semaphore_mem>>)
        %dma_wait3A = arith.constant 0 : i32
        %dma_wait3A_61 = tpu.memref_slice %arg7[%arg0, %add3A, %dma_wait3A] : memref<2x5000x128xf32, #tpu.memory_space<hbm>> -> memref<1x40x128xf32, #tpu.memory_space<hbm>>
        %dma_wait3A_62 = tpu.memref_squeeze %dma_wait3A_61 : memref<1x40x128xf32, #tpu.memory_space<hbm>> -> memref<40x128xf32, #tpu.memory_space<hbm>>
        %dma_wait3A_63 = arith.constant 0 : i32
        %dma_wait3A_64 = tpu.memref_slice %arg13[%add3A, %dma_wait3A_63] : memref<5008x128xf32, #tpu.memory_space<vmem_shared>> -> memref<40x128xf32, #tpu.memory_space<vmem_shared>>
        tpu.wait_dma2 semaphore(%run_scoped3A : memref<!tpu.dma_semaphore, #tpu.memory_space<semaphore_mem>>) src(%dma_wait3A_64 : memref<40x128xf32, #tpu.memory_space<vmem_shared>>) dst(%dma_wait3A_62 : memref<40x128xf32, #tpu.memory_space<hbm>>)
        tpu.yield
      }) : () -> ()
      %scan3A_55 = arith.constant 0 : i32
      scf.yield %scan3A_55 : i32
    }
    %scan3A_44 = arith.constant 5 : i32
    %lt3A_45 = arith.constant 15 : i32
    %lt3A_46 = arith.cmpi slt, %arg1, %lt3A_45 : i32
    %convert_element_type3A_47 = arith.extui %lt3A_46 : i1 to i32
    %cond3A_48 = arith.constant 0 : i32
    %cond3A_49 = arith.cmpi ne, %convert_element_type3A_47, %cond3A_48 : i32
    scf.if %cond3A_49 {
      %scan3A_50 = arith.constant 0 : i32
      %scan3A_51 = arith.constant 5 : i32
      %scan3A_52 = arith.constant 3 : i32
      %scan3A_53 = arith.addi %scan3A_51, %scan3A_52 : i32
      %scan3A_54 = arith.constant 1 : i32
      %scan3A_55 = scf.for %scan3A_57 = %scan3A_51 to %scan3A_53 step %scan3A_54 iter_args(%scan3A_58 = %scan3A_50) -> (i32)  : i32 {
        %mul3A = arith.constant 320 : i32
        %mul3A_59 = arith.muli %arg1, %mul3A : i32
        %mul3A_60 = arith.constant 40 : i32
        %mul3A_61 = arith.muli %scan3A_57, %mul3A_60 : i32
        %add3A = arith.addi %mul3A_59, %mul3A_61 : i32
        "tpu.region"() ({
          %run_scoped3A = tpu.sem_alloc : memref<!tpu.dma_semaphore, #tpu.memory_space<semaphore_mem>>
          %dma_start3A_63 = arith.constant 0 : i32
          %dma_start3A_64 = tpu.memref_slice %arg7[%arg0, %add3A, %dma_start3A_63] : memref<2x5000x128xf32, #tpu.memory_space<hbm>> -> memref<1x40x128xf32, #tpu.memory_space<hbm>>
          %dma_start3A_65 = tpu.memref_squeeze %dma_start3A_64 : memref<1x40x128xf32, #tpu.memory_space<hbm>> -> memref<40x128xf32, #tpu.memory_space<hbm>>
          %dma_start3A_66 = arith.constant 0 : i32
          %dma_start3A_67 = tpu.memref_slice %arg13[%add3A, %dma_start3A_66] : memref<5008x128xf32, #tpu.memory_space<vmem_shared>> -> memref<40x128xf32, #tpu.memory_space<vmem_shared>>
          tpu.enqueue_dma source(%dma_start3A_67 : memref<40x128xf32, #tpu.memory_space<vmem_shared>>) target(%dma_start3A_65 : memref<40x128xf32, #tpu.memory_space<hbm>>) target_semaphore(%run_scoped3A : memref<!tpu.dma_semaphore, #tpu.memory_space<semaphore_mem>>)
          %dma_wait3A = arith.constant 0 : i32
          %dma_wait3A_68 = tpu.memref_slice %arg7[%arg0, %add3A, %dma_wait3A] : memref<2x5000x128xf32, #tpu.memory_space<hbm>> -> memref<1x40x128xf32, #tpu.memory_space<hbm>>
          %dma_wait3A_69 = tpu.memref_squeeze %dma_wait3A_68 : memref<1x40x128xf32, #tpu.memory_space<hbm>> -> memref<40x128xf32, #tpu.memory_space<hbm>>
          %dma_wait3A_70 = arith.constant 0 : i32
          %dma_wait3A_71 = tpu.memref_slice %arg13[%add3A, %dma_wait3A_70] : memref<5008x128xf32, #tpu.memory_space<vmem_shared>> -> memref<40x128xf32, #tpu.memory_space<vmem_shared>>
          tpu.wait_dma2 semaphore(%run_scoped3A : memref<!tpu.dma_semaphore, #tpu.memory_space<semaphore_mem>>) src(%dma_wait3A_71 : memref<40x128xf32, #tpu.memory_space<vmem_shared>>) dst(%dma_wait3A_69 : memref<40x128xf32, #tpu.memory_space<hbm>>)
          tpu.yield
        }) : () -> ()
        %scan3A_62 = arith.constant 0 : i32
        scf.yield %scan3A_62 : i32
      }
      %scan3A_56 = arith.constant 3 : i32
    } else {
    }
    return
  }
}

#map = affine_map<(d0, d1) -> (0, 0)>
#map1 = affine_map<(d0, d1) -> (0, 0, 0)>
module attributes {stable_mosaic.version = 14 : i64} {
  func.func @_agg_sc_body(%arg0: i32, %arg1: i32, %arg2: memref<10000x128xf32, #tpu.memory_space<hbm>>, %arg3: memref<16x160x125xi32, #tpu.memory_space<hbm>>, %arg4: memref<16x160x125xi32, #tpu.memory_space<hbm>>, %arg5: memref<16x160x125xi32, #tpu.memory_space<hbm>>, %arg6: memref<128x128xf32, #tpu.memory_space<hbm>>, %arg7: memref<2x5000x128xf32, #tpu.memory_space<hbm>>, %arg8: memref<160x125xi32, #tpu.memory_space<vmem>>, %arg9: memref<160x125xi32, #tpu.memory_space<vmem>>, %arg10: memref<125x128xf32, #tpu.memory_space<vmem>>, %arg11: memref<125x128xf32, #tpu.memory_space<vmem>>, %arg12: memref<40x128xf32, #tpu.memory_space<vmem>>, %arg13: memref<5008x128xf32, #tpu.memory_space<vmem_shared>>, %arg14: memref<!tpu.dma_semaphore, #tpu.memory_space<semaphore_mem>>, %arg15: memref<!tpu.dma_semaphore, #tpu.memory_space<semaphore_mem>>) attributes {dimension_semantics = [#tpu.dimension_semantics<core_parallel>, #tpu.dimension_semantics<subcore_parallel>], iteration_bounds = array<i64: 2, 16>, scalar_prefetch = 0 : i64, scratch_operands = 8 : i64, tpu.core_type = #tpu.core_type<sc_vector_subcore>, window_params = [{transform_indices = #map}, {transform_indices = #map1}, {transform_indices = #map1}, {transform_indices = #map1}, {transform_indices = #map}, {transform_indices = #map1}]} {
    "tpu.region"() ({
      %run_scoped3A = tpu.sem_alloc : memref<!tpu.dma_semaphore, #tpu.memory_space<semaphore_mem>>
      %dma_start3A_50 = arith.constant 0 : i32
      %dma_start3A_51 = arith.constant 0 : i32
      %dma_start3A_52 = tpu.memref_slice %arg3[%arg1, %dma_start3A_50, %dma_start3A_51] : memref<16x160x125xi32, #tpu.memory_space<hbm>> -> memref<1x160x125xi32, #tpu.memory_space<hbm>>
      %dma_start3A_53 = tpu.memref_squeeze %dma_start3A_52 : memref<1x160x125xi32, #tpu.memory_space<hbm>> -> memref<160x125xi32, #tpu.memory_space<hbm>>
      %dma_start3A_54 = arith.constant 0 : i32
      %dma_start3A_55 = arith.constant 0 : i32
      %dma_start3A_56 = tpu.memref_slice %arg3[%arg1, %dma_start3A_54, %dma_start3A_55] : memref<16x160x125xi32, #tpu.memory_space<hbm>> -> memref<1x160x125xi32, #tpu.memory_space<hbm>>
      %dma_start3A_57 = tpu.memref_squeeze %dma_start3A_56 : memref<1x160x125xi32, #tpu.memory_space<hbm>> -> memref<160x125xi32, #tpu.memory_space<hbm>>
      tpu.enqueue_dma source(%dma_start3A_57 : memref<160x125xi32, #tpu.memory_space<hbm>>) target(%arg8 : memref<160x125xi32, #tpu.memory_space<vmem>>) target_semaphore(%run_scoped3A : memref<!tpu.dma_semaphore, #tpu.memory_space<semaphore_mem>>)
      %dma_wait3A = arith.constant 0 : i32
      %dma_wait3A_58 = arith.constant 0 : i32
      %dma_wait3A_59 = tpu.memref_slice %arg3[%arg1, %dma_wait3A, %dma_wait3A_58] : memref<16x160x125xi32, #tpu.memory_space<hbm>> -> memref<1x160x125xi32, #tpu.memory_space<hbm>>
      %dma_wait3A_60 = tpu.memref_squeeze %dma_wait3A_59 : memref<1x160x125xi32, #tpu.memory_space<hbm>> -> memref<160x125xi32, #tpu.memory_space<hbm>>
      %dma_wait3A_61 = arith.constant 0 : i32
      %dma_wait3A_62 = arith.constant 0 : i32
      %dma_wait3A_63 = tpu.memref_slice %arg3[%arg1, %dma_wait3A_61, %dma_wait3A_62] : memref<16x160x125xi32, #tpu.memory_space<hbm>> -> memref<1x160x125xi32, #tpu.memory_space<hbm>>
      %dma_wait3A_64 = tpu.memref_squeeze %dma_wait3A_63 : memref<1x160x125xi32, #tpu.memory_space<hbm>> -> memref<160x125xi32, #tpu.memory_space<hbm>>
      tpu.wait_dma2 semaphore(%run_scoped3A : memref<!tpu.dma_semaphore, #tpu.memory_space<semaphore_mem>>) src(%dma_wait3A_64 : memref<160x125xi32, #tpu.memory_space<hbm>>) dst(%arg8 : memref<160x125xi32, #tpu.memory_space<vmem>>)
      tpu.yield
    }) : () -> ()
    %eq3A = arith.constant 0 : i32
    %eq3A_0 = arith.cmpi eq, %arg0, %eq3A : i32
    %convert_element_type3A = arith.extui %eq3A_0 : i1 to i32
    %cond3A = arith.constant 0 : i32
    %cond3A_1 = arith.cmpi ne, %convert_element_type3A, %cond3A : i32
    scf.if %cond3A_1 {
      "tpu.region"() ({
        %run_scoped3A = tpu.sem_alloc : memref<!tpu.dma_semaphore, #tpu.memory_space<semaphore_mem>>
        %dma_start3A_50 = arith.constant 0 : i32
        %dma_start3A_51 = arith.constant 0 : i32
        %dma_start3A_52 = tpu.memref_slice %arg4[%arg1, %dma_start3A_50, %dma_start3A_51] : memref<16x160x125xi32, #tpu.memory_space<hbm>> -> memref<1x160x125xi32, #tpu.memory_space<hbm>>
        %dma_start3A_53 = tpu.memref_squeeze %dma_start3A_52 : memref<1x160x125xi32, #tpu.memory_space<hbm>> -> memref<160x125xi32, #tpu.memory_space<hbm>>
        %dma_start3A_54 = arith.constant 0 : i32
        %dma_start3A_55 = arith.constant 0 : i32
        %dma_start3A_56 = tpu.memref_slice %arg4[%arg1, %dma_start3A_54, %dma_start3A_55] : memref<16x160x125xi32, #tpu.memory_space<hbm>> -> memref<1x160x125xi32, #tpu.memory_space<hbm>>
        %dma_start3A_57 = tpu.memref_squeeze %dma_start3A_56 : memref<1x160x125xi32, #tpu.memory_space<hbm>> -> memref<160x125xi32, #tpu.memory_space<hbm>>
        tpu.enqueue_dma source(%dma_start3A_57 : memref<160x125xi32, #tpu.memory_space<hbm>>) target(%arg9 : memref<160x125xi32, #tpu.memory_space<vmem>>) target_semaphore(%run_scoped3A : memref<!tpu.dma_semaphore, #tpu.memory_space<semaphore_mem>>)
        %dma_wait3A = arith.constant 0 : i32
        %dma_wait3A_58 = arith.constant 0 : i32
        %dma_wait3A_59 = tpu.memref_slice %arg4[%arg1, %dma_wait3A, %dma_wait3A_58] : memref<16x160x125xi32, #tpu.memory_space<hbm>> -> memref<1x160x125xi32, #tpu.memory_space<hbm>>
        %dma_wait3A_60 = tpu.memref_squeeze %dma_wait3A_59 : memref<1x160x125xi32, #tpu.memory_space<hbm>> -> memref<160x125xi32, #tpu.memory_space<hbm>>
        %dma_wait3A_61 = arith.constant 0 : i32
        %dma_wait3A_62 = arith.constant 0 : i32
        %dma_wait3A_63 = tpu.memref_slice %arg4[%arg1, %dma_wait3A_61, %dma_wait3A_62] : memref<16x160x125xi32, #tpu.memory_space<hbm>> -> memref<1x160x125xi32, #tpu.memory_space<hbm>>
        %dma_wait3A_64 = tpu.memref_squeeze %dma_wait3A_63 : memref<1x160x125xi32, #tpu.memory_space<hbm>> -> memref<160x125xi32, #tpu.memory_space<hbm>>
        tpu.wait_dma2 semaphore(%run_scoped3A : memref<!tpu.dma_semaphore, #tpu.memory_space<semaphore_mem>>) src(%dma_wait3A_64 : memref<160x125xi32, #tpu.memory_space<hbm>>) dst(%arg9 : memref<160x125xi32, #tpu.memory_space<vmem>>)
        tpu.yield
      }) : () -> ()
    } else {
    }
    %eq3A_2 = arith.constant 1 : i32
    %eq3A_3 = arith.cmpi eq, %arg0, %eq3A_2 : i32
    %convert_element_type3A_4 = arith.extui %eq3A_3 : i1 to i32
    %cond3A_5 = arith.constant 0 : i32
    %cond3A_6 = arith.cmpi ne, %convert_element_type3A_4, %cond3A_5 : i32
    scf.if %cond3A_6 {
      "tpu.region"() ({
        %run_scoped3A = tpu.sem_alloc : memref<!tpu.dma_semaphore, #tpu.memory_space<semaphore_mem>>
        %dma_start3A_50 = arith.constant 0 : i32
        %dma_start3A_51 = arith.constant 0 : i32
        %dma_start3A_52 = tpu.memref_slice %arg5[%arg1, %dma_start3A_50, %dma_start3A_51] : memref<16x160x125xi32, #tpu.memory_space<hbm>> -> memref<1x160x125xi32, #tpu.memory_space<hbm>>
        %dma_start3A_53 = tpu.memref_squeeze %dma_start3A_52 : memref<1x160x125xi32, #tpu.memory_space<hbm>> -> memref<160x125xi32, #tpu.memory_space<hbm>>
        %dma_start3A_54 = arith.constant 0 : i32
        %dma_start3A_55 = arith.constant 0 : i32
        %dma_start3A_56 = tpu.memref_slice %arg5[%arg1, %dma_start3A_54, %dma_start3A_55] : memref<16x160x125xi32, #tpu.memory_space<hbm>> -> memref<1x160x125xi32, #tpu.memory_space<hbm>>
        %dma_start3A_57 = tpu.memref_squeeze %dma_start3A_56 : memref<1x160x125xi32, #tpu.memory_space<hbm>> -> memref<160x125xi32, #tpu.memory_space<hbm>>
        tpu.enqueue_dma source(%dma_start3A_57 : memref<160x125xi32, #tpu.memory_space<hbm>>) target(%arg9 : memref<160x125xi32, #tpu.memory_space<vmem>>) target_semaphore(%run_scoped3A : memref<!tpu.dma_semaphore, #tpu.memory_space<semaphore_mem>>)
        %dma_wait3A = arith.constant 0 : i32
        %dma_wait3A_58 = arith.constant 0 : i32
        %dma_wait3A_59 = tpu.memref_slice %arg5[%arg1, %dma_wait3A, %dma_wait3A_58] : memref<16x160x125xi32, #tpu.memory_space<hbm>> -> memref<1x160x125xi32, #tpu.memory_space<hbm>>
        %dma_wait3A_60 = tpu.memref_squeeze %dma_wait3A_59 : memref<1x160x125xi32, #tpu.memory_space<hbm>> -> memref<160x125xi32, #tpu.memory_space<hbm>>
        %dma_wait3A_61 = arith.constant 0 : i32
        %dma_wait3A_62 = arith.constant 0 : i32
        %dma_wait3A_63 = tpu.memref_slice %arg5[%arg1, %dma_wait3A_61, %dma_wait3A_62] : memref<16x160x125xi32, #tpu.memory_space<hbm>> -> memref<1x160x125xi32, #tpu.memory_space<hbm>>
        %dma_wait3A_64 = tpu.memref_squeeze %dma_wait3A_63 : memref<1x160x125xi32, #tpu.memory_space<hbm>> -> memref<160x125xi32, #tpu.memory_space<hbm>>
        tpu.wait_dma2 semaphore(%run_scoped3A : memref<!tpu.dma_semaphore, #tpu.memory_space<semaphore_mem>>) src(%dma_wait3A_64 : memref<160x125xi32, #tpu.memory_space<hbm>>) dst(%arg9 : memref<160x125xi32, #tpu.memory_space<vmem>>)
        tpu.yield
      }) : () -> ()
    } else {
    }
    "tpu.region"() ({
      %run_scoped3A = tpu.sem_alloc : memref<!tpu.dma_semaphore, #tpu.memory_space<semaphore_mem>>
      %dma_start3A_50 = arith.constant 0 : i32
      %dma_start3A_51 = arith.constant 0 : i32
      %dma_start3A_52 = tpu.memref_slice %arg6[%dma_start3A_50, %dma_start3A_51] : memref<128x128xf32, #tpu.memory_space<hbm>> -> memref<40x128xf32, #tpu.memory_space<hbm>>
      %dma_start3A_53 = arith.constant 0 : i32
      %dma_start3A_54 = arith.constant 0 : i32
      %dma_start3A_55 = tpu.memref_slice %arg6[%dma_start3A_53, %dma_start3A_54] : memref<128x128xf32, #tpu.memory_space<hbm>> -> memref<40x128xf32, #tpu.memory_space<hbm>>
      tpu.enqueue_dma source(%dma_start3A_55 : memref<40x128xf32, #tpu.memory_space<hbm>>) target(%arg12 : memref<40x128xf32, #tpu.memory_space<vmem>>) target_semaphore(%run_scoped3A : memref<!tpu.dma_semaphore, #tpu.memory_space<semaphore_mem>>)
      %dma_wait3A = arith.constant 0 : i32
      %dma_wait3A_56 = arith.constant 0 : i32
      %dma_wait3A_57 = tpu.memref_slice %arg6[%dma_wait3A, %dma_wait3A_56] : memref<128x128xf32, #tpu.memory_space<hbm>> -> memref<40x128xf32, #tpu.memory_space<hbm>>
      %dma_wait3A_58 = arith.constant 0 : i32
      %dma_wait3A_59 = arith.constant 0 : i32
      %dma_wait3A_60 = tpu.memref_slice %arg6[%dma_wait3A_58, %dma_wait3A_59] : memref<128x128xf32, #tpu.memory_space<hbm>> -> memref<40x128xf32, #tpu.memory_space<hbm>>
      tpu.wait_dma2 semaphore(%run_scoped3A : memref<!tpu.dma_semaphore, #tpu.memory_space<semaphore_mem>>) src(%dma_wait3A_60 : memref<40x128xf32, #tpu.memory_space<hbm>>) dst(%arg12 : memref<40x128xf32, #tpu.memory_space<vmem>>)
      tpu.yield
    }) : () -> ()
    %scan3A = arith.constant 0 : i32
    %scan3A_7 = arith.constant 0 : i32
    %scan3A_8 = arith.constant 5 : i32
    %scan3A_9 = arith.addi %scan3A_7, %scan3A_8 : i32
    %scan3A_10 = arith.constant 1 : i32
    %scan3A_11 = scf.for %scan3A_50 = %scan3A_7 to %scan3A_9 step %scan3A_10 iter_args(%scan3A_51 = %scan3A) -> (i32)  : i32 {
      %mul3A = arith.constant 320 : i32
      %mul3A_52 = arith.muli %arg1, %mul3A : i32
      %mul3A_53 = arith.constant 40 : i32
      %mul3A_54 = arith.muli %scan3A_50, %mul3A_53 : i32
      %add3A = arith.addi %mul3A_52, %mul3A_54 : i32
      "tpu.region"() ({
        %run_scoped3A = tpu.sem_alloc : memref<!tpu.dma_semaphore, #tpu.memory_space<semaphore_mem>>
        %dma_start3A_56 = arith.constant 0 : i32
        %dma_start3A_57 = tpu.memref_slice %arg13[%add3A, %dma_start3A_56] : memref<5008x128xf32, #tpu.memory_space<vmem_shared>> -> memref<40x128xf32, #tpu.memory_space<vmem_shared>>
        %dma_start3A_58 = arith.constant 0 : i32
        %dma_start3A_59 = tpu.memref_slice %arg13[%add3A, %dma_start3A_58] : memref<5008x128xf32, #tpu.memory_space<vmem_shared>> -> memref<40x128xf32, #tpu.memory_space<vmem_shared>>
        tpu.enqueue_dma source(%arg12 : memref<40x128xf32, #tpu.memory_space<vmem>>) target(%dma_start3A_59 : memref<40x128xf32, #tpu.memory_space<vmem_shared>>) target_semaphore(%run_scoped3A : memref<!tpu.dma_semaphore, #tpu.memory_space<semaphore_mem>>)
        %dma_wait3A = arith.constant 0 : i32
        %dma_wait3A_60 = tpu.memref_slice %arg13[%add3A, %dma_wait3A] : memref<5008x128xf32, #tpu.memory_space<vmem_shared>> -> memref<40x128xf32, #tpu.memory_space<vmem_shared>>
        %dma_wait3A_61 = arith.constant 0 : i32
        %dma_wait3A_62 = tpu.memref_slice %arg13[%add3A, %dma_wait3A_61] : memref<5008x128xf32, #tpu.memory_space<vmem_shared>> -> memref<40x128xf32, #tpu.memory_space<vmem_shared>>
        tpu.wait_dma2 semaphore(%run_scoped3A : memref<!tpu.dma_semaphore, #tpu.memory_space<semaphore_mem>>) src(%arg12 : memref<40x128xf32, #tpu.memory_space<vmem>>) dst(%dma_wait3A_62 : memref<40x128xf32, #tpu.memory_space<vmem_shared>>)
        tpu.yield
      }) : () -> ()
      %scan3A_55 = arith.constant 0 : i32
      scf.yield %scan3A_55 : i32
    }
    %scan3A_12 = arith.constant 5 : i32
    %lt3A = arith.constant 15 : i32
    %lt3A_13 = arith.cmpi slt, %arg1, %lt3A : i32
    %convert_element_type3A_14 = arith.extui %lt3A_13 : i1 to i32
    %cond3A_15 = arith.constant 0 : i32
    %cond3A_16 = arith.cmpi ne, %convert_element_type3A_14, %cond3A_15 : i32
    scf.if %cond3A_16 {
      %scan3A_50 = arith.constant 0 : i32
      %scan3A_51 = arith.constant 5 : i32
      %scan3A_52 = arith.constant 3 : i32
      %scan3A_53 = arith.addi %scan3A_51, %scan3A_52 : i32
      %scan3A_54 = arith.constant 1 : i32
      %scan3A_55 = scf.for %scan3A_57 = %scan3A_51 to %scan3A_53 step %scan3A_54 iter_args(%scan3A_58 = %scan3A_50) -> (i32)  : i32 {
        %mul3A = arith.constant 320 : i32
        %mul3A_59 = arith.muli %arg1, %mul3A : i32
        %mul3A_60 = arith.constant 40 : i32
        %mul3A_61 = arith.muli %scan3A_57, %mul3A_60 : i32
        %add3A = arith.addi %mul3A_59, %mul3A_61 : i32
        "tpu.region"() ({
          %run_scoped3A = tpu.sem_alloc : memref<!tpu.dma_semaphore, #tpu.memory_space<semaphore_mem>>
          %dma_start3A_63 = arith.constant 0 : i32
          %dma_start3A_64 = tpu.memref_slice %arg13[%add3A, %dma_start3A_63] : memref<5008x128xf32, #tpu.memory_space<vmem_shared>> -> memref<40x128xf32, #tpu.memory_space<vmem_shared>>
          %dma_start3A_65 = arith.constant 0 : i32
          %dma_start3A_66 = tpu.memref_slice %arg13[%add3A, %dma_start3A_65] : memref<5008x128xf32, #tpu.memory_space<vmem_shared>> -> memref<40x128xf32, #tpu.memory_space<vmem_shared>>
          tpu.enqueue_dma source(%arg12 : memref<40x128xf32, #tpu.memory_space<vmem>>) target(%dma_start3A_66 : memref<40x128xf32, #tpu.memory_space<vmem_shared>>) target_semaphore(%run_scoped3A : memref<!tpu.dma_semaphore, #tpu.memory_space<semaphore_mem>>)
          %dma_wait3A = arith.constant 0 : i32
          %dma_wait3A_67 = tpu.memref_slice %arg13[%add3A, %dma_wait3A] : memref<5008x128xf32, #tpu.memory_space<vmem_shared>> -> memref<40x128xf32, #tpu.memory_space<vmem_shared>>
          %dma_wait3A_68 = arith.constant 0 : i32
          %dma_wait3A_69 = tpu.memref_slice %arg13[%add3A, %dma_wait3A_68] : memref<5008x128xf32, #tpu.memory_space<vmem_shared>> -> memref<40x128xf32, #tpu.memory_space<vmem_shared>>
          tpu.wait_dma2 semaphore(%run_scoped3A : memref<!tpu.dma_semaphore, #tpu.memory_space<semaphore_mem>>) src(%arg12 : memref<40x128xf32, #tpu.memory_space<vmem>>) dst(%dma_wait3A_69 : memref<40x128xf32, #tpu.memory_space<vmem_shared>>)
          tpu.yield
        }) : () -> ()
        %scan3A_62 = arith.constant 0 : i32
        scf.yield %scan3A_62 : i32
      }
      %scan3A_56 = arith.constant 3 : i32
    } else {
    }
    %barrier3A = arith.constant 0 : index
    tpu.barrier barrier_id(%barrier3A)
    %dma_start3A = arith.constant 0 : i32
    %dma_start3A_17 = arith.constant 0 : i32
    %dma_start3A_18 = tpu.memref_slice %arg8[%dma_start3A, %dma_start3A_17] : memref<160x125xi32, #tpu.memory_space<vmem>> -> memref<1x125xi32, #tpu.memory_space<vmem>>
    %dma_start3A_19 = tpu.memref_squeeze %dma_start3A_18 : memref<1x125xi32, #tpu.memory_space<vmem>> -> memref<125xi32, #tpu.memory_space<vmem>>
    %dma_start3A_20 = arith.constant 0 : i32
    %dma_start3A_21 = arith.constant 0 : i32
    %dma_start3A_22 = tpu.memref_slice %arg2[%dma_start3A_20, %dma_start3A_21] : memref<10000x128xf32, #tpu.memory_space<hbm>> -> memref<10000x128xf32, #tpu.memory_space<hbm>>
    tpu.enqueue_indirect_dma source(%dma_start3A_22 : memref<10000x128xf32, #tpu.memory_space<hbm>>) target(%arg10 : memref<125x128xf32, #tpu.memory_space<vmem>>) offsets(%dma_start3A_19 : memref<125xi32, #tpu.memory_space<vmem>>) semaphore(%arg14 : memref<!tpu.dma_semaphore, #tpu.memory_space<semaphore_mem>>)
    %dma_start3A_23 = arith.constant 1 : i32
    %dma_start3A_24 = arith.constant 0 : i32
    %dma_start3A_25 = tpu.memref_slice %arg8[%dma_start3A_23, %dma_start3A_24] : memref<160x125xi32, #tpu.memory_space<vmem>> -> memref<1x125xi32, #tpu.memory_space<vmem>>
    %dma_start3A_26 = tpu.memref_squeeze %dma_start3A_25 : memref<1x125xi32, #tpu.memory_space<vmem>> -> memref<125xi32, #tpu.memory_space<vmem>>
    %dma_start3A_27 = arith.constant 0 : i32
    %dma_start3A_28 = arith.constant 0 : i32
    %dma_start3A_29 = tpu.memref_slice %arg2[%dma_start3A_27, %dma_start3A_28] : memref<10000x128xf32, #tpu.memory_space<hbm>> -> memref<10000x128xf32, #tpu.memory_space<hbm>>
    tpu.enqueue_indirect_dma source(%dma_start3A_29 : memref<10000x128xf32, #tpu.memory_space<hbm>>) target(%arg11 : memref<125x128xf32, #tpu.memory_space<vmem>>) offsets(%dma_start3A_26 : memref<125xi32, #tpu.memory_space<vmem>>) semaphore(%arg15 : memref<!tpu.dma_semaphore, #tpu.memory_space<semaphore_mem>>)
    %scan3A_30 = arith.constant 0 : i32
    %scan3A_31 = arith.constant 0 : i32
    %scan3A_32 = arith.constant 80 : i32
    %scan3A_33 = arith.addi %scan3A_31, %scan3A_32 : i32
    %scan3A_34 = arith.constant 1 : i32
    %scan3A_35 = scf.for %scan3A_50 = %scan3A_31 to %scan3A_33 step %scan3A_34 iter_args(%scan3A_51 = %scan3A_30) -> (i32)  : i32 {
      %mul3A = arith.constant 2 : i32
      %mul3A_52 = arith.muli %mul3A, %scan3A_50 : i32
      %add3A = arith.constant 0 : i32
      %add3A_53 = arith.addi %mul3A_52, %add3A : i32
      %dma_wait3A = arith.constant 0 : i32
      %dma_wait3A_54 = arith.constant 0 : i32
      %dma_wait3A_55 = tpu.memref_slice %arg8[%dma_wait3A, %dma_wait3A_54] : memref<160x125xi32, #tpu.memory_space<vmem>> -> memref<1x125xi32, #tpu.memory_space<vmem>>
      %dma_wait3A_56 = tpu.memref_squeeze %dma_wait3A_55 : memref<1x125xi32, #tpu.memory_space<vmem>> -> memref<125xi32, #tpu.memory_space<vmem>>
      %dma_wait3A_57 = arith.constant 0 : i32
      %dma_wait3A_58 = arith.constant 0 : i32
      %dma_wait3A_59 = tpu.memref_slice %arg2[%dma_wait3A_57, %dma_wait3A_58] : memref<10000x128xf32, #tpu.memory_space<hbm>> -> memref<10000x128xf32, #tpu.memory_space<hbm>>
      tpu.wait_indirect_dma semaphore(%arg14 : memref<!tpu.dma_semaphore, #tpu.memory_space<semaphore_mem>>) src(%dma_wait3A_59 : memref<10000x128xf32, #tpu.memory_space<hbm>>) dst(%arg10 : memref<125x128xf32, #tpu.memory_space<vmem>>)
      "tpu.region"() ({
        %run_scoped3A = tpu.sem_alloc : memref<!tpu.dma_semaphore, #tpu.memory_space<semaphore_mem>>
        %dma_start3A_80 = arith.constant 0 : i32
        %dma_start3A_81 = tpu.memref_slice %arg9[%add3A_53, %dma_start3A_80] : memref<160x125xi32, #tpu.memory_space<vmem>> -> memref<1x125xi32, #tpu.memory_space<vmem>>
        %dma_start3A_82 = tpu.memref_squeeze %dma_start3A_81 : memref<1x125xi32, #tpu.memory_space<vmem>> -> memref<125xi32, #tpu.memory_space<vmem>>
        %dma_start3A_83 = arith.constant 0 : i32
        %dma_start3A_84 = arith.constant 0 : i32
        %dma_start3A_85 = tpu.memref_slice %arg13[%dma_start3A_83, %dma_start3A_84] : memref<5008x128xf32, #tpu.memory_space<vmem_shared>> -> memref<5008x128xf32, #tpu.memory_space<vmem_shared>>
        tpu.enqueue_indirect_dma source(%arg10 : memref<125x128xf32, #tpu.memory_space<vmem>>) target(%dma_start3A_85 : memref<5008x128xf32, #tpu.memory_space<vmem_shared>>) offsets(%dma_start3A_82 : memref<125xi32, #tpu.memory_space<vmem>>) semaphore(%run_scoped3A : memref<!tpu.dma_semaphore, #tpu.memory_space<semaphore_mem>>) {add = true}
        %dma_wait3A_86 = arith.constant 0 : i32
        %dma_wait3A_87 = tpu.memref_slice %arg9[%add3A_53, %dma_wait3A_86] : memref<160x125xi32, #tpu.memory_space<vmem>> -> memref<1x125xi32, #tpu.memory_space<vmem>>
        %dma_wait3A_88 = tpu.memref_squeeze %dma_wait3A_87 : memref<1x125xi32, #tpu.memory_space<vmem>> -> memref<125xi32, #tpu.memory_space<vmem>>
        %dma_wait3A_89 = arith.constant 0 : i32
        %dma_wait3A_90 = arith.constant 0 : i32
        %dma_wait3A_91 = tpu.memref_slice %arg13[%dma_wait3A_89, %dma_wait3A_90] : memref<5008x128xf32, #tpu.memory_space<vmem_shared>> -> memref<5008x128xf32, #tpu.memory_space<vmem_shared>>
        tpu.wait_indirect_dma semaphore(%run_scoped3A : memref<!tpu.dma_semaphore, #tpu.memory_space<semaphore_mem>>) src(%arg10 : memref<125x128xf32, #tpu.memory_space<vmem>>) dst(%dma_wait3A_91 : memref<5008x128xf32, #tpu.memory_space<vmem_shared>>)
        tpu.yield
      }) : () -> ()
      %lt3A_60 = arith.constant 79 : i32
      %lt3A_61 = arith.cmpi slt, %scan3A_50, %lt3A_60 : i32
      %convert_element_type3A_62 = arith.extui %lt3A_61 : i1 to i32
      %cond3A_63 = arith.constant 0 : i32
      %cond3A_64 = arith.cmpi ne, %convert_element_type3A_62, %cond3A_63 : i32
      scf.if %cond3A_64 {
        %add3A_80 = arith.constant 2 : i32
        %add3A_81 = arith.addi %add3A_53, %add3A_80 : i32
        %dma_start3A_82 = arith.constant 0 : i32
        %dma_start3A_83 = tpu.memref_slice %arg8[%add3A_81, %dma_start3A_82] : memref<160x125xi32, #tpu.memory_space<vmem>> -> memref<1x125xi32, #tpu.memory_space<vmem>>
        %dma_start3A_84 = tpu.memref_squeeze %dma_start3A_83 : memref<1x125xi32, #tpu.memory_space<vmem>> -> memref<125xi32, #tpu.memory_space<vmem>>
        %dma_start3A_85 = arith.constant 0 : i32
        %dma_start3A_86 = arith.constant 0 : i32
        %dma_start3A_87 = tpu.memref_slice %arg2[%dma_start3A_85, %dma_start3A_86] : memref<10000x128xf32, #tpu.memory_space<hbm>> -> memref<10000x128xf32, #tpu.memory_space<hbm>>
        tpu.enqueue_indirect_dma source(%dma_start3A_87 : memref<10000x128xf32, #tpu.memory_space<hbm>>) target(%arg10 : memref<125x128xf32, #tpu.memory_space<vmem>>) offsets(%dma_start3A_84 : memref<125xi32, #tpu.memory_space<vmem>>) semaphore(%arg14 : memref<!tpu.dma_semaphore, #tpu.memory_space<semaphore_mem>>)
      } else {
      }
      %add3A_65 = arith.constant 1 : i32
      %add3A_66 = arith.addi %mul3A_52, %add3A_65 : i32
      %dma_wait3A_67 = arith.constant 0 : i32
      %dma_wait3A_68 = arith.constant 0 : i32
      %dma_wait3A_69 = tpu.memref_slice %arg8[%dma_wait3A_67, %dma_wait3A_68] : memref<160x125xi32, #tpu.memory_space<vmem>> -> memref<1x125xi32, #tpu.memory_space<vmem>>
      %dma_wait3A_70 = tpu.memref_squeeze %dma_wait3A_69 : memref<1x125xi32, #tpu.memory_space<vmem>> -> memref<125xi32, #tpu.memory_space<vmem>>
      %dma_wait3A_71 = arith.constant 0 : i32
      %dma_wait3A_72 = arith.constant 0 : i32
      %dma_wait3A_73 = tpu.memref_slice %arg2[%dma_wait3A_71, %dma_wait3A_72] : memref<10000x128xf32, #tpu.memory_space<hbm>> -> memref<10000x128xf32, #tpu.memory_space<hbm>>
      tpu.wait_indirect_dma semaphore(%arg15 : memref<!tpu.dma_semaphore, #tpu.memory_space<semaphore_mem>>) src(%dma_wait3A_73 : memref<10000x128xf32, #tpu.memory_space<hbm>>) dst(%arg11 : memref<125x128xf32, #tpu.memory_space<vmem>>)
      "tpu.region"() ({
        %run_scoped3A = tpu.sem_alloc : memref<!tpu.dma_semaphore, #tpu.memory_space<semaphore_mem>>
        %dma_start3A_80 = arith.constant 0 : i32
        %dma_start3A_81 = tpu.memref_slice %arg9[%add3A_66, %dma_start3A_80] : memref<160x125xi32, #tpu.memory_space<vmem>> -> memref<1x125xi32, #tpu.memory_space<vmem>>
        %dma_start3A_82 = tpu.memref_squeeze %dma_start3A_81 : memref<1x125xi32, #tpu.memory_space<vmem>> -> memref<125xi32, #tpu.memory_space<vmem>>
        %dma_start3A_83 = arith.constant 0 : i32
        %dma_start3A_84 = arith.constant 0 : i32
        %dma_start3A_85 = tpu.memref_slice %arg13[%dma_start3A_83, %dma_start3A_84] : memref<5008x128xf32, #tpu.memory_space<vmem_shared>> -> memref<5008x128xf32, #tpu.memory_space<vmem_shared>>
        tpu.enqueue_indirect_dma source(%arg11 : memref<125x128xf32, #tpu.memory_space<vmem>>) target(%dma_start3A_85 : memref<5008x128xf32, #tpu.memory_space<vmem_shared>>) offsets(%dma_start3A_82 : memref<125xi32, #tpu.memory_space<vmem>>) semaphore(%run_scoped3A : memref<!tpu.dma_semaphore, #tpu.memory_space<semaphore_mem>>) {add = true}
        %dma_wait3A_86 = arith.constant 0 : i32
        %dma_wait3A_87 = tpu.memref_slice %arg9[%add3A_66, %dma_wait3A_86] : memref<160x125xi32, #tpu.memory_space<vmem>> -> memref<1x125xi32, #tpu.memory_space<vmem>>
        %dma_wait3A_88 = tpu.memref_squeeze %dma_wait3A_87 : memref<1x125xi32, #tpu.memory_space<vmem>> -> memref<125xi32, #tpu.memory_space<vmem>>
        %dma_wait3A_89 = arith.constant 0 : i32
        %dma_wait3A_90 = arith.constant 0 : i32
        %dma_wait3A_91 = tpu.memref_slice %arg13[%dma_wait3A_89, %dma_wait3A_90] : memref<5008x128xf32, #tpu.memory_space<vmem_shared>> -> memref<5008x128xf32, #tpu.memory_space<vmem_shared>>
        tpu.wait_indirect_dma semaphore(%run_scoped3A : memref<!tpu.dma_semaphore, #tpu.memory_space<semaphore_mem>>) src(%arg11 : memref<125x128xf32, #tpu.memory_space<vmem>>) dst(%dma_wait3A_91 : memref<5008x128xf32, #tpu.memory_space<vmem_shared>>)
        tpu.yield
      }) : () -> ()
      %lt3A_74 = arith.constant 79 : i32
      %lt3A_75 = arith.cmpi slt, %scan3A_50, %lt3A_74 : i32
      %convert_element_type3A_76 = arith.extui %lt3A_75 : i1 to i32
      %cond3A_77 = arith.constant 0 : i32
      %cond3A_78 = arith.cmpi ne, %convert_element_type3A_76, %cond3A_77 : i32
      scf.if %cond3A_78 {
        %add3A_80 = arith.constant 2 : i32
        %add3A_81 = arith.addi %add3A_66, %add3A_80 : i32
        %dma_start3A_82 = arith.constant 0 : i32
        %dma_start3A_83 = tpu.memref_slice %arg8[%add3A_81, %dma_start3A_82] : memref<160x125xi32, #tpu.memory_space<vmem>> -> memref<1x125xi32, #tpu.memory_space<vmem>>
        %dma_start3A_84 = tpu.memref_squeeze %dma_start3A_83 : memref<1x125xi32, #tpu.memory_space<vmem>> -> memref<125xi32, #tpu.memory_space<vmem>>
        %dma_start3A_85 = arith.constant 0 : i32
        %dma_start3A_86 = arith.constant 0 : i32
        %dma_start3A_87 = tpu.memref_slice %arg2[%dma_start3A_85, %dma_start3A_86] : memref<10000x128xf32, #tpu.memory_space<hbm>> -> memref<10000x128xf32, #tpu.memory_space<hbm>>
        tpu.enqueue_indirect_dma source(%dma_start3A_87 : memref<10000x128xf32, #tpu.memory_space<hbm>>) target(%arg11 : memref<125x128xf32, #tpu.memory_space<vmem>>) offsets(%dma_start3A_84 : memref<125xi32, #tpu.memory_space<vmem>>) semaphore(%arg15 : memref<!tpu.dma_semaphore, #tpu.memory_space<semaphore_mem>>)
      } else {
      }
      %scan3A_79 = arith.constant 0 : i32
      scf.yield %scan3A_79 : i32
    }
    %scan3A_36 = arith.constant 80 : i32
    %barrier3A_37 = arith.constant 0 : index
    tpu.barrier barrier_id(%barrier3A_37)
    %scan3A_38 = arith.constant 0 : i32
    %scan3A_39 = arith.constant 0 : i32
    %scan3A_40 = arith.constant 5 : i32
    %scan3A_41 = arith.addi %scan3A_39, %scan3A_40 : i32
    %scan3A_42 = arith.constant 1 : i32
    %scan3A_43 = scf.for %scan3A_50 = %scan3A_39 to %scan3A_41 step %scan3A_42 iter_args(%scan3A_51 = %scan3A_38) -> (i32)  : i32 {
      %mul3A = arith.constant 320 : i32
      %mul3A_52 = arith.muli %arg1, %mul3A : i32
      %mul3A_53 = arith.constant 40 : i32
      %mul3A_54 = arith.muli %scan3A_50, %mul3A_53 : i32
      %add3A = arith.addi %mul3A_52, %mul3A_54 : i32
      "tpu.region"() ({
        %run_scoped3A = tpu.sem_alloc : memref<!tpu.dma_semaphore, #tpu.memory_space<semaphore_mem>>
        %dma_start3A_56 = arith.constant 0 : i32
        %dma_start3A_57 = tpu.memref_slice %arg7[%arg0, %add3A, %dma_start3A_56] : memref<2x5000x128xf32, #tpu.memory_space<hbm>> -> memref<1x40x128xf32, #tpu.memory_space<hbm>>
        %dma_start3A_58 = tpu.memref_squeeze %dma_start3A_57 : memref<1x40x128xf32, #tpu.memory_space<hbm>> -> memref<40x128xf32, #tpu.memory_space<hbm>>
        %dma_start3A_59 = arith.constant 0 : i32
        %dma_start3A_60 = tpu.memref_slice %arg13[%add3A, %dma_start3A_59] : memref<5008x128xf32, #tpu.memory_space<vmem_shared>> -> memref<40x128xf32, #tpu.memory_space<vmem_shared>>
        tpu.enqueue_dma source(%dma_start3A_60 : memref<40x128xf32, #tpu.memory_space<vmem_shared>>) target(%dma_start3A_58 : memref<40x128xf32, #tpu.memory_space<hbm>>) target_semaphore(%run_scoped3A : memref<!tpu.dma_semaphore, #tpu.memory_space<semaphore_mem>>)
        %dma_wait3A = arith.constant 0 : i32
        %dma_wait3A_61 = tpu.memref_slice %arg7[%arg0, %add3A, %dma_wait3A] : memref<2x5000x128xf32, #tpu.memory_space<hbm>> -> memref<1x40x128xf32, #tpu.memory_space<hbm>>
        %dma_wait3A_62 = tpu.memref_squeeze %dma_wait3A_61 : memref<1x40x128xf32, #tpu.memory_space<hbm>> -> memref<40x128xf32, #tpu.memory_space<hbm>>
        %dma_wait3A_63 = arith.constant 0 : i32
        %dma_wait3A_64 = tpu.memref_slice %arg13[%add3A, %dma_wait3A_63] : memref<5008x128xf32, #tpu.memory_space<vmem_shared>> -> memref<40x128xf32, #tpu.memory_space<vmem_shared>>
        tpu.wait_dma2 semaphore(%run_scoped3A : memref<!tpu.dma_semaphore, #tpu.memory_space<semaphore_mem>>) src(%dma_wait3A_64 : memref<40x128xf32, #tpu.memory_space<vmem_shared>>) dst(%dma_wait3A_62 : memref<40x128xf32, #tpu.memory_space<hbm>>)
        tpu.yield
      }) : () -> ()
      %scan3A_55 = arith.constant 0 : i32
      scf.yield %scan3A_55 : i32
    }
    %scan3A_44 = arith.constant 5 : i32
    %lt3A_45 = arith.constant 15 : i32
    %lt3A_46 = arith.cmpi slt, %arg1, %lt3A_45 : i32
    %convert_element_type3A_47 = arith.extui %lt3A_46 : i1 to i32
    %cond3A_48 = arith.constant 0 : i32
    %cond3A_49 = arith.cmpi ne, %convert_element_type3A_47, %cond3A_48 : i32
    scf.if %cond3A_49 {
      %scan3A_50 = arith.constant 0 : i32
      %scan3A_51 = arith.constant 5 : i32
      %scan3A_52 = arith.constant 3 : i32
      %scan3A_53 = arith.addi %scan3A_51, %scan3A_52 : i32
      %scan3A_54 = arith.constant 1 : i32
      %scan3A_55 = scf.for %scan3A_57 = %scan3A_51 to %scan3A_53 step %scan3A_54 iter_args(%scan3A_58 = %scan3A_50) -> (i32)  : i32 {
        %mul3A = arith.constant 320 : i32
        %mul3A_59 = arith.muli %arg1, %mul3A : i32
        %mul3A_60 = arith.constant 40 : i32
        %mul3A_61 = arith.muli %scan3A_57, %mul3A_60 : i32
        %add3A = arith.addi %mul3A_59, %mul3A_61 : i32
        "tpu.region"() ({
          %run_scoped3A = tpu.sem_alloc : memref<!tpu.dma_semaphore, #tpu.memory_space<semaphore_mem>>
          %dma_start3A_63 = arith.constant 0 : i32
          %dma_start3A_64 = tpu.memref_slice %arg7[%arg0, %add3A, %dma_start3A_63] : memref<2x5000x128xf32, #tpu.memory_space<hbm>> -> memref<1x40x128xf32, #tpu.memory_space<hbm>>
          %dma_start3A_65 = tpu.memref_squeeze %dma_start3A_64 : memref<1x40x128xf32, #tpu.memory_space<hbm>> -> memref<40x128xf32, #tpu.memory_space<hbm>>
          %dma_start3A_66 = arith.constant 0 : i32
          %dma_start3A_67 = tpu.memref_slice %arg13[%add3A, %dma_start3A_66] : memref<5008x128xf32, #tpu.memory_space<vmem_shared>> -> memref<40x128xf32, #tpu.memory_space<vmem_shared>>
          tpu.enqueue_dma source(%dma_start3A_67 : memref<40x128xf32, #tpu.memory_space<vmem_shared>>) target(%dma_start3A_65 : memref<40x128xf32, #tpu.memory_space<hbm>>) target_semaphore(%run_scoped3A : memref<!tpu.dma_semaphore, #tpu.memory_space<semaphore_mem>>)
          %dma_wait3A = arith.constant 0 : i32
          %dma_wait3A_68 = tpu.memref_slice %arg7[%arg0, %add3A, %dma_wait3A] : memref<2x5000x128xf32, #tpu.memory_space<hbm>> -> memref<1x40x128xf32, #tpu.memory_space<hbm>>
          %dma_wait3A_69 = tpu.memref_squeeze %dma_wait3A_68 : memref<1x40x128xf32, #tpu.memory_space<hbm>> -> memref<40x128xf32, #tpu.memory_space<hbm>>
          %dma_wait3A_70 = arith.constant 0 : i32
          %dma_wait3A_71 = tpu.memref_slice %arg13[%add3A, %dma_wait3A_70] : memref<5008x128xf32, #tpu.memory_space<vmem_shared>> -> memref<40x128xf32, #tpu.memory_space<vmem_shared>>
          tpu.wait_dma2 semaphore(%run_scoped3A : memref<!tpu.dma_semaphore, #tpu.memory_space<semaphore_mem>>) src(%dma_wait3A_71 : memref<40x128xf32, #tpu.memory_space<vmem_shared>>) dst(%dma_wait3A_69 : memref<40x128xf32, #tpu.memory_space<hbm>>)
          tpu.yield
        }) : () -> ()
        %scan3A_62 = arith.constant 0 : i32
        scf.yield %scan3A_62 : i32
      }
      %scan3A_56 = arith.constant 3 : i32
    } else {
    }
    return
  }
}

#map = affine_map<(d0, d1) -> (0, 0)>
#map1 = affine_map<(d0, d1) -> (0, 0, 0)>
module attributes {stable_mosaic.version = 14 : i64} {
  func.func @_agg_sc_body(%arg0: i32, %arg1: i32, %arg2: memref<10000x128xf32, #tpu.memory_space<hbm>>, %arg3: memref<16x160x125xi32, #tpu.memory_space<hbm>>, %arg4: memref<16x160x125xi32, #tpu.memory_space<hbm>>, %arg5: memref<16x160x125xi32, #tpu.memory_space<hbm>>, %arg6: memref<128x128xf32, #tpu.memory_space<hbm>>, %arg7: memref<2x5000x128xf32, #tpu.memory_space<hbm>>, %arg8: memref<160x125xi32, #tpu.memory_space<vmem>>, %arg9: memref<160x125xi32, #tpu.memory_space<vmem>>, %arg10: memref<125x128xf32, #tpu.memory_space<vmem>>, %arg11: memref<125x128xf32, #tpu.memory_space<vmem>>, %arg12: memref<40x128xf32, #tpu.memory_space<vmem>>, %arg13: memref<5008x128xf32, #tpu.memory_space<vmem_shared>>, %arg14: memref<!tpu.dma_semaphore, #tpu.memory_space<semaphore_mem>>, %arg15: memref<!tpu.dma_semaphore, #tpu.memory_space<semaphore_mem>>) attributes {dimension_semantics = [#tpu.dimension_semantics<core_parallel>, #tpu.dimension_semantics<subcore_parallel>], iteration_bounds = array<i64: 2, 16>, scalar_prefetch = 0 : i64, scratch_operands = 8 : i64, tpu.core_type = #tpu.core_type<sc_vector_subcore>, window_params = [{transform_indices = #map}, {transform_indices = #map1}, {transform_indices = #map1}, {transform_indices = #map1}, {transform_indices = #map}, {transform_indices = #map1}]} {
    "tpu.region"() ({
      %run_scoped3A = tpu.sem_alloc : memref<!tpu.dma_semaphore, #tpu.memory_space<semaphore_mem>>
      %dma_start3A_50 = arith.constant 0 : i32
      %dma_start3A_51 = arith.constant 0 : i32
      %dma_start3A_52 = tpu.memref_slice %arg3[%arg1, %dma_start3A_50, %dma_start3A_51] : memref<16x160x125xi32, #tpu.memory_space<hbm>> -> memref<1x160x125xi32, #tpu.memory_space<hbm>>
      %dma_start3A_53 = tpu.memref_squeeze %dma_start3A_52 : memref<1x160x125xi32, #tpu.memory_space<hbm>> -> memref<160x125xi32, #tpu.memory_space<hbm>>
      %dma_start3A_54 = arith.constant 0 : i32
      %dma_start3A_55 = arith.constant 0 : i32
      %dma_start3A_56 = tpu.memref_slice %arg3[%arg1, %dma_start3A_54, %dma_start3A_55] : memref<16x160x125xi32, #tpu.memory_space<hbm>> -> memref<1x160x125xi32, #tpu.memory_space<hbm>>
      %dma_start3A_57 = tpu.memref_squeeze %dma_start3A_56 : memref<1x160x125xi32, #tpu.memory_space<hbm>> -> memref<160x125xi32, #tpu.memory_space<hbm>>
      tpu.enqueue_dma source(%dma_start3A_57 : memref<160x125xi32, #tpu.memory_space<hbm>>) target(%arg8 : memref<160x125xi32, #tpu.memory_space<vmem>>) target_semaphore(%run_scoped3A : memref<!tpu.dma_semaphore, #tpu.memory_space<semaphore_mem>>)
      %dma_wait3A = arith.constant 0 : i32
      %dma_wait3A_58 = arith.constant 0 : i32
      %dma_wait3A_59 = tpu.memref_slice %arg3[%arg1, %dma_wait3A, %dma_wait3A_58] : memref<16x160x125xi32, #tpu.memory_space<hbm>> -> memref<1x160x125xi32, #tpu.memory_space<hbm>>
      %dma_wait3A_60 = tpu.memref_squeeze %dma_wait3A_59 : memref<1x160x125xi32, #tpu.memory_space<hbm>> -> memref<160x125xi32, #tpu.memory_space<hbm>>
      %dma_wait3A_61 = arith.constant 0 : i32
      %dma_wait3A_62 = arith.constant 0 : i32
      %dma_wait3A_63 = tpu.memref_slice %arg3[%arg1, %dma_wait3A_61, %dma_wait3A_62] : memref<16x160x125xi32, #tpu.memory_space<hbm>> -> memref<1x160x125xi32, #tpu.memory_space<hbm>>
      %dma_wait3A_64 = tpu.memref_squeeze %dma_wait3A_63 : memref<1x160x125xi32, #tpu.memory_space<hbm>> -> memref<160x125xi32, #tpu.memory_space<hbm>>
      tpu.wait_dma2 semaphore(%run_scoped3A : memref<!tpu.dma_semaphore, #tpu.memory_space<semaphore_mem>>) src(%dma_wait3A_64 : memref<160x125xi32, #tpu.memory_space<hbm>>) dst(%arg8 : memref<160x125xi32, #tpu.memory_space<vmem>>)
      tpu.yield
    }) : () -> ()
    %eq3A = arith.constant 0 : i32
    %eq3A_0 = arith.cmpi eq, %arg0, %eq3A : i32
    %convert_element_type3A = arith.extui %eq3A_0 : i1 to i32
    %cond3A = arith.constant 0 : i32
    %cond3A_1 = arith.cmpi ne, %convert_element_type3A, %cond3A : i32
    scf.if %cond3A_1 {
      "tpu.region"() ({
        %run_scoped3A = tpu.sem_alloc : memref<!tpu.dma_semaphore, #tpu.memory_space<semaphore_mem>>
        %dma_start3A_50 = arith.constant 0 : i32
        %dma_start3A_51 = arith.constant 0 : i32
        %dma_start3A_52 = tpu.memref_slice %arg4[%arg1, %dma_start3A_50, %dma_start3A_51] : memref<16x160x125xi32, #tpu.memory_space<hbm>> -> memref<1x160x125xi32, #tpu.memory_space<hbm>>
        %dma_start3A_53 = tpu.memref_squeeze %dma_start3A_52 : memref<1x160x125xi32, #tpu.memory_space<hbm>> -> memref<160x125xi32, #tpu.memory_space<hbm>>
        %dma_start3A_54 = arith.constant 0 : i32
        %dma_start3A_55 = arith.constant 0 : i32
        %dma_start3A_56 = tpu.memref_slice %arg4[%arg1, %dma_start3A_54, %dma_start3A_55] : memref<16x160x125xi32, #tpu.memory_space<hbm>> -> memref<1x160x125xi32, #tpu.memory_space<hbm>>
        %dma_start3A_57 = tpu.memref_squeeze %dma_start3A_56 : memref<1x160x125xi32, #tpu.memory_space<hbm>> -> memref<160x125xi32, #tpu.memory_space<hbm>>
        tpu.enqueue_dma source(%dma_start3A_57 : memref<160x125xi32, #tpu.memory_space<hbm>>) target(%arg9 : memref<160x125xi32, #tpu.memory_space<vmem>>) target_semaphore(%run_scoped3A : memref<!tpu.dma_semaphore, #tpu.memory_space<semaphore_mem>>)
        %dma_wait3A = arith.constant 0 : i32
        %dma_wait3A_58 = arith.constant 0 : i32
        %dma_wait3A_59 = tpu.memref_slice %arg4[%arg1, %dma_wait3A, %dma_wait3A_58] : memref<16x160x125xi32, #tpu.memory_space<hbm>> -> memref<1x160x125xi32, #tpu.memory_space<hbm>>
        %dma_wait3A_60 = tpu.memref_squeeze %dma_wait3A_59 : memref<1x160x125xi32, #tpu.memory_space<hbm>> -> memref<160x125xi32, #tpu.memory_space<hbm>>
        %dma_wait3A_61 = arith.constant 0 : i32
        %dma_wait3A_62 = arith.constant 0 : i32
        %dma_wait3A_63 = tpu.memref_slice %arg4[%arg1, %dma_wait3A_61, %dma_wait3A_62] : memref<16x160x125xi32, #tpu.memory_space<hbm>> -> memref<1x160x125xi32, #tpu.memory_space<hbm>>
        %dma_wait3A_64 = tpu.memref_squeeze %dma_wait3A_63 : memref<1x160x125xi32, #tpu.memory_space<hbm>> -> memref<160x125xi32, #tpu.memory_space<hbm>>
        tpu.wait_dma2 semaphore(%run_scoped3A : memref<!tpu.dma_semaphore, #tpu.memory_space<semaphore_mem>>) src(%dma_wait3A_64 : memref<160x125xi32, #tpu.memory_space<hbm>>) dst(%arg9 : memref<160x125xi32, #tpu.memory_space<vmem>>)
        tpu.yield
      }) : () -> ()
    } else {
    }
    %eq3A_2 = arith.constant 1 : i32
    %eq3A_3 = arith.cmpi eq, %arg0, %eq3A_2 : i32
    %convert_element_type3A_4 = arith.extui %eq3A_3 : i1 to i32
    %cond3A_5 = arith.constant 0 : i32
    %cond3A_6 = arith.cmpi ne, %convert_element_type3A_4, %cond3A_5 : i32
    scf.if %cond3A_6 {
      "tpu.region"() ({
        %run_scoped3A = tpu.sem_alloc : memref<!tpu.dma_semaphore, #tpu.memory_space<semaphore_mem>>
        %dma_start3A_50 = arith.constant 0 : i32
        %dma_start3A_51 = arith.constant 0 : i32
        %dma_start3A_52 = tpu.memref_slice %arg5[%arg1, %dma_start3A_50, %dma_start3A_51] : memref<16x160x125xi32, #tpu.memory_space<hbm>> -> memref<1x160x125xi32, #tpu.memory_space<hbm>>
        %dma_start3A_53 = tpu.memref_squeeze %dma_start3A_52 : memref<1x160x125xi32, #tpu.memory_space<hbm>> -> memref<160x125xi32, #tpu.memory_space<hbm>>
        %dma_start3A_54 = arith.constant 0 : i32
        %dma_start3A_55 = arith.constant 0 : i32
        %dma_start3A_56 = tpu.memref_slice %arg5[%arg1, %dma_start3A_54, %dma_start3A_55] : memref<16x160x125xi32, #tpu.memory_space<hbm>> -> memref<1x160x125xi32, #tpu.memory_space<hbm>>
        %dma_start3A_57 = tpu.memref_squeeze %dma_start3A_56 : memref<1x160x125xi32, #tpu.memory_space<hbm>> -> memref<160x125xi32, #tpu.memory_space<hbm>>
        tpu.enqueue_dma source(%dma_start3A_57 : memref<160x125xi32, #tpu.memory_space<hbm>>) target(%arg9 : memref<160x125xi32, #tpu.memory_space<vmem>>) target_semaphore(%run_scoped3A : memref<!tpu.dma_semaphore, #tpu.memory_space<semaphore_mem>>)
        %dma_wait3A = arith.constant 0 : i32
        %dma_wait3A_58 = arith.constant 0 : i32
        %dma_wait3A_59 = tpu.memref_slice %arg5[%arg1, %dma_wait3A, %dma_wait3A_58] : memref<16x160x125xi32, #tpu.memory_space<hbm>> -> memref<1x160x125xi32, #tpu.memory_space<hbm>>
        %dma_wait3A_60 = tpu.memref_squeeze %dma_wait3A_59 : memref<1x160x125xi32, #tpu.memory_space<hbm>> -> memref<160x125xi32, #tpu.memory_space<hbm>>
        %dma_wait3A_61 = arith.constant 0 : i32
        %dma_wait3A_62 = arith.constant 0 : i32
        %dma_wait3A_63 = tpu.memref_slice %arg5[%arg1, %dma_wait3A_61, %dma_wait3A_62] : memref<16x160x125xi32, #tpu.memory_space<hbm>> -> memref<1x160x125xi32, #tpu.memory_space<hbm>>
        %dma_wait3A_64 = tpu.memref_squeeze %dma_wait3A_63 : memref<1x160x125xi32, #tpu.memory_space<hbm>> -> memref<160x125xi32, #tpu.memory_space<hbm>>
        tpu.wait_dma2 semaphore(%run_scoped3A : memref<!tpu.dma_semaphore, #tpu.memory_space<semaphore_mem>>) src(%dma_wait3A_64 : memref<160x125xi32, #tpu.memory_space<hbm>>) dst(%arg9 : memref<160x125xi32, #tpu.memory_space<vmem>>)
        tpu.yield
      }) : () -> ()
    } else {
    }
    "tpu.region"() ({
      %run_scoped3A = tpu.sem_alloc : memref<!tpu.dma_semaphore, #tpu.memory_space<semaphore_mem>>
      %dma_start3A_50 = arith.constant 0 : i32
      %dma_start3A_51 = arith.constant 0 : i32
      %dma_start3A_52 = tpu.memref_slice %arg6[%dma_start3A_50, %dma_start3A_51] : memref<128x128xf32, #tpu.memory_space<hbm>> -> memref<40x128xf32, #tpu.memory_space<hbm>>
      %dma_start3A_53 = arith.constant 0 : i32
      %dma_start3A_54 = arith.constant 0 : i32
      %dma_start3A_55 = tpu.memref_slice %arg6[%dma_start3A_53, %dma_start3A_54] : memref<128x128xf32, #tpu.memory_space<hbm>> -> memref<40x128xf32, #tpu.memory_space<hbm>>
      tpu.enqueue_dma source(%dma_start3A_55 : memref<40x128xf32, #tpu.memory_space<hbm>>) target(%arg12 : memref<40x128xf32, #tpu.memory_space<vmem>>) target_semaphore(%run_scoped3A : memref<!tpu.dma_semaphore, #tpu.memory_space<semaphore_mem>>)
      %dma_wait3A = arith.constant 0 : i32
      %dma_wait3A_56 = arith.constant 0 : i32
      %dma_wait3A_57 = tpu.memref_slice %arg6[%dma_wait3A, %dma_wait3A_56] : memref<128x128xf32, #tpu.memory_space<hbm>> -> memref<40x128xf32, #tpu.memory_space<hbm>>
      %dma_wait3A_58 = arith.constant 0 : i32
      %dma_wait3A_59 = arith.constant 0 : i32
      %dma_wait3A_60 = tpu.memref_slice %arg6[%dma_wait3A_58, %dma_wait3A_59] : memref<128x128xf32, #tpu.memory_space<hbm>> -> memref<40x128xf32, #tpu.memory_space<hbm>>
      tpu.wait_dma2 semaphore(%run_scoped3A : memref<!tpu.dma_semaphore, #tpu.memory_space<semaphore_mem>>) src(%dma_wait3A_60 : memref<40x128xf32, #tpu.memory_space<hbm>>) dst(%arg12 : memref<40x128xf32, #tpu.memory_space<vmem>>)
      tpu.yield
    }) : () -> ()
    %scan3A = arith.constant 0 : i32
    %scan3A_7 = arith.constant 0 : i32
    %scan3A_8 = arith.constant 5 : i32
    %scan3A_9 = arith.addi %scan3A_7, %scan3A_8 : i32
    %scan3A_10 = arith.constant 1 : i32
    %scan3A_11 = scf.for %scan3A_50 = %scan3A_7 to %scan3A_9 step %scan3A_10 iter_args(%scan3A_51 = %scan3A) -> (i32)  : i32 {
      %mul3A = arith.constant 320 : i32
      %mul3A_52 = arith.muli %arg1, %mul3A : i32
      %mul3A_53 = arith.constant 40 : i32
      %mul3A_54 = arith.muli %scan3A_50, %mul3A_53 : i32
      %add3A = arith.addi %mul3A_52, %mul3A_54 : i32
      "tpu.region"() ({
        %run_scoped3A = tpu.sem_alloc : memref<!tpu.dma_semaphore, #tpu.memory_space<semaphore_mem>>
        %dma_start3A_56 = arith.constant 0 : i32
        %dma_start3A_57 = tpu.memref_slice %arg13[%add3A, %dma_start3A_56] : memref<5008x128xf32, #tpu.memory_space<vmem_shared>> -> memref<40x128xf32, #tpu.memory_space<vmem_shared>>
        %dma_start3A_58 = arith.constant 0 : i32
        %dma_start3A_59 = tpu.memref_slice %arg13[%add3A, %dma_start3A_58] : memref<5008x128xf32, #tpu.memory_space<vmem_shared>> -> memref<40x128xf32, #tpu.memory_space<vmem_shared>>
        tpu.enqueue_dma source(%arg12 : memref<40x128xf32, #tpu.memory_space<vmem>>) target(%dma_start3A_59 : memref<40x128xf32, #tpu.memory_space<vmem_shared>>) target_semaphore(%run_scoped3A : memref<!tpu.dma_semaphore, #tpu.memory_space<semaphore_mem>>)
        %dma_wait3A = arith.constant 0 : i32
        %dma_wait3A_60 = tpu.memref_slice %arg13[%add3A, %dma_wait3A] : memref<5008x128xf32, #tpu.memory_space<vmem_shared>> -> memref<40x128xf32, #tpu.memory_space<vmem_shared>>
        %dma_wait3A_61 = arith.constant 0 : i32
        %dma_wait3A_62 = tpu.memref_slice %arg13[%add3A, %dma_wait3A_61] : memref<5008x128xf32, #tpu.memory_space<vmem_shared>> -> memref<40x128xf32, #tpu.memory_space<vmem_shared>>
        tpu.wait_dma2 semaphore(%run_scoped3A : memref<!tpu.dma_semaphore, #tpu.memory_space<semaphore_mem>>) src(%arg12 : memref<40x128xf32, #tpu.memory_space<vmem>>) dst(%dma_wait3A_62 : memref<40x128xf32, #tpu.memory_space<vmem_shared>>)
        tpu.yield
      }) : () -> ()
      %scan3A_55 = arith.constant 0 : i32
      scf.yield %scan3A_55 : i32
    }
    %scan3A_12 = arith.constant 5 : i32
    %lt3A = arith.constant 15 : i32
    %lt3A_13 = arith.cmpi slt, %arg1, %lt3A : i32
    %convert_element_type3A_14 = arith.extui %lt3A_13 : i1 to i32
    %cond3A_15 = arith.constant 0 : i32
    %cond3A_16 = arith.cmpi ne, %convert_element_type3A_14, %cond3A_15 : i32
    scf.if %cond3A_16 {
      %scan3A_50 = arith.constant 0 : i32
      %scan3A_51 = arith.constant 5 : i32
      %scan3A_52 = arith.constant 3 : i32
      %scan3A_53 = arith.addi %scan3A_51, %scan3A_52 : i32
      %scan3A_54 = arith.constant 1 : i32
      %scan3A_55 = scf.for %scan3A_57 = %scan3A_51 to %scan3A_53 step %scan3A_54 iter_args(%scan3A_58 = %scan3A_50) -> (i32)  : i32 {
        %mul3A = arith.constant 320 : i32
        %mul3A_59 = arith.muli %arg1, %mul3A : i32
        %mul3A_60 = arith.constant 40 : i32
        %mul3A_61 = arith.muli %scan3A_57, %mul3A_60 : i32
        %add3A = arith.addi %mul3A_59, %mul3A_61 : i32
        "tpu.region"() ({
          %run_scoped3A = tpu.sem_alloc : memref<!tpu.dma_semaphore, #tpu.memory_space<semaphore_mem>>
          %dma_start3A_63 = arith.constant 0 : i32
          %dma_start3A_64 = tpu.memref_slice %arg13[%add3A, %dma_start3A_63] : memref<5008x128xf32, #tpu.memory_space<vmem_shared>> -> memref<40x128xf32, #tpu.memory_space<vmem_shared>>
          %dma_start3A_65 = arith.constant 0 : i32
          %dma_start3A_66 = tpu.memref_slice %arg13[%add3A, %dma_start3A_65] : memref<5008x128xf32, #tpu.memory_space<vmem_shared>> -> memref<40x128xf32, #tpu.memory_space<vmem_shared>>
          tpu.enqueue_dma source(%arg12 : memref<40x128xf32, #tpu.memory_space<vmem>>) target(%dma_start3A_66 : memref<40x128xf32, #tpu.memory_space<vmem_shared>>) target_semaphore(%run_scoped3A : memref<!tpu.dma_semaphore, #tpu.memory_space<semaphore_mem>>)
          %dma_wait3A = arith.constant 0 : i32
          %dma_wait3A_67 = tpu.memref_slice %arg13[%add3A, %dma_wait3A] : memref<5008x128xf32, #tpu.memory_space<vmem_shared>> -> memref<40x128xf32, #tpu.memory_space<vmem_shared>>
          %dma_wait3A_68 = arith.constant 0 : i32
          %dma_wait3A_69 = tpu.memref_slice %arg13[%add3A, %dma_wait3A_68] : memref<5008x128xf32, #tpu.memory_space<vmem_shared>> -> memref<40x128xf32, #tpu.memory_space<vmem_shared>>
          tpu.wait_dma2 semaphore(%run_scoped3A : memref<!tpu.dma_semaphore, #tpu.memory_space<semaphore_mem>>) src(%arg12 : memref<40x128xf32, #tpu.memory_space<vmem>>) dst(%dma_wait3A_69 : memref<40x128xf32, #tpu.memory_space<vmem_shared>>)
          tpu.yield
        }) : () -> ()
        %scan3A_62 = arith.constant 0 : i32
        scf.yield %scan3A_62 : i32
      }
      %scan3A_56 = arith.constant 3 : i32
    } else {
    }
    %barrier3A = arith.constant 0 : index
    tpu.barrier barrier_id(%barrier3A)
    %dma_start3A = arith.constant 0 : i32
    %dma_start3A_17 = arith.constant 0 : i32
    %dma_start3A_18 = tpu.memref_slice %arg8[%dma_start3A, %dma_start3A_17] : memref<160x125xi32, #tpu.memory_space<vmem>> -> memref<1x125xi32, #tpu.memory_space<vmem>>
    %dma_start3A_19 = tpu.memref_squeeze %dma_start3A_18 : memref<1x125xi32, #tpu.memory_space<vmem>> -> memref<125xi32, #tpu.memory_space<vmem>>
    %dma_start3A_20 = arith.constant 0 : i32
    %dma_start3A_21 = arith.constant 0 : i32
    %dma_start3A_22 = tpu.memref_slice %arg2[%dma_start3A_20, %dma_start3A_21] : memref<10000x128xf32, #tpu.memory_space<hbm>> -> memref<10000x128xf32, #tpu.memory_space<hbm>>
    tpu.enqueue_indirect_dma source(%dma_start3A_22 : memref<10000x128xf32, #tpu.memory_space<hbm>>) target(%arg10 : memref<125x128xf32, #tpu.memory_space<vmem>>) offsets(%dma_start3A_19 : memref<125xi32, #tpu.memory_space<vmem>>) semaphore(%arg14 : memref<!tpu.dma_semaphore, #tpu.memory_space<semaphore_mem>>)
    %dma_start3A_23 = arith.constant 1 : i32
    %dma_start3A_24 = arith.constant 0 : i32
    %dma_start3A_25 = tpu.memref_slice %arg8[%dma_start3A_23, %dma_start3A_24] : memref<160x125xi32, #tpu.memory_space<vmem>> -> memref<1x125xi32, #tpu.memory_space<vmem>>
    %dma_start3A_26 = tpu.memref_squeeze %dma_start3A_25 : memref<1x125xi32, #tpu.memory_space<vmem>> -> memref<125xi32, #tpu.memory_space<vmem>>
    %dma_start3A_27 = arith.constant 0 : i32
    %dma_start3A_28 = arith.constant 0 : i32
    %dma_start3A_29 = tpu.memref_slice %arg2[%dma_start3A_27, %dma_start3A_28] : memref<10000x128xf32, #tpu.memory_space<hbm>> -> memref<10000x128xf32, #tpu.memory_space<hbm>>
    tpu.enqueue_indirect_dma source(%dma_start3A_29 : memref<10000x128xf32, #tpu.memory_space<hbm>>) target(%arg11 : memref<125x128xf32, #tpu.memory_space<vmem>>) offsets(%dma_start3A_26 : memref<125xi32, #tpu.memory_space<vmem>>) semaphore(%arg15 : memref<!tpu.dma_semaphore, #tpu.memory_space<semaphore_mem>>)
    %scan3A_30 = arith.constant 0 : i32
    %scan3A_31 = arith.constant 0 : i32
    %scan3A_32 = arith.constant 80 : i32
    %scan3A_33 = arith.addi %scan3A_31, %scan3A_32 : i32
    %scan3A_34 = arith.constant 1 : i32
    %scan3A_35 = scf.for %scan3A_50 = %scan3A_31 to %scan3A_33 step %scan3A_34 iter_args(%scan3A_51 = %scan3A_30) -> (i32)  : i32 {
      %mul3A = arith.constant 2 : i32
      %mul3A_52 = arith.muli %mul3A, %scan3A_50 : i32
      %add3A = arith.constant 0 : i32
      %add3A_53 = arith.addi %mul3A_52, %add3A : i32
      %dma_wait3A = arith.constant 0 : i32
      %dma_wait3A_54 = arith.constant 0 : i32
      %dma_wait3A_55 = tpu.memref_slice %arg8[%dma_wait3A, %dma_wait3A_54] : memref<160x125xi32, #tpu.memory_space<vmem>> -> memref<1x125xi32, #tpu.memory_space<vmem>>
      %dma_wait3A_56 = tpu.memref_squeeze %dma_wait3A_55 : memref<1x125xi32, #tpu.memory_space<vmem>> -> memref<125xi32, #tpu.memory_space<vmem>>
      %dma_wait3A_57 = arith.constant 0 : i32
      %dma_wait3A_58 = arith.constant 0 : i32
      %dma_wait3A_59 = tpu.memref_slice %arg2[%dma_wait3A_57, %dma_wait3A_58] : memref<10000x128xf32, #tpu.memory_space<hbm>> -> memref<10000x128xf32, #tpu.memory_space<hbm>>
      tpu.wait_indirect_dma semaphore(%arg14 : memref<!tpu.dma_semaphore, #tpu.memory_space<semaphore_mem>>) src(%dma_wait3A_59 : memref<10000x128xf32, #tpu.memory_space<hbm>>) dst(%arg10 : memref<125x128xf32, #tpu.memory_space<vmem>>)
      "tpu.region"() ({
        %run_scoped3A = tpu.sem_alloc : memref<!tpu.dma_semaphore, #tpu.memory_space<semaphore_mem>>
        %dma_start3A_80 = arith.constant 0 : i32
        %dma_start3A_81 = tpu.memref_slice %arg9[%add3A_53, %dma_start3A_80] : memref<160x125xi32, #tpu.memory_space<vmem>> -> memref<1x125xi32, #tpu.memory_space<vmem>>
        %dma_start3A_82 = tpu.memref_squeeze %dma_start3A_81 : memref<1x125xi32, #tpu.memory_space<vmem>> -> memref<125xi32, #tpu.memory_space<vmem>>
        %dma_start3A_83 = arith.constant 0 : i32
        %dma_start3A_84 = arith.constant 0 : i32
        %dma_start3A_85 = tpu.memref_slice %arg13[%dma_start3A_83, %dma_start3A_84] : memref<5008x128xf32, #tpu.memory_space<vmem_shared>> -> memref<5008x128xf32, #tpu.memory_space<vmem_shared>>
        tpu.enqueue_indirect_dma source(%arg10 : memref<125x128xf32, #tpu.memory_space<vmem>>) target(%dma_start3A_85 : memref<5008x128xf32, #tpu.memory_space<vmem_shared>>) offsets(%dma_start3A_82 : memref<125xi32, #tpu.memory_space<vmem>>) semaphore(%run_scoped3A : memref<!tpu.dma_semaphore, #tpu.memory_space<semaphore_mem>>) {add = true}
        %dma_wait3A_86 = arith.constant 0 : i32
        %dma_wait3A_87 = tpu.memref_slice %arg9[%add3A_53, %dma_wait3A_86] : memref<160x125xi32, #tpu.memory_space<vmem>> -> memref<1x125xi32, #tpu.memory_space<vmem>>
        %dma_wait3A_88 = tpu.memref_squeeze %dma_wait3A_87 : memref<1x125xi32, #tpu.memory_space<vmem>> -> memref<125xi32, #tpu.memory_space<vmem>>
        %dma_wait3A_89 = arith.constant 0 : i32
        %dma_wait3A_90 = arith.constant 0 : i32
        %dma_wait3A_91 = tpu.memref_slice %arg13[%dma_wait3A_89, %dma_wait3A_90] : memref<5008x128xf32, #tpu.memory_space<vmem_shared>> -> memref<5008x128xf32, #tpu.memory_space<vmem_shared>>
        tpu.wait_indirect_dma semaphore(%run_scoped3A : memref<!tpu.dma_semaphore, #tpu.memory_space<semaphore_mem>>) src(%arg10 : memref<125x128xf32, #tpu.memory_space<vmem>>) dst(%dma_wait3A_91 : memref<5008x128xf32, #tpu.memory_space<vmem_shared>>)
        tpu.yield
      }) : () -> ()
      %lt3A_60 = arith.constant 79 : i32
      %lt3A_61 = arith.cmpi slt, %scan3A_50, %lt3A_60 : i32
      %convert_element_type3A_62 = arith.extui %lt3A_61 : i1 to i32
      %cond3A_63 = arith.constant 0 : i32
      %cond3A_64 = arith.cmpi ne, %convert_element_type3A_62, %cond3A_63 : i32
      scf.if %cond3A_64 {
        %add3A_80 = arith.constant 2 : i32
        %add3A_81 = arith.addi %add3A_53, %add3A_80 : i32
        %dma_start3A_82 = arith.constant 0 : i32
        %dma_start3A_83 = tpu.memref_slice %arg8[%add3A_81, %dma_start3A_82] : memref<160x125xi32, #tpu.memory_space<vmem>> -> memref<1x125xi32, #tpu.memory_space<vmem>>
        %dma_start3A_84 = tpu.memref_squeeze %dma_start3A_83 : memref<1x125xi32, #tpu.memory_space<vmem>> -> memref<125xi32, #tpu.memory_space<vmem>>
        %dma_start3A_85 = arith.constant 0 : i32
        %dma_start3A_86 = arith.constant 0 : i32
        %dma_start3A_87 = tpu.memref_slice %arg2[%dma_start3A_85, %dma_start3A_86] : memref<10000x128xf32, #tpu.memory_space<hbm>> -> memref<10000x128xf32, #tpu.memory_space<hbm>>
        tpu.enqueue_indirect_dma source(%dma_start3A_87 : memref<10000x128xf32, #tpu.memory_space<hbm>>) target(%arg10 : memref<125x128xf32, #tpu.memory_space<vmem>>) offsets(%dma_start3A_84 : memref<125xi32, #tpu.memory_space<vmem>>) semaphore(%arg14 : memref<!tpu.dma_semaphore, #tpu.memory_space<semaphore_mem>>)
      } else {
      }
      %add3A_65 = arith.constant 1 : i32
      %add3A_66 = arith.addi %mul3A_52, %add3A_65 : i32
      %dma_wait3A_67 = arith.constant 0 : i32
      %dma_wait3A_68 = arith.constant 0 : i32
      %dma_wait3A_69 = tpu.memref_slice %arg8[%dma_wait3A_67, %dma_wait3A_68] : memref<160x125xi32, #tpu.memory_space<vmem>> -> memref<1x125xi32, #tpu.memory_space<vmem>>
      %dma_wait3A_70 = tpu.memref_squeeze %dma_wait3A_69 : memref<1x125xi32, #tpu.memory_space<vmem>> -> memref<125xi32, #tpu.memory_space<vmem>>
      %dma_wait3A_71 = arith.constant 0 : i32
      %dma_wait3A_72 = arith.constant 0 : i32
      %dma_wait3A_73 = tpu.memref_slice %arg2[%dma_wait3A_71, %dma_wait3A_72] : memref<10000x128xf32, #tpu.memory_space<hbm>> -> memref<10000x128xf32, #tpu.memory_space<hbm>>
      tpu.wait_indirect_dma semaphore(%arg15 : memref<!tpu.dma_semaphore, #tpu.memory_space<semaphore_mem>>) src(%dma_wait3A_73 : memref<10000x128xf32, #tpu.memory_space<hbm>>) dst(%arg11 : memref<125x128xf32, #tpu.memory_space<vmem>>)
      "tpu.region"() ({
        %run_scoped3A = tpu.sem_alloc : memref<!tpu.dma_semaphore, #tpu.memory_space<semaphore_mem>>
        %dma_start3A_80 = arith.constant 0 : i32
        %dma_start3A_81 = tpu.memref_slice %arg9[%add3A_66, %dma_start3A_80] : memref<160x125xi32, #tpu.memory_space<vmem>> -> memref<1x125xi32, #tpu.memory_space<vmem>>
        %dma_start3A_82 = tpu.memref_squeeze %dma_start3A_81 : memref<1x125xi32, #tpu.memory_space<vmem>> -> memref<125xi32, #tpu.memory_space<vmem>>
        %dma_start3A_83 = arith.constant 0 : i32
        %dma_start3A_84 = arith.constant 0 : i32
        %dma_start3A_85 = tpu.memref_slice %arg13[%dma_start3A_83, %dma_start3A_84] : memref<5008x128xf32, #tpu.memory_space<vmem_shared>> -> memref<5008x128xf32, #tpu.memory_space<vmem_shared>>
        tpu.enqueue_indirect_dma source(%arg11 : memref<125x128xf32, #tpu.memory_space<vmem>>) target(%dma_start3A_85 : memref<5008x128xf32, #tpu.memory_space<vmem_shared>>) offsets(%dma_start3A_82 : memref<125xi32, #tpu.memory_space<vmem>>) semaphore(%run_scoped3A : memref<!tpu.dma_semaphore, #tpu.memory_space<semaphore_mem>>) {add = true}
        %dma_wait3A_86 = arith.constant 0 : i32
        %dma_wait3A_87 = tpu.memref_slice %arg9[%add3A_66, %dma_wait3A_86] : memref<160x125xi32, #tpu.memory_space<vmem>> -> memref<1x125xi32, #tpu.memory_space<vmem>>
        %dma_wait3A_88 = tpu.memref_squeeze %dma_wait3A_87 : memref<1x125xi32, #tpu.memory_space<vmem>> -> memref<125xi32, #tpu.memory_space<vmem>>
        %dma_wait3A_89 = arith.constant 0 : i32
        %dma_wait3A_90 = arith.constant 0 : i32
        %dma_wait3A_91 = tpu.memref_slice %arg13[%dma_wait3A_89, %dma_wait3A_90] : memref<5008x128xf32, #tpu.memory_space<vmem_shared>> -> memref<5008x128xf32, #tpu.memory_space<vmem_shared>>
        tpu.wait_indirect_dma semaphore(%run_scoped3A : memref<!tpu.dma_semaphore, #tpu.memory_space<semaphore_mem>>) src(%arg11 : memref<125x128xf32, #tpu.memory_space<vmem>>) dst(%dma_wait3A_91 : memref<5008x128xf32, #tpu.memory_space<vmem_shared>>)
        tpu.yield
      }) : () -> ()
      %lt3A_74 = arith.constant 79 : i32
      %lt3A_75 = arith.cmpi slt, %scan3A_50, %lt3A_74 : i32
      %convert_element_type3A_76 = arith.extui %lt3A_75 : i1 to i32
      %cond3A_77 = arith.constant 0 : i32
      %cond3A_78 = arith.cmpi ne, %convert_element_type3A_76, %cond3A_77 : i32
      scf.if %cond3A_78 {
        %add3A_80 = arith.constant 2 : i32
        %add3A_81 = arith.addi %add3A_66, %add3A_80 : i32
        %dma_start3A_82 = arith.constant 0 : i32
        %dma_start3A_83 = tpu.memref_slice %arg8[%add3A_81, %dma_start3A_82] : memref<160x125xi32, #tpu.memory_space<vmem>> -> memref<1x125xi32, #tpu.memory_space<vmem>>
        %dma_start3A_84 = tpu.memref_squeeze %dma_start3A_83 : memref<1x125xi32, #tpu.memory_space<vmem>> -> memref<125xi32, #tpu.memory_space<vmem>>
        %dma_start3A_85 = arith.constant 0 : i32
        %dma_start3A_86 = arith.constant 0 : i32
        %dma_start3A_87 = tpu.memref_slice %arg2[%dma_start3A_85, %dma_start3A_86] : memref<10000x128xf32, #tpu.memory_space<hbm>> -> memref<10000x128xf32, #tpu.memory_space<hbm>>
        tpu.enqueue_indirect_dma source(%dma_start3A_87 : memref<10000x128xf32, #tpu.memory_space<hbm>>) target(%arg11 : memref<125x128xf32, #tpu.memory_space<vmem>>) offsets(%dma_start3A_84 : memref<125xi32, #tpu.memory_space<vmem>>) semaphore(%arg15 : memref<!tpu.dma_semaphore, #tpu.memory_space<semaphore_mem>>)
      } else {
      }
      %scan3A_79 = arith.constant 0 : i32
      scf.yield %scan3A_79 : i32
    }
    %scan3A_36 = arith.constant 80 : i32
    %barrier3A_37 = arith.constant 0 : index
    tpu.barrier barrier_id(%barrier3A_37)
    %scan3A_38 = arith.constant 0 : i32
    %scan3A_39 = arith.constant 0 : i32
    %scan3A_40 = arith.constant 5 : i32
    %scan3A_41 = arith.addi %scan3A_39, %scan3A_40 : i32
    %scan3A_42 = arith.constant 1 : i32
    %scan3A_43 = scf.for %scan3A_50 = %scan3A_39 to %scan3A_41 step %scan3A_42 iter_args(%scan3A_51 = %scan3A_38) -> (i32)  : i32 {
      %mul3A = arith.constant 320 : i32
      %mul3A_52 = arith.muli %arg1, %mul3A : i32
      %mul3A_53 = arith.constant 40 : i32
      %mul3A_54 = arith.muli %scan3A_50, %mul3A_53 : i32
      %add3A = arith.addi %mul3A_52, %mul3A_54 : i32
      "tpu.region"() ({
        %run_scoped3A = tpu.sem_alloc : memref<!tpu.dma_semaphore, #tpu.memory_space<semaphore_mem>>
        %dma_start3A_56 = arith.constant 0 : i32
        %dma_start3A_57 = tpu.memref_slice %arg7[%arg0, %add3A, %dma_start3A_56] : memref<2x5000x128xf32, #tpu.memory_space<hbm>> -> memref<1x40x128xf32, #tpu.memory_space<hbm>>
        %dma_start3A_58 = tpu.memref_squeeze %dma_start3A_57 : memref<1x40x128xf32, #tpu.memory_space<hbm>> -> memref<40x128xf32, #tpu.memory_space<hbm>>
        %dma_start3A_59 = arith.constant 0 : i32
        %dma_start3A_60 = tpu.memref_slice %arg13[%add3A, %dma_start3A_59] : memref<5008x128xf32, #tpu.memory_space<vmem_shared>> -> memref<40x128xf32, #tpu.memory_space<vmem_shared>>
        tpu.enqueue_dma source(%dma_start3A_60 : memref<40x128xf32, #tpu.memory_space<vmem_shared>>) target(%dma_start3A_58 : memref<40x128xf32, #tpu.memory_space<hbm>>) target_semaphore(%run_scoped3A : memref<!tpu.dma_semaphore, #tpu.memory_space<semaphore_mem>>)
        %dma_wait3A = arith.constant 0 : i32
        %dma_wait3A_61 = tpu.memref_slice %arg7[%arg0, %add3A, %dma_wait3A] : memref<2x5000x128xf32, #tpu.memory_space<hbm>> -> memref<1x40x128xf32, #tpu.memory_space<hbm>>
        %dma_wait3A_62 = tpu.memref_squeeze %dma_wait3A_61 : memref<1x40x128xf32, #tpu.memory_space<hbm>> -> memref<40x128xf32, #tpu.memory_space<hbm>>
        %dma_wait3A_63 = arith.constant 0 : i32
        %dma_wait3A_64 = tpu.memref_slice %arg13[%add3A, %dma_wait3A_63] : memref<5008x128xf32, #tpu.memory_space<vmem_shared>> -> memref<40x128xf32, #tpu.memory_space<vmem_shared>>
        tpu.wait_dma2 semaphore(%run_scoped3A : memref<!tpu.dma_semaphore, #tpu.memory_space<semaphore_mem>>) src(%dma_wait3A_64 : memref<40x128xf32, #tpu.memory_space<vmem_shared>>) dst(%dma_wait3A_62 : memref<40x128xf32, #tpu.memory_space<hbm>>)
        tpu.yield
      }) : () -> ()
      %scan3A_55 = arith.constant 0 : i32
      scf.yield %scan3A_55 : i32
    }
    %scan3A_44 = arith.constant 5 : i32
    %lt3A_45 = arith.constant 15 : i32
    %lt3A_46 = arith.cmpi slt, %arg1, %lt3A_45 : i32
    %convert_element_type3A_47 = arith.extui %lt3A_46 : i1 to i32
    %cond3A_48 = arith.constant 0 : i32
    %cond3A_49 = arith.cmpi ne, %convert_element_type3A_47, %cond3A_48 : i32
    scf.if %cond3A_49 {
      %scan3A_50 = arith.constant 0 : i32
      %scan3A_51 = arith.constant 5 : i32
      %scan3A_52 = arith.constant 3 : i32
      %scan3A_53 = arith.addi %scan3A_51, %scan3A_52 : i32
      %scan3A_54 = arith.constant 1 : i32
      %scan3A_55 = scf.for %scan3A_57 = %scan3A_51 to %scan3A_53 step %scan3A_54 iter_args(%scan3A_58 = %scan3A_50) -> (i32)  : i32 {
        %mul3A = arith.constant 320 : i32
        %mul3A_59 = arith.muli %arg1, %mul3A : i32
        %mul3A_60 = arith.constant 40 : i32
        %mul3A_61 = arith.muli %scan3A_57, %mul3A_60 : i32
        %add3A = arith.addi %mul3A_59, %mul3A_61 : i32
        "tpu.region"() ({
          %run_scoped3A = tpu.sem_alloc : memref<!tpu.dma_semaphore, #tpu.memory_space<semaphore_mem>>
          %dma_start3A_63 = arith.constant 0 : i32
          %dma_start3A_64 = tpu.memref_slice %arg7[%arg0, %add3A, %dma_start3A_63] : memref<2x5000x128xf32, #tpu.memory_space<hbm>> -> memref<1x40x128xf32, #tpu.memory_space<hbm>>
          %dma_start3A_65 = tpu.memref_squeeze %dma_start3A_64 : memref<1x40x128xf32, #tpu.memory_space<hbm>> -> memref<40x128xf32, #tpu.memory_space<hbm>>
          %dma_start3A_66 = arith.constant 0 : i32
          %dma_start3A_67 = tpu.memref_slice %arg13[%add3A, %dma_start3A_66] : memref<5008x128xf32, #tpu.memory_space<vmem_shared>> -> memref<40x128xf32, #tpu.memory_space<vmem_shared>>
          tpu.enqueue_dma source(%dma_start3A_67 : memref<40x128xf32, #tpu.memory_space<vmem_shared>>) target(%dma_start3A_65 : memref<40x128xf32, #tpu.memory_space<hbm>>) target_semaphore(%run_scoped3A : memref<!tpu.dma_semaphore, #tpu.memory_space<semaphore_mem>>)
          %dma_wait3A = arith.constant 0 : i32
          %dma_wait3A_68 = tpu.memref_slice %arg7[%arg0, %add3A, %dma_wait3A] : memref<2x5000x128xf32, #tpu.memory_space<hbm>> -> memref<1x40x128xf32, #tpu.memory_space<hbm>>
          %dma_wait3A_69 = tpu.memref_squeeze %dma_wait3A_68 : memref<1x40x128xf32, #tpu.memory_space<hbm>> -> memref<40x128xf32, #tpu.memory_space<hbm>>
          %dma_wait3A_70 = arith.constant 0 : i32
          %dma_wait3A_71 = tpu.memref_slice %arg13[%add3A, %dma_wait3A_70] : memref<5008x128xf32, #tpu.memory_space<vmem_shared>> -> memref<40x128xf32, #tpu.memory_space<vmem_shared>>
          tpu.wait_dma2 semaphore(%run_scoped3A : memref<!tpu.dma_semaphore, #tpu.memory_space<semaphore_mem>>) src(%dma_wait3A_71 : memref<40x128xf32, #tpu.memory_space<vmem_shared>>) dst(%dma_wait3A_69 : memref<40x128xf32, #tpu.memory_space<hbm>>)
          tpu.yield
        }) : () -> ()
        %scan3A_62 = arith.constant 0 : i32
        scf.yield %scan3A_62 : i32
      }
      %scan3A_56 = arith.constant 3 : i32
    } else {
    }
    return
  }
}

#map = affine_map<(d0, d1) -> (0, 0)>
#map1 = affine_map<(d0, d1) -> (0, 0, 0)>
module attributes {stable_mosaic.version = 14 : i64} {
  func.func @_agg_sc_body(%arg0: i32, %arg1: i32, %arg2: memref<10000x128xf32, #tpu.memory_space<hbm>>, %arg3: memref<16x160x125xi32, #tpu.memory_space<hbm>>, %arg4: memref<16x160x125xi32, #tpu.memory_space<hbm>>, %arg5: memref<16x160x125xi32, #tpu.memory_space<hbm>>, %arg6: memref<128x128xf32, #tpu.memory_space<hbm>>, %arg7: memref<2x5000x128xf32, #tpu.memory_space<hbm>>, %arg8: memref<160x125xi32, #tpu.memory_space<vmem>>, %arg9: memref<160x125xi32, #tpu.memory_space<vmem>>, %arg10: memref<125x128xf32, #tpu.memory_space<vmem>>, %arg11: memref<125x128xf32, #tpu.memory_space<vmem>>, %arg12: memref<40x128xf32, #tpu.memory_space<vmem>>, %arg13: memref<5008x128xf32, #tpu.memory_space<vmem_shared>>, %arg14: memref<!tpu.dma_semaphore, #tpu.memory_space<semaphore_mem>>, %arg15: memref<!tpu.dma_semaphore, #tpu.memory_space<semaphore_mem>>) attributes {dimension_semantics = [#tpu.dimension_semantics<core_parallel>, #tpu.dimension_semantics<subcore_parallel>], iteration_bounds = array<i64: 2, 16>, scalar_prefetch = 0 : i64, scratch_operands = 8 : i64, tpu.core_type = #tpu.core_type<sc_vector_subcore>, window_params = [{transform_indices = #map}, {transform_indices = #map1}, {transform_indices = #map1}, {transform_indices = #map1}, {transform_indices = #map}, {transform_indices = #map1}]} {
    "tpu.region"() ({
      %run_scoped3A = tpu.sem_alloc : memref<!tpu.dma_semaphore, #tpu.memory_space<semaphore_mem>>
      %dma_start3A_50 = arith.constant 0 : i32
      %dma_start3A_51 = arith.constant 0 : i32
      %dma_start3A_52 = tpu.memref_slice %arg3[%arg1, %dma_start3A_50, %dma_start3A_51] : memref<16x160x125xi32, #tpu.memory_space<hbm>> -> memref<1x160x125xi32, #tpu.memory_space<hbm>>
      %dma_start3A_53 = tpu.memref_squeeze %dma_start3A_52 : memref<1x160x125xi32, #tpu.memory_space<hbm>> -> memref<160x125xi32, #tpu.memory_space<hbm>>
      %dma_start3A_54 = arith.constant 0 : i32
      %dma_start3A_55 = arith.constant 0 : i32
      %dma_start3A_56 = tpu.memref_slice %arg3[%arg1, %dma_start3A_54, %dma_start3A_55] : memref<16x160x125xi32, #tpu.memory_space<hbm>> -> memref<1x160x125xi32, #tpu.memory_space<hbm>>
      %dma_start3A_57 = tpu.memref_squeeze %dma_start3A_56 : memref<1x160x125xi32, #tpu.memory_space<hbm>> -> memref<160x125xi32, #tpu.memory_space<hbm>>
      tpu.enqueue_dma source(%dma_start3A_57 : memref<160x125xi32, #tpu.memory_space<hbm>>) target(%arg8 : memref<160x125xi32, #tpu.memory_space<vmem>>) target_semaphore(%run_scoped3A : memref<!tpu.dma_semaphore, #tpu.memory_space<semaphore_mem>>)
      %dma_wait3A = arith.constant 0 : i32
      %dma_wait3A_58 = arith.constant 0 : i32
      %dma_wait3A_59 = tpu.memref_slice %arg3[%arg1, %dma_wait3A, %dma_wait3A_58] : memref<16x160x125xi32, #tpu.memory_space<hbm>> -> memref<1x160x125xi32, #tpu.memory_space<hbm>>
      %dma_wait3A_60 = tpu.memref_squeeze %dma_wait3A_59 : memref<1x160x125xi32, #tpu.memory_space<hbm>> -> memref<160x125xi32, #tpu.memory_space<hbm>>
      %dma_wait3A_61 = arith.constant 0 : i32
      %dma_wait3A_62 = arith.constant 0 : i32
      %dma_wait3A_63 = tpu.memref_slice %arg3[%arg1, %dma_wait3A_61, %dma_wait3A_62] : memref<16x160x125xi32, #tpu.memory_space<hbm>> -> memref<1x160x125xi32, #tpu.memory_space<hbm>>
      %dma_wait3A_64 = tpu.memref_squeeze %dma_wait3A_63 : memref<1x160x125xi32, #tpu.memory_space<hbm>> -> memref<160x125xi32, #tpu.memory_space<hbm>>
      tpu.wait_dma2 semaphore(%run_scoped3A : memref<!tpu.dma_semaphore, #tpu.memory_space<semaphore_mem>>) src(%dma_wait3A_64 : memref<160x125xi32, #tpu.memory_space<hbm>>) dst(%arg8 : memref<160x125xi32, #tpu.memory_space<vmem>>)
      tpu.yield
    }) : () -> ()
    %eq3A = arith.constant 0 : i32
    %eq3A_0 = arith.cmpi eq, %arg0, %eq3A : i32
    %convert_element_type3A = arith.extui %eq3A_0 : i1 to i32
    %cond3A = arith.constant 0 : i32
    %cond3A_1 = arith.cmpi ne, %convert_element_type3A, %cond3A : i32
    scf.if %cond3A_1 {
      "tpu.region"() ({
        %run_scoped3A = tpu.sem_alloc : memref<!tpu.dma_semaphore, #tpu.memory_space<semaphore_mem>>
        %dma_start3A_50 = arith.constant 0 : i32
        %dma_start3A_51 = arith.constant 0 : i32
        %dma_start3A_52 = tpu.memref_slice %arg4[%arg1, %dma_start3A_50, %dma_start3A_51] : memref<16x160x125xi32, #tpu.memory_space<hbm>> -> memref<1x160x125xi32, #tpu.memory_space<hbm>>
        %dma_start3A_53 = tpu.memref_squeeze %dma_start3A_52 : memref<1x160x125xi32, #tpu.memory_space<hbm>> -> memref<160x125xi32, #tpu.memory_space<hbm>>
        %dma_start3A_54 = arith.constant 0 : i32
        %dma_start3A_55 = arith.constant 0 : i32
        %dma_start3A_56 = tpu.memref_slice %arg4[%arg1, %dma_start3A_54, %dma_start3A_55] : memref<16x160x125xi32, #tpu.memory_space<hbm>> -> memref<1x160x125xi32, #tpu.memory_space<hbm>>
        %dma_start3A_57 = tpu.memref_squeeze %dma_start3A_56 : memref<1x160x125xi32, #tpu.memory_space<hbm>> -> memref<160x125xi32, #tpu.memory_space<hbm>>
        tpu.enqueue_dma source(%dma_start3A_57 : memref<160x125xi32, #tpu.memory_space<hbm>>) target(%arg9 : memref<160x125xi32, #tpu.memory_space<vmem>>) target_semaphore(%run_scoped3A : memref<!tpu.dma_semaphore, #tpu.memory_space<semaphore_mem>>)
        %dma_wait3A = arith.constant 0 : i32
        %dma_wait3A_58 = arith.constant 0 : i32
        %dma_wait3A_59 = tpu.memref_slice %arg4[%arg1, %dma_wait3A, %dma_wait3A_58] : memref<16x160x125xi32, #tpu.memory_space<hbm>> -> memref<1x160x125xi32, #tpu.memory_space<hbm>>
        %dma_wait3A_60 = tpu.memref_squeeze %dma_wait3A_59 : memref<1x160x125xi32, #tpu.memory_space<hbm>> -> memref<160x125xi32, #tpu.memory_space<hbm>>
        %dma_wait3A_61 = arith.constant 0 : i32
        %dma_wait3A_62 = arith.constant 0 : i32
        %dma_wait3A_63 = tpu.memref_slice %arg4[%arg1, %dma_wait3A_61, %dma_wait3A_62] : memref<16x160x125xi32, #tpu.memory_space<hbm>> -> memref<1x160x125xi32, #tpu.memory_space<hbm>>
        %dma_wait3A_64 = tpu.memref_squeeze %dma_wait3A_63 : memref<1x160x125xi32, #tpu.memory_space<hbm>> -> memref<160x125xi32, #tpu.memory_space<hbm>>
        tpu.wait_dma2 semaphore(%run_scoped3A : memref<!tpu.dma_semaphore, #tpu.memory_space<semaphore_mem>>) src(%dma_wait3A_64 : memref<160x125xi32, #tpu.memory_space<hbm>>) dst(%arg9 : memref<160x125xi32, #tpu.memory_space<vmem>>)
        tpu.yield
      }) : () -> ()
    } else {
    }
    %eq3A_2 = arith.constant 1 : i32
    %eq3A_3 = arith.cmpi eq, %arg0, %eq3A_2 : i32
    %convert_element_type3A_4 = arith.extui %eq3A_3 : i1 to i32
    %cond3A_5 = arith.constant 0 : i32
    %cond3A_6 = arith.cmpi ne, %convert_element_type3A_4, %cond3A_5 : i32
    scf.if %cond3A_6 {
      "tpu.region"() ({
        %run_scoped3A = tpu.sem_alloc : memref<!tpu.dma_semaphore, #tpu.memory_space<semaphore_mem>>
        %dma_start3A_50 = arith.constant 0 : i32
        %dma_start3A_51 = arith.constant 0 : i32
        %dma_start3A_52 = tpu.memref_slice %arg5[%arg1, %dma_start3A_50, %dma_start3A_51] : memref<16x160x125xi32, #tpu.memory_space<hbm>> -> memref<1x160x125xi32, #tpu.memory_space<hbm>>
        %dma_start3A_53 = tpu.memref_squeeze %dma_start3A_52 : memref<1x160x125xi32, #tpu.memory_space<hbm>> -> memref<160x125xi32, #tpu.memory_space<hbm>>
        %dma_start3A_54 = arith.constant 0 : i32
        %dma_start3A_55 = arith.constant 0 : i32
        %dma_start3A_56 = tpu.memref_slice %arg5[%arg1, %dma_start3A_54, %dma_start3A_55] : memref<16x160x125xi32, #tpu.memory_space<hbm>> -> memref<1x160x125xi32, #tpu.memory_space<hbm>>
        %dma_start3A_57 = tpu.memref_squeeze %dma_start3A_56 : memref<1x160x125xi32, #tpu.memory_space<hbm>> -> memref<160x125xi32, #tpu.memory_space<hbm>>
        tpu.enqueue_dma source(%dma_start3A_57 : memref<160x125xi32, #tpu.memory_space<hbm>>) target(%arg9 : memref<160x125xi32, #tpu.memory_space<vmem>>) target_semaphore(%run_scoped3A : memref<!tpu.dma_semaphore, #tpu.memory_space<semaphore_mem>>)
        %dma_wait3A = arith.constant 0 : i32
        %dma_wait3A_58 = arith.constant 0 : i32
        %dma_wait3A_59 = tpu.memref_slice %arg5[%arg1, %dma_wait3A, %dma_wait3A_58] : memref<16x160x125xi32, #tpu.memory_space<hbm>> -> memref<1x160x125xi32, #tpu.memory_space<hbm>>
        %dma_wait3A_60 = tpu.memref_squeeze %dma_wait3A_59 : memref<1x160x125xi32, #tpu.memory_space<hbm>> -> memref<160x125xi32, #tpu.memory_space<hbm>>
        %dma_wait3A_61 = arith.constant 0 : i32
        %dma_wait3A_62 = arith.constant 0 : i32
        %dma_wait3A_63 = tpu.memref_slice %arg5[%arg1, %dma_wait3A_61, %dma_wait3A_62] : memref<16x160x125xi32, #tpu.memory_space<hbm>> -> memref<1x160x125xi32, #tpu.memory_space<hbm>>
        %dma_wait3A_64 = tpu.memref_squeeze %dma_wait3A_63 : memref<1x160x125xi32, #tpu.memory_space<hbm>> -> memref<160x125xi32, #tpu.memory_space<hbm>>
        tpu.wait_dma2 semaphore(%run_scoped3A : memref<!tpu.dma_semaphore, #tpu.memory_space<semaphore_mem>>) src(%dma_wait3A_64 : memref<160x125xi32, #tpu.memory_space<hbm>>) dst(%arg9 : memref<160x125xi32, #tpu.memory_space<vmem>>)
        tpu.yield
      }) : () -> ()
    } else {
    }
    "tpu.region"() ({
      %run_scoped3A = tpu.sem_alloc : memref<!tpu.dma_semaphore, #tpu.memory_space<semaphore_mem>>
      %dma_start3A_50 = arith.constant 0 : i32
      %dma_start3A_51 = arith.constant 0 : i32
      %dma_start3A_52 = tpu.memref_slice %arg6[%dma_start3A_50, %dma_start3A_51] : memref<128x128xf32, #tpu.memory_space<hbm>> -> memref<40x128xf32, #tpu.memory_space<hbm>>
      %dma_start3A_53 = arith.constant 0 : i32
      %dma_start3A_54 = arith.constant 0 : i32
      %dma_start3A_55 = tpu.memref_slice %arg6[%dma_start3A_53, %dma_start3A_54] : memref<128x128xf32, #tpu.memory_space<hbm>> -> memref<40x128xf32, #tpu.memory_space<hbm>>
      tpu.enqueue_dma source(%dma_start3A_55 : memref<40x128xf32, #tpu.memory_space<hbm>>) target(%arg12 : memref<40x128xf32, #tpu.memory_space<vmem>>) target_semaphore(%run_scoped3A : memref<!tpu.dma_semaphore, #tpu.memory_space<semaphore_mem>>)
      %dma_wait3A = arith.constant 0 : i32
      %dma_wait3A_56 = arith.constant 0 : i32
      %dma_wait3A_57 = tpu.memref_slice %arg6[%dma_wait3A, %dma_wait3A_56] : memref<128x128xf32, #tpu.memory_space<hbm>> -> memref<40x128xf32, #tpu.memory_space<hbm>>
      %dma_wait3A_58 = arith.constant 0 : i32
      %dma_wait3A_59 = arith.constant 0 : i32
      %dma_wait3A_60 = tpu.memref_slice %arg6[%dma_wait3A_58, %dma_wait3A_59] : memref<128x128xf32, #tpu.memory_space<hbm>> -> memref<40x128xf32, #tpu.memory_space<hbm>>
      tpu.wait_dma2 semaphore(%run_scoped3A : memref<!tpu.dma_semaphore, #tpu.memory_space<semaphore_mem>>) src(%dma_wait3A_60 : memref<40x128xf32, #tpu.memory_space<hbm>>) dst(%arg12 : memref<40x128xf32, #tpu.memory_space<vmem>>)
      tpu.yield
    }) : () -> ()
    %scan3A = arith.constant 0 : i32
    %scan3A_7 = arith.constant 0 : i32
    %scan3A_8 = arith.constant 5 : i32
    %scan3A_9 = arith.addi %scan3A_7, %scan3A_8 : i32
    %scan3A_10 = arith.constant 1 : i32
    %scan3A_11 = scf.for %scan3A_50 = %scan3A_7 to %scan3A_9 step %scan3A_10 iter_args(%scan3A_51 = %scan3A) -> (i32)  : i32 {
      %mul3A = arith.constant 320 : i32
      %mul3A_52 = arith.muli %arg1, %mul3A : i32
      %mul3A_53 = arith.constant 40 : i32
      %mul3A_54 = arith.muli %scan3A_50, %mul3A_53 : i32
      %add3A = arith.addi %mul3A_52, %mul3A_54 : i32
      "tpu.region"() ({
        %run_scoped3A = tpu.sem_alloc : memref<!tpu.dma_semaphore, #tpu.memory_space<semaphore_mem>>
        %dma_start3A_56 = arith.constant 0 : i32
        %dma_start3A_57 = tpu.memref_slice %arg13[%add3A, %dma_start3A_56] : memref<5008x128xf32, #tpu.memory_space<vmem_shared>> -> memref<40x128xf32, #tpu.memory_space<vmem_shared>>
        %dma_start3A_58 = arith.constant 0 : i32
        %dma_start3A_59 = tpu.memref_slice %arg13[%add3A, %dma_start3A_58] : memref<5008x128xf32, #tpu.memory_space<vmem_shared>> -> memref<40x128xf32, #tpu.memory_space<vmem_shared>>
        tpu.enqueue_dma source(%arg12 : memref<40x128xf32, #tpu.memory_space<vmem>>) target(%dma_start3A_59 : memref<40x128xf32, #tpu.memory_space<vmem_shared>>) target_semaphore(%run_scoped3A : memref<!tpu.dma_semaphore, #tpu.memory_space<semaphore_mem>>)
        %dma_wait3A = arith.constant 0 : i32
        %dma_wait3A_60 = tpu.memref_slice %arg13[%add3A, %dma_wait3A] : memref<5008x128xf32, #tpu.memory_space<vmem_shared>> -> memref<40x128xf32, #tpu.memory_space<vmem_shared>>
        %dma_wait3A_61 = arith.constant 0 : i32
        %dma_wait3A_62 = tpu.memref_slice %arg13[%add3A, %dma_wait3A_61] : memref<5008x128xf32, #tpu.memory_space<vmem_shared>> -> memref<40x128xf32, #tpu.memory_space<vmem_shared>>
        tpu.wait_dma2 semaphore(%run_scoped3A : memref<!tpu.dma_semaphore, #tpu.memory_space<semaphore_mem>>) src(%arg12 : memref<40x128xf32, #tpu.memory_space<vmem>>) dst(%dma_wait3A_62 : memref<40x128xf32, #tpu.memory_space<vmem_shared>>)
        tpu.yield
      }) : () -> ()
      %scan3A_55 = arith.constant 0 : i32
      scf.yield %scan3A_55 : i32
    }
    %scan3A_12 = arith.constant 5 : i32
    %lt3A = arith.constant 15 : i32
    %lt3A_13 = arith.cmpi slt, %arg1, %lt3A : i32
    %convert_element_type3A_14 = arith.extui %lt3A_13 : i1 to i32
    %cond3A_15 = arith.constant 0 : i32
    %cond3A_16 = arith.cmpi ne, %convert_element_type3A_14, %cond3A_15 : i32
    scf.if %cond3A_16 {
      %scan3A_50 = arith.constant 0 : i32
      %scan3A_51 = arith.constant 5 : i32
      %scan3A_52 = arith.constant 3 : i32
      %scan3A_53 = arith.addi %scan3A_51, %scan3A_52 : i32
      %scan3A_54 = arith.constant 1 : i32
      %scan3A_55 = scf.for %scan3A_57 = %scan3A_51 to %scan3A_53 step %scan3A_54 iter_args(%scan3A_58 = %scan3A_50) -> (i32)  : i32 {
        %mul3A = arith.constant 320 : i32
        %mul3A_59 = arith.muli %arg1, %mul3A : i32
        %mul3A_60 = arith.constant 40 : i32
        %mul3A_61 = arith.muli %scan3A_57, %mul3A_60 : i32
        %add3A = arith.addi %mul3A_59, %mul3A_61 : i32
        "tpu.region"() ({
          %run_scoped3A = tpu.sem_alloc : memref<!tpu.dma_semaphore, #tpu.memory_space<semaphore_mem>>
          %dma_start3A_63 = arith.constant 0 : i32
          %dma_start3A_64 = tpu.memref_slice %arg13[%add3A, %dma_start3A_63] : memref<5008x128xf32, #tpu.memory_space<vmem_shared>> -> memref<40x128xf32, #tpu.memory_space<vmem_shared>>
          %dma_start3A_65 = arith.constant 0 : i32
          %dma_start3A_66 = tpu.memref_slice %arg13[%add3A, %dma_start3A_65] : memref<5008x128xf32, #tpu.memory_space<vmem_shared>> -> memref<40x128xf32, #tpu.memory_space<vmem_shared>>
          tpu.enqueue_dma source(%arg12 : memref<40x128xf32, #tpu.memory_space<vmem>>) target(%dma_start3A_66 : memref<40x128xf32, #tpu.memory_space<vmem_shared>>) target_semaphore(%run_scoped3A : memref<!tpu.dma_semaphore, #tpu.memory_space<semaphore_mem>>)
          %dma_wait3A = arith.constant 0 : i32
          %dma_wait3A_67 = tpu.memref_slice %arg13[%add3A, %dma_wait3A] : memref<5008x128xf32, #tpu.memory_space<vmem_shared>> -> memref<40x128xf32, #tpu.memory_space<vmem_shared>>
          %dma_wait3A_68 = arith.constant 0 : i32
          %dma_wait3A_69 = tpu.memref_slice %arg13[%add3A, %dma_wait3A_68] : memref<5008x128xf32, #tpu.memory_space<vmem_shared>> -> memref<40x128xf32, #tpu.memory_space<vmem_shared>>
          tpu.wait_dma2 semaphore(%run_scoped3A : memref<!tpu.dma_semaphore, #tpu.memory_space<semaphore_mem>>) src(%arg12 : memref<40x128xf32, #tpu.memory_space<vmem>>) dst(%dma_wait3A_69 : memref<40x128xf32, #tpu.memory_space<vmem_shared>>)
          tpu.yield
        }) : () -> ()
        %scan3A_62 = arith.constant 0 : i32
        scf.yield %scan3A_62 : i32
      }
      %scan3A_56 = arith.constant 3 : i32
    } else {
    }
    %barrier3A = arith.constant 0 : index
    tpu.barrier barrier_id(%barrier3A)
    %dma_start3A = arith.constant 0 : i32
    %dma_start3A_17 = arith.constant 0 : i32
    %dma_start3A_18 = tpu.memref_slice %arg8[%dma_start3A, %dma_start3A_17] : memref<160x125xi32, #tpu.memory_space<vmem>> -> memref<1x125xi32, #tpu.memory_space<vmem>>
    %dma_start3A_19 = tpu.memref_squeeze %dma_start3A_18 : memref<1x125xi32, #tpu.memory_space<vmem>> -> memref<125xi32, #tpu.memory_space<vmem>>
    %dma_start3A_20 = arith.constant 0 : i32
    %dma_start3A_21 = arith.constant 0 : i32
    %dma_start3A_22 = tpu.memref_slice %arg2[%dma_start3A_20, %dma_start3A_21] : memref<10000x128xf32, #tpu.memory_space<hbm>> -> memref<10000x128xf32, #tpu.memory_space<hbm>>
    tpu.enqueue_indirect_dma source(%dma_start3A_22 : memref<10000x128xf32, #tpu.memory_space<hbm>>) target(%arg10 : memref<125x128xf32, #tpu.memory_space<vmem>>) offsets(%dma_start3A_19 : memref<125xi32, #tpu.memory_space<vmem>>) semaphore(%arg14 : memref<!tpu.dma_semaphore, #tpu.memory_space<semaphore_mem>>)
    %dma_start3A_23 = arith.constant 1 : i32
    %dma_start3A_24 = arith.constant 0 : i32
    %dma_start3A_25 = tpu.memref_slice %arg8[%dma_start3A_23, %dma_start3A_24] : memref<160x125xi32, #tpu.memory_space<vmem>> -> memref<1x125xi32, #tpu.memory_space<vmem>>
    %dma_start3A_26 = tpu.memref_squeeze %dma_start3A_25 : memref<1x125xi32, #tpu.memory_space<vmem>> -> memref<125xi32, #tpu.memory_space<vmem>>
    %dma_start3A_27 = arith.constant 0 : i32
    %dma_start3A_28 = arith.constant 0 : i32
    %dma_start3A_29 = tpu.memref_slice %arg2[%dma_start3A_27, %dma_start3A_28] : memref<10000x128xf32, #tpu.memory_space<hbm>> -> memref<10000x128xf32, #tpu.memory_space<hbm>>
    tpu.enqueue_indirect_dma source(%dma_start3A_29 : memref<10000x128xf32, #tpu.memory_space<hbm>>) target(%arg11 : memref<125x128xf32, #tpu.memory_space<vmem>>) offsets(%dma_start3A_26 : memref<125xi32, #tpu.memory_space<vmem>>) semaphore(%arg15 : memref<!tpu.dma_semaphore, #tpu.memory_space<semaphore_mem>>)
    %scan3A_30 = arith.constant 0 : i32
    %scan3A_31 = arith.constant 0 : i32
    %scan3A_32 = arith.constant 80 : i32
    %scan3A_33 = arith.addi %scan3A_31, %scan3A_32 : i32
    %scan3A_34 = arith.constant 1 : i32
    %scan3A_35 = scf.for %scan3A_50 = %scan3A_31 to %scan3A_33 step %scan3A_34 iter_args(%scan3A_51 = %scan3A_30) -> (i32)  : i32 {
      %mul3A = arith.constant 2 : i32
      %mul3A_52 = arith.muli %mul3A, %scan3A_50 : i32
      %add3A = arith.constant 0 : i32
      %add3A_53 = arith.addi %mul3A_52, %add3A : i32
      %dma_wait3A = arith.constant 0 : i32
      %dma_wait3A_54 = arith.constant 0 : i32
      %dma_wait3A_55 = tpu.memref_slice %arg8[%dma_wait3A, %dma_wait3A_54] : memref<160x125xi32, #tpu.memory_space<vmem>> -> memref<1x125xi32, #tpu.memory_space<vmem>>
      %dma_wait3A_56 = tpu.memref_squeeze %dma_wait3A_55 : memref<1x125xi32, #tpu.memory_space<vmem>> -> memref<125xi32, #tpu.memory_space<vmem>>
      %dma_wait3A_57 = arith.constant 0 : i32
      %dma_wait3A_58 = arith.constant 0 : i32
      %dma_wait3A_59 = tpu.memref_slice %arg2[%dma_wait3A_57, %dma_wait3A_58] : memref<10000x128xf32, #tpu.memory_space<hbm>> -> memref<10000x128xf32, #tpu.memory_space<hbm>>
      tpu.wait_indirect_dma semaphore(%arg14 : memref<!tpu.dma_semaphore, #tpu.memory_space<semaphore_mem>>) src(%dma_wait3A_59 : memref<10000x128xf32, #tpu.memory_space<hbm>>) dst(%arg10 : memref<125x128xf32, #tpu.memory_space<vmem>>)
      "tpu.region"() ({
        %run_scoped3A = tpu.sem_alloc : memref<!tpu.dma_semaphore, #tpu.memory_space<semaphore_mem>>
        %dma_start3A_80 = arith.constant 0 : i32
        %dma_start3A_81 = tpu.memref_slice %arg9[%add3A_53, %dma_start3A_80] : memref<160x125xi32, #tpu.memory_space<vmem>> -> memref<1x125xi32, #tpu.memory_space<vmem>>
        %dma_start3A_82 = tpu.memref_squeeze %dma_start3A_81 : memref<1x125xi32, #tpu.memory_space<vmem>> -> memref<125xi32, #tpu.memory_space<vmem>>
        %dma_start3A_83 = arith.constant 0 : i32
        %dma_start3A_84 = arith.constant 0 : i32
        %dma_start3A_85 = tpu.memref_slice %arg13[%dma_start3A_83, %dma_start3A_84] : memref<5008x128xf32, #tpu.memory_space<vmem_shared>> -> memref<5008x128xf32, #tpu.memory_space<vmem_shared>>
        tpu.enqueue_indirect_dma source(%arg10 : memref<125x128xf32, #tpu.memory_space<vmem>>) target(%dma_start3A_85 : memref<5008x128xf32, #tpu.memory_space<vmem_shared>>) offsets(%dma_start3A_82 : memref<125xi32, #tpu.memory_space<vmem>>) semaphore(%run_scoped3A : memref<!tpu.dma_semaphore, #tpu.memory_space<semaphore_mem>>) {add = true}
        %dma_wait3A_86 = arith.constant 0 : i32
        %dma_wait3A_87 = tpu.memref_slice %arg9[%add3A_53, %dma_wait3A_86] : memref<160x125xi32, #tpu.memory_space<vmem>> -> memref<1x125xi32, #tpu.memory_space<vmem>>
        %dma_wait3A_88 = tpu.memref_squeeze %dma_wait3A_87 : memref<1x125xi32, #tpu.memory_space<vmem>> -> memref<125xi32, #tpu.memory_space<vmem>>
        %dma_wait3A_89 = arith.constant 0 : i32
        %dma_wait3A_90 = arith.constant 0 : i32
        %dma_wait3A_91 = tpu.memref_slice %arg13[%dma_wait3A_89, %dma_wait3A_90] : memref<5008x128xf32, #tpu.memory_space<vmem_shared>> -> memref<5008x128xf32, #tpu.memory_space<vmem_shared>>
        tpu.wait_indirect_dma semaphore(%run_scoped3A : memref<!tpu.dma_semaphore, #tpu.memory_space<semaphore_mem>>) src(%arg10 : memref<125x128xf32, #tpu.memory_space<vmem>>) dst(%dma_wait3A_91 : memref<5008x128xf32, #tpu.memory_space<vmem_shared>>)
        tpu.yield
      }) : () -> ()
      %lt3A_60 = arith.constant 79 : i32
      %lt3A_61 = arith.cmpi slt, %scan3A_50, %lt3A_60 : i32
      %convert_element_type3A_62 = arith.extui %lt3A_61 : i1 to i32
      %cond3A_63 = arith.constant 0 : i32
      %cond3A_64 = arith.cmpi ne, %convert_element_type3A_62, %cond3A_63 : i32
      scf.if %cond3A_64 {
        %add3A_80 = arith.constant 2 : i32
        %add3A_81 = arith.addi %add3A_53, %add3A_80 : i32
        %dma_start3A_82 = arith.constant 0 : i32
        %dma_start3A_83 = tpu.memref_slice %arg8[%add3A_81, %dma_start3A_82] : memref<160x125xi32, #tpu.memory_space<vmem>> -> memref<1x125xi32, #tpu.memory_space<vmem>>
        %dma_start3A_84 = tpu.memref_squeeze %dma_start3A_83 : memref<1x125xi32, #tpu.memory_space<vmem>> -> memref<125xi32, #tpu.memory_space<vmem>>
        %dma_start3A_85 = arith.constant 0 : i32
        %dma_start3A_86 = arith.constant 0 : i32
        %dma_start3A_87 = tpu.memref_slice %arg2[%dma_start3A_85, %dma_start3A_86] : memref<10000x128xf32, #tpu.memory_space<hbm>> -> memref<10000x128xf32, #tpu.memory_space<hbm>>
        tpu.enqueue_indirect_dma source(%dma_start3A_87 : memref<10000x128xf32, #tpu.memory_space<hbm>>) target(%arg10 : memref<125x128xf32, #tpu.memory_space<vmem>>) offsets(%dma_start3A_84 : memref<125xi32, #tpu.memory_space<vmem>>) semaphore(%arg14 : memref<!tpu.dma_semaphore, #tpu.memory_space<semaphore_mem>>)
      } else {
      }
      %add3A_65 = arith.constant 1 : i32
      %add3A_66 = arith.addi %mul3A_52, %add3A_65 : i32
      %dma_wait3A_67 = arith.constant 0 : i32
      %dma_wait3A_68 = arith.constant 0 : i32
      %dma_wait3A_69 = tpu.memref_slice %arg8[%dma_wait3A_67, %dma_wait3A_68] : memref<160x125xi32, #tpu.memory_space<vmem>> -> memref<1x125xi32, #tpu.memory_space<vmem>>
      %dma_wait3A_70 = tpu.memref_squeeze %dma_wait3A_69 : memref<1x125xi32, #tpu.memory_space<vmem>> -> memref<125xi32, #tpu.memory_space<vmem>>
      %dma_wait3A_71 = arith.constant 0 : i32
      %dma_wait3A_72 = arith.constant 0 : i32
      %dma_wait3A_73 = tpu.memref_slice %arg2[%dma_wait3A_71, %dma_wait3A_72] : memref<10000x128xf32, #tpu.memory_space<hbm>> -> memref<10000x128xf32, #tpu.memory_space<hbm>>
      tpu.wait_indirect_dma semaphore(%arg15 : memref<!tpu.dma_semaphore, #tpu.memory_space<semaphore_mem>>) src(%dma_wait3A_73 : memref<10000x128xf32, #tpu.memory_space<hbm>>) dst(%arg11 : memref<125x128xf32, #tpu.memory_space<vmem>>)
      "tpu.region"() ({
        %run_scoped3A = tpu.sem_alloc : memref<!tpu.dma_semaphore, #tpu.memory_space<semaphore_mem>>
        %dma_start3A_80 = arith.constant 0 : i32
        %dma_start3A_81 = tpu.memref_slice %arg9[%add3A_66, %dma_start3A_80] : memref<160x125xi32, #tpu.memory_space<vmem>> -> memref<1x125xi32, #tpu.memory_space<vmem>>
        %dma_start3A_82 = tpu.memref_squeeze %dma_start3A_81 : memref<1x125xi32, #tpu.memory_space<vmem>> -> memref<125xi32, #tpu.memory_space<vmem>>
        %dma_start3A_83 = arith.constant 0 : i32
        %dma_start3A_84 = arith.constant 0 : i32
        %dma_start3A_85 = tpu.memref_slice %arg13[%dma_start3A_83, %dma_start3A_84] : memref<5008x128xf32, #tpu.memory_space<vmem_shared>> -> memref<5008x128xf32, #tpu.memory_space<vmem_shared>>
        tpu.enqueue_indirect_dma source(%arg11 : memref<125x128xf32, #tpu.memory_space<vmem>>) target(%dma_start3A_85 : memref<5008x128xf32, #tpu.memory_space<vmem_shared>>) offsets(%dma_start3A_82 : memref<125xi32, #tpu.memory_space<vmem>>) semaphore(%run_scoped3A : memref<!tpu.dma_semaphore, #tpu.memory_space<semaphore_mem>>) {add = true}
        %dma_wait3A_86 = arith.constant 0 : i32
        %dma_wait3A_87 = tpu.memref_slice %arg9[%add3A_66, %dma_wait3A_86] : memref<160x125xi32, #tpu.memory_space<vmem>> -> memref<1x125xi32, #tpu.memory_space<vmem>>
        %dma_wait3A_88 = tpu.memref_squeeze %dma_wait3A_87 : memref<1x125xi32, #tpu.memory_space<vmem>> -> memref<125xi32, #tpu.memory_space<vmem>>
        %dma_wait3A_89 = arith.constant 0 : i32
        %dma_wait3A_90 = arith.constant 0 : i32
        %dma_wait3A_91 = tpu.memref_slice %arg13[%dma_wait3A_89, %dma_wait3A_90] : memref<5008x128xf32, #tpu.memory_space<vmem_shared>> -> memref<5008x128xf32, #tpu.memory_space<vmem_shared>>
        tpu.wait_indirect_dma semaphore(%run_scoped3A : memref<!tpu.dma_semaphore, #tpu.memory_space<semaphore_mem>>) src(%arg11 : memref<125x128xf32, #tpu.memory_space<vmem>>) dst(%dma_wait3A_91 : memref<5008x128xf32, #tpu.memory_space<vmem_shared>>)
        tpu.yield
      }) : () -> ()
      %lt3A_74 = arith.constant 79 : i32
      %lt3A_75 = arith.cmpi slt, %scan3A_50, %lt3A_74 : i32
      %convert_element_type3A_76 = arith.extui %lt3A_75 : i1 to i32
      %cond3A_77 = arith.constant 0 : i32
      %cond3A_78 = arith.cmpi ne, %convert_element_type3A_76, %cond3A_77 : i32
      scf.if %cond3A_78 {
        %add3A_80 = arith.constant 2 : i32
        %add3A_81 = arith.addi %add3A_66, %add3A_80 : i32
        %dma_start3A_82 = arith.constant 0 : i32
        %dma_start3A_83 = tpu.memref_slice %arg8[%add3A_81, %dma_start3A_82] : memref<160x125xi32, #tpu.memory_space<vmem>> -> memref<1x125xi32, #tpu.memory_space<vmem>>
        %dma_start3A_84 = tpu.memref_squeeze %dma_start3A_83 : memref<1x125xi32, #tpu.memory_space<vmem>> -> memref<125xi32, #tpu.memory_space<vmem>>
        %dma_start3A_85 = arith.constant 0 : i32
        %dma_start3A_86 = arith.constant 0 : i32
        %dma_start3A_87 = tpu.memref_slice %arg2[%dma_start3A_85, %dma_start3A_86] : memref<10000x128xf32, #tpu.memory_space<hbm>> -> memref<10000x128xf32, #tpu.memory_space<hbm>>
        tpu.enqueue_indirect_dma source(%dma_start3A_87 : memref<10000x128xf32, #tpu.memory_space<hbm>>) target(%arg11 : memref<125x128xf32, #tpu.memory_space<vmem>>) offsets(%dma_start3A_84 : memref<125xi32, #tpu.memory_space<vmem>>) semaphore(%arg15 : memref<!tpu.dma_semaphore, #tpu.memory_space<semaphore_mem>>)
      } else {
      }
      %scan3A_79 = arith.constant 0 : i32
      scf.yield %scan3A_79 : i32
    }
    %scan3A_36 = arith.constant 80 : i32
    %barrier3A_37 = arith.constant 0 : index
    tpu.barrier barrier_id(%barrier3A_37)
    %scan3A_38 = arith.constant 0 : i32
    %scan3A_39 = arith.constant 0 : i32
    %scan3A_40 = arith.constant 5 : i32
    %scan3A_41 = arith.addi %scan3A_39, %scan3A_40 : i32
    %scan3A_42 = arith.constant 1 : i32
    %scan3A_43 = scf.for %scan3A_50 = %scan3A_39 to %scan3A_41 step %scan3A_42 iter_args(%scan3A_51 = %scan3A_38) -> (i32)  : i32 {
      %mul3A = arith.constant 320 : i32
      %mul3A_52 = arith.muli %arg1, %mul3A : i32
      %mul3A_53 = arith.constant 40 : i32
      %mul3A_54 = arith.muli %scan3A_50, %mul3A_53 : i32
      %add3A = arith.addi %mul3A_52, %mul3A_54 : i32
      "tpu.region"() ({
        %run_scoped3A = tpu.sem_alloc : memref<!tpu.dma_semaphore, #tpu.memory_space<semaphore_mem>>
        %dma_start3A_56 = arith.constant 0 : i32
        %dma_start3A_57 = tpu.memref_slice %arg7[%arg0, %add3A, %dma_start3A_56] : memref<2x5000x128xf32, #tpu.memory_space<hbm>> -> memref<1x40x128xf32, #tpu.memory_space<hbm>>
        %dma_start3A_58 = tpu.memref_squeeze %dma_start3A_57 : memref<1x40x128xf32, #tpu.memory_space<hbm>> -> memref<40x128xf32, #tpu.memory_space<hbm>>
        %dma_start3A_59 = arith.constant 0 : i32
        %dma_start3A_60 = tpu.memref_slice %arg13[%add3A, %dma_start3A_59] : memref<5008x128xf32, #tpu.memory_space<vmem_shared>> -> memref<40x128xf32, #tpu.memory_space<vmem_shared>>
        tpu.enqueue_dma source(%dma_start3A_60 : memref<40x128xf32, #tpu.memory_space<vmem_shared>>) target(%dma_start3A_58 : memref<40x128xf32, #tpu.memory_space<hbm>>) target_semaphore(%run_scoped3A : memref<!tpu.dma_semaphore, #tpu.memory_space<semaphore_mem>>)
        %dma_wait3A = arith.constant 0 : i32
        %dma_wait3A_61 = tpu.memref_slice %arg7[%arg0, %add3A, %dma_wait3A] : memref<2x5000x128xf32, #tpu.memory_space<hbm>> -> memref<1x40x128xf32, #tpu.memory_space<hbm>>
        %dma_wait3A_62 = tpu.memref_squeeze %dma_wait3A_61 : memref<1x40x128xf32, #tpu.memory_space<hbm>> -> memref<40x128xf32, #tpu.memory_space<hbm>>
        %dma_wait3A_63 = arith.constant 0 : i32
        %dma_wait3A_64 = tpu.memref_slice %arg13[%add3A, %dma_wait3A_63] : memref<5008x128xf32, #tpu.memory_space<vmem_shared>> -> memref<40x128xf32, #tpu.memory_space<vmem_shared>>
        tpu.wait_dma2 semaphore(%run_scoped3A : memref<!tpu.dma_semaphore, #tpu.memory_space<semaphore_mem>>) src(%dma_wait3A_64 : memref<40x128xf32, #tpu.memory_space<vmem_shared>>) dst(%dma_wait3A_62 : memref<40x128xf32, #tpu.memory_space<hbm>>)
        tpu.yield
      }) : () -> ()
      %scan3A_55 = arith.constant 0 : i32
      scf.yield %scan3A_55 : i32
    }
    %scan3A_44 = arith.constant 5 : i32
    %lt3A_45 = arith.constant 15 : i32
    %lt3A_46 = arith.cmpi slt, %arg1, %lt3A_45 : i32
    %convert_element_type3A_47 = arith.extui %lt3A_46 : i1 to i32
    %cond3A_48 = arith.constant 0 : i32
    %cond3A_49 = arith.cmpi ne, %convert_element_type3A_47, %cond3A_48 : i32
    scf.if %cond3A_49 {
      %scan3A_50 = arith.constant 0 : i32
      %scan3A_51 = arith.constant 5 : i32
      %scan3A_52 = arith.constant 3 : i32
      %scan3A_53 = arith.addi %scan3A_51, %scan3A_52 : i32
      %scan3A_54 = arith.constant 1 : i32
      %scan3A_55 = scf.for %scan3A_57 = %scan3A_51 to %scan3A_53 step %scan3A_54 iter_args(%scan3A_58 = %scan3A_50) -> (i32)  : i32 {
        %mul3A = arith.constant 320 : i32
        %mul3A_59 = arith.muli %arg1, %mul3A : i32
        %mul3A_60 = arith.constant 40 : i32
        %mul3A_61 = arith.muli %scan3A_57, %mul3A_60 : i32
        %add3A = arith.addi %mul3A_59, %mul3A_61 : i32
        "tpu.region"() ({
          %run_scoped3A = tpu.sem_alloc : memref<!tpu.dma_semaphore, #tpu.memory_space<semaphore_mem>>
          %dma_start3A_63 = arith.constant 0 : i32
          %dma_start3A_64 = tpu.memref_slice %arg7[%arg0, %add3A, %dma_start3A_63] : memref<2x5000x128xf32, #tpu.memory_space<hbm>> -> memref<1x40x128xf32, #tpu.memory_space<hbm>>
          %dma_start3A_65 = tpu.memref_squeeze %dma_start3A_64 : memref<1x40x128xf32, #tpu.memory_space<hbm>> -> memref<40x128xf32, #tpu.memory_space<hbm>>
          %dma_start3A_66 = arith.constant 0 : i32
          %dma_start3A_67 = tpu.memref_slice %arg13[%add3A, %dma_start3A_66] : memref<5008x128xf32, #tpu.memory_space<vmem_shared>> -> memref<40x128xf32, #tpu.memory_space<vmem_shared>>
          tpu.enqueue_dma source(%dma_start3A_67 : memref<40x128xf32, #tpu.memory_space<vmem_shared>>) target(%dma_start3A_65 : memref<40x128xf32, #tpu.memory_space<hbm>>) target_semaphore(%run_scoped3A : memref<!tpu.dma_semaphore, #tpu.memory_space<semaphore_mem>>)
          %dma_wait3A = arith.constant 0 : i32
          %dma_wait3A_68 = tpu.memref_slice %arg7[%arg0, %add3A, %dma_wait3A] : memref<2x5000x128xf32, #tpu.memory_space<hbm>> -> memref<1x40x128xf32, #tpu.memory_space<hbm>>
          %dma_wait3A_69 = tpu.memref_squeeze %dma_wait3A_68 : memref<1x40x128xf32, #tpu.memory_space<hbm>> -> memref<40x128xf32, #tpu.memory_space<hbm>>
          %dma_wait3A_70 = arith.constant 0 : i32
          %dma_wait3A_71 = tpu.memref_slice %arg13[%add3A, %dma_wait3A_70] : memref<5008x128xf32, #tpu.memory_space<vmem_shared>> -> memref<40x128xf32, #tpu.memory_space<vmem_shared>>
          tpu.wait_dma2 semaphore(%run_scoped3A : memref<!tpu.dma_semaphore, #tpu.memory_space<semaphore_mem>>) src(%dma_wait3A_71 : memref<40x128xf32, #tpu.memory_space<vmem_shared>>) dst(%dma_wait3A_69 : memref<40x128xf32, #tpu.memory_space<hbm>>)
          tpu.yield
        }) : () -> ()
        %scan3A_62 = arith.constant 0 : i32
        scf.yield %scan3A_62 : i32
      }
      %scan3A_56 = arith.constant 3 : i32
    } else {
    }
    return
  }
}

#map = affine_map<(d0, d1) -> (0, 0, 0)>
#map1 = affine_map<(d0, d1) -> (0)>
#map2 = affine_map<(d0, d1) -> (0, 0)>
#map3 = affine_map<(d0, d1) -> (0, 0, 0, 0)>
module attributes {stable_mosaic.version = 14 : i64} {
  func.func @_pool_sc_body(%arg0: i32, %arg1: i32, %arg2: memref<4x10000x128xf32, #tpu.memory_space<hbm>>, %arg3: memref<10000xi32, #tpu.memory_space<hbm>>, %arg4: memref<128x128xf32, #tpu.memory_space<hbm>>, %arg5: memref<4x8x128x128xf32, #tpu.memory_space<hbm>>, %arg6: memref<632x128xf32, #tpu.memory_space<vmem>>, %arg7: memref<1280xi32, #tpu.memory_space<vmem>>, %arg8: memref<128x128xf32, #tpu.memory_space<vmem>>) attributes {dimension_semantics = [#tpu.dimension_semantics<core_parallel>, #tpu.dimension_semantics<subcore_parallel>], iteration_bounds = array<i64: 2, 16>, scalar_prefetch = 0 : i64, scratch_operands = 3 : i64, tpu.core_type = #tpu.core_type<sc_vector_subcore>, window_params = [{transform_indices = #map}, {transform_indices = #map1}, {transform_indices = #map2}, {transform_indices = #map3}]} {
    %mul3A = arith.constant 16 : i32
    %mul3A_0 = arith.muli %arg0, %mul3A : i32
    %add3A = arith.addi %mul3A_0, %arg1 : i32
    %jit3A = arith.constant 8 : i32
    %eq3A = arith.constant 0 : i32
    %eq3A_1 = arith.cmpi eq, %jit3A, %eq3A : i32
    %jit3A_2 = arith.constant 1 : i32
    %select_n3A = arith.select %eq3A_1, %jit3A_2, %jit3A : i32
    %rem3A = arith.remsi %add3A, %select_n3A : i32
    %ne3A = arith.constant 0 : i32
    %ne3A_3 = arith.cmpi ne, %rem3A, %ne3A : i32
    %lt3A = arith.constant 0 : i32
    %lt3A_4 = arith.cmpi slt, %rem3A, %lt3A : i32
    %lt3A_5 = arith.constant 0 : i32
    %lt3A_6 = arith.cmpi slt, %select_n3A, %lt3A_5 : i32
    %ne3A_7 = arith.xori %lt3A_4, %lt3A_6 : i1
    %and3A = arith.andi %ne3A_7, %ne3A_3 : i1
    %add3A_8 = arith.addi %rem3A, %select_n3A : i32
    %select_n3A_9 = arith.select %and3A, %add3A_8, %rem3A : i32
    %jit3A_10 = arith.constant 8 : i32
    %div3A = arith.divsi %add3A, %jit3A_10 : i32
    %sign3A = arith.constant 0 : i32
    %sign3A_11 = arith.cmpi sgt, %add3A, %sign3A : i32
    %sign3A_12 = arith.extui %sign3A_11 : i1 to i32
    %sign3A_13 = arith.constant 0 : i32
    %sign3A_14 = arith.cmpi slt, %add3A, %sign3A_13 : i32
    %sign3A_15 = arith.extui %sign3A_14 : i1 to i32
    %sign3A_16 = arith.subi %sign3A_12, %sign3A_15 : i32
    %sign3A_17 = arith.constant 0 : i32
    %sign3A_18 = arith.cmpi sgt, %jit3A_10, %sign3A_17 : i32
    %sign3A_19 = arith.extui %sign3A_18 : i1 to i32
    %sign3A_20 = arith.constant 0 : i32
    %sign3A_21 = arith.cmpi slt, %jit3A_10, %sign3A_20 : i32
    %sign3A_22 = arith.extui %sign3A_21 : i1 to i32
    %sign3A_23 = arith.subi %sign3A_19, %sign3A_22 : i32
    %ne3A_24 = arith.cmpi ne, %sign3A_16, %sign3A_23 : i32
    %rem3A_25 = arith.remsi %add3A, %jit3A_10 : i32
    %ne3A_26 = arith.constant 0 : i32
    %ne3A_27 = arith.cmpi ne, %rem3A_25, %ne3A_26 : i32
    %and3A_28 = arith.andi %ne3A_24, %ne3A_27 : i1
    %sub3A = arith.constant 1 : i32
    %sub3A_29 = arith.subi %div3A, %sub3A : i32
    %select_n3A_30 = arith.select %and3A_28, %sub3A_29, %div3A : i32
    %mul3A_31 = arith.constant 1248 : i32
    %mul3A_32 = arith.muli %select_n3A_9, %mul3A_31 : i32
    "tpu.region"() ({
      %run_scoped3A = tpu.sem_alloc : memref<!tpu.dma_semaphore, #tpu.memory_space<semaphore_mem>>
      %dma_start3A = arith.constant 0 : i32
      %dma_start3A_50 = tpu.memref_slice %arg7[%dma_start3A] : memref<1280xi32, #tpu.memory_space<vmem>> -> memref<1264xi32, #tpu.memory_space<vmem>>
      %dma_start3A_51 = tpu.memref_slice %arg3[%mul3A_32] : memref<10000xi32, #tpu.memory_space<hbm>> -> memref<1264xi32, #tpu.memory_space<hbm>>
      %dma_start3A_52 = arith.constant 0 : i32
      %dma_start3A_53 = tpu.memref_slice %arg7[%dma_start3A_52] : memref<1280xi32, #tpu.memory_space<vmem>> -> memref<1264xi32, #tpu.memory_space<vmem>>
      %dma_start3A_54 = tpu.memref_slice %arg3[%mul3A_32] : memref<10000xi32, #tpu.memory_space<hbm>> -> memref<1264xi32, #tpu.memory_space<hbm>>
      tpu.enqueue_dma source(%dma_start3A_54 : memref<1264xi32, #tpu.memory_space<hbm>>) target(%dma_start3A_53 : memref<1264xi32, #tpu.memory_space<vmem>>) target_semaphore(%run_scoped3A : memref<!tpu.dma_semaphore, #tpu.memory_space<semaphore_mem>>)
      %dma_wait3A = arith.constant 0 : i32
      %dma_wait3A_55 = tpu.memref_slice %arg7[%dma_wait3A] : memref<1280xi32, #tpu.memory_space<vmem>> -> memref<1264xi32, #tpu.memory_space<vmem>>
      %dma_wait3A_56 = tpu.memref_slice %arg3[%mul3A_32] : memref<10000xi32, #tpu.memory_space<hbm>> -> memref<1264xi32, #tpu.memory_space<hbm>>
      %dma_wait3A_57 = arith.constant 0 : i32
      %dma_wait3A_58 = tpu.memref_slice %arg7[%dma_wait3A_57] : memref<1280xi32, #tpu.memory_space<vmem>> -> memref<1264xi32, #tpu.memory_space<vmem>>
      %dma_wait3A_59 = tpu.memref_slice %arg3[%mul3A_32] : memref<10000xi32, #tpu.memory_space<hbm>> -> memref<1264xi32, #tpu.memory_space<hbm>>
      tpu.wait_dma2 semaphore(%run_scoped3A : memref<!tpu.dma_semaphore, #tpu.memory_space<semaphore_mem>>) src(%dma_wait3A_59 : memref<1264xi32, #tpu.memory_space<hbm>>) dst(%dma_wait3A_58 : memref<1264xi32, #tpu.memory_space<vmem>>)
      tpu.yield
    }) : () -> ()
    "tpu.region"() ({
      %run_scoped3A = tpu.sem_alloc : memref<!tpu.dma_semaphore, #tpu.memory_space<semaphore_mem>>
      tpu.enqueue_dma source(%arg4 : memref<128x128xf32, #tpu.memory_space<hbm>>) target(%arg8 : memref<128x128xf32, #tpu.memory_space<vmem>>) target_semaphore(%run_scoped3A : memref<!tpu.dma_semaphore, #tpu.memory_space<semaphore_mem>>)
      tpu.wait_dma2 semaphore(%run_scoped3A : memref<!tpu.dma_semaphore, #tpu.memory_space<semaphore_mem>>) src(%arg4 : memref<128x128xf32, #tpu.memory_space<hbm>>) dst(%arg8 : memref<128x128xf32, #tpu.memory_space<vmem>>)
      tpu.yield
    }) : () -> ()
    %add3A_33 = arith.constant 0 : i32
    %add3A_34 = arith.addi %mul3A_32, %add3A_33 : i32
    "tpu.region"() ({
      %run_scoped3A = tpu.sem_alloc : memref<!tpu.dma_semaphore, #tpu.memory_space<semaphore_mem>>
      %dma_start3A = arith.constant 0 : i32
      %dma_start3A_50 = tpu.memref_slice %arg2[%select_n3A_30, %add3A_34, %dma_start3A] : memref<4x10000x128xf32, #tpu.memory_space<hbm>> -> memref<1x632x128xf32, #tpu.memory_space<hbm>>
      %dma_start3A_51 = tpu.memref_squeeze %dma_start3A_50 : memref<1x632x128xf32, #tpu.memory_space<hbm>> -> memref<632x128xf32, #tpu.memory_space<hbm>>
      %dma_start3A_52 = arith.constant 0 : i32
      %dma_start3A_53 = tpu.memref_slice %arg2[%select_n3A_30, %add3A_34, %dma_start3A_52] : memref<4x10000x128xf32, #tpu.memory_space<hbm>> -> memref<1x632x128xf32, #tpu.memory_space<hbm>>
      %dma_start3A_54 = tpu.memref_squeeze %dma_start3A_53 : memref<1x632x128xf32, #tpu.memory_space<hbm>> -> memref<632x128xf32, #tpu.memory_space<hbm>>
      tpu.enqueue_dma source(%dma_start3A_54 : memref<632x128xf32, #tpu.memory_space<hbm>>) target(%arg6 : memref<632x128xf32, #tpu.memory_space<vmem>>) target_semaphore(%run_scoped3A : memref<!tpu.dma_semaphore, #tpu.memory_space<semaphore_mem>>)
      %dma_wait3A = arith.constant 0 : i32
      %dma_wait3A_55 = tpu.memref_slice %arg2[%select_n3A_30, %add3A_34, %dma_wait3A] : memref<4x10000x128xf32, #tpu.memory_space<hbm>> -> memref<1x632x128xf32, #tpu.memory_space<hbm>>
      %dma_wait3A_56 = tpu.memref_squeeze %dma_wait3A_55 : memref<1x632x128xf32, #tpu.memory_space<hbm>> -> memref<632x128xf32, #tpu.memory_space<hbm>>
      %dma_wait3A_57 = arith.constant 0 : i32
      %dma_wait3A_58 = tpu.memref_slice %arg2[%select_n3A_30, %add3A_34, %dma_wait3A_57] : memref<4x10000x128xf32, #tpu.memory_space<hbm>> -> memref<1x632x128xf32, #tpu.memory_space<hbm>>
      %dma_wait3A_59 = tpu.memref_squeeze %dma_wait3A_58 : memref<1x632x128xf32, #tpu.memory_space<hbm>> -> memref<632x128xf32, #tpu.memory_space<hbm>>
      tpu.wait_dma2 semaphore(%run_scoped3A : memref<!tpu.dma_semaphore, #tpu.memory_space<semaphore_mem>>) src(%dma_wait3A_59 : memref<632x128xf32, #tpu.memory_space<hbm>>) dst(%arg6 : memref<632x128xf32, #tpu.memory_space<vmem>>)
      tpu.yield
    }) : () -> ()
    %scan3A = arith.constant 0 : i32
    %scan3A_35 = arith.constant 0 : i32
    %scan3A_36 = arith.constant 632 : i32
    %scan3A_37 = arith.addi %scan3A_35, %scan3A_36 : i32
    %scan3A_38 = arith.constant 1 : i32
    %scan3A_39 = scf.for %scan3A_50 = %scan3A_35 to %scan3A_37 step %scan3A_38 iter_args(%scan3A_51 = %scan3A) -> (i32)  : i32 {
      %add3A_52 = arith.constant 0 : i32
      %add3A_53 = arith.addi %add3A_52, %scan3A_50 : i32
      %get3A = arith.index_cast %add3A_53 : i32 to index
      %get3A_54 = tpu.vector_load %arg7[%get3A] {strides = array<i32>} : memref<1280xi32, #tpu.memory_space<vmem>>, vector<16xi32>,
      %get3A_55 = vector.shape_cast %get3A_54 : vector<16xi32> to vector<16xi32>
      %slice3A = vector.extract_strided_slice %get3A_55 {offsets = [0], sizes = [1], strides = [1]} : vector<16xi32> to vector<1xi32>
      %squeeze3A = vector.extract %slice3A[0] : i32 from vector<1xi32>
      %get3A_56 = arith.index_cast %scan3A_50 : i32 to index
      %get3A_57 = arith.constant 0 : index
      %get3A_58 = tpu.vector_load %arg6[%get3A_56, %get3A_57] {strides = array<i32>} : memref<632x128xf32, #tpu.memory_space<vmem>>, vector<1x16xf32>,
      %get3A_59 = vector.shape_cast %get3A_58 : vector<1x16xf32> to vector<16xf32>
      %get3A_60 = arith.index_cast %squeeze3A : i32 to index
      %get3A_61 = arith.constant 0 : index
      %get3A_62 = tpu.vector_load %arg8[%get3A_60, %get3A_61] {strides = array<i32>} : memref<128x128xf32, #tpu.memory_space<vmem>>, vector<1x16xf32>,
      %get3A_63 = vector.shape_cast %get3A_62 : vector<1x16xf32> to vector<16xf32>
      %max3A = arith.maximumf %get3A_63, %get3A_59 : vector<16xf32>
      %swap3A = arith.index_cast %squeeze3A : i32 to index
      %swap3A_64 = arith.constant 0 : index
      %swap3A_65 = tpu.vector_load %arg8[%swap3A, %swap3A_64] {strides = array<i32>} : memref<128x128xf32, #tpu.memory_space<vmem>>, vector<1x16xf32>,
      %swap3A_66 = vector.shape_cast %swap3A_65 : vector<1x16xf32> to vector<16xf32>
      %swap3A_67 = vector.shape_cast %max3A : vector<16xf32> to vector<1x16xf32>
      tpu.vector_store %arg8[%swap3A, %swap3A_64], %swap3A_67 {strides = array<i32>} : memref<128x128xf32, #tpu.memory_space<vmem>>, vector<1x16xf32>,
      %get3A_68 = arith.index_cast %scan3A_50 : i32 to index
      %get3A_69 = arith.constant 16 : index
      %get3A_70 = tpu.vector_load %arg6[%get3A_68, %get3A_69] {strides = array<i32>} : memref<632x128xf32, #tpu.memory_space<vmem>>, vector<1x16xf32>,
      %get3A_71 = vector.shape_cast %get3A_70 : vector<1x16xf32> to vector<16xf32>
      %get3A_72 = arith.index_cast %squeeze3A : i32 to index
      %get3A_73 = arith.constant 16 : index
      %get3A_74 = tpu.vector_load %arg8[%get3A_72, %get3A_73] {strides = array<i32>} : memref<128x128xf32, #tpu.memory_space<vmem>>, vector<1x16xf32>,
      %get3A_75 = vector.shape_cast %get3A_74 : vector<1x16xf32> to vector<16xf32>
      %max3A_76 = arith.maximumf %get3A_75, %get3A_71 : vector<16xf32>
      %swap3A_77 = arith.index_cast %squeeze3A : i32 to index
      %swap3A_78 = arith.constant 16 : index
      %swap3A_79 = tpu.vector_load %arg8[%swap3A_77, %swap3A_78] {strides = array<i32>} : memref<128x128xf32, #tpu.memory_space<vmem>>, vector<1x16xf32>,
      %swap3A_80 = vector.shape_cast %swap3A_79 : vector<1x16xf32> to vector<16xf32>
      %swap3A_81 = vector.shape_cast %max3A_76 : vector<16xf32> to vector<1x16xf32>
      tpu.vector_store %arg8[%swap3A_77, %swap3A_78], %swap3A_81 {strides = array<i32>} : memref<128x128xf32, #tpu.memory_space<vmem>>, vector<1x16xf32>,
      %get3A_82 = arith.index_cast %scan3A_50 : i32 to index
      %get3A_83 = arith.constant 32 : index
      %get3A_84 = tpu.vector_load %arg6[%get3A_82, %get3A_83] {strides = array<i32>} : memref<632x128xf32, #tpu.memory_space<vmem>>, vector<1x16xf32>,
      %get3A_85 = vector.shape_cast %get3A_84 : vector<1x16xf32> to vector<16xf32>
      %get3A_86 = arith.index_cast %squeeze3A : i32 to index
      %get3A_87 = arith.constant 32 : index
      %get3A_88 = tpu.vector_load %arg8[%get3A_86, %get3A_87] {strides = array<i32>} : memref<128x128xf32, #tpu.memory_space<vmem>>, vector<1x16xf32>,
      %get3A_89 = vector.shape_cast %get3A_88 : vector<1x16xf32> to vector<16xf32>
      %max3A_90 = arith.maximumf %get3A_89, %get3A_85 : vector<16xf32>
      %swap3A_91 = arith.index_cast %squeeze3A : i32 to index
      %swap3A_92 = arith.constant 32 : index
      %swap3A_93 = tpu.vector_load %arg8[%swap3A_91, %swap3A_92] {strides = array<i32>} : memref<128x128xf32, #tpu.memory_space<vmem>>, vector<1x16xf32>,
      %swap3A_94 = vector.shape_cast %swap3A_93 : vector<1x16xf32> to vector<16xf32>
      %swap3A_95 = vector.shape_cast %max3A_90 : vector<16xf32> to vector<1x16xf32>
      tpu.vector_store %arg8[%swap3A_91, %swap3A_92], %swap3A_95 {strides = array<i32>} : memref<128x128xf32, #tpu.memory_space<vmem>>, vector<1x16xf32>,
      %get3A_96 = arith.index_cast %scan3A_50 : i32 to index
      %get3A_97 = arith.constant 48 : index
      %get3A_98 = tpu.vector_load %arg6[%get3A_96, %get3A_97] {strides = array<i32>} : memref<632x128xf32, #tpu.memory_space<vmem>>, vector<1x16xf32>,
      %get3A_99 = vector.shape_cast %get3A_98 : vector<1x16xf32> to vector<16xf32>
      %get3A_100 = arith.index_cast %squeeze3A : i32 to index
      %get3A_101 = arith.constant 48 : index
      %get3A_102 = tpu.vector_load %arg8[%get3A_100, %get3A_101] {strides = array<i32>} : memref<128x128xf32, #tpu.memory_space<vmem>>, vector<1x16xf32>,
      %get3A_103 = vector.shape_cast %get3A_102 : vector<1x16xf32> to vector<16xf32>
      %max3A_104 = arith.maximumf %get3A_103, %get3A_99 : vector<16xf32>
      %swap3A_105 = arith.index_cast %squeeze3A : i32 to index
      %swap3A_106 = arith.constant 48 : index
      %swap3A_107 = tpu.vector_load %arg8[%swap3A_105, %swap3A_106] {strides = array<i32>} : memref<128x128xf32, #tpu.memory_space<vmem>>, vector<1x16xf32>,
      %swap3A_108 = vector.shape_cast %swap3A_107 : vector<1x16xf32> to vector<16xf32>
      %swap3A_109 = vector.shape_cast %max3A_104 : vector<16xf32> to vector<1x16xf32>
      tpu.vector_store %arg8[%swap3A_105, %swap3A_106], %swap3A_109 {strides = array<i32>} : memref<128x128xf32, #tpu.memory_space<vmem>>, vector<1x16xf32>,
      %get3A_110 = arith.index_cast %scan3A_50 : i32 to index
      %get3A_111 = arith.constant 64 : index
      %get3A_112 = tpu.vector_load %arg6[%get3A_110, %get3A_111] {strides = array<i32>} : memref<632x128xf32, #tpu.memory_space<vmem>>, vector<1x16xf32>,
      %get3A_113 = vector.shape_cast %get3A_112 : vector<1x16xf32> to vector<16xf32>
      %get3A_114 = arith.index_cast %squeeze3A : i32 to index
      %get3A_115 = arith.constant 64 : index
      %get3A_116 = tpu.vector_load %arg8[%get3A_114, %get3A_115] {strides = array<i32>} : memref<128x128xf32, #tpu.memory_space<vmem>>, vector<1x16xf32>,
      %get3A_117 = vector.shape_cast %get3A_116 : vector<1x16xf32> to vector<16xf32>
      %max3A_118 = arith.maximumf %get3A_117, %get3A_113 : vector<16xf32>
      %swap3A_119 = arith.index_cast %squeeze3A : i32 to index
      %swap3A_120 = arith.constant 64 : index
      %swap3A_121 = tpu.vector_load %arg8[%swap3A_119, %swap3A_120] {strides = array<i32>} : memref<128x128xf32, #tpu.memory_space<vmem>>, vector<1x16xf32>,
      %swap3A_122 = vector.shape_cast %swap3A_121 : vector<1x16xf32> to vector<16xf32>
      %swap3A_123 = vector.shape_cast %max3A_118 : vector<16xf32> to vector<1x16xf32>
      tpu.vector_store %arg8[%swap3A_119, %swap3A_120], %swap3A_123 {strides = array<i32>} : memref<128x128xf32, #tpu.memory_space<vmem>>, vector<1x16xf32>,
      %get3A_124 = arith.index_cast %scan3A_50 : i32 to index
      %get3A_125 = arith.constant 80 : index
      %get3A_126 = tpu.vector_load %arg6[%get3A_124, %get3A_125] {strides = array<i32>} : memref<632x128xf32, #tpu.memory_space<vmem>>, vector<1x16xf32>,
      %get3A_127 = vector.shape_cast %get3A_126 : vector<1x16xf32> to vector<16xf32>
      %get3A_128 = arith.index_cast %squeeze3A : i32 to index
      %get3A_129 = arith.constant 80 : index
      %get3A_130 = tpu.vector_load %arg8[%get3A_128, %get3A_129] {strides = array<i32>} : memref<128x128xf32, #tpu.memory_space<vmem>>, vector<1x16xf32>,
      %get3A_131 = vector.shape_cast %get3A_130 : vector<1x16xf32> to vector<16xf32>
      %max3A_132 = arith.maximumf %get3A_131, %get3A_127 : vector<16xf32>
      %swap3A_133 = arith.index_cast %squeeze3A : i32 to index
      %swap3A_134 = arith.constant 80 : index
      %swap3A_135 = tpu.vector_load %arg8[%swap3A_133, %swap3A_134] {strides = array<i32>} : memref<128x128xf32, #tpu.memory_space<vmem>>, vector<1x16xf32>,
      %swap3A_136 = vector.shape_cast %swap3A_135 : vector<1x16xf32> to vector<16xf32>
      %swap3A_137 = vector.shape_cast %max3A_132 : vector<16xf32> to vector<1x16xf32>
      tpu.vector_store %arg8[%swap3A_133, %swap3A_134], %swap3A_137 {strides = array<i32>} : memref<128x128xf32, #tpu.memory_space<vmem>>, vector<1x16xf32>,
      %get3A_138 = arith.index_cast %scan3A_50 : i32 to index
      %get3A_139 = arith.constant 96 : index
      %get3A_140 = tpu.vector_load %arg6[%get3A_138, %get3A_139] {strides = array<i32>} : memref<632x128xf32, #tpu.memory_space<vmem>>, vector<1x16xf32>,
      %get3A_141 = vector.shape_cast %get3A_140 : vector<1x16xf32> to vector<16xf32>
      %get3A_142 = arith.index_cast %squeeze3A : i32 to index
      %get3A_143 = arith.constant 96 : index
      %get3A_144 = tpu.vector_load %arg8[%get3A_142, %get3A_143] {strides = array<i32>} : memref<128x128xf32, #tpu.memory_space<vmem>>, vector<1x16xf32>,
      %get3A_145 = vector.shape_cast %get3A_144 : vector<1x16xf32> to vector<16xf32>
      %max3A_146 = arith.maximumf %get3A_145, %get3A_141 : vector<16xf32>
      %swap3A_147 = arith.index_cast %squeeze3A : i32 to index
      %swap3A_148 = arith.constant 96 : index
      %swap3A_149 = tpu.vector_load %arg8[%swap3A_147, %swap3A_148] {strides = array<i32>} : memref<128x128xf32, #tpu.memory_space<vmem>>, vector<1x16xf32>,
      %swap3A_150 = vector.shape_cast %swap3A_149 : vector<1x16xf32> to vector<16xf32>
      %swap3A_151 = vector.shape_cast %max3A_146 : vector<16xf32> to vector<1x16xf32>
      tpu.vector_store %arg8[%swap3A_147, %swap3A_148], %swap3A_151 {strides = array<i32>} : memref<128x128xf32, #tpu.memory_space<vmem>>, vector<1x16xf32>,
      %get3A_152 = arith.index_cast %scan3A_50 : i32 to index
      %get3A_153 = arith.constant 112 : index
      %get3A_154 = tpu.vector_load %arg6[%get3A_152, %get3A_153] {strides = array<i32>} : memref<632x128xf32, #tpu.memory_space<vmem>>, vector<1x16xf32>,
      %get3A_155 = vector.shape_cast %get3A_154 : vector<1x16xf32> to vector<16xf32>
      %get3A_156 = arith.index_cast %squeeze3A : i32 to index
      %get3A_157 = arith.constant 112 : index
      %get3A_158 = tpu.vector_load %arg8[%get3A_156, %get3A_157] {strides = array<i32>} : memref<128x128xf32, #tpu.memory_space<vmem>>, vector<1x16xf32>,
      %get3A_159 = vector.shape_cast %get3A_158 : vector<1x16xf32> to vector<16xf32>
      %max3A_160 = arith.maximumf %get3A_159, %get3A_155 : vector<16xf32>
      %swap3A_161 = arith.index_cast %squeeze3A : i32 to index
      %swap3A_162 = arith.constant 112 : index
      %swap3A_163 = tpu.vector_load %arg8[%swap3A_161, %swap3A_162] {strides = array<i32>} : memref<128x128xf32, #tpu.memory_space<vmem>>, vector<1x16xf32>,
      %swap3A_164 = vector.shape_cast %swap3A_163 : vector<1x16xf32> to vector<16xf32>
      %swap3A_165 = vector.shape_cast %max3A_160 : vector<16xf32> to vector<1x16xf32>
      tpu.vector_store %arg8[%swap3A_161, %swap3A_162], %swap3A_165 {strides = array<i32>} : memref<128x128xf32, #tpu.memory_space<vmem>>, vector<1x16xf32>,
      %scan3A_166 = arith.constant 0 : i32
      scf.yield %scan3A_166 : i32
    }
    %scan3A_40 = arith.constant 632 : i32
    %add3A_41 = arith.constant 632 : i32
    %add3A_42 = arith.addi %mul3A_32, %add3A_41 : i32
    "tpu.region"() ({
      %run_scoped3A = tpu.sem_alloc : memref<!tpu.dma_semaphore, #tpu.memory_space<semaphore_mem>>
      %dma_start3A = arith.constant 0 : i32
      %dma_start3A_50 = tpu.memref_slice %arg2[%select_n3A_30, %add3A_42, %dma_start3A] : memref<4x10000x128xf32, #tpu.memory_space<hbm>> -> memref<1x632x128xf32, #tpu.memory_space<hbm>>
      %dma_start3A_51 = tpu.memref_squeeze %dma_start3A_50 : memref<1x632x128xf32, #tpu.memory_space<hbm>> -> memref<632x128xf32, #tpu.memory_space<hbm>>
      %dma_start3A_52 = arith.constant 0 : i32
      %dma_start3A_53 = tpu.memref_slice %arg2[%select_n3A_30, %add3A_42, %dma_start3A_52] : memref<4x10000x128xf32, #tpu.memory_space<hbm>> -> memref<1x632x128xf32, #tpu.memory_space<hbm>>
      %dma_start3A_54 = tpu.memref_squeeze %dma_start3A_53 : memref<1x632x128xf32, #tpu.memory_space<hbm>> -> memref<632x128xf32, #tpu.memory_space<hbm>>
      tpu.enqueue_dma source(%dma_start3A_54 : memref<632x128xf32, #tpu.memory_space<hbm>>) target(%arg6 : memref<632x128xf32, #tpu.memory_space<vmem>>) target_semaphore(%run_scoped3A : memref<!tpu.dma_semaphore, #tpu.memory_space<semaphore_mem>>)
      %dma_wait3A = arith.constant 0 : i32
      %dma_wait3A_55 = tpu.memref_slice %arg2[%select_n3A_30, %add3A_42, %dma_wait3A] : memref<4x10000x128xf32, #tpu.memory_space<hbm>> -> memref<1x632x128xf32, #tpu.memory_space<hbm>>
      %dma_wait3A_56 = tpu.memref_squeeze %dma_wait3A_55 : memref<1x632x128xf32, #tpu.memory_space<hbm>> -> memref<632x128xf32, #tpu.memory_space<hbm>>
      %dma_wait3A_57 = arith.constant 0 : i32
      %dma_wait3A_58 = tpu.memref_slice %arg2[%select_n3A_30, %add3A_42, %dma_wait3A_57] : memref<4x10000x128xf32, #tpu.memory_space<hbm>> -> memref<1x632x128xf32, #tpu.memory_space<hbm>>
      %dma_wait3A_59 = tpu.memref_squeeze %dma_wait3A_58 : memref<1x632x128xf32, #tpu.memory_space<hbm>> -> memref<632x128xf32, #tpu.memory_space<hbm>>
      tpu.wait_dma2 semaphore(%run_scoped3A : memref<!tpu.dma_semaphore, #tpu.memory_space<semaphore_mem>>) src(%dma_wait3A_59 : memref<632x128xf32, #tpu.memory_space<hbm>>) dst(%arg6 : memref<632x128xf32, #tpu.memory_space<vmem>>)
      tpu.yield
    }) : () -> ()
    %scan3A_43 = arith.constant 0 : i32
    %scan3A_44 = arith.constant 0 : i32
    %scan3A_45 = arith.constant 632 : i32
    %scan3A_46 = arith.addi %scan3A_44, %scan3A_45 : i32
    %scan3A_47 = arith.constant 1 : i32
    %scan3A_48 = scf.for %scan3A_50 = %scan3A_44 to %scan3A_46 step %scan3A_47 iter_args(%scan3A_51 = %scan3A_43) -> (i32)  : i32 {
      %add3A_52 = arith.constant 632 : i32
      %add3A_53 = arith.addi %add3A_52, %scan3A_50 : i32
      %get3A = arith.index_cast %add3A_53 : i32 to index
      %get3A_54 = tpu.vector_load %arg7[%get3A] {strides = array<i32>} : memref<1280xi32, #tpu.memory_space<vmem>>, vector<16xi32>,
      %get3A_55 = vector.shape_cast %get3A_54 : vector<16xi32> to vector<16xi32>
      %slice3A = vector.extract_strided_slice %get3A_55 {offsets = [0], sizes = [1], strides = [1]} : vector<16xi32> to vector<1xi32>
      %squeeze3A = vector.extract %slice3A[0] : i32 from vector<1xi32>
      %get3A_56 = arith.index_cast %scan3A_50 : i32 to index
      %get3A_57 = arith.constant 0 : index
      %get3A_58 = tpu.vector_load %arg6[%get3A_56, %get3A_57] {strides = array<i32>} : memref<632x128xf32, #tpu.memory_space<vmem>>, vector<1x16xf32>,
      %get3A_59 = vector.shape_cast %get3A_58 : vector<1x16xf32> to vector<16xf32>
      %get3A_60 = arith.index_cast %squeeze3A : i32 to index
      %get3A_61 = arith.constant 0 : index
      %get3A_62 = tpu.vector_load %arg8[%get3A_60, %get3A_61] {strides = array<i32>} : memref<128x128xf32, #tpu.memory_space<vmem>>, vector<1x16xf32>,
      %get3A_63 = vector.shape_cast %get3A_62 : vector<1x16xf32> to vector<16xf32>
      %max3A = arith.maximumf %get3A_63, %get3A_59 : vector<16xf32>
      %swap3A = arith.index_cast %squeeze3A : i32 to index
      %swap3A_64 = arith.constant 0 : index
      %swap3A_65 = tpu.vector_load %arg8[%swap3A, %swap3A_64] {strides = array<i32>} : memref<128x128xf32, #tpu.memory_space<vmem>>, vector<1x16xf32>,
      %swap3A_66 = vector.shape_cast %swap3A_65 : vector<1x16xf32> to vector<16xf32>
      %swap3A_67 = vector.shape_cast %max3A : vector<16xf32> to vector<1x16xf32>
      tpu.vector_store %arg8[%swap3A, %swap3A_64], %swap3A_67 {strides = array<i32>} : memref<128x128xf32, #tpu.memory_space<vmem>>, vector<1x16xf32>,
      %get3A_68 = arith.index_cast %scan3A_50 : i32 to index
      %get3A_69 = arith.constant 16 : index
      %get3A_70 = tpu.vector_load %arg6[%get3A_68, %get3A_69] {strides = array<i32>} : memref<632x128xf32, #tpu.memory_space<vmem>>, vector<1x16xf32>,
      %get3A_71 = vector.shape_cast %get3A_70 : vector<1x16xf32> to vector<16xf32>
      %get3A_72 = arith.index_cast %squeeze3A : i32 to index
      %get3A_73 = arith.constant 16 : index
      %get3A_74 = tpu.vector_load %arg8[%get3A_72, %get3A_73] {strides = array<i32>} : memref<128x128xf32, #tpu.memory_space<vmem>>, vector<1x16xf32>,
      %get3A_75 = vector.shape_cast %get3A_74 : vector<1x16xf32> to vector<16xf32>
      %max3A_76 = arith.maximumf %get3A_75, %get3A_71 : vector<16xf32>
      %swap3A_77 = arith.index_cast %squeeze3A : i32 to index
      %swap3A_78 = arith.constant 16 : index
      %swap3A_79 = tpu.vector_load %arg8[%swap3A_77, %swap3A_78] {strides = array<i32>} : memref<128x128xf32, #tpu.memory_space<vmem>>, vector<1x16xf32>,
      %swap3A_80 = vector.shape_cast %swap3A_79 : vector<1x16xf32> to vector<16xf32>
      %swap3A_81 = vector.shape_cast %max3A_76 : vector<16xf32> to vector<1x16xf32>
      tpu.vector_store %arg8[%swap3A_77, %swap3A_78], %swap3A_81 {strides = array<i32>} : memref<128x128xf32, #tpu.memory_space<vmem>>, vector<1x16xf32>,
      %get3A_82 = arith.index_cast %scan3A_50 : i32 to index
      %get3A_83 = arith.constant 32 : index
      %get3A_84 = tpu.vector_load %arg6[%get3A_82, %get3A_83] {strides = array<i32>} : memref<632x128xf32, #tpu.memory_space<vmem>>, vector<1x16xf32>,
      %get3A_85 = vector.shape_cast %get3A_84 : vector<1x16xf32> to vector<16xf32>
      %get3A_86 = arith.index_cast %squeeze3A : i32 to index
      %get3A_87 = arith.constant 32 : index
      %get3A_88 = tpu.vector_load %arg8[%get3A_86, %get3A_87] {strides = array<i32>} : memref<128x128xf32, #tpu.memory_space<vmem>>, vector<1x16xf32>,
      %get3A_89 = vector.shape_cast %get3A_88 : vector<1x16xf32> to vector<16xf32>
      %max3A_90 = arith.maximumf %get3A_89, %get3A_85 : vector<16xf32>
      %swap3A_91 = arith.index_cast %squeeze3A : i32 to index
      %swap3A_92 = arith.constant 32 : index
      %swap3A_93 = tpu.vector_load %arg8[%swap3A_91, %swap3A_92] {strides = array<i32>} : memref<128x128xf32, #tpu.memory_space<vmem>>, vector<1x16xf32>,
      %swap3A_94 = vector.shape_cast %swap3A_93 : vector<1x16xf32> to vector<16xf32>
      %swap3A_95 = vector.shape_cast %max3A_90 : vector<16xf32> to vector<1x16xf32>
      tpu.vector_store %arg8[%swap3A_91, %swap3A_92], %swap3A_95 {strides = array<i32>} : memref<128x128xf32, #tpu.memory_space<vmem>>, vector<1x16xf32>,
      %get3A_96 = arith.index_cast %scan3A_50 : i32 to index
      %get3A_97 = arith.constant 48 : index
      %get3A_98 = tpu.vector_load %arg6[%get3A_96, %get3A_97] {strides = array<i32>} : memref<632x128xf32, #tpu.memory_space<vmem>>, vector<1x16xf32>,
      %get3A_99 = vector.shape_cast %get3A_98 : vector<1x16xf32> to vector<16xf32>
      %get3A_100 = arith.index_cast %squeeze3A : i32 to index
      %get3A_101 = arith.constant 48 : index
      %get3A_102 = tpu.vector_load %arg8[%get3A_100, %get3A_101] {strides = array<i32>} : memref<128x128xf32, #tpu.memory_space<vmem>>, vector<1x16xf32>,
      %get3A_103 = vector.shape_cast %get3A_102 : vector<1x16xf32> to vector<16xf32>
      %max3A_104 = arith.maximumf %get3A_103, %get3A_99 : vector<16xf32>
      %swap3A_105 = arith.index_cast %squeeze3A : i32 to index
      %swap3A_106 = arith.constant 48 : index
      %swap3A_107 = tpu.vector_load %arg8[%swap3A_105, %swap3A_106] {strides = array<i32>} : memref<128x128xf32, #tpu.memory_space<vmem>>, vector<1x16xf32>,
      %swap3A_108 = vector.shape_cast %swap3A_107 : vector<1x16xf32> to vector<16xf32>
      %swap3A_109 = vector.shape_cast %max3A_104 : vector<16xf32> to vector<1x16xf32>
      tpu.vector_store %arg8[%swap3A_105, %swap3A_106], %swap3A_109 {strides = array<i32>} : memref<128x128xf32, #tpu.memory_space<vmem>>, vector<1x16xf32>,
      %get3A_110 = arith.index_cast %scan3A_50 : i32 to index
      %get3A_111 = arith.constant 64 : index
      %get3A_112 = tpu.vector_load %arg6[%get3A_110, %get3A_111] {strides = array<i32>} : memref<632x128xf32, #tpu.memory_space<vmem>>, vector<1x16xf32>,
      %get3A_113 = vector.shape_cast %get3A_112 : vector<1x16xf32> to vector<16xf32>
      %get3A_114 = arith.index_cast %squeeze3A : i32 to index
      %get3A_115 = arith.constant 64 : index
      %get3A_116 = tpu.vector_load %arg8[%get3A_114, %get3A_115] {strides = array<i32>} : memref<128x128xf32, #tpu.memory_space<vmem>>, vector<1x16xf32>,
      %get3A_117 = vector.shape_cast %get3A_116 : vector<1x16xf32> to vector<16xf32>
      %max3A_118 = arith.maximumf %get3A_117, %get3A_113 : vector<16xf32>
      %swap3A_119 = arith.index_cast %squeeze3A : i32 to index
      %swap3A_120 = arith.constant 64 : index
      %swap3A_121 = tpu.vector_load %arg8[%swap3A_119, %swap3A_120] {strides = array<i32>} : memref<128x128xf32, #tpu.memory_space<vmem>>, vector<1x16xf32>,
      %swap3A_122 = vector.shape_cast %swap3A_121 : vector<1x16xf32> to vector<16xf32>
      %swap3A_123 = vector.shape_cast %max3A_118 : vector<16xf32> to vector<1x16xf32>
      tpu.vector_store %arg8[%swap3A_119, %swap3A_120], %swap3A_123 {strides = array<i32>} : memref<128x128xf32, #tpu.memory_space<vmem>>, vector<1x16xf32>,
      %get3A_124 = arith.index_cast %scan3A_50 : i32 to index
      %get3A_125 = arith.constant 80 : index
      %get3A_126 = tpu.vector_load %arg6[%get3A_124, %get3A_125] {strides = array<i32>} : memref<632x128xf32, #tpu.memory_space<vmem>>, vector<1x16xf32>,
      %get3A_127 = vector.shape_cast %get3A_126 : vector<1x16xf32> to vector<16xf32>
      %get3A_128 = arith.index_cast %squeeze3A : i32 to index
      %get3A_129 = arith.constant 80 : index
      %get3A_130 = tpu.vector_load %arg8[%get3A_128, %get3A_129] {strides = array<i32>} : memref<128x128xf32, #tpu.memory_space<vmem>>, vector<1x16xf32>,
      %get3A_131 = vector.shape_cast %get3A_130 : vector<1x16xf32> to vector<16xf32>
      %max3A_132 = arith.maximumf %get3A_131, %get3A_127 : vector<16xf32>
      %swap3A_133 = arith.index_cast %squeeze3A : i32 to index
      %swap3A_134 = arith.constant 80 : index
      %swap3A_135 = tpu.vector_load %arg8[%swap3A_133, %swap3A_134] {strides = array<i32>} : memref<128x128xf32, #tpu.memory_space<vmem>>, vector<1x16xf32>,
      %swap3A_136 = vector.shape_cast %swap3A_135 : vector<1x16xf32> to vector<16xf32>
      %swap3A_137 = vector.shape_cast %max3A_132 : vector<16xf32> to vector<1x16xf32>
      tpu.vector_store %arg8[%swap3A_133, %swap3A_134], %swap3A_137 {strides = array<i32>} : memref<128x128xf32, #tpu.memory_space<vmem>>, vector<1x16xf32>,
      %get3A_138 = arith.index_cast %scan3A_50 : i32 to index
      %get3A_139 = arith.constant 96 : index
      %get3A_140 = tpu.vector_load %arg6[%get3A_138, %get3A_139] {strides = array<i32>} : memref<632x128xf32, #tpu.memory_space<vmem>>, vector<1x16xf32>,
      %get3A_141 = vector.shape_cast %get3A_140 : vector<1x16xf32> to vector<16xf32>
      %get3A_142 = arith.index_cast %squeeze3A : i32 to index
      %get3A_143 = arith.constant 96 : index
      %get3A_144 = tpu.vector_load %arg8[%get3A_142, %get3A_143] {strides = array<i32>} : memref<128x128xf32, #tpu.memory_space<vmem>>, vector<1x16xf32>,
      %get3A_145 = vector.shape_cast %get3A_144 : vector<1x16xf32> to vector<16xf32>
      %max3A_146 = arith.maximumf %get3A_145, %get3A_141 : vector<16xf32>
      %swap3A_147 = arith.index_cast %squeeze3A : i32 to index
      %swap3A_148 = arith.constant 96 : index
      %swap3A_149 = tpu.vector_load %arg8[%swap3A_147, %swap3A_148] {strides = array<i32>} : memref<128x128xf32, #tpu.memory_space<vmem>>, vector<1x16xf32>,
      %swap3A_150 = vector.shape_cast %swap3A_149 : vector<1x16xf32> to vector<16xf32>
      %swap3A_151 = vector.shape_cast %max3A_146 : vector<16xf32> to vector<1x16xf32>
      tpu.vector_store %arg8[%swap3A_147, %swap3A_148], %swap3A_151 {strides = array<i32>} : memref<128x128xf32, #tpu.memory_space<vmem>>, vector<1x16xf32>,
      %get3A_152 = arith.index_cast %scan3A_50 : i32 to index
      %get3A_153 = arith.constant 112 : index
      %get3A_154 = tpu.vector_load %arg6[%get3A_152, %get3A_153] {strides = array<i32>} : memref<632x128xf32, #tpu.memory_space<vmem>>, vector<1x16xf32>,
      %get3A_155 = vector.shape_cast %get3A_154 : vector<1x16xf32> to vector<16xf32>
      %get3A_156 = arith.index_cast %squeeze3A : i32 to index
      %get3A_157 = arith.constant 112 : index
      %get3A_158 = tpu.vector_load %arg8[%get3A_156, %get3A_157] {strides = array<i32>} : memref<128x128xf32, #tpu.memory_space<vmem>>, vector<1x16xf32>,
      %get3A_159 = vector.shape_cast %get3A_158 : vector<1x16xf32> to vector<16xf32>
      %max3A_160 = arith.maximumf %get3A_159, %get3A_155 : vector<16xf32>
      %swap3A_161 = arith.index_cast %squeeze3A : i32 to index
      %swap3A_162 = arith.constant 112 : index
      %swap3A_163 = tpu.vector_load %arg8[%swap3A_161, %swap3A_162] {strides = array<i32>} : memref<128x128xf32, #tpu.memory_space<vmem>>, vector<1x16xf32>,
      %swap3A_164 = vector.shape_cast %swap3A_163 : vector<1x16xf32> to vector<16xf32>
      %swap3A_165 = vector.shape_cast %max3A_160 : vector<16xf32> to vector<1x16xf32>
      tpu.vector_store %arg8[%swap3A_161, %swap3A_162], %swap3A_165 {strides = array<i32>} : memref<128x128xf32, #tpu.memory_space<vmem>>, vector<1x16xf32>,
      %scan3A_166 = arith.constant 0 : i32
      scf.yield %scan3A_166 : i32
    }
    %scan3A_49 = arith.constant 632 : i32
    "tpu.region"() ({
      %run_scoped3A = tpu.sem_alloc : memref<!tpu.dma_semaphore, #tpu.memory_space<semaphore_mem>>
      %dma_start3A = arith.constant 0 : i32
      %dma_start3A_50 = arith.constant 0 : i32
      %dma_start3A_51 = tpu.memref_slice %arg5[%select_n3A_30, %select_n3A_9, %dma_start3A, %dma_start3A_50] : memref<4x8x128x128xf32, #tpu.memory_space<hbm>> -> memref<1x1x128x128xf32, #tpu.memory_space<hbm>>
      %dma_start3A_52 = tpu.memref_squeeze %dma_start3A_51 : memref<1x1x128x128xf32, #tpu.memory_space<hbm>> -> memref<128x128xf32, #tpu.memory_space<hbm>>
      %dma_start3A_53 = arith.constant 0 : i32
      %dma_start3A_54 = arith.constant 0 : i32
      %dma_start3A_55 = tpu.memref_slice %arg5[%select_n3A_30, %select_n3A_9, %dma_start3A_53, %dma_start3A_54] : memref<4x8x128x128xf32, #tpu.memory_space<hbm>> -> memref<1x1x128x128xf32, #tpu.memory_space<hbm>>
      %dma_start3A_56 = tpu.memref_squeeze %dma_start3A_55 : memref<1x1x128x128xf32, #tpu.memory_space<hbm>> -> memref<128x128xf32, #tpu.memory_space<hbm>>
      tpu.enqueue_dma source(%arg8 : memref<128x128xf32, #tpu.memory_space<vmem>>) target(%dma_start3A_56 : memref<128x128xf32, #tpu.memory_space<hbm>>) target_semaphore(%run_scoped3A : memref<!tpu.dma_semaphore, #tpu.memory_space<semaphore_mem>>)
      %dma_wait3A = arith.constant 0 : i32
      %dma_wait3A_57 = arith.constant 0 : i32
      %dma_wait3A_58 = tpu.memref_slice %arg5[%select_n3A_30, %select_n3A_9, %dma_wait3A, %dma_wait3A_57] : memref<4x8x128x128xf32, #tpu.memory_space<hbm>> -> memref<1x1x128x128xf32, #tpu.memory_space<hbm>>
      %dma_wait3A_59 = tpu.memref_squeeze %dma_wait3A_58 : memref<1x1x128x128xf32, #tpu.memory_space<hbm>> -> memref<128x128xf32, #tpu.memory_space<hbm>>
      %dma_wait3A_60 = arith.constant 0 : i32
      %dma_wait3A_61 = arith.constant 0 : i32
      %dma_wait3A_62 = tpu.memref_slice %arg5[%select_n3A_30, %select_n3A_9, %dma_wait3A_60, %dma_wait3A_61] : memref<4x8x128x128xf32, #tpu.memory_space<hbm>> -> memref<1x1x128x128xf32, #tpu.memory_space<hbm>>
      %dma_wait3A_63 = tpu.memref_squeeze %dma_wait3A_62 : memref<1x1x128x128xf32, #tpu.memory_space<hbm>> -> memref<128x128xf32, #tpu.memory_space<hbm>>
      tpu.wait_dma2 semaphore(%run_scoped3A : memref<!tpu.dma_semaphore, #tpu.memory_space<semaphore_mem>>) src(%arg8 : memref<128x128xf32, #tpu.memory_space<vmem>>) dst(%dma_wait3A_63 : memref<128x128xf32, #tpu.memory_space<hbm>>)
      tpu.yield
    }) : () -> ()
    return
  }
}

module attributes {stable_mosaic.version = 14 : i64} {
  func.func @body(%arg0: i32, %arg1: memref<1x1000x128xf32, #tpu.memory_space<vmem>>, %arg2: memref<1000x128xf32, #tpu.memory_space<vmem>>, %arg3: memref<1000x1xf32, #tpu.memory_space<vmem>>, %arg4: memref<1000x128xf32, #tpu.memory_space<vmem>>) attributes {dimension_semantics = [#tpu.dimension_semantics<arbitrary>], iteration_bounds = array<i64: 10>, scalar_prefetch = 0 : i64, scratch_operands = 0 : i64, tpu.core_type = #tpu.core_type<tc>, window_params = [{transform_indices = @transform_0, window_bounds = array<i64: 1, 1000, 128>}, {transform_indices = @transform_1, window_bounds = array<i64: 1000, 128>}, {transform_indices = @transform_2, window_bounds = array<i64: 1000, 1>}, {transform_indices = @transform_3, window_bounds = array<i64: 1000, 128>}]} {
    %get3A = arith.constant 0 : index
    %get3A_0 = arith.constant 0 : index
    %get3A_1 = arith.constant 0 : index
    %get3A_2 = vector.load %arg1[%get3A, %get3A_0, %get3A_1] : memref<1x1000x128xf32, #tpu.memory_space<vmem>>, vector<1x1000x128xf32>
    %get3A_3 = vector.shape_cast %get3A_2 : vector<1x1000x128xf32> to vector<1000x128xf32>
    %slice3A = vector.extract_strided_slice %get3A_3 {offsets = [0, 0], sizes = [1000, 1], strides = [1, 1]} : vector<1000x128xf32> to vector<1000x1xf32>
    %squeeze3A = vector.shape_cast %slice3A : vector<1000x1xf32> to vector<1000xf32>
    %add3A = arith.constant 1.000000e+00 : f32
    %add3A_4 = vector.broadcast %add3A : f32 to vector<1000xf32>
    %add3A_5 = arith.addf %add3A_4, %squeeze3A : vector<1000xf32>
    %rsqrt3A = math.rsqrt %add3A_5 : vector<1000xf32>
    %broadcast_in_dim3A = vector.shape_cast %rsqrt3A : vector<1000xf32> to vector<1000x1xf32>
    %swap3A = arith.constant 0 : index
    %swap3A_6 = arith.constant 0 : index
    %swap3A_7 = vector.load %arg3[%swap3A, %swap3A_6] : memref<1000x1xf32, #tpu.memory_space<vmem>>, vector<1000x1xf32>
    tpu.vector_store %arg3[%swap3A, %swap3A_6], %broadcast_in_dim3A {strides = array<i32>} : memref<1000x1xf32, #tpu.memory_space<vmem>>, vector<1000x1xf32>,
    %get3A_8 = arith.constant 0 : index
    %get3A_9 = arith.constant 0 : index
    %get3A_10 = vector.load %arg2[%get3A_8, %get3A_9] : memref<1000x128xf32, #tpu.memory_space<vmem>>, vector<1000x128xf32>
    %mul3A = vector.broadcast %broadcast_in_dim3A : vector<1000x1xf32> to vector<1000x128xf32>
    %mul3A_11 = arith.mulf %mul3A, %get3A_10 : vector<1000x128xf32>
    %swap3A_12 = arith.constant 0 : index
    %swap3A_13 = arith.constant 0 : index
    %swap3A_14 = vector.load %arg4[%swap3A_12, %swap3A_13] : memref<1000x128xf32, #tpu.memory_space<vmem>>, vector<1000x128xf32>
    tpu.vector_store %arg4[%swap3A_12, %swap3A_13], %mul3A_11 {strides = array<i32>} : memref<1000x128xf32, #tpu.memory_space<vmem>>, vector<1000x128xf32>,
    return
  }
  func.func @transform_0(%arg0: i32) -> (i32, i32, i32) {
    %jit3A = arith.constant 5 : i32
    %div3A = arith.divsi %arg0, %jit3A : i32
    %sign3A = arith.constant 0 : i32
    %sign3A_0 = arith.cmpi sgt, %arg0, %sign3A : i32
    %sign3A_1 = arith.extui %sign3A_0 : i1 to i32
    %sign3A_2 = arith.constant 0 : i32
    %sign3A_3 = arith.cmpi slt, %arg0, %sign3A_2 : i32
    %sign3A_4 = arith.extui %sign3A_3 : i1 to i32
    %sign3A_5 = arith.subi %sign3A_1, %sign3A_4 : i32
    %sign3A_6 = arith.constant 0 : i32
    %sign3A_7 = arith.cmpi sgt, %jit3A, %sign3A_6 : i32
    %sign3A_8 = arith.extui %sign3A_7 : i1 to i32
    %sign3A_9 = arith.constant 0 : i32
    %sign3A_10 = arith.cmpi slt, %jit3A, %sign3A_9 : i32
    %sign3A_11 = arith.extui %sign3A_10 : i1 to i32
    %sign3A_12 = arith.subi %sign3A_8, %sign3A_11 : i32
    %ne3A = arith.cmpi ne, %sign3A_5, %sign3A_12 : i32
    %rem3A = arith.remsi %arg0, %jit3A : i32
    %ne3A_13 = arith.constant 0 : i32
    %ne3A_14 = arith.cmpi ne, %rem3A, %ne3A_13 : i32
    %and3A = arith.andi %ne3A, %ne3A_14 : i1
    %sub3A = arith.constant 1 : i32
    %sub3A_15 = arith.subi %div3A, %sub3A : i32
    %select_n3A = arith.select %and3A, %sub3A_15, %div3A : i32
    %jit3A_16 = arith.constant 5 : i32
    %eq3A = arith.constant 0 : i32
    %eq3A_17 = arith.cmpi eq, %jit3A_16, %eq3A : i32
    %jit3A_18 = arith.constant 1 : i32
    %select_n3A_19 = arith.select %eq3A_17, %jit3A_18, %jit3A_16 : i32
    %rem3A_20 = arith.remsi %arg0, %select_n3A_19 : i32
    %ne3A_21 = arith.constant 0 : i32
    %ne3A_22 = arith.cmpi ne, %rem3A_20, %ne3A_21 : i32
    %lt3A = arith.constant 0 : i32
    %lt3A_23 = arith.cmpi slt, %rem3A_20, %lt3A : i32
    %lt3A_24 = arith.constant 0 : i32
    %lt3A_25 = arith.cmpi slt, %select_n3A_19, %lt3A_24 : i32
    %ne3A_26 = arith.xori %lt3A_23, %lt3A_25 : i1
    %and3A_27 = arith.andi %ne3A_26, %ne3A_22 : i1
    %add3A = arith.addi %rem3A_20, %select_n3A_19 : i32
    %select_n3A_28 = arith.select %and3A_27, %add3A, %rem3A_20 : i32
    %c0_i32 = arith.constant 0 : i32
    %c0_i32_29 = arith.constant 0 : i32
    return %select_n3A, %select_n3A_28, %c0_i32 : i32, i32, i32
  }
  func.func @transform_1(%arg0: i32) -> (i32, i32) {
    %c0_i32 = arith.constant 0 : i32
    %c0_i32_0 = arith.constant 0 : i32
    return %arg0, %c0_i32 : i32, i32
  }
  func.func @transform_2(%arg0: i32) -> (i32, i32) {
    %c0_i32 = arith.constant 0 : i32
    %c0_i32_0 = arith.constant 0 : i32
    return %arg0, %c0_i32 : i32, i32
  }
  func.func @transform_3(%arg0: i32) -> (i32, i32) {
    %c0_i32 = arith.constant 0 : i32
    %c0_i32_0 = arith.constant 0 : i32
    return %arg0, %c0_i32 : i32, i32
  }
}

module attributes {stable_mosaic.version = 14 : i64} {
  func.func @body(%arg0: i32, %arg1: memref<1x1000x128xf32, #tpu.memory_space<vmem>>, %arg2: memref<1000x128xf32, #tpu.memory_space<vmem>>, %arg3: memref<1000x1xf32, #tpu.memory_space<vmem>>, %arg4: memref<128x128xf32, #tpu.memory_space<vmem>>, %arg5: memref<1x128xf32, #tpu.memory_space<vmem>>, %arg6: memref<1000x128xf32, #tpu.memory_space<vmem>>) attributes {dimension_semantics = [#tpu.dimension_semantics<arbitrary>], iteration_bounds = array<i64: 10>, scalar_prefetch = 0 : i64, scratch_operands = 0 : i64, tpu.core_type = #tpu.core_type<tc>, window_params = [{transform_indices = @transform_0, window_bounds = array<i64: 1, 1000, 128>}, {transform_indices = @transform_1, window_bounds = array<i64: 1000, 128>}, {transform_indices = @transform_2, window_bounds = array<i64: 1000, 1>}, {pipeline_mode = #tpu.pipeline_mode<synchronous>, transform_indices = @transform_3, window_bounds = array<i64: 128, 128>}, {pipeline_mode = #tpu.pipeline_mode<synchronous>, transform_indices = @transform_4, window_bounds = array<i64: 1, 128>}, {transform_indices = @transform_5, window_bounds = array<i64: 1000, 128>}]} {
    %get3A = arith.constant 0 : index
    %get3A_0 = arith.constant 0 : index
    %get3A_1 = vector.load %arg3[%get3A, %get3A_0] : memref<1000x1xf32, #tpu.memory_space<vmem>>, vector<1000x1xf32>
    %get3A_2 = arith.constant 0 : index
    %get3A_3 = arith.constant 0 : index
    %get3A_4 = arith.constant 0 : index
    %get3A_5 = vector.load %arg1[%get3A_2, %get3A_3, %get3A_4] : memref<1x1000x128xf32, #tpu.memory_space<vmem>>, vector<1x1000x128xf32>
    %get3A_6 = vector.shape_cast %get3A_5 : vector<1x1000x128xf32> to vector<1000x128xf32>
    %get3A_7 = arith.constant 0 : index
    %get3A_8 = arith.constant 0 : index
    %get3A_9 = vector.load %arg2[%get3A_7, %get3A_8] : memref<1000x128xf32, #tpu.memory_space<vmem>>, vector<1000x128xf32>
    %add3A = arith.addf %get3A_6, %get3A_9 : vector<1000x128xf32>
    %mul3A = vector.broadcast %get3A_1 : vector<1000x1xf32> to vector<1000x128xf32>
    %mul3A_10 = arith.mulf %mul3A, %add3A : vector<1000x128xf32>
    %get3A_11 = arith.constant 0 : index
    %get3A_12 = arith.constant 0 : index
    %get3A_13 = vector.load %arg4[%get3A_11, %get3A_12] : memref<128x128xf32, #tpu.memory_space<vmem>>, vector<128x128xf32>
    %dot_general3A = arith.constant dense<0.000000e+00> : vector<1000x128xf32>
    %dot_general3A_14 = tpu.matmul %mul3A_10, %get3A_13, %dot_general3A {dimension_numbers = #tpu.dot_dimension_numbers<[1], [0], [0], [1], [0, 0, 1, 1], [], []>, transpose_lhs_hint = false} : vector<1000x128xf32>, vector<128x128xf32>, vector<1000x128xf32> -> vector<1000x128xf32>
    %get3A_15 = arith.constant 0 : index
    %get3A_16 = arith.constant 0 : index
    %get3A_17 = vector.load %arg5[%get3A_15, %get3A_16] : memref<1x128xf32, #tpu.memory_space<vmem>>, vector<1x128xf32>
    %add3A_18 = vector.broadcast %get3A_17 : vector<1x128xf32> to vector<1000x128xf32>
    %add3A_19 = arith.addf %dot_general3A_14, %add3A_18 : vector<1000x128xf32>
    %max3A = arith.constant 0.000000e+00 : f32
    %max3A_20 = vector.broadcast %max3A : f32 to vector<1000x128xf32>
    %max3A_21 = arith.maximumf %add3A_19, %max3A_20 : vector<1000x128xf32>
    %mul3A_22 = vector.broadcast %get3A_1 : vector<1000x1xf32> to vector<1000x128xf32>
    %mul3A_23 = arith.mulf %mul3A_22, %max3A_21 : vector<1000x128xf32>
    %swap3A = arith.constant 0 : index
    %swap3A_24 = arith.constant 0 : index
    %swap3A_25 = vector.load %arg6[%swap3A, %swap3A_24] : memref<1000x128xf32, #tpu.memory_space<vmem>>, vector<1000x128xf32>
    tpu.vector_store %arg6[%swap3A, %swap3A_24], %mul3A_23 {strides = array<i32>} : memref<1000x128xf32, #tpu.memory_space<vmem>>, vector<1000x128xf32>,
    return
  }
  func.func @transform_0(%arg0: i32) -> (i32, i32, i32) {
    %jit3A = arith.constant 5 : i32
    %div3A = arith.divsi %arg0, %jit3A : i32
    %sign3A = arith.constant 0 : i32
    %sign3A_0 = arith.cmpi sgt, %arg0, %sign3A : i32
    %sign3A_1 = arith.extui %sign3A_0 : i1 to i32
    %sign3A_2 = arith.constant 0 : i32
    %sign3A_3 = arith.cmpi slt, %arg0, %sign3A_2 : i32
    %sign3A_4 = arith.extui %sign3A_3 : i1 to i32
    %sign3A_5 = arith.subi %sign3A_1, %sign3A_4 : i32
    %sign3A_6 = arith.constant 0 : i32
    %sign3A_7 = arith.cmpi sgt, %jit3A, %sign3A_6 : i32
    %sign3A_8 = arith.extui %sign3A_7 : i1 to i32
    %sign3A_9 = arith.constant 0 : i32
    %sign3A_10 = arith.cmpi slt, %jit3A, %sign3A_9 : i32
    %sign3A_11 = arith.extui %sign3A_10 : i1 to i32
    %sign3A_12 = arith.subi %sign3A_8, %sign3A_11 : i32
    %ne3A = arith.cmpi ne, %sign3A_5, %sign3A_12 : i32
    %rem3A = arith.remsi %arg0, %jit3A : i32
    %ne3A_13 = arith.constant 0 : i32
    %ne3A_14 = arith.cmpi ne, %rem3A, %ne3A_13 : i32
    %and3A = arith.andi %ne3A, %ne3A_14 : i1
    %sub3A = arith.constant 1 : i32
    %sub3A_15 = arith.subi %div3A, %sub3A : i32
    %select_n3A = arith.select %and3A, %sub3A_15, %div3A : i32
    %jit3A_16 = arith.constant 5 : i32
    %eq3A = arith.constant 0 : i32
    %eq3A_17 = arith.cmpi eq, %jit3A_16, %eq3A : i32
    %jit3A_18 = arith.constant 1 : i32
    %select_n3A_19 = arith.select %eq3A_17, %jit3A_18, %jit3A_16 : i32
    %rem3A_20 = arith.remsi %arg0, %select_n3A_19 : i32
    %ne3A_21 = arith.constant 0 : i32
    %ne3A_22 = arith.cmpi ne, %rem3A_20, %ne3A_21 : i32
    %lt3A = arith.constant 0 : i32
    %lt3A_23 = arith.cmpi slt, %rem3A_20, %lt3A : i32
    %lt3A_24 = arith.constant 0 : i32
    %lt3A_25 = arith.cmpi slt, %select_n3A_19, %lt3A_24 : i32
    %ne3A_26 = arith.xori %lt3A_23, %lt3A_25 : i1
    %and3A_27 = arith.andi %ne3A_26, %ne3A_22 : i1
    %add3A = arith.addi %rem3A_20, %select_n3A_19 : i32
    %select_n3A_28 = arith.select %and3A_27, %add3A, %rem3A_20 : i32
    %c0_i32 = arith.constant 0 : i32
    %c0_i32_29 = arith.constant 0 : i32
    return %select_n3A, %select_n3A_28, %c0_i32 : i32, i32, i32
  }
  func.func @transform_1(%arg0: i32) -> (i32, i32) {
    %c0_i32 = arith.constant 0 : i32
    %c0_i32_0 = arith.constant 0 : i32
    return %arg0, %c0_i32 : i32, i32
  }
  func.func @transform_2(%arg0: i32) -> (i32, i32) {
    %c0_i32 = arith.constant 0 : i32
    %c0_i32_0 = arith.constant 0 : i32
    return %arg0, %c0_i32 : i32, i32
  }
  func.func @transform_3(%arg0: i32) -> (i32, i32) {
    %c0_i32 = arith.constant 0 : i32
    %c0_i32_0 = arith.constant 0 : i32
    %c0_i32_1 = arith.constant 0 : i32
    return %c0_i32, %c0_i32_0 : i32, i32
  }
  func.func @transform_4(%arg0: i32) -> (i32, i32) {
    %c0_i32 = arith.constant 0 : i32
    %c0_i32_0 = arith.constant 0 : i32
    %c0_i32_1 = arith.constant 0 : i32
    return %c0_i32, %c0_i32_0 : i32, i32
  }
  func.func @transform_5(%arg0: i32) -> (i32, i32) {
    %c0_i32 = arith.constant 0 : i32
    %c0_i32_0 = arith.constant 0 : i32
    return %arg0, %c0_i32 : i32, i32
  }
}

module attributes {stable_mosaic.version = 14 : i64} {
  func.func @body(%arg0: i32, %arg1: memref<1x1000x128xf32, #tpu.memory_space<vmem>>, %arg2: memref<1000x128xf32, #tpu.memory_space<vmem>>, %arg3: memref<1000x1xf32, #tpu.memory_space<vmem>>, %arg4: memref<128x256xf32, #tpu.memory_space<vmem>>, %arg5: memref<1x256xf32, #tpu.memory_space<vmem>>, %arg6: memref<1000x128xf32, #tpu.memory_space<vmem>>, %arg7: memref<1000x128xf32, #tpu.memory_space<vmem>>) attributes {dimension_semantics = [#tpu.dimension_semantics<arbitrary>], iteration_bounds = array<i64: 10>, scalar_prefetch = 0 : i64, scratch_operands = 0 : i64, tpu.core_type = #tpu.core_type<tc>, window_params = [{transform_indices = @transform_0, window_bounds = array<i64: 1, 1000, 128>}, {transform_indices = @transform_1, window_bounds = array<i64: 1000, 128>}, {transform_indices = @transform_2, window_bounds = array<i64: 1000, 1>}, {pipeline_mode = #tpu.pipeline_mode<synchronous>, transform_indices = @transform_3, window_bounds = array<i64: 128, 256>}, {pipeline_mode = #tpu.pipeline_mode<synchronous>, transform_indices = @transform_4, window_bounds = array<i64: 1, 256>}, {transform_indices = @transform_5, window_bounds = array<i64: 1000, 128>}, {transform_indices = @transform_6, window_bounds = array<i64: 1000, 128>}]} {
    %get3A = arith.constant 0 : index
    %get3A_0 = arith.constant 0 : index
    %get3A_1 = vector.load %arg3[%get3A, %get3A_0] : memref<1000x1xf32, #tpu.memory_space<vmem>>, vector<1000x1xf32>
    %get3A_2 = arith.constant 0 : index
    %get3A_3 = arith.constant 0 : index
    %get3A_4 = arith.constant 0 : index
    %get3A_5 = vector.load %arg1[%get3A_2, %get3A_3, %get3A_4] : memref<1x1000x128xf32, #tpu.memory_space<vmem>>, vector<1x1000x128xf32>
    %get3A_6 = vector.shape_cast %get3A_5 : vector<1x1000x128xf32> to vector<1000x128xf32>
    %get3A_7 = arith.constant 0 : index
    %get3A_8 = arith.constant 0 : index
    %get3A_9 = vector.load %arg2[%get3A_7, %get3A_8] : memref<1000x128xf32, #tpu.memory_space<vmem>>, vector<1000x128xf32>
    %add3A = arith.addf %get3A_6, %get3A_9 : vector<1000x128xf32>
    %mul3A = vector.broadcast %get3A_1 : vector<1000x1xf32> to vector<1000x128xf32>
    %mul3A_10 = arith.mulf %mul3A, %add3A : vector<1000x128xf32>
    %get3A_11 = arith.constant 0 : index
    %get3A_12 = arith.constant 0 : index
    %get3A_13 = vector.load %arg4[%get3A_11, %get3A_12] : memref<128x256xf32, #tpu.memory_space<vmem>>, vector<128x256xf32>
    %dot_general3A = arith.constant dense<0.000000e+00> : vector<1000x256xf32>
    %dot_general3A_14 = tpu.matmul %mul3A_10, %get3A_13, %dot_general3A {dimension_numbers = #tpu.dot_dimension_numbers<[1], [0], [0], [1], [0, 0, 1, 1], [], []>, transpose_lhs_hint = false} : vector<1000x128xf32>, vector<128x256xf32>, vector<1000x256xf32> -> vector<1000x256xf32>
    %get3A_15 = arith.constant 0 : index
    %get3A_16 = arith.constant 0 : index
    %get3A_17 = vector.load %arg5[%get3A_15, %get3A_16] : memref<1x256xf32, #tpu.memory_space<vmem>>, vector<1x256xf32>
    %add3A_18 = vector.broadcast %get3A_17 : vector<1x256xf32> to vector<1000x256xf32>
    %add3A_19 = arith.addf %dot_general3A_14, %add3A_18 : vector<1000x256xf32>
    %max3A = arith.constant 0.000000e+00 : f32
    %max3A_20 = vector.broadcast %max3A : f32 to vector<1000x256xf32>
    %max3A_21 = arith.maximumf %add3A_19, %max3A_20 : vector<1000x256xf32>
    %mul3A_22 = vector.broadcast %get3A_1 : vector<1000x1xf32> to vector<1000x256xf32>
    %mul3A_23 = arith.mulf %mul3A_22, %max3A_21 : vector<1000x256xf32>
    %slice3A = vector.extract_strided_slice %mul3A_23 {offsets = [0, 0], sizes = [1000, 128], strides = [1, 1]} : vector<1000x256xf32> to vector<1000x128xf32>
    %swap3A = arith.constant 0 : index
    %swap3A_24 = arith.constant 0 : index
    %swap3A_25 = vector.load %arg6[%swap3A, %swap3A_24] : memref<1000x128xf32, #tpu.memory_space<vmem>>, vector<1000x128xf32>
    tpu.vector_store %arg6[%swap3A, %swap3A_24], %slice3A {strides = array<i32>} : memref<1000x128xf32, #tpu.memory_space<vmem>>, vector<1000x128xf32>,
    %slice3A_26 = vector.extract_strided_slice %mul3A_23 {offsets = [0, 128], sizes = [1000, 128], strides = [1, 1]} : vector<1000x256xf32> to vector<1000x128xf32>
    %swap3A_27 = arith.constant 0 : index
    %swap3A_28 = arith.constant 0 : index
    %swap3A_29 = vector.load %arg7[%swap3A_27, %swap3A_28] : memref<1000x128xf32, #tpu.memory_space<vmem>>, vector<1000x128xf32>
    tpu.vector_store %arg7[%swap3A_27, %swap3A_28], %slice3A_26 {strides = array<i32>} : memref<1000x128xf32, #tpu.memory_space<vmem>>, vector<1000x128xf32>,
    return
  }
  func.func @transform_0(%arg0: i32) -> (i32, i32, i32) {
    %jit3A = arith.constant 5 : i32
    %div3A = arith.divsi %arg0, %jit3A : i32
    %sign3A = arith.constant 0 : i32
    %sign3A_0 = arith.cmpi sgt, %arg0, %sign3A : i32
    %sign3A_1 = arith.extui %sign3A_0 : i1 to i32
    %sign3A_2 = arith.constant 0 : i32
    %sign3A_3 = arith.cmpi slt, %arg0, %sign3A_2 : i32
    %sign3A_4 = arith.extui %sign3A_3 : i1 to i32
    %sign3A_5 = arith.subi %sign3A_1, %sign3A_4 : i32
    %sign3A_6 = arith.constant 0 : i32
    %sign3A_7 = arith.cmpi sgt, %jit3A, %sign3A_6 : i32
    %sign3A_8 = arith.extui %sign3A_7 : i1 to i32
    %sign3A_9 = arith.constant 0 : i32
    %sign3A_10 = arith.cmpi slt, %jit3A, %sign3A_9 : i32
    %sign3A_11 = arith.extui %sign3A_10 : i1 to i32
    %sign3A_12 = arith.subi %sign3A_8, %sign3A_11 : i32
    %ne3A = arith.cmpi ne, %sign3A_5, %sign3A_12 : i32
    %rem3A = arith.remsi %arg0, %jit3A : i32
    %ne3A_13 = arith.constant 0 : i32
    %ne3A_14 = arith.cmpi ne, %rem3A, %ne3A_13 : i32
    %and3A = arith.andi %ne3A, %ne3A_14 : i1
    %sub3A = arith.constant 1 : i32
    %sub3A_15 = arith.subi %div3A, %sub3A : i32
    %select_n3A = arith.select %and3A, %sub3A_15, %div3A : i32
    %jit3A_16 = arith.constant 5 : i32
    %eq3A = arith.constant 0 : i32
    %eq3A_17 = arith.cmpi eq, %jit3A_16, %eq3A : i32
    %jit3A_18 = arith.constant 1 : i32
    %select_n3A_19 = arith.select %eq3A_17, %jit3A_18, %jit3A_16 : i32
    %rem3A_20 = arith.remsi %arg0, %select_n3A_19 : i32
    %ne3A_21 = arith.constant 0 : i32
    %ne3A_22 = arith.cmpi ne, %rem3A_20, %ne3A_21 : i32
    %lt3A = arith.constant 0 : i32
    %lt3A_23 = arith.cmpi slt, %rem3A_20, %lt3A : i32
    %lt3A_24 = arith.constant 0 : i32
    %lt3A_25 = arith.cmpi slt, %select_n3A_19, %lt3A_24 : i32
    %ne3A_26 = arith.xori %lt3A_23, %lt3A_25 : i1
    %and3A_27 = arith.andi %ne3A_26, %ne3A_22 : i1
    %add3A = arith.addi %rem3A_20, %select_n3A_19 : i32
    %select_n3A_28 = arith.select %and3A_27, %add3A, %rem3A_20 : i32
    %c0_i32 = arith.constant 0 : i32
    %c0_i32_29 = arith.constant 0 : i32
    return %select_n3A, %select_n3A_28, %c0_i32 : i32, i32, i32
  }
  func.func @transform_1(%arg0: i32) -> (i32, i32) {
    %c0_i32 = arith.constant 0 : i32
    %c0_i32_0 = arith.constant 0 : i32
    return %arg0, %c0_i32 : i32, i32
  }
  func.func @transform_2(%arg0: i32) -> (i32, i32) {
    %c0_i32 = arith.constant 0 : i32
    %c0_i32_0 = arith.constant 0 : i32
    return %arg0, %c0_i32 : i32, i32
  }
  func.func @transform_3(%arg0: i32) -> (i32, i32) {
    %c0_i32 = arith.constant 0 : i32
    %c0_i32_0 = arith.constant 0 : i32
    %c0_i32_1 = arith.constant 0 : i32
    return %c0_i32, %c0_i32_0 : i32, i32
  }
  func.func @transform_4(%arg0: i32) -> (i32, i32) {
    %c0_i32 = arith.constant 0 : i32
    %c0_i32_0 = arith.constant 0 : i32
    %c0_i32_1 = arith.constant 0 : i32
    return %c0_i32, %c0_i32_0 : i32, i32
  }
  func.func @transform_5(%arg0: i32) -> (i32, i32) {
    %c0_i32 = arith.constant 0 : i32
    %c0_i32_0 = arith.constant 0 : i32
    return %arg0, %c0_i32 : i32, i32
  }
  func.func @transform_6(%arg0: i32) -> (i32, i32) {
    %c0_i32 = arith.constant 0 : i32
    %c0_i32_0 = arith.constant 0 : i32
    return %arg0, %c0_i32 : i32, i32
  }
}

module attributes {stable_mosaic.version = 14 : i64} {
  func.func @body(%arg0: i32, %arg1: memref<1x1000x128xf32, #tpu.memory_space<vmem>>, %arg2: memref<1x1000x128xf32, #tpu.memory_space<vmem>>, %arg3: memref<1000x128xf32, #tpu.memory_space<vmem>>, %arg4: memref<1000x128xf32, #tpu.memory_space<vmem>>, %arg5: memref<1000x1xf32, #tpu.memory_space<vmem>>, %arg6: memref<256x512xf32, #tpu.memory_space<vmem>>, %arg7: memref<1x512xf32, #tpu.memory_space<vmem>>, %arg8: memref<4x1000x128xf32, #tpu.memory_space<vmem>>) attributes {dimension_semantics = [#tpu.dimension_semantics<arbitrary>], iteration_bounds = array<i64: 10>, scalar_prefetch = 0 : i64, scratch_operands = 0 : i64, tpu.core_type = #tpu.core_type<tc>, window_params = [{transform_indices = @transform_0, window_bounds = array<i64: 1, 1000, 128>}, {transform_indices = @transform_1, window_bounds = array<i64: 1, 1000, 128>}, {transform_indices = @transform_2, window_bounds = array<i64: 1000, 128>}, {transform_indices = @transform_3, window_bounds = array<i64: 1000, 128>}, {transform_indices = @transform_4, window_bounds = array<i64: 1000, 1>}, {pipeline_mode = #tpu.pipeline_mode<synchronous>, transform_indices = @transform_5, window_bounds = array<i64: 256, 512>}, {pipeline_mode = #tpu.pipeline_mode<synchronous>, transform_indices = @transform_6, window_bounds = array<i64: 1, 512>}, {transform_indices = @transform_7, window_bounds = array<i64: 4, 1000, 128>}]} {
    %get3A = arith.constant 0 : index
    %get3A_0 = arith.constant 0 : index
    %get3A_1 = vector.load %arg5[%get3A, %get3A_0] : memref<1000x1xf32, #tpu.memory_space<vmem>>, vector<1000x1xf32>
    %get3A_2 = arith.constant 0 : index
    %get3A_3 = arith.constant 0 : index
    %get3A_4 = arith.constant 0 : index
    %get3A_5 = vector.load %arg1[%get3A_2, %get3A_3, %get3A_4] : memref<1x1000x128xf32, #tpu.memory_space<vmem>>, vector<1x1000x128xf32>
    %get3A_6 = vector.shape_cast %get3A_5 : vector<1x1000x128xf32> to vector<1000x128xf32>
    %get3A_7 = arith.constant 0 : index
    %get3A_8 = arith.constant 0 : index
    %get3A_9 = arith.constant 0 : index
    %get3A_10 = vector.load %arg2[%get3A_7, %get3A_8, %get3A_9] : memref<1x1000x128xf32, #tpu.memory_space<vmem>>, vector<1x1000x128xf32>
    %get3A_11 = vector.shape_cast %get3A_10 : vector<1x1000x128xf32> to vector<1000x128xf32>
    %concatenate3A = tpu.concatenate %get3A_6, %get3A_11 in 1 : vector<1000x128xf32>, vector<1000x128xf32> -> vector<1000x256xf32>
    %get3A_12 = arith.constant 0 : index
    %get3A_13 = arith.constant 0 : index
    %get3A_14 = vector.load %arg3[%get3A_12, %get3A_13] : memref<1000x128xf32, #tpu.memory_space<vmem>>, vector<1000x128xf32>
    %get3A_15 = arith.constant 0 : index
    %get3A_16 = arith.constant 0 : index
    %get3A_17 = vector.load %arg4[%get3A_15, %get3A_16] : memref<1000x128xf32, #tpu.memory_space<vmem>>, vector<1000x128xf32>
    %concatenate3A_18 = tpu.concatenate %get3A_14, %get3A_17 in 1 : vector<1000x128xf32>, vector<1000x128xf32> -> vector<1000x256xf32>
    %add3A = arith.addf %concatenate3A, %concatenate3A_18 : vector<1000x256xf32>
    %mul3A = vector.broadcast %get3A_1 : vector<1000x1xf32> to vector<1000x256xf32>
    %mul3A_19 = arith.mulf %mul3A, %add3A : vector<1000x256xf32>
    %get3A_20 = arith.constant 0 : index
    %get3A_21 = arith.constant 0 : index
    %get3A_22 = vector.load %arg6[%get3A_20, %get3A_21] : memref<256x512xf32, #tpu.memory_space<vmem>>, vector<256x512xf32>
    %dot_general3A = arith.constant dense<0.000000e+00> : vector<1000x512xf32>
    %dot_general3A_23 = tpu.matmul %mul3A_19, %get3A_22, %dot_general3A {dimension_numbers = #tpu.dot_dimension_numbers<[1], [0], [0], [1], [0, 0, 1, 1], [], []>, transpose_lhs_hint = false} : vector<1000x256xf32>, vector<256x512xf32>, vector<1000x512xf32> -> vector<1000x512xf32>
    %get3A_24 = arith.constant 0 : index
    %get3A_25 = arith.constant 0 : index
    %get3A_26 = vector.load %arg7[%get3A_24, %get3A_25] : memref<1x512xf32, #tpu.memory_space<vmem>>, vector<1x512xf32>
    %add3A_27 = vector.broadcast %get3A_26 : vector<1x512xf32> to vector<1000x512xf32>
    %add3A_28 = arith.addf %dot_general3A_23, %add3A_27 : vector<1000x512xf32>
    %max3A = arith.constant 0.000000e+00 : f32
    %max3A_29 = vector.broadcast %max3A : f32 to vector<1000x512xf32>
    %max3A_30 = arith.maximumf %add3A_28, %max3A_29 : vector<1000x512xf32>
    %slice3A = vector.extract_strided_slice %max3A_30 {offsets = [0, 0], sizes = [1000, 128], strides = [1, 1]} : vector<1000x512xf32> to vector<1000x128xf32>
    %slice3A_31 = vector.extract_strided_slice %max3A_30 {offsets = [0, 128], sizes = [1000, 128], strides = [1, 1]} : vector<1000x512xf32> to vector<1000x128xf32>
    %slice3A_32 = vector.extract_strided_slice %max3A_30 {offsets = [0, 256], sizes = [1000, 128], strides = [1, 1]} : vector<1000x512xf32> to vector<1000x128xf32>
    %slice3A_33 = vector.extract_strided_slice %max3A_30 {offsets = [0, 384], sizes = [1000, 128], strides = [1, 1]} : vector<1000x512xf32> to vector<1000x128xf32>
    %stack3A = vector.shape_cast %slice3A : vector<1000x128xf32> to vector<1x1000x128xf32>
    %stack3A_34 = vector.shape_cast %slice3A_31 : vector<1000x128xf32> to vector<1x1000x128xf32>
    %stack3A_35 = vector.shape_cast %slice3A_32 : vector<1000x128xf32> to vector<1x1000x128xf32>
    %stack3A_36 = vector.shape_cast %slice3A_33 : vector<1000x128xf32> to vector<1x1000x128xf32>
    %stack3A_37 = tpu.concatenate %stack3A, %stack3A_34, %stack3A_35, %stack3A_36 in 0 : vector<1x1000x128xf32>, vector<1x1000x128xf32>, vector<1x1000x128xf32>, vector<1x1000x128xf32> -> vector<4x1000x128xf32>
    %swap3A = arith.constant 0 : index
    %swap3A_38 = arith.constant 0 : index
    %swap3A_39 = arith.constant 0 : index
    %swap3A_40 = vector.load %arg8[%swap3A, %swap3A_38, %swap3A_39] : memref<4x1000x128xf32, #tpu.memory_space<vmem>>, vector<4x1000x128xf32>
    tpu.vector_store %arg8[%swap3A, %swap3A_38, %swap3A_39], %stack3A_37 {strides = array<i32>} : memref<4x1000x128xf32, #tpu.memory_space<vmem>>, vector<4x1000x128xf32>,
    return
  }
  func.func @transform_0(%arg0: i32) -> (i32, i32, i32) {
    %jit3A = arith.constant 5 : i32
    %div3A = arith.divsi %arg0, %jit3A : i32
    %sign3A = arith.constant 0 : i32
    %sign3A_0 = arith.cmpi sgt, %arg0, %sign3A : i32
    %sign3A_1 = arith.extui %sign3A_0 : i1 to i32
    %sign3A_2 = arith.constant 0 : i32
    %sign3A_3 = arith.cmpi slt, %arg0, %sign3A_2 : i32
    %sign3A_4 = arith.extui %sign3A_3 : i1 to i32
    %sign3A_5 = arith.subi %sign3A_1, %sign3A_4 : i32
    %sign3A_6 = arith.constant 0 : i32
    %sign3A_7 = arith.cmpi sgt, %jit3A, %sign3A_6 : i32
    %sign3A_8 = arith.extui %sign3A_7 : i1 to i32
    %sign3A_9 = arith.constant 0 : i32
    %sign3A_10 = arith.cmpi slt, %jit3A, %sign3A_9 : i32
    %sign3A_11 = arith.extui %sign3A_10 : i1 to i32
    %sign3A_12 = arith.subi %sign3A_8, %sign3A_11 : i32
    %ne3A = arith.cmpi ne, %sign3A_5, %sign3A_12 : i32
    %rem3A = arith.remsi %arg0, %jit3A : i32
    %ne3A_13 = arith.constant 0 : i32
    %ne3A_14 = arith.cmpi ne, %rem3A, %ne3A_13 : i32
    %and3A = arith.andi %ne3A, %ne3A_14 : i1
    %sub3A = arith.constant 1 : i32
    %sub3A_15 = arith.subi %div3A, %sub3A : i32
    %select_n3A = arith.select %and3A, %sub3A_15, %div3A : i32
    %jit3A_16 = arith.constant 5 : i32
    %eq3A = arith.constant 0 : i32
    %eq3A_17 = arith.cmpi eq, %jit3A_16, %eq3A : i32
    %jit3A_18 = arith.constant 1 : i32
    %select_n3A_19 = arith.select %eq3A_17, %jit3A_18, %jit3A_16 : i32
    %rem3A_20 = arith.remsi %arg0, %select_n3A_19 : i32
    %ne3A_21 = arith.constant 0 : i32
    %ne3A_22 = arith.cmpi ne, %rem3A_20, %ne3A_21 : i32
    %lt3A = arith.constant 0 : i32
    %lt3A_23 = arith.cmpi slt, %rem3A_20, %lt3A : i32
    %lt3A_24 = arith.constant 0 : i32
    %lt3A_25 = arith.cmpi slt, %select_n3A_19, %lt3A_24 : i32
    %ne3A_26 = arith.xori %lt3A_23, %lt3A_25 : i1
    %and3A_27 = arith.andi %ne3A_26, %ne3A_22 : i1
    %add3A = arith.addi %rem3A_20, %select_n3A_19 : i32
    %select_n3A_28 = arith.select %and3A_27, %add3A, %rem3A_20 : i32
    %c0_i32 = arith.constant 0 : i32
    %c0_i32_29 = arith.constant 0 : i32
    return %select_n3A, %select_n3A_28, %c0_i32 : i32, i32, i32
  }
  func.func @transform_1(%arg0: i32) -> (i32, i32, i32) {
    %jit3A = arith.constant 5 : i32
    %div3A = arith.divsi %arg0, %jit3A : i32
    %sign3A = arith.constant 0 : i32
    %sign3A_0 = arith.cmpi sgt, %arg0, %sign3A : i32
    %sign3A_1 = arith.extui %sign3A_0 : i1 to i32
    %sign3A_2 = arith.constant 0 : i32
    %sign3A_3 = arith.cmpi slt, %arg0, %sign3A_2 : i32
    %sign3A_4 = arith.extui %sign3A_3 : i1 to i32
    %sign3A_5 = arith.subi %sign3A_1, %sign3A_4 : i32
    %sign3A_6 = arith.constant 0 : i32
    %sign3A_7 = arith.cmpi sgt, %jit3A, %sign3A_6 : i32
    %sign3A_8 = arith.extui %sign3A_7 : i1 to i32
    %sign3A_9 = arith.constant 0 : i32
    %sign3A_10 = arith.cmpi slt, %jit3A, %sign3A_9 : i32
    %sign3A_11 = arith.extui %sign3A_10 : i1 to i32
    %sign3A_12 = arith.subi %sign3A_8, %sign3A_11 : i32
    %ne3A = arith.cmpi ne, %sign3A_5, %sign3A_12 : i32
    %rem3A = arith.remsi %arg0, %jit3A : i32
    %ne3A_13 = arith.constant 0 : i32
    %ne3A_14 = arith.cmpi ne, %rem3A, %ne3A_13 : i32
    %and3A = arith.andi %ne3A, %ne3A_14 : i1
    %sub3A = arith.constant 1 : i32
    %sub3A_15 = arith.subi %div3A, %sub3A : i32
    %select_n3A = arith.select %and3A, %sub3A_15, %div3A : i32
    %jit3A_16 = arith.constant 5 : i32
    %eq3A = arith.constant 0 : i32
    %eq3A_17 = arith.cmpi eq, %jit3A_16, %eq3A : i32
    %jit3A_18 = arith.constant 1 : i32
    %select_n3A_19 = arith.select %eq3A_17, %jit3A_18, %jit3A_16 : i32
    %rem3A_20 = arith.remsi %arg0, %select_n3A_19 : i32
    %ne3A_21 = arith.constant 0 : i32
    %ne3A_22 = arith.cmpi ne, %rem3A_20, %ne3A_21 : i32
    %lt3A = arith.constant 0 : i32
    %lt3A_23 = arith.cmpi slt, %rem3A_20, %lt3A : i32
    %lt3A_24 = arith.constant 0 : i32
    %lt3A_25 = arith.cmpi slt, %select_n3A_19, %lt3A_24 : i32
    %ne3A_26 = arith.xori %lt3A_23, %lt3A_25 : i1
    %and3A_27 = arith.andi %ne3A_26, %ne3A_22 : i1
    %add3A = arith.addi %rem3A_20, %select_n3A_19 : i32
    %select_n3A_28 = arith.select %and3A_27, %add3A, %rem3A_20 : i32
    %c0_i32 = arith.constant 0 : i32
    %c0_i32_29 = arith.constant 0 : i32
    return %select_n3A, %select_n3A_28, %c0_i32 : i32, i32, i32
  }
  func.func @transform_2(%arg0: i32) -> (i32, i32) {
    %c0_i32 = arith.constant 0 : i32
    %c0_i32_0 = arith.constant 0 : i32
    return %arg0, %c0_i32 : i32, i32
  }
  func.func @transform_3(%arg0: i32) -> (i32, i32) {
    %c0_i32 = arith.constant 0 : i32
    %c0_i32_0 = arith.constant 0 : i32
    return %arg0, %c0_i32 : i32, i32
  }
  func.func @transform_4(%arg0: i32) -> (i32, i32) {
    %c0_i32 = arith.constant 0 : i32
    %c0_i32_0 = arith.constant 0 : i32
    return %arg0, %c0_i32 : i32, i32
  }
  func.func @transform_5(%arg0: i32) -> (i32, i32) {
    %c0_i32 = arith.constant 0 : i32
    %c0_i32_0 = arith.constant 0 : i32
    %c0_i32_1 = arith.constant 0 : i32
    return %c0_i32, %c0_i32_0 : i32, i32
  }
  func.func @transform_6(%arg0: i32) -> (i32, i32) {
    %c0_i32 = arith.constant 0 : i32
    %c0_i32_0 = arith.constant 0 : i32
    %c0_i32_1 = arith.constant 0 : i32
    return %c0_i32, %c0_i32_0 : i32, i32
  }
  func.func @transform_7(%arg0: i32) -> (i32, i32, i32) {
    %c0_i32 = arith.constant 0 : i32
    %c0_i32_0 = arith.constant 0 : i32
    %c0_i32_1 = arith.constant 0 : i32
    return %c0_i32, %arg0, %c0_i32_0 : i32, i32, i32
  }
}

module attributes {stable_mosaic.version = 14 : i64} {
  func.func @body(%arg0: memref<32x128x128xf32, #tpu.memory_space<vmem>>, %arg1: memref<512x1024xf32, #tpu.memory_space<vmem>>, %arg2: memref<1x1024xf32, #tpu.memory_space<vmem>>, %arg3: memref<1024x128xf32, #tpu.memory_space<vmem>>, %arg4: memref<1x128xf32, #tpu.memory_space<vmem>>, %arg5: memref<128x128xf32, #tpu.memory_space<vmem>>) attributes {dimension_semantics = [], scalar_prefetch = 0 : i64, scratch_operands = 0 : i64, tpu.core_type = #tpu.core_type<tc>} {
    %get3A = arith.constant 0 : index
    %get3A_0 = arith.constant 0 : index
    %get3A_1 = arith.constant 0 : index
    %get3A_2 = vector.load %arg0[%get3A, %get3A_0, %get3A_1] : memref<32x128x128xf32, #tpu.memory_space<vmem>>, vector<32x128x128xf32>
    %slice3A = vector.extract_strided_slice %get3A_2 {offsets = [0, 0, 0], sizes = [8, 128, 128], strides = [1, 1, 1]} : vector<32x128x128xf32> to vector<8x128x128xf32>
    %reduce_max3A = arith.constant dense<0xFF800000> : vector<128x128xf32>
    %reduce_max3A_3 = vector.multi_reduction <maximumf>, %slice3A, %reduce_max3A [0] : vector<8x128x128xf32> to vector<128x128xf32>
    %slice3A_4 = vector.extract_strided_slice %get3A_2 {offsets = [8, 0, 0], sizes = [8, 128, 128], strides = [1, 1, 1]} : vector<32x128x128xf32> to vector<8x128x128xf32>
    %reduce_max3A_5 = arith.constant dense<0xFF800000> : vector<128x128xf32>
    %reduce_max3A_6 = vector.multi_reduction <maximumf>, %slice3A_4, %reduce_max3A_5 [0] : vector<8x128x128xf32> to vector<128x128xf32>
    %slice3A_7 = vector.extract_strided_slice %get3A_2 {offsets = [16, 0, 0], sizes = [8, 128, 128], strides = [1, 1, 1]} : vector<32x128x128xf32> to vector<8x128x128xf32>
    %reduce_max3A_8 = arith.constant dense<0xFF800000> : vector<128x128xf32>
    %reduce_max3A_9 = vector.multi_reduction <maximumf>, %slice3A_7, %reduce_max3A_8 [0] : vector<8x128x128xf32> to vector<128x128xf32>
    %slice3A_10 = vector.extract_strided_slice %get3A_2 {offsets = [24, 0, 0], sizes = [8, 128, 128], strides = [1, 1, 1]} : vector<32x128x128xf32> to vector<8x128x128xf32>
    %reduce_max3A_11 = arith.constant dense<0xFF800000> : vector<128x128xf32>
    %reduce_max3A_12 = vector.multi_reduction <maximumf>, %slice3A_10, %reduce_max3A_11 [0] : vector<8x128x128xf32> to vector<128x128xf32>
    %concatenate3A = tpu.concatenate %reduce_max3A_3, %reduce_max3A_6, %reduce_max3A_9, %reduce_max3A_12 in 1 : vector<128x128xf32>, vector<128x128xf32>, vector<128x128xf32>, vector<128x128xf32> -> vector<128x512xf32>
    %get3A_13 = arith.constant 0 : index
    %get3A_14 = arith.constant 0 : index
    %get3A_15 = vector.load %arg1[%get3A_13, %get3A_14] : memref<512x1024xf32, #tpu.memory_space<vmem>>, vector<512x1024xf32>
    %dot_general3A = arith.constant dense<0.000000e+00> : vector<128x1024xf32>
    %dot_general3A_16 = tpu.matmul %concatenate3A, %get3A_15, %dot_general3A {dimension_numbers = #tpu.dot_dimension_numbers<[1], [0], [0], [1], [0, 0, 1, 1], [], []>, transpose_lhs_hint = false} : vector<128x512xf32>, vector<512x1024xf32>, vector<128x1024xf32> -> vector<128x1024xf32>
    %get3A_17 = arith.constant 0 : index
    %get3A_18 = arith.constant 0 : index
    %get3A_19 = vector.load %arg2[%get3A_17, %get3A_18] : memref<1x1024xf32, #tpu.memory_space<vmem>>, vector<1x1024xf32>
    %add3A = vector.broadcast %get3A_19 : vector<1x1024xf32> to vector<128x1024xf32>
    %add3A_20 = arith.addf %dot_general3A_16, %add3A : vector<128x1024xf32>
    %max3A = arith.constant 0.000000e+00 : f32
    %max3A_21 = vector.broadcast %max3A : f32 to vector<128x1024xf32>
    %max3A_22 = arith.maximumf %add3A_20, %max3A_21 : vector<128x1024xf32>
    %get3A_23 = arith.constant 0 : index
    %get3A_24 = arith.constant 0 : index
    %get3A_25 = vector.load %arg3[%get3A_23, %get3A_24] : memref<1024x128xf32, #tpu.memory_space<vmem>>, vector<1024x128xf32>
    %dot_general3A_26 = arith.constant dense<0.000000e+00> : vector<128x128xf32>
    %dot_general3A_27 = tpu.matmul %max3A_22, %get3A_25, %dot_general3A_26 {dimension_numbers = #tpu.dot_dimension_numbers<[1], [0], [0], [1], [0, 0, 1, 1], [], []>, transpose_lhs_hint = false} : vector<128x1024xf32>, vector<1024x128xf32>, vector<128x128xf32> -> vector<128x128xf32>
    %get3A_28 = arith.constant 0 : index
    %get3A_29 = arith.constant 0 : index
    %get3A_30 = vector.load %arg4[%get3A_28, %get3A_29] : memref<1x128xf32, #tpu.memory_space<vmem>>, vector<1x128xf32>
    %add3A_31 = vector.broadcast %get3A_30 : vector<1x128xf32> to vector<128x128xf32>
    %add3A_32 = arith.addf %dot_general3A_27, %add3A_31 : vector<128x128xf32>
    %swap3A = arith.constant 0 : index
    %swap3A_33 = arith.constant 0 : index
    %swap3A_34 = vector.load %arg5[%swap3A, %swap3A_33] : memref<128x128xf32, #tpu.memory_space<vmem>>, vector<128x128xf32>
    tpu.vector_store %arg5[%swap3A, %swap3A_33], %add3A_32 {strides = array<i32>} : memref<128x128xf32, #tpu.memory_space<vmem>>, vector<128x128xf32>,
    return
  }
}

</mosaic_0001>

<sc_bundles>
// kernel: _impl.13.cloned.1.call-start
scs
__scs_entry_jumppad:
0x0: {  	(pc) =	sbr.rel $0x88, $3  }
0x1: {  	(tag) =	ssettag $0x0;
	lr =	simm.s32 $0x1  }
0x2: {  	[smem:$0x3F94] =	sst lr;
	_ =	strace $0xD0000000  }
0x3: {  	_ = 	snop  }
0x4: {  	_ = 	snop  }
0x5: {  	_ = 	snop  }
0x6: {  	_ = 	snop  }
0x7: {  	_ = 	snop  }
__scs_overlays_trampoline_lowered:
0x8: {  	[smem:$0x3FA3] =	sst s0  }
0x9: {  	[smem:$0x3FA4] =	sst s1  }
0xa: {  	[smem:$0x3FA5] =	sst s2  }
0xb: {  	[smem:$0x3FA6] =	sst s3  }
0xc: {  	[smem:$0x3FA7] =	sst s4  }
0xd: {  	[smem:$0x3FA8] =	sst s5  }
0xe: {  	[smem:$0x3FA9] =	sst s6  }
0xf: {  	[smem:$0x3FAA] =	sst s7  }
0x10: {  	[smem:$0x3FAB] =	sst s8  }
0x11: {  	[smem:$0x3FAC] =	sst s9;
	s0 =	simm.s32 @!p0 $0x0  }
0x12: {  	s1 =	sld [smem:$0x3F92];
	s0 =	simm.s32 @p0 $0x1  }
0x13: {  	[smem:$0x3FAD] =	sst s0;
	s0 =	simm.s32 @!p1 $0x0  }
0x14: {  	s2 =	sld [smem:$0x3F91];
	s0 =	simm.s32 @p1 $0x1  }
0x15: {  	[smem:$0x3FAE] =	sst s0;
	s0 =	simm.s32 @!p2 $0x0  }
0x16: {  	s3 =	sld [smem:$0x3FDB];
	s0 =	simm.s32 @p2 $0x1  }
0x17: {  	s4 =	simm.s32 $0x1BF5;
	[smem:$0x3FB0] =	sst s0  }
0x18: {  	s0 =	sld [smem:$0x3F93];
	_ =	swait.ge [sflag:s4], $0x0  }
0x19: {  	s7 =	sld [smem:$0x3F94]  }
0x1a: {  	s8 =	sadd.s32 $0xFFFFE003, lr  }
0x1b: {  	s9 =	sadd.s32 $0xFFFFFEF7, lr;
	s5 =	simm.s32 $0xFFFFFFFF;
	p2 =	slt.u32 s8, $0xFFFFF086  }
0x1c: {  	p1 =	slt.u32 s9, $0xF7A;
	s5 =	simm.s32 @!p2 $0x0  }
0x1d: {  	s5 =	simm.s32 @p1 $0x1;
	p0 =	seq.s32 s7, s2  }
0x1e: {  	s7 =	smul.u32 @!p0 $0xF7A, s2;
	p2 =	seq.s32 @!p0 s5, $0x0  }
0x1f: {  	s9 =	smul.u32 $0xF7A, s1;
	s8 =	simm.s32 @!p0 $0x1BF5;
	p2 =	por !p2, p0  }
0x20: {  	[sflag:s8] =	ssyncset.s32 @!p0 $0xFFFFF086;
	s6 =	sadd.s32 @!p0 s3, s7;
	s7 =	simm.s32 @!p0 $0x108  }
0x21: {  	s3 =	sadd.s32 s3, s9;
	s6 =	sadd.s32 @!p0 $0x88, s6;
	s7 =	simm.s32 @p2 $0x1082  }
0x22: {  	[simem:s7], [sflag:s8] =	dma.local @!p0 [hbm:s6], $0xF7A  }
0x23: {  	s9 =	sor.u32 $0xD0000000, s2;
	s6 =	simm.s32 $0x108;
	_ =	swait.ge @!p0 [sflag:s8], $0x0  }
0x24: {  	s3 =	sadd.s32 $0x88, s3;
	s6 =	simm.s32 @!p1 $0x1082;
	[sflag:s4] =	ssyncset.s32 $0xFFFFF086  }
0x25: {  	[simem:s6], [sflag:s4] =	dma.local [hbm:s3], $0xF7A  }
0x26: {  	[smem:$0x3F94] =	sst s1;
	(tag) =	ssettag s2;
	_ =	strace s9  }
0x27: {  	s1 =	sld [smem:$0x3FA4]  }
0x28: {  	s2 =	sld [smem:$0x3FA5]  }
0x29: {  	s4 =	sld [smem:$0x3FA7]  }
0x2a: {  	p0 =	seq.s32 s5, $0x0;
	s5 =	sld [smem:$0x3FA8]  }
0x2b: {  	s6 =	sld [smem:$0x3FA9]  }
0x2c: {  	s7 =	sld [smem:$0x3FAA]  }
0x2d: {  	s3 =	simm.s32 $0x108;
	s8 =	sld [smem:$0x3FAB]  }
0x2e: {  	s3 =	simm.s32 @!p0 $0x1082;
	s9 =	sld [smem:$0x3FAC]  }
0x2f: {  	lr =	sadd.s32 s0, s3;
	s0 =	sld [smem:$0x3FA3]  }
0x30: {  	s3 =	sld [smem:$0x3FA6]  }
0x31: {  	[smem:$0x3FAF] =	sst s10  }
0x32: {  	s10 =	sld [smem:$0x3FAD];
	_ =	sdelay $0x3  }
0x33: {  	p0 =	seq.s32 s10, $0x1;
	s10 =	sld [smem:$0x3FAF];
	_ =	sdelay $0x3  }
0x34: {  	[smem:$0x3FAF] =	sst s10  }
0x35: {  	s10 =	sld [smem:$0x3FAE];
	_ =	sdelay $0x3  }
0x36: {  	p1 =	seq.s32 s10, $0x1;
	s10 =	sld [smem:$0x3FAF];
	_ =	sdelay $0x3  }
0x37: {  	[smem:$0x3FAF] =	sst s10  }
0x38: {  	s10 =	sld [smem:$0x3FB0]  }
0x39: {  	_ = 	snop;
	(pc) =	sbr.ind lr, $3  }
0x3a: {  	_ = 	snop  }
0x3b: {  	_ = 	snop  }
0x3c: {  	p2 =	seq.s32 s10, $0x1;
	s10 =	sld [smem:$0x3FAF]  }
0x3d: {  	_ =	shalt  }
0x3e: {  	_ =	shalt  }
0x3f: {  	_ =	shalt  }
0x40: {  	_ =	shalt  }
0x41: {  	_ =	shalt  }
0x42: {  	_ =	shalt  }
0x43: {  	_ =	shalt  }
0x44: {  	_ =	shalt  }
0x45: {  	_ =	shalt  }
0x46: {  	_ =	shalt  }
0x47: {  	_ =	shalt  }
0x48: {  	_ =	shalt  }
0x49: {  	_ =	shalt  }
0x4a: {  	_ =	shalt  }
0x4b: {  	_ =	shalt  }
0x4c: {  	_ =	shalt  }
0x4d: {  	_ =	shalt  }
0x4e: {  	_ =	shalt  }
0x4f: {  	_ =	shalt  }
0x50: {  	_ =	shalt  }
0x51: {  	_ =	shalt  }
0x52: {  	_ =	shalt  }
0x53: {  	_ =	shalt  }
0x54: {  	_ =	shalt  }
0x55: {  	_ =	shalt  }
0x56: {  	_ =	shalt  }
0x57: {  	_ =	shalt  }
0x58: {  	_ =	shalt  }
0x59: {  	_ =	shalt  }
0x5a: {  	_ =	shalt  }
0x5b: {  	_ =	shalt  }
0x5c: {  	_ =	shalt  }
0x5d: {  	_ =	shalt  }
0x5e: {  	_ =	shalt  }
0x5f: {  	_ =	shalt  }
0x60: {  	_ =	shalt  }
0x61: {  	_ =	shalt  }
0x62: {  	_ =	shalt  }
0x63: {  	_ =	shalt  }
0x64: {  	_ =	shalt  }
0x65: {  	_ =	shalt  }
0x66: {  	_ =	shalt  }
0x67: {  	_ =	shalt  }
0x68: {  	_ =	shalt  }
0x69: {  	_ =	shalt  }
0x6a: {  	_ =	shalt  }
0x6b: {  	_ =	shalt  }
0x6c: {  	_ =	shalt  }
0x6d: {  	_ =	shalt  }
0x6e: {  	_ =	shalt  }
0x6f: {  	_ =	shalt  }
0x70: {  	_ =	shalt  }
0x71: {  	_ =	shalt  }
0x72: {  	_ =	shalt  }
0x73: {  	_ =	shalt  }
0x74: {  	_ =	shalt  }
0x75: {  	_ =	shalt  }
0x76: {  	_ =	shalt  }
0x77: {  	_ =	shalt  }
0x78: {  	_ =	shalt  }
0x79: {  	_ =	shalt  }
0x7a: {  	_ =	shalt  }
0x7b: {  	_ =	shalt  }
0x7c: {  	_ =	shalt  }
0x7d: {  	_ =	shalt  }
0x7e: {  	_ =	shalt  }
0x7f: {  	_ =	shalt  }
0x80: {  	_ =	shalt  }
0x81: {  	_ =	shalt  }
0x82: {  	_ =	shalt  }
0x83: {  	_ =	shalt  }
0x84: {  	_ =	shalt  }
0x85: {  	_ =	shalt  }
0x86: {  	_ =	shalt  }
0x87: {  	_ =	shalt  }
.Lfunc_end0:
.L_simem_size_0:
called_computation_lowered:
.L_overlay_start_0:
0x88: {  	s2 =	sld [smem:$0x3FD9]  }
0x89: {  	s3 =	sld [smem:$0x3FFE];
	_ =	sdelay $0x1  }
0x8a: {  	s1 =	srdreg.scid  }
0x8b: {  	s0 =	sand.u32 $0x1, s1  }
0x8c: {  	s17 =	sshll.u32 s0, $0xA;
	s2 =	sadd.s32 s3, s2  }
0x8d: {  	s2 =	sadd.s32 s2, s17  }
0x8e: {  	[smem:$0x3FBB] =	sst s2  }
0x8f: {  	_ = 	snop  }
0x90: {  	s2 =	sld [smem:$0x3FD0];
	(tm) =	ssettm $0x1  }
0x91: {  	s18 =	sld [smem:$0x3FFB];
	_ =	sdelay $0x3  }
0x92: {  	_ =	strace s18  }
0x93: {  	s3 =	sld [smem:$0x3FFC];
	_ =	sdelay $0x3  }
0x94: {  	_ =	strace s3  }
0x95: {  	s3 =	sld [smem:$0x3FFD];
	_ =	sdelay $0x3  }
0x96: {  	_ =	strace s3  }
0x97: {  	_ =	strace $0x8FFFFFFF  }
0x98: {  	s19 =	sld [smem:$0x3FDB];
	_ =	sdelay $0x1  }
0x99: {  	s4 =	simm.s32 $_scs_section_size  }
0x9a: {  	s5 =	simm.s32 $_size__tile_overlayer_lowered;
	s6 =	simm.s32 $_tile_overlayer_lowered  }
0x9b: {  	s22 =	simm.s32 $0x1BFF;
	s21 =	sshll.u32 s6, $0x1;
	s3 =	sadd.s32 s4, s19  }
0x9c: {  	s7 =	simm.s32 $0x0;
	s20 =	sshll.u32 s5, $0x1;
	s5 =	sadd.s32 s21, s3  }
0x9d: {  	[timem:s7], [sflag:s22] =	dma.local [hbm:s5], s20  }
0x9e: {  	_ =	swait.ge [sflag:s22], s20  }
0x9f: {  	s4 =	ssub.s32 $0x0, s20;
	[sflag:s22] =	ssyncset.done $0x0  }
0xa0: {  	[sflag:s22] =	ssyncadd.s32 s4;
	_ =	sdelay $0x1  }
0xa1: {  	s23 =	simm.s32 $0x1B8B  }
0xa2: {  	_ =	swait.ge [sflag:s23], $0x1  }
0xa3: {  	[sflag:s23] =	ssyncset.done $0x0  }
0xa4: {  	s25 =	simm.s32 $0x1B8E;
	s24 =	sld [smem:$0x3FFE];
	[sflag:s23] =	ssyncadd.s32 $0xFFFFFFFF  }
0xa5: {  	s26 =	simm.s32 $execute0_lowered;
	[smem:$0x3FD2] =	sst s25  }
0xa6: {  	s5 =	sshll.u32 s26, $0x1;
	_ =	strace $0x80000046;
	[dreg:$0x1] =	wrdreg $0xFFFFFFFF  }
0xa7: {  	s28 =	simm.s32 $_size_execute0_lowered;
	s3 =	sadd.s32 s3, s5;
	[dreg:$0x0] =	wrdreg $0x0  }
0xa8: {  	s5 =	sshll.u32 s28, $0x1;
	[dreg:$0x2] =	wrdreg s3  }
0xa9: {  	[dreg:$0x3] =	wrdreg s5  }
0xaa: {  	[dreg:$0x4] =	wrdreg $0xC0  }
0xab: {  	_ =	task [dreg:s7], $0x5FFFF  }
0xac: {  	[dreg:$0x1] =	wrdreg $0xFFFFFFFF  }
0xad: {  	[dreg:$0x0] =	wrdreg $0x60  }
0xae: {  	[dreg:$0x2] =	wrdreg s24  }
0xaf: {  	[dreg:$0x3] =	wrdreg s2  }
0xb0: {  	[dreg:$0x4] =	wrdreg $0x134000  }
0xb1: {  	[dreg:$0x5] =	wrdreg $0x9  }
0xb2: {  	_ =	task.clear_ibuf [dreg:s7], $0x6FFFF;
	_ =	strace $0x90000046  }
0xb3: {  	s29 =	simm.s32 $0x9;
	_ =	strace $0x80000048  }
0xb4: {  	_ =	swait.ge [sflag:s29], $0x1  }
0xb5: {  	[sflag:s29] =	ssyncadd.s32 $0xFFFFFFFF  }
0xb6: {  	_ =	strace $0x90000048  }
0xb7: {  	_ =	sfence  }
0xb8: {  	s30 =	sld [smem:$0x0];
	_ =	sdelay $0x2  }
0xb9: {  	s31 =	sshll.u32 s1, $0xD;
	s1 =	sshrl.u32 s1, $0x2  }
0xba: {  	s3 =	sand.u32 $0x4000, s31;
	s1 =	sadd.s32 s1, s30  }
0xbb: {  	s0 =	sor.u32 s3, s0;
	s1 =	sshll.u32 s1, $0x11  }
0xbc: {  	s0 =	sor.u32 s1, s0  }
0xbd: {  	s0 =	sadd.s32 $0x8F2B, s0  }
0xbe: {  	[sflag:s0] =	ssyncadd.remote.s32 $0x1  }
0xbf: {  	_ =	sfence.sel $0xFFFF  }
0xc0: {  	[dreg:$0x0] =	wrdreg $0xFFFFFFFF;
	(pc) =	sbr.abs _section_cstart, $3  }
0xc1: {  	[dreg:$0x1] =	wrdreg $0xFFFFFFFF  }
0xc2: {  	_ =	task.clear_ibuf [dreg:s7], $0x2FFFF;
	_ =	strace $0x9FFFFFFF  }
0xc3: {  	(tm) =	ssettm $0x7FFFFFFF  }
tec
execute0_lowered:
.L_overlay_start_1:
0x0: {  	(tag) =	ssettag $0x1  }
0x1: {  	s0 =	rddreg [dreg:$0x0]  }
0x2: {  	s3 =	rddreg [dreg:$0x2];
	s4 =	simm.s32 $0x0  }
0x3: {  	s24 =	stileid.u32;
	s1 =	srdreg.scid;
	s29 =	simm.s32 $0x3  }
0x4: {  	s31 =	simm.s32 $0x12000;
	s30 =	simm.s32 $0xE000;
	s2 =	smul.u32 $0xA00, s24  }
0x5: {  	[smem:$0x7FF] =	sst s4;
	s1 =	sand.u32 $0x1, s1;
	s8 =	smul.u32 $0x28000, s24  }
0x6: {  	s5 =	sadd.s32 $0x24200, s0;
	s19 =	smul.u32 $0xA000, s24;
	_ =	strace $0x80000047  }
0x7: {  	s6 =	ssub.s32 $0x2, s1;
	p0 =	seq.s32 s1, $0x1;
	s1 =	smul.u32 $0x9C400, s1  }
0x8: {  	s2 =	sadd.s32 s2, s0;
	s7 =	sshrl.u32 s6, $0x1;
	s0 =	sadd.s32 $0x4B400, s0  }
0x9: {  	s21 =	sshrl.u32 s8, $0x2;
	s10 =	sor.u32 $0x1400, s19;
	s22 =	sadd.s32 $0x2800, s19  }
0xa: {  	s11 =	sadd.s32 $0x3C00, s19;
	s20 =	sadd.s32 $0x5000, s19;
	s26 =	sadd.s32 $0x6400, s19  }
0xb: {  	s6 =	ssub.s32 s6, s7;
	s9 =	sadd.s32 $0x6200, s2;
	s8 =	sadd.s32 s21, s3  }
0xc: {  	s12 =	sadd.s32 s1, s19;
	s23 =	sadd.s32 s1, s22;
	s13 =	sadd.s32 s1, s11  }
0xd: {  	s14 =	sadd.s32 s1, s20;
	s15 =	sadd.s32 s1, s26;
	s7 =	sadd.s32 $0x8C00, s19  }
0xe: {  	s18 =	sadd.s32 s22, s3;
	s20 =	sadd.s32 s20, s3;
	[dreg:$0x4] =	wrdreg s9  }
0xf: {  	s6 =	smax.u32 s6, $0x1;
	s9 =	sadd.s32 s10, s3;
	s10 =	sadd.s32 s1, s10  }
0x10: {  	s12 =	sshrl.u32 s12, $0x3;
	s25 =	sshrl.u32 s13, $0x3;
	s14 =	sshrl.u32 s14, $0x3  }
0x11: {  	s15 =	sshrl.u32 s15, $0x3;
	s22 =	sadd.s32 $0x6400, s8;
	s28 =	sadd.s32 $0x8C00, s8  }
0x12: {  	[dreg:$0x5] =	wrdreg s6;
	s10 =	sshrl.u32 s10, $0x3;
	s12 =	sadd.s32 s0, s12  }
0x13: {  	s13 =	sadd.s32 s0, s25;
	s14 =	sadd.s32 s0, s14;
	s15 =	sadd.s32 s0, s15  }
0x14: {  	s6 =	simm.s32 $0x2;
	[dreg:$0x6] =	wrdreg s12;
	s10 =	sadd.s32 s0, s10  }
0x15: {  	[dreg:$0x7] =	wrdreg s10;
	s10 =	sshrl.u32 s23, $0x3;
	s23 =	sadd.s32 $0x7800, s19  }
0x16: {  	s19 =	sadd.s32 s11, s3;
	s16 =	sadd.s32 s1, s23;
	s1 =	sadd.s32 s1, s7  }
0x17: {  	s10 =	sadd.s32 s0, s10;
	s16 =	sshrl.u32 s16, $0x3;
	s1 =	sshrl.u32 s1, $0x3  }
0x18: {  	s16 =	sadd.s32 s0, s16;
	s17 =	sadd.s32 s0, s1;
	s0 =	simm.s32 $0x10200  }
0x19: {  	[dreg:$0x8] =	wrdreg s10;
	s1 =	sadd.s32 s23, s3;
	s0 =	simm.s32 @!p0 $0x1A200  }
0x1a: {  	p0 =	seq.s32 s24, $0xF;
	s21 =	sadd.s32 s0, s2;
	s0 =	sadd.s32 s26, s3  }
0x1b: {  	s2 =	sadd.s32 s7, s3;
	s24 =	sshrl.u32 @!p0 s1, $0x3;
	s26 =	sadd.s32 $0x7800, s8  }
0x1c: {  	s1 =	simm.s32 $0x1;
	s7 =	simm.s32 $0x0;
	s23 =	sshrl.u32 @!p0 s0, $0x3  }
0x1d: {  	s25 =	sshrl.u32 @!p0 s2, $0x3;
	s0 =	simm.s32 $0x7D;
	s2 =	simm.s32 $0xA000  }
.LBB2_1:
0x1e: {  	s10 =	rddreg [dreg:$0x4]  }
0x1f: {  	[tilespmem:s4], [sflag:$0x3] =	stream.linear.gather [hbm4b:s10+s4], $0x5000, $0x38;
	[tilespmem:$0x1D080] =	vst v63  }
0x20: {  	_ =	swait.ge [sflag:s29], $0x5000  }
0x21: {  	[sflag:s29] =	ssyncset.done $0x0  }
0x22: {  	s11 =	simm.s32 $0x5000;
	[sflag:s29] =	ssyncadd.s32 $0xFFFFB000  }
0x23: {  	[tilespmem:s11], [sflag:$0x3] =	stream.linear.gather [hbm4b:s21+s4], $0x5000, $0x38;
	[tilespmem:$0x1D080] =	vst v63  }
0x24: {  	_ =	swait.ge [sflag:s29], $0x5000  }
0x25: {  	[sflag:s29] =	ssyncset.done $0x0  }
0x26: {  	[sflag:s29] =	ssyncadd.s32 $0xFFFFB000  }
0x27: {  	s12 =	rddreg [dreg:$0x1]  }
0x28: {  	[tilespmem:s31], [sflag:$0x3] =	stream.linear.gather [hbm4b:s12+s4], $0x1400, $0x38;
	[tilespmem:$0x1D080] =	vst v63  }
0x29: {  	_ =	swait.ge [sflag:s29], $0x1400  }
0x2a: {  	[sflag:s29] =	ssyncset.done $0x0  }
0x2b: {  	[sflag:s29] =	ssyncadd.s32 $0xFFFFEC00  }
0x2c: {  	[spmem:s8] =	stream.linear.scatter [tilespmem:s31], [sflag:$0x3], $0x1400, $0x38;
	[tilespmem:$0x1D080] =	vst v63  }
0x2d: {  	_ =	swait.ge [sflag:s29], $0x1400  }
0x2e: {  	[sflag:s29] =	ssyncset.done $0x0  }
0x2f: {  	[sflag:s29] =	ssyncadd.s32 $0xFFFFEC00  }
0x30: {  	[spmem:s9] =	stream.linear.scatter [tilespmem:s31], [sflag:$0x3], $0x1400, $0x38;
	[tilespmem:$0x1D080] =	vst v63  }
0x31: {  	_ =	swait.ge [sflag:s29], $0x1400  }
0x32: {  	[sflag:s29] =	ssyncset.done $0x0  }
0x33: {  	[sflag:s29] =	ssyncadd.s32 $0xFFFFEC00  }
0x34: {  	[spmem:s18] =	stream.linear.scatter [tilespmem:s31], [sflag:$0x3], $0x1400, $0x38;
	[tilespmem:$0x1D080] =	vst v63  }
0x35: {  	_ =	swait.ge [sflag:s29], $0x1400  }
0x36: {  	[sflag:s29] =	ssyncset.done $0x0  }
0x37: {  	[sflag:s29] =	ssyncadd.s32 $0xFFFFEC00  }
0x38: {  	[spmem:s19] =	stream.linear.scatter [tilespmem:s31], [sflag:$0x3], $0x1400, $0x38;
	[tilespmem:$0x1D080] =	vst v63  }
0x39: {  	_ =	swait.ge [sflag:s29], $0x1400  }
0x3a: {  	[sflag:s29] =	ssyncset.done $0x0  }
0x3b: {  	[sflag:s29] =	ssyncadd.s32 $0xFFFFEC00  }
0x3c: {  	[spmem:s20] =	stream.linear.scatter [tilespmem:s31], [sflag:$0x3], $0x1400, $0x38;
	[tilespmem:$0x1D080] =	vst v63  }
0x3d: {  	_ =	swait.ge [sflag:s29], $0x1400  }
0x3e: {  	[sflag:s29] =	ssyncset.done $0x0  }
0x3f: {  	s10 =	simm.s32 @!p0 $0x12000;
	s11 =	simm.s32 @!p0 $0x3;
	[sflag:s29] =	ssyncadd.s32 $0xFFFFEC00  }
0x40: {  	[spmem:s22] =	stream.linear.scatter @!p0 [tilespmem:s10], [sflag:$0x3], $0x1400, $0x38;
	[tilespmem:$0x1D080] =	vst v63  }
0x41: {  	_ =	swait.ge @!p0 [sflag:s11], $0x1400  }
0x42: {  	[sflag:s11] =	ssyncset.done @!p0 $0x0  }
0x43: {  	[sflag:s11] =	ssyncadd.s32 @!p0 $0xFFFFEC00  }
0x44: {  	[spmem:s26] =	stream.linear.scatter @!p0 [tilespmem:s10], [sflag:$0x3], $0x1400, $0x38;
	[tilespmem:$0x1D080] =	vst v63  }
0x45: {  	_ =	swait.ge @!p0 [sflag:s11], $0x1400  }
0x46: {  	[sflag:s11] =	ssyncset.done @!p0 $0x0  }
0x47: {  	[sflag:s11] =	ssyncadd.s32 @!p0 $0xFFFFEC00  }
0x48: {  	[spmem:s28] =	stream.linear.scatter @!p0 [tilespmem:s10], [sflag:$0x3], $0x1400, $0x38;
	[tilespmem:$0x1D080] =	vst v63  }
0x49: {  	_ =	swait.ge @!p0 [sflag:s11], $0x1400  }
0x4a: {  	[sflag:s11] =	ssyncset.done @!p0 $0x0  }
0x4b: {  	[sflag:s11] =	ssyncadd.s32 @!p0 $0xFFFFEC00  }
0x4c: {  	[bflag:$0x0] =	sbarrier.arrive $0xFFFF  }
0x4d: {  	[tilespmem:s2], [sflag:$0x1] =	stream.indirect.gather [hbm4b:s5+s0], $0x80, s4, s0, $0xb8;
	[tilespmem:$0x1D080] =	vst v63  }
0x4e: {  	s11 =	simm.s32 $0x80  }
0x4f: {  	[tilespmem:s30], [sflag:$0x2] =	stream.indirect.gather [hbm4b:s5+s0], $0x80, s11, s0, $0xb8;
	[tilespmem:$0x1D080] =	vst v63  }
0x50: {  	_ =	swait.ge [sflag:s1], $0x3E80  }
0x51: {  	[sflag:s1] =	ssyncset.done $0x0  }
0x52: {  	s12 =	simm.s32 $0x5000;
	[sflag:s1] =	ssyncadd.s32 $0xFFFFC180  }
0x53: {  	[spmem:s3] =	stream.indirect.scatter.add.f32 [tilespmem:s2], [sflag:$0x3], $0x80, s12, s0, $0xb8;
	[tilespmem:$0x1D080] =	vst v63  }
0x54: {  	_ =	swait.ge [sflag:s29], $0x3E80  }
0x55: {  	[sflag:s29] =	ssyncset.done $0x0  }
0x56: {  	s11 =	simm.s32 $0x100;
	[sflag:s29] =	ssyncadd.s32 $0xFFFFC180  }
0x57: {  	[tilespmem:s2], [sflag:$0x1] =	stream.indirect.gather [hbm4b:s5+s0], $0x80, s11, s0, $0xb8;
	[tilespmem:$0x1D080] =	vst v63  }
0x58: {  	_ =	swait.ge [sflag:s6], $0x3E80  }
0x59: {  	[sflag:s6] =	ssyncset.done $0x0  }
0x5a: {  	s12 =	simm.s32 $0x5080;
	[sflag:s6] =	ssyncadd.s32 $0xFFFFC180  }
0x5b: {  	[spmem:s3] =	stream.indirect.scatter.add.f32 [tilespmem:s30], [sflag:$0x3], $0x80, s12, s0, $0xb8;
	[tilespmem:$0x1D080] =	vst v63  }
0x5c: {  	_ =	swait.ge [sflag:s29], $0x3E80  }
0x5d: {  	[sflag:s29] =	ssyncset.done $0x0  }
0x5e: {  	s10 =	simm.s32 $0x400;
	s11 =	simm.s32 $0x180;
	[sflag:s29] =	ssyncadd.s32 $0xFFFFC180  }
.LBB2_2:
0x5f: {  	[tilespmem:s30], [sflag:$0x2] =	stream.indirect.gather [hbm4b:s5+s0], $0x80, s11, s0, $0xb8;
	[tilespmem:$0x1D080] =	vst v63  }
0x60: {  	s11 =	smov.u32 s10  }
0x61: {  	p1 =	sne.s32 s10, $0x13800;
	s10 =	sadd.s32 $0x400, s10;
	_ =	swait.ge [sflag:s1], $0x3E80  }
0x62: {  	s11 =	sshra.s32 s11, $0x2;
	[sflag:s1] =	ssyncset.done $0x0  }
0x63: {  	s12 =	sadd.s32 $0x5000, s11;
	[sflag:s1] =	ssyncadd.s32 $0xFFFFC180  }
0x64: {  	[spmem:s3] =	stream.indirect.scatter.add.f32 [tilespmem:s2], [sflag:$0x3], $0x80, s12, s0, $0xb8;
	[tilespmem:$0x1D080] =	vst v63  }
0x65: {  	_ =	swait.ge [sflag:s29], $0x3E80  }
0x66: {  	[sflag:s29] =	ssyncset.done $0x0  }
0x67: {  	s12 =	sadd.s32 $0x100, s11;
	[sflag:s29] =	ssyncadd.s32 $0xFFFFC180  }
0x68: {  	[tilespmem:s2], [sflag:$0x1] =	stream.indirect.gather [hbm4b:s5+s0], $0x80, s12, s0, $0xb8;
	[tilespmem:$0x1D080] =	vst v63  }
0x69: {  	_ =	swait.ge [sflag:s6], $0x3E80  }
0x6a: {  	[sflag:s6] =	ssyncset.done $0x0  }
.Ltmp0:
0x6b: {  	s12 =	sadd.s32 $0x5080, s11;
	[sflag:s6] =	ssyncadd.s32 $0xFFFFC180;
	(pc) =	sbr.rel @p1 .LBB2_2-.Ltmp0, $4  }
0x6c: {  	[spmem:s3] =	stream.indirect.scatter.add.f32 [tilespmem:s30], [sflag:$0x3], $0x80, s12, s0, $0xb8;
	[tilespmem:$0x1D080] =	vst v63  }
0x6d: {  	_ =	swait.ge [sflag:s29], $0x3E80  }
0x6e: {  	[sflag:s29] =	ssyncset.done $0x0  }
0x6f: {  	s11 =	sadd.s32 $0x180, s11;
	[sflag:s29] =	ssyncadd.s32 $0xFFFFC180  }
0x70: {  	[tilespmem:s30], [sflag:$0x2] =	stream.indirect.gather [hbm4b:s5+s0], $0x80, s11, s0, $0xb8;
	[tilespmem:$0x1D080] =	vst v63  }
0x71: {  	_ =	swait.ge [sflag:s1], $0x3E80  }
0x72: {  	[sflag:s1] =	ssyncset.done $0x0  }
0x73: {  	s10 =	simm.s32 $0x9F00;
	[sflag:s1] =	ssyncadd.s32 $0xFFFFC180  }
0x74: {  	[spmem:s3] =	stream.indirect.scatter.add.f32 [tilespmem:s2], [sflag:$0x3], $0x80, s10, s0, $0xb8;
	[tilespmem:$0x1D080] =	vst v63  }
0x75: {  	_ =	swait.ge [sflag:s29], $0x3E80  }
0x76: {  	[sflag:s29] =	ssyncset.done $0x0  }
0x77: {  	[sflag:s29] =	ssyncadd.s32 $0xFFFFC180  }
0x78: {  	_ =	swait.ge [sflag:s6], $0x3E80  }
0x79: {  	[sflag:s6] =	ssyncset.done $0x0  }
0x7a: {  	s12 =	simm.s32 $0x9F80;
	[sflag:s6] =	ssyncadd.s32 $0xFFFFC180  }
0x7b: {  	[spmem:s3] =	stream.indirect.scatter.add.f32 [tilespmem:s30], [sflag:$0x3], $0x80, s12, s0, $0xb8;
	[tilespmem:$0x1D080] =	vst v63  }
0x7c: {  	_ =	swait.ge [sflag:s29], $0x3E80  }
0x7d: {  	[sflag:s29] =	ssyncset.done $0x0  }
0x7e: {  	s11 =	stileid.u32;
	[sflag:s29] =	ssyncadd.s32 $0xFFFFC180  }
0x7f: {  	s10 =	sshll.u32 s11, $0x6;
	[bflag:$0x0] =	sbarrier.arrive $0xFFFF  }
0x80: {  	s11 =	sshrl.u32 s8, $0x3;
	s10 =	sor.u32 $0x1C03, s10;
	s12 =	rddreg [dreg:$0x6]  }
0x81: {  	[hbm:s12], [sflag:s10] =	dma.local [spmem:s11], $0x280  }
0x82: {  	_ =	swait.ge [sflag:s29], $0x280  }
0x83: {  	[sflag:s29] =	ssyncset.done $0x0  }
0x84: {  	s11 =	sshrl.u32 s9, $0x3;
	s12 =	rddreg [dreg:$0x7];
	[sflag:s29] =	ssyncadd.s32 $0xFFFFFD80  }
0x85: {  	[hbm:s12], [sflag:s10] =	dma.local [spmem:s11], $0x280  }
0x86: {  	_ =	swait.ge [sflag:s29], $0x280  }
0x87: {  	[sflag:s29] =	ssyncset.done $0x0  }
0x88: {  	s11 =	sshrl.u32 s18, $0x3;
	s12 =	rddreg [dreg:$0x8];
	[sflag:s29] =	ssyncadd.s32 $0xFFFFFD80  }
0x89: {  	[hbm:s12], [sflag:s10] =	dma.local [spmem:s11], $0x280  }
0x8a: {  	_ =	swait.ge [sflag:s29], $0x280  }
0x8b: {  	[sflag:s29] =	ssyncset.done $0x0  }
0x8c: {  	s12 =	sshrl.u32 s19, $0x3;
	[sflag:s29] =	ssyncadd.s32 $0xFFFFFD80  }
0x8d: {  	[hbm:s13], [sflag:s10] =	dma.local [spmem:s12], $0x280  }
0x8e: {  	_ =	swait.ge [sflag:s29], $0x280  }
0x8f: {  	[sflag:s29] =	ssyncset.done $0x0  }
0x90: {  	s12 =	sshrl.u32 s20, $0x3;
	[sflag:s29] =	ssyncadd.s32 $0xFFFFFD80  }
0x91: {  	[hbm:s14], [sflag:s10] =	dma.local [spmem:s12], $0x280  }
0x92: {  	_ =	swait.ge [sflag:s29], $0x280  }
0x93: {  	[sflag:s29] =	ssyncset.done $0x0  }
0x94: {  	s11 =	simm.s32 @!p0 $0x3;
	[sflag:s29] =	ssyncadd.s32 $0xFFFFFD80  }
0x95: {  	[hbm:s15], [sflag:s10] =	dma.local @!p0 [spmem:s23], $0x280  }
0x96: {  	_ =	swait.ge @!p0 [sflag:s11], $0x280  }
0x97: {  	[sflag:s11] =	ssyncset.done @!p0 $0x0  }
0x98: {  	[sflag:s11] =	ssyncadd.s32 @!p0 $0xFFFFFD80  }
0x99: {  	[hbm:s16], [sflag:s10] =	dma.local @!p0 [spmem:s24], $0x280  }
0x9a: {  	_ =	swait.ge @!p0 [sflag:s11], $0x280  }
0x9b: {  	[sflag:s11] =	ssyncset.done @!p0 $0x0  }
0x9c: {  	[sflag:s11] =	ssyncadd.s32 @!p0 $0xFFFFFD80  }
0x9d: {  	[hbm:s17], [sflag:s10] =	dma.local @!p0 [spmem:s25], $0x280  }
0x9e: {  	_ =	swait.ge @!p0 [sflag:s11], $0x280  }
0x9f: {  	s7 =	sadd.s32 $0x1, s7;
	s12 =	rddreg [dreg:$0x5]  }
0xa0: {  	p1 =	sne.s32 s7, s12  }
.Ltmp1:
0xa1: {  	_ = 	snop;
	(pc) =	sbr.rel @p1 .LBB2_1-.Ltmp1, $3  }
0xa2: {  	_ =	sdelay $0x1  }
0xa3: {  	[sflag:s11] =	ssyncset.done @!p0 $0x0  }
0xa4: {  	[sflag:s11] =	ssyncadd.s32 @!p0 $0xFFFFFD80  }
0xa5: {  	_ =	sfence.sel $0x180000  }
0xa6: {  	[bflag:$0x0] =	sbarrier.arrive $0xFFFF  }
0xa7: {  	_ =	strace $0x90000047  }
0xa8: {  	s0 =	stileid.u32;
	[bflag:$0x2] =	sbarrier.arrive $0xFFFF  }
0xa9: {  	p0 =	sne.s32 s0, $0x0;
	s0 =	rddreg [dreg:$0x3]  }
0xaa: {  	s0 =	sadd.s32 @!p0 $0x100000, s0  }
0xab: {  	[sflag:s0] =	ssyncadd.tile.s32 @!p0 $0x1;
	_ =	shalt  }
.Lfunc_end2:
_tile_overlayer_lowered:
.L_overlay_start_2:
0xac: {  	(tag) =	ssettag $0x2  }
0xad: {  	s0 =	rddreg [dreg:$0x0];
	s2 =	stileid.u32  }
0xae: {  	s1 =	rddreg [dreg:$0x1];
	p0 =	sne.s32 s2, $0x0  }
0xaf: {  	s3 =	rddreg [dreg:$0x2];
	[bflag:$0x3] =	sbarrier.arrive $0xFFFF;
	s2 =	simm.s32 @!p0 $0x1C03  }
0xb0: {  	[timem:s3], [sflag:s2] =	dma.local @!p0 [hbm:s0], s1  }
0xb1: {  	s0 =	simm.s32 @!p0 $0x3  }
0xb2: {  	_ =	swait.ge @!p0 [sflag:s0], s1  }
0xb3: {  	s1 =	ssub.s32 @!p0 $0x0, s1;
	[sflag:s0] =	ssyncset.done @!p0 $0x0  }
0xb4: {  	[sflag:s0] =	ssyncadd.s32 @!p0 s1  }
0xb5: {  	[bflag:$0x3] =	sbarrier.arrive $0xFFFF  }
0xb6: {  	_ =	shalt  }

// kernel: _impl.16.cloned.1.call-start
scs
__scs_entry_jumppad:
0x0: {  	(pc) =	sbr.rel $0x88, $3  }
0x1: {  	(tag) =	ssettag $0x0;
	lr =	simm.s32 $0x1  }
0x2: {  	[smem:$0x3F94] =	sst lr;
	_ =	strace $0xD0000000  }
0x3: {  	_ = 	snop  }
0x4: {  	_ = 	snop  }
0x5: {  	_ = 	snop  }
0x6: {  	_ = 	snop  }
0x7: {  	_ = 	snop  }
__scs_overlays_trampoline_lowered:
0x8: {  	[smem:$0x3FA3] =	sst s0  }
0x9: {  	[smem:$0x3FA4] =	sst s1  }
0xa: {  	[smem:$0x3FA5] =	sst s2  }
0xb: {  	[smem:$0x3FA6] =	sst s3  }
0xc: {  	[smem:$0x3FA7] =	sst s4  }
0xd: {  	[smem:$0x3FA8] =	sst s5  }
0xe: {  	[smem:$0x3FA9] =	sst s6  }
0xf: {  	[smem:$0x3FAA] =	sst s7  }
0x10: {  	[smem:$0x3FAB] =	sst s8  }
0x11: {  	[smem:$0x3FAC] =	sst s9;
	s0 =	simm.s32 @!p0 $0x0  }
0x12: {  	s1 =	sld [smem:$0x3F92];
	s0 =	simm.s32 @p0 $0x1  }
0x13: {  	[smem:$0x3FAD] =	sst s0;
	s0 =	simm.s32 @!p1 $0x0  }
0x14: {  	s2 =	sld [smem:$0x3F91];
	s0 =	simm.s32 @p1 $0x1  }
0x15: {  	[smem:$0x3FAE] =	sst s0;
	s0 =	simm.s32 @!p2 $0x0  }
0x16: {  	s3 =	sld [smem:$0x3FDB];
	s0 =	simm.s32 @p2 $0x1  }
0x17: {  	s4 =	simm.s32 $0x1BF5;
	[smem:$0x3FB0] =	sst s0  }
0x18: {  	s0 =	sld [smem:$0x3F93];
	_ =	swait.ge [sflag:s4], $0x0  }
0x19: {  	s7 =	sld [smem:$0x3F94]  }
0x1a: {  	s8 =	sadd.s32 $0xFFFFE003, lr  }
0x1b: {  	s9 =	sadd.s32 $0xFFFFFEF7, lr;
	s5 =	simm.s32 $0xFFFFFFFF;
	p2 =	slt.u32 s8, $0xFFFFF086  }
0x1c: {  	p1 =	slt.u32 s9, $0xF7A;
	s5 =	simm.s32 @!p2 $0x0  }
0x1d: {  	s5 =	simm.s32 @p1 $0x1;
	p0 =	seq.s32 s7, s2  }
0x1e: {  	s7 =	smul.u32 @!p0 $0xF7A, s2;
	p2 =	seq.s32 @!p0 s5, $0x0  }
0x1f: {  	s9 =	smul.u32 $0xF7A, s1;
	s8 =	simm.s32 @!p0 $0x1BF5;
	p2 =	por !p2, p0  }
0x20: {  	[sflag:s8] =	ssyncset.s32 @!p0 $0xFFFFF086;
	s6 =	sadd.s32 @!p0 s3, s7;
	s7 =	simm.s32 @!p0 $0x108  }
0x21: {  	s3 =	sadd.s32 s3, s9;
	s6 =	sadd.s32 @!p0 $0x88, s6;
	s7 =	simm.s32 @p2 $0x1082  }
0x22: {  	[simem:s7], [sflag:s8] =	dma.local @!p0 [hbm:s6], $0xF7A  }
0x23: {  	s9 =	sor.u32 $0xD0000000, s2;
	s6 =	simm.s32 $0x108;
	_ =	swait.ge @!p0 [sflag:s8], $0x0  }
0x24: {  	s3 =	sadd.s32 $0x88, s3;
	s6 =	simm.s32 @!p1 $0x1082;
	[sflag:s4] =	ssyncset.s32 $0xFFFFF086  }
0x25: {  	[simem:s6], [sflag:s4] =	dma.local [hbm:s3], $0xF7A  }
0x26: {  	[smem:$0x3F94] =	sst s1;
	(tag) =	ssettag s2;
	_ =	strace s9  }
0x27: {  	s1 =	sld [smem:$0x3FA4]  }
0x28: {  	s2 =	sld [smem:$0x3FA5]  }
0x29: {  	s4 =	sld [smem:$0x3FA7]  }
0x2a: {  	p0 =	seq.s32 s5, $0x0;
	s5 =	sld [smem:$0x3FA8]  }
0x2b: {  	s6 =	sld [smem:$0x3FA9]  }
0x2c: {  	s7 =	sld [smem:$0x3FAA]  }
0x2d: {  	s3 =	simm.s32 $0x108;
	s8 =	sld [smem:$0x3FAB]  }
0x2e: {  	s3 =	simm.s32 @!p0 $0x1082;
	s9 =	sld [smem:$0x3FAC]  }
0x2f: {  	lr =	sadd.s32 s0, s3;
	s0 =	sld [smem:$0x3FA3]  }
0x30: {  	s3 =	sld [smem:$0x3FA6]  }
0x31: {  	[smem:$0x3FAF] =	sst s10  }
0x32: {  	s10 =	sld [smem:$0x3FAD];
	_ =	sdelay $0x3  }
0x33: {  	p0 =	seq.s32 s10, $0x1;
	s10 =	sld [smem:$0x3FAF];
	_ =	sdelay $0x3  }
0x34: {  	[smem:$0x3FAF] =	sst s10  }
0x35: {  	s10 =	sld [smem:$0x3FAE];
	_ =	sdelay $0x3  }
0x36: {  	p1 =	seq.s32 s10, $0x1;
	s10 =	sld [smem:$0x3FAF];
	_ =	sdelay $0x3  }
0x37: {  	[smem:$0x3FAF] =	sst s10  }
0x38: {  	s10 =	sld [smem:$0x3FB0]  }
0x39: {  	_ = 	snop;
	(pc) =	sbr.ind lr, $3  }
0x3a: {  	_ = 	snop  }
0x3b: {  	_ = 	snop  }
0x3c: {  	p2 =	seq.s32 s10, $0x1;
	s10 =	sld [smem:$0x3FAF]  }
0x3d: {  	_ =	shalt  }
0x3e: {  	_ =	shalt  }
0x3f: {  	_ =	shalt  }
0x40: {  	_ =	shalt  }
0x41: {  	_ =	shalt  }
0x42: {  	_ =	shalt  }
0x43: {  	_ =	shalt  }
0x44: {  	_ =	shalt  }
0x45: {  	_ =	shalt  }
0x46: {  	_ =	shalt  }
0x47: {  	_ =	shalt  }
0x48: {  	_ =	shalt  }
0x49: {  	_ =	shalt  }
0x4a: {  	_ =	shalt  }
0x4b: {  	_ =	shalt  }
0x4c: {  	_ =	shalt  }
0x4d: {  	_ =	shalt  }
0x4e: {  	_ =	shalt  }
0x4f: {  	_ =	shalt  }
0x50: {  	_ =	shalt  }
0x51: {  	_ =	shalt  }
0x52: {  	_ =	shalt  }
0x53: {  	_ =	shalt  }
0x54: {  	_ =	shalt  }
0x55: {  	_ =	shalt  }
0x56: {  	_ =	shalt  }
0x57: {  	_ =	shalt  }
0x58: {  	_ =	shalt  }
0x59: {  	_ =	shalt  }
0x5a: {  	_ =	shalt  }
0x5b: {  	_ =	shalt  }
0x5c: {  	_ =	shalt  }
0x5d: {  	_ =	shalt  }
0x5e: {  	_ =	shalt  }
0x5f: {  	_ =	shalt  }
0x60: {  	_ =	shalt  }
0x61: {  	_ =	shalt  }
0x62: {  	_ =	shalt  }
0x63: {  	_ =	shalt  }
0x64: {  	_ =	shalt  }
0x65: {  	_ =	shalt  }
0x66: {  	_ =	shalt  }
0x67: {  	_ =	shalt  }
0x68: {  	_ =	shalt  }
0x69: {  	_ =	shalt  }
0x6a: {  	_ =	shalt  }
0x6b: {  	_ =	shalt  }
0x6c: {  	_ =	shalt  }
0x6d: {  	_ =	shalt  }
0x6e: {  	_ =	shalt  }
0x6f: {  	_ =	shalt  }
0x70: {  	_ =	shalt  }
0x71: {  	_ =	shalt  }
0x72: {  	_ =	shalt  }
0x73: {  	_ =	shalt  }
0x74: {  	_ =	shalt  }
0x75: {  	_ =	shalt  }
0x76: {  	_ =	shalt  }
0x77: {  	_ =	shalt  }
0x78: {  	_ =	shalt  }
0x79: {  	_ =	shalt  }
0x7a: {  	_ =	shalt  }
0x7b: {  	_ =	shalt  }
0x7c: {  	_ =	shalt  }
0x7d: {  	_ =	shalt  }
0x7e: {  	_ =	shalt  }
0x7f: {  	_ =	shalt  }
0x80: {  	_ =	shalt  }
0x81: {  	_ =	shalt  }
0x82: {  	_ =	shalt  }
0x83: {  	_ =	shalt  }
0x84: {  	_ =	shalt  }
0x85: {  	_ =	shalt  }
0x86: {  	_ =	shalt  }
0x87: {  	_ =	shalt  }
.Lfunc_end0:
.L_simem_size_0:
called_computation.1_lowered:
.L_overlay_start_0:
0x88: {  	s2 =	sld [smem:$0x3FD9]  }
0x89: {  	s3 =	sld [smem:$0x3FFE];
	_ =	sdelay $0x1  }
0x8a: {  	s1 =	srdreg.scid  }
0x8b: {  	s0 =	sand.u32 $0x1, s1  }
0x8c: {  	s17 =	sshll.u32 s0, $0xA;
	s2 =	sadd.s32 s3, s2  }
0x8d: {  	s2 =	sadd.s32 s2, s17  }
0x8e: {  	[smem:$0x3FBB] =	sst s2  }
0x8f: {  	_ = 	snop  }
0x90: {  	s2 =	sld [smem:$0x3FD0];
	(tm) =	ssettm $0x1  }
0x91: {  	s18 =	sld [smem:$0x3FFB];
	_ =	sdelay $0x3  }
0x92: {  	_ =	strace s18  }
0x93: {  	s3 =	sld [smem:$0x3FFC];
	_ =	sdelay $0x3  }
0x94: {  	_ =	strace s3  }
0x95: {  	s3 =	sld [smem:$0x3FFD];
	_ =	sdelay $0x3  }
0x96: {  	_ =	strace s3  }
0x97: {  	_ =	strace $0x8FFFFFFF  }
0x98: {  	s19 =	sld [smem:$0x3FDB];
	_ =	sdelay $0x1  }
0x99: {  	s4 =	simm.s32 $_scs_section_size  }
0x9a: {  	s5 =	simm.s32 $_size__tile_overlayer_lowered;
	s6 =	simm.s32 $_tile_overlayer_lowered  }
0x9b: {  	s22 =	simm.s32 $0x1BFF;
	s21 =	sshll.u32 s6, $0x1;
	s3 =	sadd.s32 s4, s19  }
0x9c: {  	s7 =	simm.s32 $0x0;
	s20 =	sshll.u32 s5, $0x1;
	s5 =	sadd.s32 s21, s3  }
0x9d: {  	[timem:s7], [sflag:s22] =	dma.local [hbm:s5], s20  }
0x9e: {  	_ =	swait.ge [sflag:s22], s20  }
0x9f: {  	s4 =	ssub.s32 $0x0, s20;
	[sflag:s22] =	ssyncset.done $0x0  }
0xa0: {  	[sflag:s22] =	ssyncadd.s32 s4;
	_ =	sdelay $0x1  }
0xa1: {  	s23 =	simm.s32 $0x1B8B  }
0xa2: {  	_ =	swait.ge [sflag:s23], $0x1  }
0xa3: {  	[sflag:s23] =	ssyncset.done $0x0  }
0xa4: {  	s25 =	simm.s32 $0x1B8E;
	s24 =	sld [smem:$0x3FFE];
	[sflag:s23] =	ssyncadd.s32 $0xFFFFFFFF  }
0xa5: {  	s26 =	simm.s32 $execute0_lowered;
	[smem:$0x3FD2] =	sst s25  }
0xa6: {  	s5 =	sshll.u32 s26, $0x1;
	_ =	strace $0x80000049;
	[dreg:$0x1] =	wrdreg $0xFFFFFFFF  }
0xa7: {  	s28 =	simm.s32 $_size_execute0_lowered;
	s3 =	sadd.s32 s3, s5;
	[dreg:$0x0] =	wrdreg $0x0  }
0xa8: {  	s5 =	sshll.u32 s28, $0x1;
	[dreg:$0x2] =	wrdreg s3  }
0xa9: {  	[dreg:$0x3] =	wrdreg s5  }
0xaa: {  	[dreg:$0x4] =	wrdreg $0xC0  }
0xab: {  	_ =	task [dreg:s7], $0x5FFFF  }
0xac: {  	[dreg:$0x1] =	wrdreg $0xFFFFFFFF  }
0xad: {  	[dreg:$0x0] =	wrdreg $0x60  }
0xae: {  	[dreg:$0x2] =	wrdreg s24  }
0xaf: {  	[dreg:$0x3] =	wrdreg s2  }
0xb0: {  	[dreg:$0x4] =	wrdreg $0x134000  }
0xb1: {  	[dreg:$0x5] =	wrdreg $0x9  }
0xb2: {  	_ =	task.clear_ibuf [dreg:s7], $0x6FFFF;
	_ =	strace $0x90000049  }
0xb3: {  	s29 =	simm.s32 $0x9;
	_ =	strace $0x8000004B  }
0xb4: {  	_ =	swait.ge [sflag:s29], $0x1  }
0xb5: {  	[sflag:s29] =	ssyncadd.s32 $0xFFFFFFFF  }
0xb6: {  	_ =	strace $0x9000004B  }
0xb7: {  	_ =	sfence  }
0xb8: {  	s30 =	sld [smem:$0x0];
	_ =	sdelay $0x2  }
0xb9: {  	s31 =	sshll.u32 s1, $0xD;
	s1 =	sshrl.u32 s1, $0x2  }
0xba: {  	s3 =	sand.u32 $0x4000, s31;
	s1 =	sadd.s32 s1, s30  }
0xbb: {  	s0 =	sor.u32 s3, s0;
	s1 =	sshll.u32 s1, $0x11  }
0xbc: {  	s0 =	sor.u32 s1, s0  }
0xbd: {  	s0 =	sadd.s32 $0x8F2B, s0  }
0xbe: {  	[sflag:s0] =	ssyncadd.remote.s32 $0x1  }
0xbf: {  	_ =	sfence.sel $0xFFFF  }
0xc0: {  	[dreg:$0x0] =	wrdreg $0xFFFFFFFF;
	(pc) =	sbr.abs _section_cstart, $3  }
0xc1: {  	[dreg:$0x1] =	wrdreg $0xFFFFFFFF  }
0xc2: {  	_ =	task.clear_ibuf [dreg:s7], $0x2FFFF;
	_ =	strace $0x9FFFFFFF  }
0xc3: {  	(tm) =	ssettm $0x7FFFFFFF  }
tec
execute0_lowered:
.L_overlay_start_1:
0x0: {  	(tag) =	ssettag $0x1  }
0x1: {  	s0 =	rddreg [dreg:$0x0]  }
0x2: {  	s3 =	rddreg [dreg:$0x2];
	s4 =	simm.s32 $0x0  }
0x3: {  	s24 =	stileid.u32;
	s1 =	srdreg.scid;
	s29 =	simm.s32 $0x3  }
0x4: {  	s31 =	simm.s32 $0x12000;
	s30 =	simm.s32 $0xE000;
	s2 =	smul.u32 $0xA00, s24  }
0x5: {  	[smem:$0x7FF] =	sst s4;
	s1 =	sand.u32 $0x1, s1;
	s8 =	smul.u32 $0x28000, s24  }
0x6: {  	s5 =	sadd.s32 $0x24200, s0;
	s19 =	smul.u32 $0xA000, s24;
	_ =	strace $0x8000004A  }
0x7: {  	s6 =	ssub.s32 $0x2, s1;
	p0 =	seq.s32 s1, $0x1;
	s1 =	smul.u32 $0x9C400, s1  }
0x8: {  	s2 =	sadd.s32 s2, s0;
	s7 =	sshrl.u32 s6, $0x1;
	s0 =	sadd.s32 $0x72600, s0  }
0x9: {  	s21 =	sshrl.u32 s8, $0x2;
	s10 =	sor.u32 $0x1400, s19;
	s22 =	sadd.s32 $0x2800, s19  }
0xa: {  	s11 =	sadd.s32 $0x3C00, s19;
	s20 =	sadd.s32 $0x5000, s19;
	s26 =	sadd.s32 $0x6400, s19  }
0xb: {  	s6 =	ssub.s32 s6, s7;
	s9 =	sadd.s32 $0x6200, s2;
	s8 =	sadd.s32 s21, s3  }
0xc: {  	s12 =	sadd.s32 s1, s19;
	s23 =	sadd.s32 s1, s22;
	s13 =	sadd.s32 s1, s11  }
0xd: {  	s14 =	sadd.s32 s1, s20;
	s15 =	sadd.s32 s1, s26;
	s7 =	sadd.s32 $0x8C00, s19  }
0xe: {  	s18 =	sadd.s32 s22, s3;
	s20 =	sadd.s32 s20, s3;
	[dreg:$0x4] =	wrdreg s9  }
0xf: {  	s6 =	smax.u32 s6, $0x1;
	s9 =	sadd.s32 s10, s3;
	s10 =	sadd.s32 s1, s10  }
0x10: {  	s12 =	sshrl.u32 s12, $0x3;
	s25 =	sshrl.u32 s13, $0x3;
	s14 =	sshrl.u32 s14, $0x3  }
0x11: {  	s15 =	sshrl.u32 s15, $0x3;
	s22 =	sadd.s32 $0x6400, s8;
	s28 =	sadd.s32 $0x8C00, s8  }
0x12: {  	[dreg:$0x5] =	wrdreg s6;
	s10 =	sshrl.u32 s10, $0x3;
	s12 =	sadd.s32 s0, s12  }
0x13: {  	s13 =	sadd.s32 s0, s25;
	s14 =	sadd.s32 s0, s14;
	s15 =	sadd.s32 s0, s15  }
0x14: {  	s6 =	simm.s32 $0x2;
	[dreg:$0x6] =	wrdreg s12;
	s10 =	sadd.s32 s0, s10  }
0x15: {  	[dreg:$0x7] =	wrdreg s10;
	s10 =	sshrl.u32 s23, $0x3;
	s23 =	sadd.s32 $0x7800, s19  }
0x16: {  	s19 =	sadd.s32 s11, s3;
	s16 =	sadd.s32 s1, s23;
	s1 =	sadd.s32 s1, s7  }
0x17: {  	s10 =	sadd.s32 s0, s10;
	s16 =	sshrl.u32 s16, $0x3;
	s1 =	sshrl.u32 s1, $0x3  }
0x18: {  	s16 =	sadd.s32 s0, s16;
	s17 =	sadd.s32 s0, s1;
	s0 =	simm.s32 $0x10200  }
0x19: {  	[dreg:$0x8] =	wrdreg s10;
	s1 =	sadd.s32 s23, s3;
	s0 =	simm.s32 @!p0 $0x1A200  }
0x1a: {  	p0 =	seq.s32 s24, $0xF;
	s21 =	sadd.s32 s0, s2;
	s0 =	sadd.s32 s26, s3  }
0x1b: {  	s2 =	sadd.s32 s7, s3;
	s24 =	sshrl.u32 @!p0 s1, $0x3;
	s26 =	sadd.s32 $0x7800, s8  }
0x1c: {  	s1 =	simm.s32 $0x1;
	s7 =	simm.s32 $0x0;
	s23 =	sshrl.u32 @!p0 s0, $0x3  }
0x1d: {  	s25 =	sshrl.u32 @!p0 s2, $0x3;
	s0 =	simm.s32 $0x7D;
	s2 =	simm.s32 $0xA000  }
.LBB2_1:
0x1e: {  	s10 =	rddreg [dreg:$0x4]  }
0x1f: {  	[tilespmem:s4], [sflag:$0x3] =	stream.linear.gather [hbm4b:s10+s4], $0x5000, $0x38;
	[tilespmem:$0x1D080] =	vst v63  }
0x20: {  	_ =	swait.ge [sflag:s29], $0x5000  }
0x21: {  	[sflag:s29] =	ssyncset.done $0x0  }
0x22: {  	s11 =	simm.s32 $0x5000;
	[sflag:s29] =	ssyncadd.s32 $0xFFFFB000  }
0x23: {  	[tilespmem:s11], [sflag:$0x3] =	stream.linear.gather [hbm4b:s21+s4], $0x5000, $0x38;
	[tilespmem:$0x1D080] =	vst v63  }
0x24: {  	_ =	swait.ge [sflag:s29], $0x5000  }
0x25: {  	[sflag:s29] =	ssyncset.done $0x0  }
0x26: {  	[sflag:s29] =	ssyncadd.s32 $0xFFFFB000  }
0x27: {  	s12 =	rddreg [dreg:$0x1]  }
0x28: {  	[tilespmem:s31], [sflag:$0x3] =	stream.linear.gather [hbm4b:s12+s4], $0x1400, $0x38;
	[tilespmem:$0x1D080] =	vst v63  }
0x29: {  	_ =	swait.ge [sflag:s29], $0x1400  }
0x2a: {  	[sflag:s29] =	ssyncset.done $0x0  }
0x2b: {  	[sflag:s29] =	ssyncadd.s32 $0xFFFFEC00  }
0x2c: {  	[spmem:s8] =	stream.linear.scatter [tilespmem:s31], [sflag:$0x3], $0x1400, $0x38;
	[tilespmem:$0x1D080] =	vst v63  }
0x2d: {  	_ =	swait.ge [sflag:s29], $0x1400  }
0x2e: {  	[sflag:s29] =	ssyncset.done $0x0  }
0x2f: {  	[sflag:s29] =	ssyncadd.s32 $0xFFFFEC00  }
0x30: {  	[spmem:s9] =	stream.linear.scatter [tilespmem:s31], [sflag:$0x3], $0x1400, $0x38;
	[tilespmem:$0x1D080] =	vst v63  }
0x31: {  	_ =	swait.ge [sflag:s29], $0x1400  }
0x32: {  	[sflag:s29] =	ssyncset.done $0x0  }
0x33: {  	[sflag:s29] =	ssyncadd.s32 $0xFFFFEC00  }
0x34: {  	[spmem:s18] =	stream.linear.scatter [tilespmem:s31], [sflag:$0x3], $0x1400, $0x38;
	[tilespmem:$0x1D080] =	vst v63  }
0x35: {  	_ =	swait.ge [sflag:s29], $0x1400  }
0x36: {  	[sflag:s29] =	ssyncset.done $0x0  }
0x37: {  	[sflag:s29] =	ssyncadd.s32 $0xFFFFEC00  }
0x38: {  	[spmem:s19] =	stream.linear.scatter [tilespmem:s31], [sflag:$0x3], $0x1400, $0x38;
	[tilespmem:$0x1D080] =	vst v63  }
0x39: {  	_ =	swait.ge [sflag:s29], $0x1400  }
0x3a: {  	[sflag:s29] =	ssyncset.done $0x0  }
0x3b: {  	[sflag:s29] =	ssyncadd.s32 $0xFFFFEC00  }
0x3c: {  	[spmem:s20] =	stream.linear.scatter [tilespmem:s31], [sflag:$0x3], $0x1400, $0x38;
	[tilespmem:$0x1D080] =	vst v63  }
0x3d: {  	_ =	swait.ge [sflag:s29], $0x1400  }
0x3e: {  	[sflag:s29] =	ssyncset.done $0x0  }
0x3f: {  	s10 =	simm.s32 @!p0 $0x12000;
	s11 =	simm.s32 @!p0 $0x3;
	[sflag:s29] =	ssyncadd.s32 $0xFFFFEC00  }
0x40: {  	[spmem:s22] =	stream.linear.scatter @!p0 [tilespmem:s10], [sflag:$0x3], $0x1400, $0x38;
	[tilespmem:$0x1D080] =	vst v63  }
0x41: {  	_ =	swait.ge @!p0 [sflag:s11], $0x1400  }
0x42: {  	[sflag:s11] =	ssyncset.done @!p0 $0x0  }
0x43: {  	[sflag:s11] =	ssyncadd.s32 @!p0 $0xFFFFEC00  }
0x44: {  	[spmem:s26] =	stream.linear.scatter @!p0 [tilespmem:s10], [sflag:$0x3], $0x1400, $0x38;
	[tilespmem:$0x1D080] =	vst v63  }
0x45: {  	_ =	swait.ge @!p0 [sflag:s11], $0x1400  }
0x46: {  	[sflag:s11] =	ssyncset.done @!p0 $0x0  }
0x47: {  	[sflag:s11] =	ssyncadd.s32 @!p0 $0xFFFFEC00  }
0x48: {  	[spmem:s28] =	stream.linear.scatter @!p0 [tilespmem:s10], [sflag:$0x3], $0x1400, $0x38;
	[tilespmem:$0x1D080] =	vst v63  }
0x49: {  	_ =	swait.ge @!p0 [sflag:s11], $0x1400  }
0x4a: {  	[sflag:s11] =	ssyncset.done @!p0 $0x0  }
0x4b: {  	[sflag:s11] =	ssyncadd.s32 @!p0 $0xFFFFEC00  }
0x4c: {  	[bflag:$0x0] =	sbarrier.arrive $0xFFFF  }
0x4d: {  	[tilespmem:s2], [sflag:$0x1] =	stream.indirect.gather [hbm4b:s5+s0], $0x80, s4, s0, $0xb8;
	[tilespmem:$0x1D080] =	vst v63  }
0x4e: {  	s11 =	simm.s32 $0x80  }
0x4f: {  	[tilespmem:s30], [sflag:$0x2] =	stream.indirect.gather [hbm4b:s5+s0], $0x80, s11, s0, $0xb8;
	[tilespmem:$0x1D080] =	vst v63  }
0x50: {  	_ =	swait.ge [sflag:s1], $0x3E80  }
0x51: {  	[sflag:s1] =	ssyncset.done $0x0  }
0x52: {  	s12 =	simm.s32 $0x5000;
	[sflag:s1] =	ssyncadd.s32 $0xFFFFC180  }
0x53: {  	[spmem:s3] =	stream.indirect.scatter.add.f32 [tilespmem:s2], [sflag:$0x3], $0x80, s12, s0, $0xb8;
	[tilespmem:$0x1D080] =	vst v63  }
0x54: {  	_ =	swait.ge [sflag:s29], $0x3E80  }
0x55: {  	[sflag:s29] =	ssyncset.done $0x0  }
0x56: {  	s11 =	simm.s32 $0x100;
	[sflag:s29] =	ssyncadd.s32 $0xFFFFC180  }
0x57: {  	[tilespmem:s2], [sflag:$0x1] =	stream.indirect.gather [hbm4b:s5+s0], $0x80, s11, s0, $0xb8;
	[tilespmem:$0x1D080] =	vst v63  }
0x58: {  	_ =	swait.ge [sflag:s6], $0x3E80  }
0x59: {  	[sflag:s6] =	ssyncset.done $0x0  }
0x5a: {  	s12 =	simm.s32 $0x5080;
	[sflag:s6] =	ssyncadd.s32 $0xFFFFC180  }
0x5b: {  	[spmem:s3] =	stream.indirect.scatter.add.f32 [tilespmem:s30], [sflag:$0x3], $0x80, s12, s0, $0xb8;
	[tilespmem:$0x1D080] =	vst v63  }
0x5c: {  	_ =	swait.ge [sflag:s29], $0x3E80  }
0x5d: {  	[sflag:s29] =	ssyncset.done $0x0  }
0x5e: {  	s10 =	simm.s32 $0x400;
	s11 =	simm.s32 $0x180;
	[sflag:s29] =	ssyncadd.s32 $0xFFFFC180  }
.LBB2_2:
0x5f: {  	[tilespmem:s30], [sflag:$0x2] =	stream.indirect.gather [hbm4b:s5+s0], $0x80, s11, s0, $0xb8;
	[tilespmem:$0x1D080] =	vst v63  }
0x60: {  	s11 =	smov.u32 s10  }
0x61: {  	p1 =	sne.s32 s10, $0x13800;
	s10 =	sadd.s32 $0x400, s10;
	_ =	swait.ge [sflag:s1], $0x3E80  }
0x62: {  	s11 =	sshra.s32 s11, $0x2;
	[sflag:s1] =	ssyncset.done $0x0  }
0x63: {  	s12 =	sadd.s32 $0x5000, s11;
	[sflag:s1] =	ssyncadd.s32 $0xFFFFC180  }
0x64: {  	[spmem:s3] =	stream.indirect.scatter.add.f32 [tilespmem:s2], [sflag:$0x3], $0x80, s12, s0, $0xb8;
	[tilespmem:$0x1D080] =	vst v63  }
0x65: {  	_ =	swait.ge [sflag:s29], $0x3E80  }
0x66: {  	[sflag:s29] =	ssyncset.done $0x0  }
0x67: {  	s12 =	sadd.s32 $0x100, s11;
	[sflag:s29] =	ssyncadd.s32 $0xFFFFC180  }
0x68: {  	[tilespmem:s2], [sflag:$0x1] =	stream.indirect.gather [hbm4b:s5+s0], $0x80, s12, s0, $0xb8;
	[tilespmem:$0x1D080] =	vst v63  }
0x69: {  	_ =	swait.ge [sflag:s6], $0x3E80  }
0x6a: {  	[sflag:s6] =	ssyncset.done $0x0  }
.Ltmp0:
0x6b: {  	s12 =	sadd.s32 $0x5080, s11;
	[sflag:s6] =	ssyncadd.s32 $0xFFFFC180;
	(pc) =	sbr.rel @p1 .LBB2_2-.Ltmp0, $4  }
0x6c: {  	[spmem:s3] =	stream.indirect.scatter.add.f32 [tilespmem:s30], [sflag:$0x3], $0x80, s12, s0, $0xb8;
	[tilespmem:$0x1D080] =	vst v63  }
0x6d: {  	_ =	swait.ge [sflag:s29], $0x3E80  }
0x6e: {  	[sflag:s29] =	ssyncset.done $0x0  }
0x6f: {  	s11 =	sadd.s32 $0x180, s11;
	[sflag:s29] =	ssyncadd.s32 $0xFFFFC180  }
0x70: {  	[tilespmem:s30], [sflag:$0x2] =	stream.indirect.gather [hbm4b:s5+s0], $0x80, s11, s0, $0xb8;
	[tilespmem:$0x1D080] =	vst v63  }
0x71: {  	_ =	swait.ge [sflag:s1], $0x3E80  }
0x72: {  	[sflag:s1] =	ssyncset.done $0x0  }
0x73: {  	s10 =	simm.s32 $0x9F00;
	[sflag:s1] =	ssyncadd.s32 $0xFFFFC180  }
0x74: {  	[spmem:s3] =	stream.indirect.scatter.add.f32 [tilespmem:s2], [sflag:$0x3], $0x80, s10, s0, $0xb8;
	[tilespmem:$0x1D080] =	vst v63  }
0x75: {  	_ =	swait.ge [sflag:s29], $0x3E80  }
0x76: {  	[sflag:s29] =	ssyncset.done $0x0  }
0x77: {  	[sflag:s29] =	ssyncadd.s32 $0xFFFFC180  }
0x78: {  	_ =	swait.ge [sflag:s6], $0x3E80  }
0x79: {  	[sflag:s6] =	ssyncset.done $0x0  }
0x7a: {  	s12 =	simm.s32 $0x9F80;
	[sflag:s6] =	ssyncadd.s32 $0xFFFFC180  }
0x7b: {  	[spmem:s3] =	stream.indirect.scatter.add.f32 [tilespmem:s30], [sflag:$0x3], $0x80, s12, s0, $0xb8;
	[tilespmem:$0x1D080] =	vst v63  }
0x7c: {  	_ =	swait.ge [sflag:s29], $0x3E80  }
0x7d: {  	[sflag:s29] =	ssyncset.done $0x0  }
0x7e: {  	s11 =	stileid.u32;
	[sflag:s29] =	ssyncadd.s32 $0xFFFFC180  }
0x7f: {  	s10 =	sshll.u32 s11, $0x6;
	[bflag:$0x0] =	sbarrier.arrive $0xFFFF  }
0x80: {  	s11 =	sshrl.u32 s8, $0x3;
	s10 =	sor.u32 $0x1C03, s10;
	s12 =	rddreg [dreg:$0x6]  }
0x81: {  	[hbm:s12], [sflag:s10] =	dma.local [spmem:s11], $0x280  }
0x82: {  	_ =	swait.ge [sflag:s29], $0x280  }
0x83: {  	[sflag:s29] =	ssyncset.done $0x0  }
0x84: {  	s11 =	sshrl.u32 s9, $0x3;
	s12 =	rddreg [dreg:$0x7];
	[sflag:s29] =	ssyncadd.s32 $0xFFFFFD80  }
0x85: {  	[hbm:s12], [sflag:s10] =	dma.local [spmem:s11], $0x280  }
0x86: {  	_ =	swait.ge [sflag:s29], $0x280  }
0x87: {  	[sflag:s29] =	ssyncset.done $0x0  }
0x88: {  	s11 =	sshrl.u32 s18, $0x3;
	s12 =	rddreg [dreg:$0x8];
	[sflag:s29] =	ssyncadd.s32 $0xFFFFFD80  }
0x89: {  	[hbm:s12], [sflag:s10] =	dma.local [spmem:s11], $0x280  }
0x8a: {  	_ =	swait.ge [sflag:s29], $0x280  }
0x8b: {  	[sflag:s29] =	ssyncset.done $0x0  }
0x8c: {  	s12 =	sshrl.u32 s19, $0x3;
	[sflag:s29] =	ssyncadd.s32 $0xFFFFFD80  }
0x8d: {  	[hbm:s13], [sflag:s10] =	dma.local [spmem:s12], $0x280  }
0x8e: {  	_ =	swait.ge [sflag:s29], $0x280  }
0x8f: {  	[sflag:s29] =	ssyncset.done $0x0  }
0x90: {  	s12 =	sshrl.u32 s20, $0x3;
	[sflag:s29] =	ssyncadd.s32 $0xFFFFFD80  }
0x91: {  	[hbm:s14], [sflag:s10] =	dma.local [spmem:s12], $0x280  }
0x92: {  	_ =	swait.ge [sflag:s29], $0x280  }
0x93: {  	[sflag:s29] =	ssyncset.done $0x0  }
0x94: {  	s11 =	simm.s32 @!p0 $0x3;
	[sflag:s29] =	ssyncadd.s32 $0xFFFFFD80  }
0x95: {  	[hbm:s15], [sflag:s10] =	dma.local @!p0 [spmem:s23], $0x280  }
0x96: {  	_ =	swait.ge @!p0 [sflag:s11], $0x280  }
0x97: {  	[sflag:s11] =	ssyncset.done @!p0 $0x0  }
0x98: {  	[sflag:s11] =	ssyncadd.s32 @!p0 $0xFFFFFD80  }
0x99: {  	[hbm:s16], [sflag:s10] =	dma.local @!p0 [spmem:s24], $0x280  }
0x9a: {  	_ =	swait.ge @!p0 [sflag:s11], $0x280  }
0x9b: {  	[sflag:s11] =	ssyncset.done @!p0 $0x0  }
0x9c: {  	[sflag:s11] =	ssyncadd.s32 @!p0 $0xFFFFFD80  }
0x9d: {  	[hbm:s17], [sflag:s10] =	dma.local @!p0 [spmem:s25], $0x280  }
0x9e: {  	_ =	swait.ge @!p0 [sflag:s11], $0x280  }
0x9f: {  	s7 =	sadd.s32 $0x1, s7;
	s12 =	rddreg [dreg:$0x5]  }
0xa0: {  	p1 =	sne.s32 s7, s12  }
.Ltmp1:
0xa1: {  	_ = 	snop;
	(pc) =	sbr.rel @p1 .LBB2_1-.Ltmp1, $3  }
0xa2: {  	_ =	sdelay $0x1  }
0xa3: {  	[sflag:s11] =	ssyncset.done @!p0 $0x0  }
0xa4: {  	[sflag:s11] =	ssyncadd.s32 @!p0 $0xFFFFFD80  }
0xa5: {  	_ =	sfence.sel $0x180000  }
0xa6: {  	[bflag:$0x0] =	sbarrier.arrive $0xFFFF  }
0xa7: {  	_ =	strace $0x9000004A  }
0xa8: {  	s0 =	stileid.u32;
	[bflag:$0x2] =	sbarrier.arrive $0xFFFF  }
0xa9: {  	p0 =	sne.s32 s0, $0x0;
	s0 =	rddreg [dreg:$0x3]  }
0xaa: {  	s0 =	sadd.s32 @!p0 $0x100000, s0  }
0xab: {  	[sflag:s0] =	ssyncadd.tile.s32 @!p0 $0x1;
	_ =	shalt  }
.Lfunc_end2:
_tile_overlayer_lowered:
.L_overlay_start_2:
0xac: {  	(tag) =	ssettag $0x2  }
0xad: {  	s0 =	rddreg [dreg:$0x0];
	s2 =	stileid.u32  }
0xae: {  	s1 =	rddreg [dreg:$0x1];
	p0 =	sne.s32 s2, $0x0  }
0xaf: {  	s3 =	rddreg [dreg:$0x2];
	[bflag:$0x3] =	sbarrier.arrive $0xFFFF;
	s2 =	simm.s32 @!p0 $0x1C03  }
0xb0: {  	[timem:s3], [sflag:s2] =	dma.local @!p0 [hbm:s0], s1  }
0xb1: {  	s0 =	simm.s32 @!p0 $0x3  }
0xb2: {  	_ =	swait.ge @!p0 [sflag:s0], s1  }
0xb3: {  	s1 =	ssub.s32 @!p0 $0x0, s1;
	[sflag:s0] =	ssyncset.done @!p0 $0x0  }
0xb4: {  	[sflag:s0] =	ssyncadd.s32 @!p0 s1  }
0xb5: {  	[bflag:$0x3] =	sbarrier.arrive $0xFFFF  }
0xb6: {  	_ =	shalt  }

// kernel: _impl.19.cloned.1.call-start
scs
__scs_entry_jumppad:
0x0: {  	(pc) =	sbr.rel $0x88, $3  }
0x1: {  	(tag) =	ssettag $0x0;
	lr =	simm.s32 $0x1  }
0x2: {  	[smem:$0x3F94] =	sst lr;
	_ =	strace $0xD0000000  }
0x3: {  	_ = 	snop  }
0x4: {  	_ = 	snop  }
0x5: {  	_ = 	snop  }
0x6: {  	_ = 	snop  }
0x7: {  	_ = 	snop  }
__scs_overlays_trampoline_lowered:
0x8: {  	[smem:$0x3FA3] =	sst s0  }
0x9: {  	[smem:$0x3FA4] =	sst s1  }
0xa: {  	[smem:$0x3FA5] =	sst s2  }
0xb: {  	[smem:$0x3FA6] =	sst s3  }
0xc: {  	[smem:$0x3FA7] =	sst s4  }
0xd: {  	[smem:$0x3FA8] =	sst s5  }
0xe: {  	[smem:$0x3FA9] =	sst s6  }
0xf: {  	[smem:$0x3FAA] =	sst s7  }
0x10: {  	[smem:$0x3FAB] =	sst s8  }
0x11: {  	[smem:$0x3FAC] =	sst s9;
	s0 =	simm.s32 @!p0 $0x0  }
0x12: {  	s1 =	sld [smem:$0x3F92];
	s0 =	simm.s32 @p0 $0x1  }
0x13: {  	[smem:$0x3FAD] =	sst s0;
	s0 =	simm.s32 @!p1 $0x0  }
0x14: {  	s2 =	sld [smem:$0x3F91];
	s0 =	simm.s32 @p1 $0x1  }
0x15: {  	[smem:$0x3FAE] =	sst s0;
	s0 =	simm.s32 @!p2 $0x0  }
0x16: {  	s3 =	sld [smem:$0x3FDB];
	s0 =	simm.s32 @p2 $0x1  }
0x17: {  	s4 =	simm.s32 $0x1BF5;
	[smem:$0x3FB0] =	sst s0  }
0x18: {  	s0 =	sld [smem:$0x3F93];
	_ =	swait.ge [sflag:s4], $0x0  }
0x19: {  	s7 =	sld [smem:$0x3F94]  }
0x1a: {  	s8 =	sadd.s32 $0xFFFFE003, lr  }
0x1b: {  	s9 =	sadd.s32 $0xFFFFFEF7, lr;
	s5 =	simm.s32 $0xFFFFFFFF;
	p2 =	slt.u32 s8, $0xFFFFF086  }
0x1c: {  	p1 =	slt.u32 s9, $0xF7A;
	s5 =	simm.s32 @!p2 $0x0  }
0x1d: {  	s5 =	simm.s32 @p1 $0x1;
	p0 =	seq.s32 s7, s2  }
0x1e: {  	s7 =	smul.u32 @!p0 $0xF7A, s2;
	p2 =	seq.s32 @!p0 s5, $0x0  }
0x1f: {  	s9 =	smul.u32 $0xF7A, s1;
	s8 =	simm.s32 @!p0 $0x1BF5;
	p2 =	por !p2, p0  }
0x20: {  	[sflag:s8] =	ssyncset.s32 @!p0 $0xFFFFF086;
	s6 =	sadd.s32 @!p0 s3, s7;
	s7 =	simm.s32 @!p0 $0x108  }
0x21: {  	s3 =	sadd.s32 s3, s9;
	s6 =	sadd.s32 @!p0 $0x88, s6;
	s7 =	simm.s32 @p2 $0x1082  }
0x22: {  	[simem:s7], [sflag:s8] =	dma.local @!p0 [hbm:s6], $0xF7A  }
0x23: {  	s9 =	sor.u32 $0xD0000000, s2;
	s6 =	simm.s32 $0x108;
	_ =	swait.ge @!p0 [sflag:s8], $0x0  }
0x24: {  	s3 =	sadd.s32 $0x88, s3;
	s6 =	simm.s32 @!p1 $0x1082;
	[sflag:s4] =	ssyncset.s32 $0xFFFFF086  }
0x25: {  	[simem:s6], [sflag:s4] =	dma.local [hbm:s3], $0xF7A  }
0x26: {  	[smem:$0x3F94] =	sst s1;
	(tag) =	ssettag s2;
	_ =	strace s9  }
0x27: {  	s1 =	sld [smem:$0x3FA4]  }
0x28: {  	s2 =	sld [smem:$0x3FA5]  }
0x29: {  	s4 =	sld [smem:$0x3FA7]  }
0x2a: {  	p0 =	seq.s32 s5, $0x0;
	s5 =	sld [smem:$0x3FA8]  }
0x2b: {  	s6 =	sld [smem:$0x3FA9]  }
0x2c: {  	s7 =	sld [smem:$0x3FAA]  }
0x2d: {  	s3 =	simm.s32 $0x108;
	s8 =	sld [smem:$0x3FAB]  }
0x2e: {  	s3 =	simm.s32 @!p0 $0x1082;
	s9 =	sld [smem:$0x3FAC]  }
0x2f: {  	lr =	sadd.s32 s0, s3;
	s0 =	sld [smem:$0x3FA3]  }
0x30: {  	s3 =	sld [smem:$0x3FA6]  }
0x31: {  	[smem:$0x3FAF] =	sst s10  }
0x32: {  	s10 =	sld [smem:$0x3FAD];
	_ =	sdelay $0x3  }
0x33: {  	p0 =	seq.s32 s10, $0x1;
	s10 =	sld [smem:$0x3FAF];
	_ =	sdelay $0x3  }
0x34: {  	[smem:$0x3FAF] =	sst s10  }
0x35: {  	s10 =	sld [smem:$0x3FAE];
	_ =	sdelay $0x3  }
0x36: {  	p1 =	seq.s32 s10, $0x1;
	s10 =	sld [smem:$0x3FAF];
	_ =	sdelay $0x3  }
0x37: {  	[smem:$0x3FAF] =	sst s10  }
0x38: {  	s10 =	sld [smem:$0x3FB0]  }
0x39: {  	_ = 	snop;
	(pc) =	sbr.ind lr, $3  }
0x3a: {  	_ = 	snop  }
0x3b: {  	_ = 	snop  }
0x3c: {  	p2 =	seq.s32 s10, $0x1;
	s10 =	sld [smem:$0x3FAF]  }
0x3d: {  	_ =	shalt  }
0x3e: {  	_ =	shalt  }
0x3f: {  	_ =	shalt  }
0x40: {  	_ =	shalt  }
0x41: {  	_ =	shalt  }
0x42: {  	_ =	shalt  }
0x43: {  	_ =	shalt  }
0x44: {  	_ =	shalt  }
0x45: {  	_ =	shalt  }
0x46: {  	_ =	shalt  }
0x47: {  	_ =	shalt  }
0x48: {  	_ =	shalt  }
0x49: {  	_ =	shalt  }
0x4a: {  	_ =	shalt  }
0x4b: {  	_ =	shalt  }
0x4c: {  	_ =	shalt  }
0x4d: {  	_ =	shalt  }
0x4e: {  	_ =	shalt  }
0x4f: {  	_ =	shalt  }
0x50: {  	_ =	shalt  }
0x51: {  	_ =	shalt  }
0x52: {  	_ =	shalt  }
0x53: {  	_ =	shalt  }
0x54: {  	_ =	shalt  }
0x55: {  	_ =	shalt  }
0x56: {  	_ =	shalt  }
0x57: {  	_ =	shalt  }
0x58: {  	_ =	shalt  }
0x59: {  	_ =	shalt  }
0x5a: {  	_ =	shalt  }
0x5b: {  	_ =	shalt  }
0x5c: {  	_ =	shalt  }
0x5d: {  	_ =	shalt  }
0x5e: {  	_ =	shalt  }
0x5f: {  	_ =	shalt  }
0x60: {  	_ =	shalt  }
0x61: {  	_ =	shalt  }
0x62: {  	_ =	shalt  }
0x63: {  	_ =	shalt  }
0x64: {  	_ =	shalt  }
0x65: {  	_ =	shalt  }
0x66: {  	_ =	shalt  }
0x67: {  	_ =	shalt  }
0x68: {  	_ =	shalt  }
0x69: {  	_ =	shalt  }
0x6a: {  	_ =	shalt  }
0x6b: {  	_ =	shalt  }
0x6c: {  	_ =	shalt  }
0x6d: {  	_ =	shalt  }
0x6e: {  	_ =	shalt  }
0x6f: {  	_ =	shalt  }
0x70: {  	_ =	shalt  }
0x71: {  	_ =	shalt  }
0x72: {  	_ =	shalt  }
0x73: {  	_ =	shalt  }
0x74: {  	_ =	shalt  }
0x75: {  	_ =	shalt  }
0x76: {  	_ =	shalt  }
0x77: {  	_ =	shalt  }
0x78: {  	_ =	shalt  }
0x79: {  	_ =	shalt  }
0x7a: {  	_ =	shalt  }
0x7b: {  	_ =	shalt  }
0x7c: {  	_ =	shalt  }
0x7d: {  	_ =	shalt  }
0x7e: {  	_ =	shalt  }
0x7f: {  	_ =	shalt  }
0x80: {  	_ =	shalt  }
0x81: {  	_ =	shalt  }
0x82: {  	_ =	shalt  }
0x83: {  	_ =	shalt  }
0x84: {  	_ =	shalt  }
0x85: {  	_ =	shalt  }
0x86: {  	_ =	shalt  }
0x87: {  	_ =	shalt  }
.Lfunc_end0:
.L_simem_size_0:
called_computation.2_lowered:
.L_overlay_start_0:
0x88: {  	s2 =	sld [smem:$0x3FD9]  }
0x89: {  	s3 =	sld [smem:$0x3FFE];
	_ =	sdelay $0x1  }
0x8a: {  	s1 =	srdreg.scid  }
0x8b: {  	s0 =	sand.u32 $0x1, s1  }
0x8c: {  	s17 =	sshll.u32 s0, $0xA;
	s2 =	sadd.s32 s3, s2  }
0x8d: {  	s2 =	sadd.s32 s2, s17  }
0x8e: {  	[smem:$0x3FBB] =	sst s2  }
0x8f: {  	_ = 	snop  }
0x90: {  	s2 =	sld [smem:$0x3FD0];
	(tm) =	ssettm $0x1  }
0x91: {  	s18 =	sld [smem:$0x3FFB];
	_ =	sdelay $0x3  }
0x92: {  	_ =	strace s18  }
0x93: {  	s3 =	sld [smem:$0x3FFC];
	_ =	sdelay $0x3  }
0x94: {  	_ =	strace s3  }
0x95: {  	s3 =	sld [smem:$0x3FFD];
	_ =	sdelay $0x3  }
0x96: {  	_ =	strace s3  }
0x97: {  	_ =	strace $0x8FFFFFFF  }
0x98: {  	s19 =	sld [smem:$0x3FDB];
	_ =	sdelay $0x1  }
0x99: {  	s4 =	simm.s32 $_scs_section_size  }
0x9a: {  	s5 =	simm.s32 $_size__tile_overlayer_lowered;
	s6 =	simm.s32 $_tile_overlayer_lowered  }
0x9b: {  	s22 =	simm.s32 $0x1BFF;
	s21 =	sshll.u32 s6, $0x1;
	s3 =	sadd.s32 s4, s19  }
0x9c: {  	s7 =	simm.s32 $0x0;
	s20 =	sshll.u32 s5, $0x1;
	s5 =	sadd.s32 s21, s3  }
0x9d: {  	[timem:s7], [sflag:s22] =	dma.local [hbm:s5], s20  }
0x9e: {  	_ =	swait.ge [sflag:s22], s20  }
0x9f: {  	s4 =	ssub.s32 $0x0, s20;
	[sflag:s22] =	ssyncset.done $0x0  }
0xa0: {  	[sflag:s22] =	ssyncadd.s32 s4;
	_ =	sdelay $0x1  }
0xa1: {  	s23 =	simm.s32 $0x1B8B  }
0xa2: {  	_ =	swait.ge [sflag:s23], $0x1  }
0xa3: {  	[sflag:s23] =	ssyncset.done $0x0  }
0xa4: {  	s25 =	simm.s32 $0x1B8E;
	s24 =	sld [smem:$0x3FFE];
	[sflag:s23] =	ssyncadd.s32 $0xFFFFFFFF  }
0xa5: {  	s26 =	simm.s32 $execute0_lowered;
	[smem:$0x3FD2] =	sst s25  }
0xa6: {  	s5 =	sshll.u32 s26, $0x1;
	_ =	strace $0x8000004C;
	[dreg:$0x1] =	wrdreg $0xFFFFFFFF  }
0xa7: {  	s28 =	simm.s32 $_size_execute0_lowered;
	s3 =	sadd.s32 s3, s5;
	[dreg:$0x0] =	wrdreg $0x0  }
0xa8: {  	s5 =	sshll.u32 s28, $0x1;
	[dreg:$0x2] =	wrdreg s3  }
0xa9: {  	[dreg:$0x3] =	wrdreg s5  }
0xaa: {  	[dreg:$0x4] =	wrdreg $0xC0  }
0xab: {  	_ =	task [dreg:s7], $0x5FFFF  }
0xac: {  	[dreg:$0x1] =	wrdreg $0xFFFFFFFF  }
0xad: {  	[dreg:$0x0] =	wrdreg $0x60  }
0xae: {  	[dreg:$0x2] =	wrdreg s24  }
0xaf: {  	[dreg:$0x3] =	wrdreg s2  }
0xb0: {  	[dreg:$0x4] =	wrdreg $0x134000  }
0xb1: {  	[dreg:$0x5] =	wrdreg $0x9  }
0xb2: {  	_ =	task.clear_ibuf [dreg:s7], $0x6FFFF;
	_ =	strace $0x9000004C  }
0xb3: {  	s29 =	simm.s32 $0x9;
	_ =	strace $0x8000004E  }
0xb4: {  	_ =	swait.ge [sflag:s29], $0x1  }
0xb5: {  	[sflag:s29] =	ssyncadd.s32 $0xFFFFFFFF  }
0xb6: {  	_ =	strace $0x9000004E  }
0xb7: {  	_ =	sfence  }
0xb8: {  	s30 =	sld [smem:$0x0];
	_ =	sdelay $0x2  }
0xb9: {  	s31 =	sshll.u32 s1, $0xD;
	s1 =	sshrl.u32 s1, $0x2  }
0xba: {  	s3 =	sand.u32 $0x4000, s31;
	s1 =	sadd.s32 s1, s30  }
0xbb: {  	s0 =	sor.u32 s3, s0;
	s1 =	sshll.u32 s1, $0x11  }
0xbc: {  	s0 =	sor.u32 s1, s0  }
0xbd: {  	s0 =	sadd.s32 $0x8F2B, s0  }
0xbe: {  	[sflag:s0] =	ssyncadd.remote.s32 $0x1  }
0xbf: {  	_ =	sfence.sel $0xFFFF  }
0xc0: {  	[dreg:$0x0] =	wrdreg $0xFFFFFFFF;
	(pc) =	sbr.abs _section_cstart, $3  }
0xc1: {  	[dreg:$0x1] =	wrdreg $0xFFFFFFFF  }
0xc2: {  	_ =	task.clear_ibuf [dreg:s7], $0x2FFFF;
	_ =	strace $0x9FFFFFFF  }
0xc3: {  	(tm) =	ssettm $0x7FFFFFFF  }
tec
execute0_lowered:
.L_overlay_start_1:
0x0: {  	(tag) =	ssettag $0x1  }
0x1: {  	s0 =	rddreg [dreg:$0x0]  }
0x2: {  	s3 =	rddreg [dreg:$0x2];
	s4 =	simm.s32 $0x0  }
0x3: {  	s24 =	stileid.u32;
	s1 =	srdreg.scid;
	s29 =	simm.s32 $0x3  }
0x4: {  	s31 =	simm.s32 $0x12000;
	s30 =	simm.s32 $0xE000;
	s2 =	smul.u32 $0xA00, s24  }
0x5: {  	[smem:$0x7FF] =	sst s4;
	s1 =	sand.u32 $0x1, s1;
	s8 =	smul.u32 $0x28000, s24  }
0x6: {  	s5 =	sadd.s32 $0x24200, s0;
	s19 =	smul.u32 $0xA000, s24;
	_ =	strace $0x8000004D  }
0x7: {  	s6 =	ssub.s32 $0x2, s1;
	p0 =	seq.s32 s1, $0x1;
	s1 =	smul.u32 $0x9C400, s1  }
0x8: {  	s2 =	sadd.s32 s2, s0;
	s7 =	sshrl.u32 s6, $0x1;
	s0 =	sadd.s32 $0x72600, s0  }
0x9: {  	s21 =	sshrl.u32 s8, $0x2;
	s10 =	sor.u32 $0x1400, s19;
	s22 =	sadd.s32 $0x2800, s19  }
0xa: {  	s11 =	sadd.s32 $0x3C00, s19;
	s20 =	sadd.s32 $0x5000, s19;
	s26 =	sadd.s32 $0x6400, s19  }
0xb: {  	s6 =	ssub.s32 s6, s7;
	s9 =	sadd.s32 $0x6200, s2;
	s8 =	sadd.s32 s21, s3  }
0xc: {  	s12 =	sadd.s32 s1, s19;
	s23 =	sadd.s32 s1, s22;
	s13 =	sadd.s32 s1, s11  }
0xd: {  	s14 =	sadd.s32 s1, s20;
	s15 =	sadd.s32 s1, s26;
	s7 =	sadd.s32 $0x8C00, s19  }
0xe: {  	s18 =	sadd.s32 s22, s3;
	s20 =	sadd.s32 s20, s3;
	[dreg:$0x4] =	wrdreg s9  }
0xf: {  	s6 =	smax.u32 s6, $0x1;
	s9 =	sadd.s32 s10, s3;
	s10 =	sadd.s32 s1, s10  }
0x10: {  	s12 =	sshrl.u32 s12, $0x3;
	s25 =	sshrl.u32 s13, $0x3;
	s14 =	sshrl.u32 s14, $0x3  }
0x11: {  	s15 =	sshrl.u32 s15, $0x3;
	s22 =	sadd.s32 $0x6400, s8;
	s28 =	sadd.s32 $0x8C00, s8  }
0x12: {  	[dreg:$0x5] =	wrdreg s6;
	s10 =	sshrl.u32 s10, $0x3;
	s12 =	sadd.s32 s0, s12  }
0x13: {  	s13 =	sadd.s32 s0, s25;
	s14 =	sadd.s32 s0, s14;
	s15 =	sadd.s32 s0, s15  }
0x14: {  	s6 =	simm.s32 $0x2;
	[dreg:$0x6] =	wrdreg s12;
	s10 =	sadd.s32 s0, s10  }
0x15: {  	[dreg:$0x7] =	wrdreg s10;
	s10 =	sshrl.u32 s23, $0x3;
	s23 =	sadd.s32 $0x7800, s19  }
0x16: {  	s19 =	sadd.s32 s11, s3;
	s16 =	sadd.s32 s1, s23;
	s1 =	sadd.s32 s1, s7  }
0x17: {  	s10 =	sadd.s32 s0, s10;
	s16 =	sshrl.u32 s16, $0x3;
	s1 =	sshrl.u32 s1, $0x3  }
0x18: {  	s16 =	sadd.s32 s0, s16;
	s17 =	sadd.s32 s0, s1;
	s0 =	simm.s32 $0x10200  }
0x19: {  	[dreg:$0x8] =	wrdreg s10;
	s1 =	sadd.s32 s23, s3;
	s0 =	simm.s32 @!p0 $0x1A200  }
0x1a: {  	p0 =	seq.s32 s24, $0xF;
	s21 =	sadd.s32 s0, s2;
	s0 =	sadd.s32 s26, s3  }
0x1b: {  	s2 =	sadd.s32 s7, s3;
	s24 =	sshrl.u32 @!p0 s1, $0x3;
	s26 =	sadd.s32 $0x7800, s8  }
0x1c: {  	s1 =	simm.s32 $0x1;
	s7 =	simm.s32 $0x0;
	s23 =	sshrl.u32 @!p0 s0, $0x3  }
0x1d: {  	s25 =	sshrl.u32 @!p0 s2, $0x3;
	s0 =	simm.s32 $0x7D;
	s2 =	simm.s32 $0xA000  }
.LBB2_1:
0x1e: {  	s10 =	rddreg [dreg:$0x4]  }
0x1f: {  	[tilespmem:s4], [sflag:$0x3] =	stream.linear.gather [hbm4b:s10+s4], $0x5000, $0x38;
	[tilespmem:$0x1D080] =	vst v63  }
0x20: {  	_ =	swait.ge [sflag:s29], $0x5000  }
0x21: {  	[sflag:s29] =	ssyncset.done $0x0  }
0x22: {  	s11 =	simm.s32 $0x5000;
	[sflag:s29] =	ssyncadd.s32 $0xFFFFB000  }
0x23: {  	[tilespmem:s11], [sflag:$0x3] =	stream.linear.gather [hbm4b:s21+s4], $0x5000, $0x38;
	[tilespmem:$0x1D080] =	vst v63  }
0x24: {  	_ =	swait.ge [sflag:s29], $0x5000  }
0x25: {  	[sflag:s29] =	ssyncset.done $0x0  }
0x26: {  	[sflag:s29] =	ssyncadd.s32 $0xFFFFB000  }
0x27: {  	s12 =	rddreg [dreg:$0x1]  }
0x28: {  	[tilespmem:s31], [sflag:$0x3] =	stream.linear.gather [hbm4b:s12+s4], $0x1400, $0x38;
	[tilespmem:$0x1D080] =	vst v63  }
0x29: {  	_ =	swait.ge [sflag:s29], $0x1400  }
0x2a: {  	[sflag:s29] =	ssyncset.done $0x0  }
0x2b: {  	[sflag:s29] =	ssyncadd.s32 $0xFFFFEC00  }
0x2c: {  	[spmem:s8] =	stream.linear.scatter [tilespmem:s31], [sflag:$0x3], $0x1400, $0x38;
	[tilespmem:$0x1D080] =	vst v63  }
0x2d: {  	_ =	swait.ge [sflag:s29], $0x1400  }
0x2e: {  	[sflag:s29] =	ssyncset.done $0x0  }
0x2f: {  	[sflag:s29] =	ssyncadd.s32 $0xFFFFEC00  }
0x30: {  	[spmem:s9] =	stream.linear.scatter [tilespmem:s31], [sflag:$0x3], $0x1400, $0x38;
	[tilespmem:$0x1D080] =	vst v63  }
0x31: {  	_ =	swait.ge [sflag:s29], $0x1400  }
0x32: {  	[sflag:s29] =	ssyncset.done $0x0  }
0x33: {  	[sflag:s29] =	ssyncadd.s32 $0xFFFFEC00  }
0x34: {  	[spmem:s18] =	stream.linear.scatter [tilespmem:s31], [sflag:$0x3], $0x1400, $0x38;
	[tilespmem:$0x1D080] =	vst v63  }
0x35: {  	_ =	swait.ge [sflag:s29], $0x1400  }
0x36: {  	[sflag:s29] =	ssyncset.done $0x0  }
0x37: {  	[sflag:s29] =	ssyncadd.s32 $0xFFFFEC00  }
0x38: {  	[spmem:s19] =	stream.linear.scatter [tilespmem:s31], [sflag:$0x3], $0x1400, $0x38;
	[tilespmem:$0x1D080] =	vst v63  }
0x39: {  	_ =	swait.ge [sflag:s29], $0x1400  }
0x3a: {  	[sflag:s29] =	ssyncset.done $0x0  }
0x3b: {  	[sflag:s29] =	ssyncadd.s32 $0xFFFFEC00  }
0x3c: {  	[spmem:s20] =	stream.linear.scatter [tilespmem:s31], [sflag:$0x3], $0x1400, $0x38;
	[tilespmem:$0x1D080] =	vst v63  }
0x3d: {  	_ =	swait.ge [sflag:s29], $0x1400  }
0x3e: {  	[sflag:s29] =	ssyncset.done $0x0  }
0x3f: {  	s10 =	simm.s32 @!p0 $0x12000;
	s11 =	simm.s32 @!p0 $0x3;
	[sflag:s29] =	ssyncadd.s32 $0xFFFFEC00  }
0x40: {  	[spmem:s22] =	stream.linear.scatter @!p0 [tilespmem:s10], [sflag:$0x3], $0x1400, $0x38;
	[tilespmem:$0x1D080] =	vst v63  }
0x41: {  	_ =	swait.ge @!p0 [sflag:s11], $0x1400  }
0x42: {  	[sflag:s11] =	ssyncset.done @!p0 $0x0  }
0x43: {  	[sflag:s11] =	ssyncadd.s32 @!p0 $0xFFFFEC00  }
0x44: {  	[spmem:s26] =	stream.linear.scatter @!p0 [tilespmem:s10], [sflag:$0x3], $0x1400, $0x38;
	[tilespmem:$0x1D080] =	vst v63  }
0x45: {  	_ =	swait.ge @!p0 [sflag:s11], $0x1400  }
0x46: {  	[sflag:s11] =	ssyncset.done @!p0 $0x0  }
0x47: {  	[sflag:s11] =	ssyncadd.s32 @!p0 $0xFFFFEC00  }
0x48: {  	[spmem:s28] =	stream.linear.scatter @!p0 [tilespmem:s10], [sflag:$0x3], $0x1400, $0x38;
	[tilespmem:$0x1D080] =	vst v63  }
0x49: {  	_ =	swait.ge @!p0 [sflag:s11], $0x1400  }
0x4a: {  	[sflag:s11] =	ssyncset.done @!p0 $0x0  }
0x4b: {  	[sflag:s11] =	ssyncadd.s32 @!p0 $0xFFFFEC00  }
0x4c: {  	[bflag:$0x0] =	sbarrier.arrive $0xFFFF  }
0x4d: {  	[tilespmem:s2], [sflag:$0x1] =	stream.indirect.gather [hbm4b:s5+s0], $0x80, s4, s0, $0xb8;
	[tilespmem:$0x1D080] =	vst v63  }
0x4e: {  	s11 =	simm.s32 $0x80  }
0x4f: {  	[tilespmem:s30], [sflag:$0x2] =	stream.indirect.gather [hbm4b:s5+s0], $0x80, s11, s0, $0xb8;
	[tilespmem:$0x1D080] =	vst v63  }
0x50: {  	_ =	swait.ge [sflag:s1], $0x3E80  }
0x51: {  	[sflag:s1] =	ssyncset.done $0x0  }
0x52: {  	s12 =	simm.s32 $0x5000;
	[sflag:s1] =	ssyncadd.s32 $0xFFFFC180  }
0x53: {  	[spmem:s3] =	stream.indirect.scatter.add.f32 [tilespmem:s2], [sflag:$0x3], $0x80, s12, s0, $0xb8;
	[tilespmem:$0x1D080] =	vst v63  }
0x54: {  	_ =	swait.ge [sflag:s29], $0x3E80  }
0x55: {  	[sflag:s29] =	ssyncset.done $0x0  }
0x56: {  	s11 =	simm.s32 $0x100;
	[sflag:s29] =	ssyncadd.s32 $0xFFFFC180  }
0x57: {  	[tilespmem:s2], [sflag:$0x1] =	stream.indirect.gather [hbm4b:s5+s0], $0x80, s11, s0, $0xb8;
	[tilespmem:$0x1D080] =	vst v63  }
0x58: {  	_ =	swait.ge [sflag:s6], $0x3E80  }
0x59: {  	[sflag:s6] =	ssyncset.done $0x0  }
0x5a: {  	s12 =	simm.s32 $0x5080;
	[sflag:s6] =	ssyncadd.s32 $0xFFFFC180  }
0x5b: {  	[spmem:s3] =	stream.indirect.scatter.add.f32 [tilespmem:s30], [sflag:$0x3], $0x80, s12, s0, $0xb8;
	[tilespmem:$0x1D080] =	vst v63  }
0x5c: {  	_ =	swait.ge [sflag:s29], $0x3E80  }
0x5d: {  	[sflag:s29] =	ssyncset.done $0x0  }
0x5e: {  	s10 =	simm.s32 $0x400;
	s11 =	simm.s32 $0x180;
	[sflag:s29] =	ssyncadd.s32 $0xFFFFC180  }
.LBB2_2:
0x5f: {  	[tilespmem:s30], [sflag:$0x2] =	stream.indirect.gather [hbm4b:s5+s0], $0x80, s11, s0, $0xb8;
	[tilespmem:$0x1D080] =	vst v63  }
0x60: {  	s11 =	smov.u32 s10  }
0x61: {  	p1 =	sne.s32 s10, $0x13800;
	s10 =	sadd.s32 $0x400, s10;
	_ =	swait.ge [sflag:s1], $0x3E80  }
0x62: {  	s11 =	sshra.s32 s11, $0x2;
	[sflag:s1] =	ssyncset.done $0x0  }
0x63: {  	s12 =	sadd.s32 $0x5000, s11;
	[sflag:s1] =	ssyncadd.s32 $0xFFFFC180  }
0x64: {  	[spmem:s3] =	stream.indirect.scatter.add.f32 [tilespmem:s2], [sflag:$0x3], $0x80, s12, s0, $0xb8;
	[tilespmem:$0x1D080] =	vst v63  }
0x65: {  	_ =	swait.ge [sflag:s29], $0x3E80  }
0x66: {  	[sflag:s29] =	ssyncset.done $0x0  }
0x67: {  	s12 =	sadd.s32 $0x100, s11;
	[sflag:s29] =	ssyncadd.s32 $0xFFFFC180  }
0x68: {  	[tilespmem:s2], [sflag:$0x1] =	stream.indirect.gather [hbm4b:s5+s0], $0x80, s12, s0, $0xb8;
	[tilespmem:$0x1D080] =	vst v63  }
0x69: {  	_ =	swait.ge [sflag:s6], $0x3E80  }
0x6a: {  	[sflag:s6] =	ssyncset.done $0x0  }
.Ltmp0:
0x6b: {  	s12 =	sadd.s32 $0x5080, s11;
	[sflag:s6] =	ssyncadd.s32 $0xFFFFC180;
	(pc) =	sbr.rel @p1 .LBB2_2-.Ltmp0, $4  }
0x6c: {  	[spmem:s3] =	stream.indirect.scatter.add.f32 [tilespmem:s30], [sflag:$0x3], $0x80, s12, s0, $0xb8;
	[tilespmem:$0x1D080] =	vst v63  }
0x6d: {  	_ =	swait.ge [sflag:s29], $0x3E80  }
0x6e: {  	[sflag:s29] =	ssyncset.done $0x0  }
0x6f: {  	s11 =	sadd.s32 $0x180, s11;
	[sflag:s29] =	ssyncadd.s32 $0xFFFFC180  }
0x70: {  	[tilespmem:s30], [sflag:$0x2] =	stream.indirect.gather [hbm4b:s5+s0], $0x80, s11, s0, $0xb8;
	[tilespmem:$0x1D080] =	vst v63  }
0x71: {  	_ =	swait.ge [sflag:s1], $0x3E80  }
0x72: {  	[sflag:s1] =	ssyncset.done $0x0  }
0x73: {  	s10 =	simm.s32 $0x9F00;
	[sflag:s1] =	ssyncadd.s32 $0xFFFFC180  }
0x74: {  	[spmem:s3] =	stream.indirect.scatter.add.f32 [tilespmem:s2], [sflag:$0x3], $0x80, s10, s0, $0xb8;
	[tilespmem:$0x1D080] =	vst v63  }
0x75: {  	_ =	swait.ge [sflag:s29], $0x3E80  }
0x76: {  	[sflag:s29] =	ssyncset.done $0x0  }
0x77: {  	[sflag:s29] =	ssyncadd.s32 $0xFFFFC180  }
0x78: {  	_ =	swait.ge [sflag:s6], $0x3E80  }
0x79: {  	[sflag:s6] =	ssyncset.done $0x0  }
0x7a: {  	s12 =	simm.s32 $0x9F80;
	[sflag:s6] =	ssyncadd.s32 $0xFFFFC180  }
0x7b: {  	[spmem:s3] =	stream.indirect.scatter.add.f32 [tilespmem:s30], [sflag:$0x3], $0x80, s12, s0, $0xb8;
	[tilespmem:$0x1D080] =	vst v63  }
0x7c: {  	_ =	swait.ge [sflag:s29], $0x3E80  }
0x7d: {  	[sflag:s29] =	ssyncset.done $0x0  }
0x7e: {  	s11 =	stileid.u32;
	[sflag:s29] =	ssyncadd.s32 $0xFFFFC180  }
0x7f: {  	s10 =	sshll.u32 s11, $0x6;
	[bflag:$0x0] =	sbarrier.arrive $0xFFFF  }
0x80: {  	s11 =	sshrl.u32 s8, $0x3;
	s10 =	sor.u32 $0x1C03, s10;
	s12 =	rddreg [dreg:$0x6]  }
0x81: {  	[hbm:s12], [sflag:s10] =	dma.local [spmem:s11], $0x280  }
0x82: {  	_ =	swait.ge [sflag:s29], $0x280  }
0x83: {  	[sflag:s29] =	ssyncset.done $0x0  }
0x84: {  	s11 =	sshrl.u32 s9, $0x3;
	s12 =	rddreg [dreg:$0x7];
	[sflag:s29] =	ssyncadd.s32 $0xFFFFFD80  }
0x85: {  	[hbm:s12], [sflag:s10] =	dma.local [spmem:s11], $0x280  }
0x86: {  	_ =	swait.ge [sflag:s29], $0x280  }
0x87: {  	[sflag:s29] =	ssyncset.done $0x0  }
0x88: {  	s11 =	sshrl.u32 s18, $0x3;
	s12 =	rddreg [dreg:$0x8];
	[sflag:s29] =	ssyncadd.s32 $0xFFFFFD80  }
0x89: {  	[hbm:s12], [sflag:s10] =	dma.local [spmem:s11], $0x280  }
0x8a: {  	_ =	swait.ge [sflag:s29], $0x280  }
0x8b: {  	[sflag:s29] =	ssyncset.done $0x0  }
0x8c: {  	s12 =	sshrl.u32 s19, $0x3;
	[sflag:s29] =	ssyncadd.s32 $0xFFFFFD80  }
0x8d: {  	[hbm:s13], [sflag:s10] =	dma.local [spmem:s12], $0x280  }
0x8e: {  	_ =	swait.ge [sflag:s29], $0x280  }
0x8f: {  	[sflag:s29] =	ssyncset.done $0x0  }
0x90: {  	s12 =	sshrl.u32 s20, $0x3;
	[sflag:s29] =	ssyncadd.s32 $0xFFFFFD80  }
0x91: {  	[hbm:s14], [sflag:s10] =	dma.local [spmem:s12], $0x280  }
0x92: {  	_ =	swait.ge [sflag:s29], $0x280  }
0x93: {  	[sflag:s29] =	ssyncset.done $0x0  }
0x94: {  	s11 =	simm.s32 @!p0 $0x3;
	[sflag:s29] =	ssyncadd.s32 $0xFFFFFD80  }
0x95: {  	[hbm:s15], [sflag:s10] =	dma.local @!p0 [spmem:s23], $0x280  }
0x96: {  	_ =	swait.ge @!p0 [sflag:s11], $0x280  }
0x97: {  	[sflag:s11] =	ssyncset.done @!p0 $0x0  }
0x98: {  	[sflag:s11] =	ssyncadd.s32 @!p0 $0xFFFFFD80  }
0x99: {  	[hbm:s16], [sflag:s10] =	dma.local @!p0 [spmem:s24], $0x280  }
0x9a: {  	_ =	swait.ge @!p0 [sflag:s11], $0x280  }
0x9b: {  	[sflag:s11] =	ssyncset.done @!p0 $0x0  }
0x9c: {  	[sflag:s11] =	ssyncadd.s32 @!p0 $0xFFFFFD80  }
0x9d: {  	[hbm:s17], [sflag:s10] =	dma.local @!p0 [spmem:s25], $0x280  }
0x9e: {  	_ =	swait.ge @!p0 [sflag:s11], $0x280  }
0x9f: {  	s7 =	sadd.s32 $0x1, s7;
	s12 =	rddreg [dreg:$0x5]  }
0xa0: {  	p1 =	sne.s32 s7, s12  }
.Ltmp1:
0xa1: {  	_ = 	snop;
	(pc) =	sbr.rel @p1 .LBB2_1-.Ltmp1, $3  }
0xa2: {  	_ =	sdelay $0x1  }
0xa3: {  	[sflag:s11] =	ssyncset.done @!p0 $0x0  }
0xa4: {  	[sflag:s11] =	ssyncadd.s32 @!p0 $0xFFFFFD80  }
0xa5: {  	_ =	sfence.sel $0x180000  }
0xa6: {  	[bflag:$0x0] =	sbarrier.arrive $0xFFFF  }
0xa7: {  	_ =	strace $0x9000004D  }
0xa8: {  	s0 =	stileid.u32;
	[bflag:$0x2] =	sbarrier.arrive $0xFFFF  }
0xa9: {  	p0 =	sne.s32 s0, $0x0;
	s0 =	rddreg [dreg:$0x3]  }
0xaa: {  	s0 =	sadd.s32 @!p0 $0x100000, s0  }
0xab: {  	[sflag:s0] =	ssyncadd.tile.s32 @!p0 $0x1;
	_ =	shalt  }
.Lfunc_end2:
_tile_overlayer_lowered:
.L_overlay_start_2:
0xac: {  	(tag) =	ssettag $0x2  }
0xad: {  	s0 =	rddreg [dreg:$0x0];
	s2 =	stileid.u32  }
0xae: {  	s1 =	rddreg [dreg:$0x1];
	p0 =	sne.s32 s2, $0x0  }
0xaf: {  	s3 =	rddreg [dreg:$0x2];
	[bflag:$0x3] =	sbarrier.arrive $0xFFFF;
	s2 =	simm.s32 @!p0 $0x1C03  }
0xb0: {  	[timem:s3], [sflag:s2] =	dma.local @!p0 [hbm:s0], s1  }
0xb1: {  	s0 =	simm.s32 @!p0 $0x3  }
0xb2: {  	_ =	swait.ge @!p0 [sflag:s0], s1  }
0xb3: {  	s1 =	ssub.s32 @!p0 $0x0, s1;
	[sflag:s0] =	ssyncset.done @!p0 $0x0  }
0xb4: {  	[sflag:s0] =	ssyncadd.s32 @!p0 s1  }
0xb5: {  	[bflag:$0x3] =	sbarrier.arrive $0xFFFF  }
0xb6: {  	_ =	shalt  }

// kernel: _impl.22.cloned.1.call-start
scs
__scs_entry_jumppad:
0x0: {  	(pc) =	sbr.rel $0x88, $3  }
0x1: {  	(tag) =	ssettag $0x0;
	lr =	simm.s32 $0x1  }
0x2: {  	[smem:$0x3F94] =	sst lr;
	_ =	strace $0xD0000000  }
0x3: {  	_ = 	snop  }
0x4: {  	_ = 	snop  }
0x5: {  	_ = 	snop  }
0x6: {  	_ = 	snop  }
0x7: {  	_ = 	snop  }
__scs_overlays_trampoline_lowered:
0x8: {  	[smem:$0x3FA3] =	sst s0  }
0x9: {  	[smem:$0x3FA4] =	sst s1  }
0xa: {  	[smem:$0x3FA5] =	sst s2  }
0xb: {  	[smem:$0x3FA6] =	sst s3  }
0xc: {  	[smem:$0x3FA7] =	sst s4  }
0xd: {  	[smem:$0x3FA8] =	sst s5  }
0xe: {  	[smem:$0x3FA9] =	sst s6  }
0xf: {  	[smem:$0x3FAA] =	sst s7  }
0x10: {  	[smem:$0x3FAB] =	sst s8  }
0x11: {  	[smem:$0x3FAC] =	sst s9;
	s0 =	simm.s32 @!p0 $0x0  }
0x12: {  	s1 =	sld [smem:$0x3F92];
	s0 =	simm.s32 @p0 $0x1  }
0x13: {  	[smem:$0x3FAD] =	sst s0;
	s0 =	simm.s32 @!p1 $0x0  }
0x14: {  	s2 =	sld [smem:$0x3F91];
	s0 =	simm.s32 @p1 $0x1  }
0x15: {  	[smem:$0x3FAE] =	sst s0;
	s0 =	simm.s32 @!p2 $0x0  }
0x16: {  	s3 =	sld [smem:$0x3FDB];
	s0 =	simm.s32 @p2 $0x1  }
0x17: {  	s4 =	simm.s32 $0x1BF5;
	[smem:$0x3FB0] =	sst s0  }
0x18: {  	s0 =	sld [smem:$0x3F93];
	_ =	swait.ge [sflag:s4], $0x0  }
0x19: {  	s7 =	sld [smem:$0x3F94]  }
0x1a: {  	s8 =	sadd.s32 $0xFFFFE003, lr  }
0x1b: {  	s9 =	sadd.s32 $0xFFFFFEF7, lr;
	s5 =	simm.s32 $0xFFFFFFFF;
	p2 =	slt.u32 s8, $0xFFFFF086  }
0x1c: {  	p1 =	slt.u32 s9, $0xF7A;
	s5 =	simm.s32 @!p2 $0x0  }
0x1d: {  	s5 =	simm.s32 @p1 $0x1;
	p0 =	seq.s32 s7, s2  }
0x1e: {  	s7 =	smul.u32 @!p0 $0xF7A, s2;
	p2 =	seq.s32 @!p0 s5, $0x0  }
0x1f: {  	s9 =	smul.u32 $0xF7A, s1;
	s8 =	simm.s32 @!p0 $0x1BF5;
	p2 =	por !p2, p0  }
0x20: {  	[sflag:s8] =	ssyncset.s32 @!p0 $0xFFFFF086;
	s6 =	sadd.s32 @!p0 s3, s7;
	s7 =	simm.s32 @!p0 $0x108  }
0x21: {  	s3 =	sadd.s32 s3, s9;
	s6 =	sadd.s32 @!p0 $0x88, s6;
	s7 =	simm.s32 @p2 $0x1082  }
0x22: {  	[simem:s7], [sflag:s8] =	dma.local @!p0 [hbm:s6], $0xF7A  }
0x23: {  	s9 =	sor.u32 $0xD0000000, s2;
	s6 =	simm.s32 $0x108;
	_ =	swait.ge @!p0 [sflag:s8], $0x0  }
0x24: {  	s3 =	sadd.s32 $0x88, s3;
	s6 =	simm.s32 @!p1 $0x1082;
	[sflag:s4] =	ssyncset.s32 $0xFFFFF086  }
0x25: {  	[simem:s6], [sflag:s4] =	dma.local [hbm:s3], $0xF7A  }
0x26: {  	[smem:$0x3F94] =	sst s1;
	(tag) =	ssettag s2;
	_ =	strace s9  }
0x27: {  	s1 =	sld [smem:$0x3FA4]  }
0x28: {  	s2 =	sld [smem:$0x3FA5]  }
0x29: {  	s4 =	sld [smem:$0x3FA7]  }
0x2a: {  	p0 =	seq.s32 s5, $0x0;
	s5 =	sld [smem:$0x3FA8]  }
0x2b: {  	s6 =	sld [smem:$0x3FA9]  }
0x2c: {  	s7 =	sld [smem:$0x3FAA]  }
0x2d: {  	s3 =	simm.s32 $0x108;
	s8 =	sld [smem:$0x3FAB]  }
0x2e: {  	s3 =	simm.s32 @!p0 $0x1082;
	s9 =	sld [smem:$0x3FAC]  }
0x2f: {  	lr =	sadd.s32 s0, s3;
	s0 =	sld [smem:$0x3FA3]  }
0x30: {  	s3 =	sld [smem:$0x3FA6]  }
0x31: {  	[smem:$0x3FAF] =	sst s10  }
0x32: {  	s10 =	sld [smem:$0x3FAD];
	_ =	sdelay $0x3  }
0x33: {  	p0 =	seq.s32 s10, $0x1;
	s10 =	sld [smem:$0x3FAF];
	_ =	sdelay $0x3  }
0x34: {  	[smem:$0x3FAF] =	sst s10  }
0x35: {  	s10 =	sld [smem:$0x3FAE];
	_ =	sdelay $0x3  }
0x36: {  	p1 =	seq.s32 s10, $0x1;
	s10 =	sld [smem:$0x3FAF];
	_ =	sdelay $0x3  }
0x37: {  	[smem:$0x3FAF] =	sst s10  }
0x38: {  	s10 =	sld [smem:$0x3FB0]  }
0x39: {  	_ = 	snop;
	(pc) =	sbr.ind lr, $3  }
0x3a: {  	_ = 	snop  }
0x3b: {  	_ = 	snop  }
0x3c: {  	p2 =	seq.s32 s10, $0x1;
	s10 =	sld [smem:$0x3FAF]  }
0x3d: {  	_ =	shalt  }
0x3e: {  	_ =	shalt  }
0x3f: {  	_ =	shalt  }
0x40: {  	_ =	shalt  }
0x41: {  	_ =	shalt  }
0x42: {  	_ =	shalt  }
0x43: {  	_ =	shalt  }
0x44: {  	_ =	shalt  }
0x45: {  	_ =	shalt  }
0x46: {  	_ =	shalt  }
0x47: {  	_ =	shalt  }
0x48: {  	_ =	shalt  }
0x49: {  	_ =	shalt  }
0x4a: {  	_ =	shalt  }
0x4b: {  	_ =	shalt  }
0x4c: {  	_ =	shalt  }
0x4d: {  	_ =	shalt  }
0x4e: {  	_ =	shalt  }
0x4f: {  	_ =	shalt  }
0x50: {  	_ =	shalt  }
0x51: {  	_ =	shalt  }
0x52: {  	_ =	shalt  }
0x53: {  	_ =	shalt  }
0x54: {  	_ =	shalt  }
0x55: {  	_ =	shalt  }
0x56: {  	_ =	shalt  }
0x57: {  	_ =	shalt  }
0x58: {  	_ =	shalt  }
0x59: {  	_ =	shalt  }
0x5a: {  	_ =	shalt  }
0x5b: {  	_ =	shalt  }
0x5c: {  	_ =	shalt  }
0x5d: {  	_ =	shalt  }
0x5e: {  	_ =	shalt  }
0x5f: {  	_ =	shalt  }
0x60: {  	_ =	shalt  }
0x61: {  	_ =	shalt  }
0x62: {  	_ =	shalt  }
0x63: {  	_ =	shalt  }
0x64: {  	_ =	shalt  }
0x65: {  	_ =	shalt  }
0x66: {  	_ =	shalt  }
0x67: {  	_ =	shalt  }
0x68: {  	_ =	shalt  }
0x69: {  	_ =	shalt  }
0x6a: {  	_ =	shalt  }
0x6b: {  	_ =	shalt  }
0x6c: {  	_ =	shalt  }
0x6d: {  	_ =	shalt  }
0x6e: {  	_ =	shalt  }
0x6f: {  	_ =	shalt  }
0x70: {  	_ =	shalt  }
0x71: {  	_ =	shalt  }
0x72: {  	_ =	shalt  }
0x73: {  	_ =	shalt  }
0x74: {  	_ =	shalt  }
0x75: {  	_ =	shalt  }
0x76: {  	_ =	shalt  }
0x77: {  	_ =	shalt  }
0x78: {  	_ =	shalt  }
0x79: {  	_ =	shalt  }
0x7a: {  	_ =	shalt  }
0x7b: {  	_ =	shalt  }
0x7c: {  	_ =	shalt  }
0x7d: {  	_ =	shalt  }
0x7e: {  	_ =	shalt  }
0x7f: {  	_ =	shalt  }
0x80: {  	_ =	shalt  }
0x81: {  	_ =	shalt  }
0x82: {  	_ =	shalt  }
0x83: {  	_ =	shalt  }
0x84: {  	_ =	shalt  }
0x85: {  	_ =	shalt  }
0x86: {  	_ =	shalt  }
0x87: {  	_ =	shalt  }
.Lfunc_end0:
.L_simem_size_0:
called_computation.3_lowered:
.L_overlay_start_0:
0x88: {  	s2 =	sld [smem:$0x3FD9]  }
0x89: {  	s3 =	sld [smem:$0x3FFE];
	_ =	sdelay $0x1  }
0x8a: {  	s1 =	srdreg.scid  }
0x8b: {  	s0 =	sand.u32 $0x1, s1  }
0x8c: {  	s17 =	sshll.u32 s0, $0xA;
	s2 =	sadd.s32 s3, s2  }
0x8d: {  	s2 =	sadd.s32 s2, s17  }
0x8e: {  	[smem:$0x3FBB] =	sst s2  }
0x8f: {  	_ = 	snop  }
0x90: {  	s2 =	sld [smem:$0x3FD0];
	(tm) =	ssettm $0x1  }
0x91: {  	s18 =	sld [smem:$0x3FFB];
	_ =	sdelay $0x3  }
0x92: {  	_ =	strace s18  }
0x93: {  	s3 =	sld [smem:$0x3FFC];
	_ =	sdelay $0x3  }
0x94: {  	_ =	strace s3  }
0x95: {  	s3 =	sld [smem:$0x3FFD];
	_ =	sdelay $0x3  }
0x96: {  	_ =	strace s3  }
0x97: {  	_ =	strace $0x8FFFFFFF  }
0x98: {  	s19 =	sld [smem:$0x3FDB];
	_ =	sdelay $0x1  }
0x99: {  	s4 =	simm.s32 $_scs_section_size  }
0x9a: {  	s5 =	simm.s32 $_size__tile_overlayer_lowered;
	s6 =	simm.s32 $_tile_overlayer_lowered  }
0x9b: {  	s22 =	simm.s32 $0x1BFF;
	s21 =	sshll.u32 s6, $0x1;
	s3 =	sadd.s32 s4, s19  }
0x9c: {  	s7 =	simm.s32 $0x0;
	s20 =	sshll.u32 s5, $0x1;
	s5 =	sadd.s32 s21, s3  }
0x9d: {  	[timem:s7], [sflag:s22] =	dma.local [hbm:s5], s20  }
0x9e: {  	_ =	swait.ge [sflag:s22], s20  }
0x9f: {  	s4 =	ssub.s32 $0x0, s20;
	[sflag:s22] =	ssyncset.done $0x0  }
0xa0: {  	[sflag:s22] =	ssyncadd.s32 s4;
	_ =	sdelay $0x1  }
0xa1: {  	s23 =	simm.s32 $0x1B8B  }
0xa2: {  	_ =	swait.ge [sflag:s23], $0x1  }
0xa3: {  	[sflag:s23] =	ssyncset.done $0x0  }
0xa4: {  	s25 =	simm.s32 $0x1B8E;
	s24 =	sld [smem:$0x3FFE];
	[sflag:s23] =	ssyncadd.s32 $0xFFFFFFFF  }
0xa5: {  	s26 =	simm.s32 $execute0_lowered;
	[smem:$0x3FD2] =	sst s25  }
0xa6: {  	s5 =	sshll.u32 s26, $0x1;
	_ =	strace $0x8000004F;
	[dreg:$0x1] =	wrdreg $0xFFFFFFFF  }
0xa7: {  	s28 =	simm.s32 $_size_execute0_lowered;
	s3 =	sadd.s32 s3, s5;
	[dreg:$0x0] =	wrdreg $0x0  }
0xa8: {  	s5 =	sshll.u32 s28, $0x1;
	[dreg:$0x2] =	wrdreg s3  }
0xa9: {  	[dreg:$0x3] =	wrdreg s5  }
0xaa: {  	[dreg:$0x4] =	wrdreg $0xC0  }
0xab: {  	_ =	task [dreg:s7], $0x5FFFF  }
0xac: {  	[dreg:$0x1] =	wrdreg $0xFFFFFFFF  }
0xad: {  	[dreg:$0x0] =	wrdreg $0x60  }
0xae: {  	[dreg:$0x2] =	wrdreg s24  }
0xaf: {  	[dreg:$0x3] =	wrdreg s2  }
0xb0: {  	[dreg:$0x4] =	wrdreg $0x134000  }
0xb1: {  	[dreg:$0x5] =	wrdreg $0x9  }
0xb2: {  	_ =	task.clear_ibuf [dreg:s7], $0x6FFFF;
	_ =	strace $0x9000004F  }
0xb3: {  	s29 =	simm.s32 $0x9;
	_ =	strace $0x80000051  }
0xb4: {  	_ =	swait.ge [sflag:s29], $0x1  }
0xb5: {  	[sflag:s29] =	ssyncadd.s32 $0xFFFFFFFF  }
0xb6: {  	_ =	strace $0x90000051  }
0xb7: {  	_ =	sfence  }
0xb8: {  	s30 =	sld [smem:$0x0];
	_ =	sdelay $0x2  }
0xb9: {  	s31 =	sshll.u32 s1, $0xD;
	s1 =	sshrl.u32 s1, $0x2  }
0xba: {  	s3 =	sand.u32 $0x4000, s31;
	s1 =	sadd.s32 s1, s30  }
0xbb: {  	s0 =	sor.u32 s3, s0;
	s1 =	sshll.u32 s1, $0x11  }
0xbc: {  	s0 =	sor.u32 s1, s0  }
0xbd: {  	s0 =	sadd.s32 $0x8F2B, s0  }
0xbe: {  	[sflag:s0] =	ssyncadd.remote.s32 $0x1  }
0xbf: {  	_ =	sfence.sel $0xFFFF  }
0xc0: {  	[dreg:$0x0] =	wrdreg $0xFFFFFFFF;
	(pc) =	sbr.abs _section_cstart, $3  }
0xc1: {  	[dreg:$0x1] =	wrdreg $0xFFFFFFFF  }
0xc2: {  	_ =	task.clear_ibuf [dreg:s7], $0x2FFFF;
	_ =	strace $0x9FFFFFFF  }
0xc3: {  	(tm) =	ssettm $0x7FFFFFFF  }
tec
execute0_lowered:
.L_overlay_start_1:
0x0: {  	(tag) =	ssettag $0x1  }
0x1: {  	s0 =	rddreg [dreg:$0x0]  }
0x2: {  	s3 =	rddreg [dreg:$0x2];
	s4 =	simm.s32 $0x0  }
0x3: {  	s24 =	stileid.u32;
	s1 =	srdreg.scid;
	s29 =	simm.s32 $0x3  }
0x4: {  	s31 =	simm.s32 $0x12000;
	s30 =	simm.s32 $0xE000;
	s2 =	smul.u32 $0xA00, s24  }
0x5: {  	[smem:$0x7FF] =	sst s4;
	s1 =	sand.u32 $0x1, s1;
	s8 =	smul.u32 $0x28000, s24  }
0x6: {  	s5 =	sadd.s32 $0x24200, s0;
	s19 =	smul.u32 $0xA000, s24;
	_ =	strace $0x80000050  }
0x7: {  	s6 =	ssub.s32 $0x2, s1;
	p0 =	seq.s32 s1, $0x1;
	s1 =	smul.u32 $0x9C400, s1  }
0x8: {  	s2 =	sadd.s32 s2, s0;
	s7 =	sshrl.u32 s6, $0x1;
	s0 =	sadd.s32 $0x99800, s0  }
0x9: {  	s21 =	sshrl.u32 s8, $0x2;
	s10 =	sor.u32 $0x1400, s19;
	s22 =	sadd.s32 $0x2800, s19  }
0xa: {  	s11 =	sadd.s32 $0x3C00, s19;
	s20 =	sadd.s32 $0x5000, s19;
	s26 =	sadd.s32 $0x6400, s19  }
0xb: {  	s6 =	ssub.s32 s6, s7;
	s9 =	sadd.s32 $0x6200, s2;
	s8 =	sadd.s32 s21, s3  }
0xc: {  	s12 =	sadd.s32 s1, s19;
	s23 =	sadd.s32 s1, s22;
	s13 =	sadd.s32 s1, s11  }
0xd: {  	s14 =	sadd.s32 s1, s20;
	s15 =	sadd.s32 s1, s26;
	s7 =	sadd.s32 $0x8C00, s19  }
0xe: {  	s18 =	sadd.s32 s22, s3;
	s20 =	sadd.s32 s20, s3;
	[dreg:$0x4] =	wrdreg s9  }
0xf: {  	s6 =	smax.u32 s6, $0x1;
	s9 =	sadd.s32 s10, s3;
	s10 =	sadd.s32 s1, s10  }
0x10: {  	s12 =	sshrl.u32 s12, $0x3;
	s25 =	sshrl.u32 s13, $0x3;
	s14 =	sshrl.u32 s14, $0x3  }
0x11: {  	s15 =	sshrl.u32 s15, $0x3;
	s22 =	sadd.s32 $0x6400, s8;
	s28 =	sadd.s32 $0x8C00, s8  }
0x12: {  	[dreg:$0x5] =	wrdreg s6;
	s10 =	sshrl.u32 s10, $0x3;
	s12 =	sadd.s32 s0, s12  }
0x13: {  	s13 =	sadd.s32 s0, s25;
	s14 =	sadd.s32 s0, s14;
	s15 =	sadd.s32 s0, s15  }
0x14: {  	s6 =	simm.s32 $0x2;
	[dreg:$0x6] =	wrdreg s12;
	s10 =	sadd.s32 s0, s10  }
0x15: {  	[dreg:$0x7] =	wrdreg s10;
	s10 =	sshrl.u32 s23, $0x3;
	s23 =	sadd.s32 $0x7800, s19  }
0x16: {  	s19 =	sadd.s32 s11, s3;
	s16 =	sadd.s32 s1, s23;
	s1 =	sadd.s32 s1, s7  }
0x17: {  	s10 =	sadd.s32 s0, s10;
	s16 =	sshrl.u32 s16, $0x3;
	s1 =	sshrl.u32 s1, $0x3  }
0x18: {  	s16 =	sadd.s32 s0, s16;
	s17 =	sadd.s32 s0, s1;
	s0 =	simm.s32 $0x10200  }
0x19: {  	[dreg:$0x8] =	wrdreg s10;
	s1 =	sadd.s32 s23, s3;
	s0 =	simm.s32 @!p0 $0x1A200  }
0x1a: {  	p0 =	seq.s32 s24, $0xF;
	s21 =	sadd.s32 s0, s2;
	s0 =	sadd.s32 s26, s3  }
0x1b: {  	s2 =	sadd.s32 s7, s3;
	s24 =	sshrl.u32 @!p0 s1, $0x3;
	s26 =	sadd.s32 $0x7800, s8  }
0x1c: {  	s1 =	simm.s32 $0x1;
	s7 =	simm.s32 $0x0;
	s23 =	sshrl.u32 @!p0 s0, $0x3  }
0x1d: {  	s25 =	sshrl.u32 @!p0 s2, $0x3;
	s0 =	simm.s32 $0x7D;
	s2 =	simm.s32 $0xA000  }
.LBB2_1:
0x1e: {  	s10 =	rddreg [dreg:$0x4]  }
0x1f: {  	[tilespmem:s4], [sflag:$0x3] =	stream.linear.gather [hbm4b:s10+s4], $0x5000, $0x38;
	[tilespmem:$0x1D080] =	vst v63  }
0x20: {  	_ =	swait.ge [sflag:s29], $0x5000  }
0x21: {  	[sflag:s29] =	ssyncset.done $0x0  }
0x22: {  	s11 =	simm.s32 $0x5000;
	[sflag:s29] =	ssyncadd.s32 $0xFFFFB000  }
0x23: {  	[tilespmem:s11], [sflag:$0x3] =	stream.linear.gather [hbm4b:s21+s4], $0x5000, $0x38;
	[tilespmem:$0x1D080] =	vst v63  }
0x24: {  	_ =	swait.ge [sflag:s29], $0x5000  }
0x25: {  	[sflag:s29] =	ssyncset.done $0x0  }
0x26: {  	[sflag:s29] =	ssyncadd.s32 $0xFFFFB000  }
0x27: {  	s12 =	rddreg [dreg:$0x1]  }
0x28: {  	[tilespmem:s31], [sflag:$0x3] =	stream.linear.gather [hbm4b:s12+s4], $0x1400, $0x38;
	[tilespmem:$0x1D080] =	vst v63  }
0x29: {  	_ =	swait.ge [sflag:s29], $0x1400  }
0x2a: {  	[sflag:s29] =	ssyncset.done $0x0  }
0x2b: {  	[sflag:s29] =	ssyncadd.s32 $0xFFFFEC00  }
0x2c: {  	[spmem:s8] =	stream.linear.scatter [tilespmem:s31], [sflag:$0x3], $0x1400, $0x38;
	[tilespmem:$0x1D080] =	vst v63  }
0x2d: {  	_ =	swait.ge [sflag:s29], $0x1400  }
0x2e: {  	[sflag:s29] =	ssyncset.done $0x0  }
0x2f: {  	[sflag:s29] =	ssyncadd.s32 $0xFFFFEC00  }
0x30: {  	[spmem:s9] =	stream.linear.scatter [tilespmem:s31], [sflag:$0x3], $0x1400, $0x38;
	[tilespmem:$0x1D080] =	vst v63  }
0x31: {  	_ =	swait.ge [sflag:s29], $0x1400  }
0x32: {  	[sflag:s29] =	ssyncset.done $0x0  }
0x33: {  	[sflag:s29] =	ssyncadd.s32 $0xFFFFEC00  }
0x34: {  	[spmem:s18] =	stream.linear.scatter [tilespmem:s31], [sflag:$0x3], $0x1400, $0x38;
	[tilespmem:$0x1D080] =	vst v63  }
0x35: {  	_ =	swait.ge [sflag:s29], $0x1400  }
0x36: {  	[sflag:s29] =	ssyncset.done $0x0  }
0x37: {  	[sflag:s29] =	ssyncadd.s32 $0xFFFFEC00  }
0x38: {  	[spmem:s19] =	stream.linear.scatter [tilespmem:s31], [sflag:$0x3], $0x1400, $0x38;
	[tilespmem:$0x1D080] =	vst v63  }
0x39: {  	_ =	swait.ge [sflag:s29], $0x1400  }
0x3a: {  	[sflag:s29] =	ssyncset.done $0x0  }
0x3b: {  	[sflag:s29] =	ssyncadd.s32 $0xFFFFEC00  }
0x3c: {  	[spmem:s20] =	stream.linear.scatter [tilespmem:s31], [sflag:$0x3], $0x1400, $0x38;
	[tilespmem:$0x1D080] =	vst v63  }
0x3d: {  	_ =	swait.ge [sflag:s29], $0x1400  }
0x3e: {  	[sflag:s29] =	ssyncset.done $0x0  }
0x3f: {  	s10 =	simm.s32 @!p0 $0x12000;
	s11 =	simm.s32 @!p0 $0x3;
	[sflag:s29] =	ssyncadd.s32 $0xFFFFEC00  }
0x40: {  	[spmem:s22] =	stream.linear.scatter @!p0 [tilespmem:s10], [sflag:$0x3], $0x1400, $0x38;
	[tilespmem:$0x1D080] =	vst v63  }
0x41: {  	_ =	swait.ge @!p0 [sflag:s11], $0x1400  }
0x42: {  	[sflag:s11] =	ssyncset.done @!p0 $0x0  }
0x43: {  	[sflag:s11] =	ssyncadd.s32 @!p0 $0xFFFFEC00  }
0x44: {  	[spmem:s26] =	stream.linear.scatter @!p0 [tilespmem:s10], [sflag:$0x3], $0x1400, $0x38;
	[tilespmem:$0x1D080] =	vst v63  }
0x45: {  	_ =	swait.ge @!p0 [sflag:s11], $0x1400  }
0x46: {  	[sflag:s11] =	ssyncset.done @!p0 $0x0  }
0x47: {  	[sflag:s11] =	ssyncadd.s32 @!p0 $0xFFFFEC00  }
0x48: {  	[spmem:s28] =	stream.linear.scatter @!p0 [tilespmem:s10], [sflag:$0x3], $0x1400, $0x38;
	[tilespmem:$0x1D080] =	vst v63  }
0x49: {  	_ =	swait.ge @!p0 [sflag:s11], $0x1400  }
0x4a: {  	[sflag:s11] =	ssyncset.done @!p0 $0x0  }
0x4b: {  	[sflag:s11] =	ssyncadd.s32 @!p0 $0xFFFFEC00  }
0x4c: {  	[bflag:$0x0] =	sbarrier.arrive $0xFFFF  }
0x4d: {  	[tilespmem:s2], [sflag:$0x1] =	stream.indirect.gather [hbm4b:s5+s0], $0x80, s4, s0, $0xb8;
	[tilespmem:$0x1D080] =	vst v63  }
0x4e: {  	s11 =	simm.s32 $0x80  }
0x4f: {  	[tilespmem:s30], [sflag:$0x2] =	stream.indirect.gather [hbm4b:s5+s0], $0x80, s11, s0, $0xb8;
	[tilespmem:$0x1D080] =	vst v63  }
0x50: {  	_ =	swait.ge [sflag:s1], $0x3E80  }
0x51: {  	[sflag:s1] =	ssyncset.done $0x0  }
0x52: {  	s12 =	simm.s32 $0x5000;
	[sflag:s1] =	ssyncadd.s32 $0xFFFFC180  }
0x53: {  	[spmem:s3] =	stream.indirect.scatter.add.f32 [tilespmem:s2], [sflag:$0x3], $0x80, s12, s0, $0xb8;
	[tilespmem:$0x1D080] =	vst v63  }
0x54: {  	_ =	swait.ge [sflag:s29], $0x3E80  }
0x55: {  	[sflag:s29] =	ssyncset.done $0x0  }
0x56: {  	s11 =	simm.s32 $0x100;
	[sflag:s29] =	ssyncadd.s32 $0xFFFFC180  }
0x57: {  	[tilespmem:s2], [sflag:$0x1] =	stream.indirect.gather [hbm4b:s5+s0], $0x80, s11, s0, $0xb8;
	[tilespmem:$0x1D080] =	vst v63  }
0x58: {  	_ =	swait.ge [sflag:s6], $0x3E80  }
0x59: {  	[sflag:s6] =	ssyncset.done $0x0  }
0x5a: {  	s12 =	simm.s32 $0x5080;
	[sflag:s6] =	ssyncadd.s32 $0xFFFFC180  }
0x5b: {  	[spmem:s3] =	stream.indirect.scatter.add.f32 [tilespmem:s30], [sflag:$0x3], $0x80, s12, s0, $0xb8;
	[tilespmem:$0x1D080] =	vst v63  }
0x5c: {  	_ =	swait.ge [sflag:s29], $0x3E80  }
0x5d: {  	[sflag:s29] =	ssyncset.done $0x0  }
0x5e: {  	s10 =	simm.s32 $0x400;
	s11 =	simm.s32 $0x180;
	[sflag:s29] =	ssyncadd.s32 $0xFFFFC180  }
.LBB2_2:
0x5f: {  	[tilespmem:s30], [sflag:$0x2] =	stream.indirect.gather [hbm4b:s5+s0], $0x80, s11, s0, $0xb8;
	[tilespmem:$0x1D080] =	vst v63  }
0x60: {  	s11 =	smov.u32 s10  }
0x61: {  	p1 =	sne.s32 s10, $0x13800;
	s10 =	sadd.s32 $0x400, s10;
	_ =	swait.ge [sflag:s1], $0x3E80  }
0x62: {  	s11 =	sshra.s32 s11, $0x2;
	[sflag:s1] =	ssyncset.done $0x0  }
0x63: {  	s12 =	sadd.s32 $0x5000, s11;
	[sflag:s1] =	ssyncadd.s32 $0xFFFFC180  }
0x64: {  	[spmem:s3] =	stream.indirect.scatter.add.f32 [tilespmem:s2], [sflag:$0x3], $0x80, s12, s0, $0xb8;
	[tilespmem:$0x1D080] =	vst v63  }
0x65: {  	_ =	swait.ge [sflag:s29], $0x3E80  }
0x66: {  	[sflag:s29] =	ssyncset.done $0x0  }
0x67: {  	s12 =	sadd.s32 $0x100, s11;
	[sflag:s29] =	ssyncadd.s32 $0xFFFFC180  }
0x68: {  	[tilespmem:s2], [sflag:$0x1] =	stream.indirect.gather [hbm4b:s5+s0], $0x80, s12, s0, $0xb8;
	[tilespmem:$0x1D080] =	vst v63  }
0x69: {  	_ =	swait.ge [sflag:s6], $0x3E80  }
0x6a: {  	[sflag:s6] =	ssyncset.done $0x0  }
.Ltmp0:
0x6b: {  	s12 =	sadd.s32 $0x5080, s11;
	[sflag:s6] =	ssyncadd.s32 $0xFFFFC180;
	(pc) =	sbr.rel @p1 .LBB2_2-.Ltmp0, $4  }
0x6c: {  	[spmem:s3] =	stream.indirect.scatter.add.f32 [tilespmem:s30], [sflag:$0x3], $0x80, s12, s0, $0xb8;
	[tilespmem:$0x1D080] =	vst v63  }
0x6d: {  	_ =	swait.ge [sflag:s29], $0x3E80  }
0x6e: {  	[sflag:s29] =	ssyncset.done $0x0  }
0x6f: {  	s11 =	sadd.s32 $0x180, s11;
	[sflag:s29] =	ssyncadd.s32 $0xFFFFC180  }
0x70: {  	[tilespmem:s30], [sflag:$0x2] =	stream.indirect.gather [hbm4b:s5+s0], $0x80, s11, s0, $0xb8;
	[tilespmem:$0x1D080] =	vst v63  }
0x71: {  	_ =	swait.ge [sflag:s1], $0x3E80  }
0x72: {  	[sflag:s1] =	ssyncset.done $0x0  }
0x73: {  	s10 =	simm.s32 $0x9F00;
	[sflag:s1] =	ssyncadd.s32 $0xFFFFC180  }
0x74: {  	[spmem:s3] =	stream.indirect.scatter.add.f32 [tilespmem:s2], [sflag:$0x3], $0x80, s10, s0, $0xb8;
	[tilespmem:$0x1D080] =	vst v63  }
0x75: {  	_ =	swait.ge [sflag:s29], $0x3E80  }
0x76: {  	[sflag:s29] =	ssyncset.done $0x0  }
0x77: {  	[sflag:s29] =	ssyncadd.s32 $0xFFFFC180  }
0x78: {  	_ =	swait.ge [sflag:s6], $0x3E80  }
0x79: {  	[sflag:s6] =	ssyncset.done $0x0  }
0x7a: {  	s12 =	simm.s32 $0x9F80;
	[sflag:s6] =	ssyncadd.s32 $0xFFFFC180  }
0x7b: {  	[spmem:s3] =	stream.indirect.scatter.add.f32 [tilespmem:s30], [sflag:$0x3], $0x80, s12, s0, $0xb8;
	[tilespmem:$0x1D080] =	vst v63  }
0x7c: {  	_ =	swait.ge [sflag:s29], $0x3E80  }
0x7d: {  	[sflag:s29] =	ssyncset.done $0x0  }
0x7e: {  	s11 =	stileid.u32;
	[sflag:s29] =	ssyncadd.s32 $0xFFFFC180  }
0x7f: {  	s10 =	sshll.u32 s11, $0x6;
	[bflag:$0x0] =	sbarrier.arrive $0xFFFF  }
0x80: {  	s11 =	sshrl.u32 s8, $0x3;
	s10 =	sor.u32 $0x1C03, s10;
	s12 =	rddreg [dreg:$0x6]  }
0x81: {  	[hbm:s12], [sflag:s10] =	dma.local [spmem:s11], $0x280  }
0x82: {  	_ =	swait.ge [sflag:s29], $0x280  }
0x83: {  	[sflag:s29] =	ssyncset.done $0x0  }
0x84: {  	s11 =	sshrl.u32 s9, $0x3;
	s12 =	rddreg [dreg:$0x7];
	[sflag:s29] =	ssyncadd.s32 $0xFFFFFD80  }
0x85: {  	[hbm:s12], [sflag:s10] =	dma.local [spmem:s11], $0x280  }
0x86: {  	_ =	swait.ge [sflag:s29], $0x280  }
0x87: {  	[sflag:s29] =	ssyncset.done $0x0  }
0x88: {  	s11 =	sshrl.u32 s18, $0x3;
	s12 =	rddreg [dreg:$0x8];
	[sflag:s29] =	ssyncadd.s32 $0xFFFFFD80  }
0x89: {  	[hbm:s12], [sflag:s10] =	dma.local [spmem:s11], $0x280  }
0x8a: {  	_ =	swait.ge [sflag:s29], $0x280  }
0x8b: {  	[sflag:s29] =	ssyncset.done $0x0  }
0x8c: {  	s12 =	sshrl.u32 s19, $0x3;
	[sflag:s29] =	ssyncadd.s32 $0xFFFFFD80  }
0x8d: {  	[hbm:s13], [sflag:s10] =	dma.local [spmem:s12], $0x280  }
0x8e: {  	_ =	swait.ge [sflag:s29], $0x280  }
0x8f: {  	[sflag:s29] =	ssyncset.done $0x0  }
0x90: {  	s12 =	sshrl.u32 s20, $0x3;
	[sflag:s29] =	ssyncadd.s32 $0xFFFFFD80  }
0x91: {  	[hbm:s14], [sflag:s10] =	dma.local [spmem:s12], $0x280  }
0x92: {  	_ =	swait.ge [sflag:s29], $0x280  }
0x93: {  	[sflag:s29] =	ssyncset.done $0x0  }
0x94: {  	s11 =	simm.s32 @!p0 $0x3;
	[sflag:s29] =	ssyncadd.s32 $0xFFFFFD80  }
0x95: {  	[hbm:s15], [sflag:s10] =	dma.local @!p0 [spmem:s23], $0x280  }
0x96: {  	_ =	swait.ge @!p0 [sflag:s11], $0x280  }
0x97: {  	[sflag:s11] =	ssyncset.done @!p0 $0x0  }
0x98: {  	[sflag:s11] =	ssyncadd.s32 @!p0 $0xFFFFFD80  }
0x99: {  	[hbm:s16], [sflag:s10] =	dma.local @!p0 [spmem:s24], $0x280  }
0x9a: {  	_ =	swait.ge @!p0 [sflag:s11], $0x280  }
0x9b: {  	[sflag:s11] =	ssyncset.done @!p0 $0x0  }
0x9c: {  	[sflag:s11] =	ssyncadd.s32 @!p0 $0xFFFFFD80  }
0x9d: {  	[hbm:s17], [sflag:s10] =	dma.local @!p0 [spmem:s25], $0x280  }
0x9e: {  	_ =	swait.ge @!p0 [sflag:s11], $0x280  }
0x9f: {  	s7 =	sadd.s32 $0x1, s7;
	s12 =	rddreg [dreg:$0x5]  }
0xa0: {  	p1 =	sne.s32 s7, s12  }
.Ltmp1:
0xa1: {  	_ = 	snop;
	(pc) =	sbr.rel @p1 .LBB2_1-.Ltmp1, $3  }
0xa2: {  	_ =	sdelay $0x1  }
0xa3: {  	[sflag:s11] =	ssyncset.done @!p0 $0x0  }
0xa4: {  	[sflag:s11] =	ssyncadd.s32 @!p0 $0xFFFFFD80  }
0xa5: {  	_ =	sfence.sel $0x180000  }
0xa6: {  	[bflag:$0x0] =	sbarrier.arrive $0xFFFF  }
0xa7: {  	_ =	strace $0x90000050  }
0xa8: {  	s0 =	stileid.u32;
	[bflag:$0x2] =	sbarrier.arrive $0xFFFF  }
0xa9: {  	p0 =	sne.s32 s0, $0x0;
	s0 =	rddreg [dreg:$0x3]  }
0xaa: {  	s0 =	sadd.s32 @!p0 $0x100000, s0  }
0xab: {  	[sflag:s0] =	ssyncadd.tile.s32 @!p0 $0x1;
	_ =	shalt  }
.Lfunc_end2:
_tile_overlayer_lowered:
.L_overlay_start_2:
0xac: {  	(tag) =	ssettag $0x2  }
0xad: {  	s0 =	rddreg [dreg:$0x0];
	s2 =	stileid.u32  }
0xae: {  	s1 =	rddreg [dreg:$0x1];
	p0 =	sne.s32 s2, $0x0  }
0xaf: {  	s3 =	rddreg [dreg:$0x2];
	[bflag:$0x3] =	sbarrier.arrive $0xFFFF;
	s2 =	simm.s32 @!p0 $0x1C03  }
0xb0: {  	[timem:s3], [sflag:s2] =	dma.local @!p0 [hbm:s0], s1  }
0xb1: {  	s0 =	simm.s32 @!p0 $0x3  }
0xb2: {  	_ =	swait.ge @!p0 [sflag:s0], s1  }
0xb3: {  	s1 =	ssub.s32 @!p0 $0x0, s1;
	[sflag:s0] =	ssyncset.done @!p0 $0x0  }
0xb4: {  	[sflag:s0] =	ssyncadd.s32 @!p0 s1  }
0xb5: {  	[bflag:$0x3] =	sbarrier.arrive $0xFFFF  }
0xb6: {  	_ =	shalt  }

// kernel: _impl.25.cloned.1.call-start
scs
__scs_entry_jumppad:
0x0: {  	(pc) =	sbr.rel $0x88, $3  }
0x1: {  	(tag) =	ssettag $0x0;
	lr =	simm.s32 $0x1  }
0x2: {  	[smem:$0x3F94] =	sst lr;
	_ =	strace $0xD0000000  }
0x3: {  	_ = 	snop  }
0x4: {  	_ = 	snop  }
0x5: {  	_ = 	snop  }
0x6: {  	_ = 	snop  }
0x7: {  	_ = 	snop  }
__scs_overlays_trampoline_lowered:
0x8: {  	[smem:$0x3FA3] =	sst s0  }
0x9: {  	[smem:$0x3FA4] =	sst s1  }
0xa: {  	[smem:$0x3FA5] =	sst s2  }
0xb: {  	[smem:$0x3FA6] =	sst s3  }
0xc: {  	[smem:$0x3FA7] =	sst s4  }
0xd: {  	[smem:$0x3FA8] =	sst s5  }
0xe: {  	[smem:$0x3FA9] =	sst s6  }
0xf: {  	[smem:$0x3FAA] =	sst s7  }
0x10: {  	[smem:$0x3FAB] =	sst s8  }
0x11: {  	[smem:$0x3FAC] =	sst s9;
	s0 =	simm.s32 @!p0 $0x0  }
0x12: {  	s1 =	sld [smem:$0x3F92];
	s0 =	simm.s32 @p0 $0x1  }
0x13: {  	[smem:$0x3FAD] =	sst s0;
	s0 =	simm.s32 @!p1 $0x0  }
0x14: {  	s2 =	sld [smem:$0x3F91];
	s0 =	simm.s32 @p1 $0x1  }
0x15: {  	[smem:$0x3FAE] =	sst s0;
	s0 =	simm.s32 @!p2 $0x0  }
0x16: {  	s3 =	sld [smem:$0x3FDB];
	s0 =	simm.s32 @p2 $0x1  }
0x17: {  	s4 =	simm.s32 $0x1BF5;
	[smem:$0x3FB0] =	sst s0  }
0x18: {  	s0 =	sld [smem:$0x3F93];
	_ =	swait.ge [sflag:s4], $0x0  }
0x19: {  	s7 =	sld [smem:$0x3F94]  }
0x1a: {  	s8 =	sadd.s32 $0xFFFFE003, lr  }
0x1b: {  	s9 =	sadd.s32 $0xFFFFFEF7, lr;
	s5 =	simm.s32 $0xFFFFFFFF;
	p2 =	slt.u32 s8, $0xFFFFF086  }
0x1c: {  	p1 =	slt.u32 s9, $0xF7A;
	s5 =	simm.s32 @!p2 $0x0  }
0x1d: {  	s5 =	simm.s32 @p1 $0x1;
	p0 =	seq.s32 s7, s2  }
0x1e: {  	s7 =	smul.u32 @!p0 $0xF7A, s2;
	p2 =	seq.s32 @!p0 s5, $0x0  }
0x1f: {  	s9 =	smul.u32 $0xF7A, s1;
	s8 =	simm.s32 @!p0 $0x1BF5;
	p2 =	por !p2, p0  }
0x20: {  	[sflag:s8] =	ssyncset.s32 @!p0 $0xFFFFF086;
	s6 =	sadd.s32 @!p0 s3, s7;
	s7 =	simm.s32 @!p0 $0x108  }
0x21: {  	s3 =	sadd.s32 s3, s9;
	s6 =	sadd.s32 @!p0 $0x88, s6;
	s7 =	simm.s32 @p2 $0x1082  }
0x22: {  	[simem:s7], [sflag:s8] =	dma.local @!p0 [hbm:s6], $0xF7A  }
0x23: {  	s9 =	sor.u32 $0xD0000000, s2;
	s6 =	simm.s32 $0x108;
	_ =	swait.ge @!p0 [sflag:s8], $0x0  }
0x24: {  	s3 =	sadd.s32 $0x88, s3;
	s6 =	simm.s32 @!p1 $0x1082;
	[sflag:s4] =	ssyncset.s32 $0xFFFFF086  }
0x25: {  	[simem:s6], [sflag:s4] =	dma.local [hbm:s3], $0xF7A  }
0x26: {  	[smem:$0x3F94] =	sst s1;
	(tag) =	ssettag s2;
	_ =	strace s9  }
0x27: {  	s1 =	sld [smem:$0x3FA4]  }
0x28: {  	s2 =	sld [smem:$0x3FA5]  }
0x29: {  	s4 =	sld [smem:$0x3FA7]  }
0x2a: {  	p0 =	seq.s32 s5, $0x0;
	s5 =	sld [smem:$0x3FA8]  }
0x2b: {  	s6 =	sld [smem:$0x3FA9]  }
0x2c: {  	s7 =	sld [smem:$0x3FAA]  }
0x2d: {  	s3 =	simm.s32 $0x108;
	s8 =	sld [smem:$0x3FAB]  }
0x2e: {  	s3 =	simm.s32 @!p0 $0x1082;
	s9 =	sld [smem:$0x3FAC]  }
0x2f: {  	lr =	sadd.s32 s0, s3;
	s0 =	sld [smem:$0x3FA3]  }
0x30: {  	s3 =	sld [smem:$0x3FA6]  }
0x31: {  	[smem:$0x3FAF] =	sst s10  }
0x32: {  	s10 =	sld [smem:$0x3FAD];
	_ =	sdelay $0x3  }
0x33: {  	p0 =	seq.s32 s10, $0x1;
	s10 =	sld [smem:$0x3FAF];
	_ =	sdelay $0x3  }
0x34: {  	[smem:$0x3FAF] =	sst s10  }
0x35: {  	s10 =	sld [smem:$0x3FAE];
	_ =	sdelay $0x3  }
0x36: {  	p1 =	seq.s32 s10, $0x1;
	s10 =	sld [smem:$0x3FAF];
	_ =	sdelay $0x3  }
0x37: {  	[smem:$0x3FAF] =	sst s10  }
0x38: {  	s10 =	sld [smem:$0x3FB0]  }
0x39: {  	_ = 	snop;
	(pc) =	sbr.ind lr, $3  }
0x3a: {  	_ = 	snop  }
0x3b: {  	_ = 	snop  }
0x3c: {  	p2 =	seq.s32 s10, $0x1;
	s10 =	sld [smem:$0x3FAF]  }
0x3d: {  	_ =	shalt  }
0x3e: {  	_ =	shalt  }
0x3f: {  	_ =	shalt  }
0x40: {  	_ =	shalt  }
0x41: {  	_ =	shalt  }
0x42: {  	_ =	shalt  }
0x43: {  	_ =	shalt  }
0x44: {  	_ =	shalt  }
0x45: {  	_ =	shalt  }
0x46: {  	_ =	shalt  }
0x47: {  	_ =	shalt  }
0x48: {  	_ =	shalt  }
0x49: {  	_ =	shalt  }
0x4a: {  	_ =	shalt  }
0x4b: {  	_ =	shalt  }
0x4c: {  	_ =	shalt  }
0x4d: {  	_ =	shalt  }
0x4e: {  	_ =	shalt  }
0x4f: {  	_ =	shalt  }
0x50: {  	_ =	shalt  }
0x51: {  	_ =	shalt  }
0x52: {  	_ =	shalt  }
0x53: {  	_ =	shalt  }
0x54: {  	_ =	shalt  }
0x55: {  	_ =	shalt  }
0x56: {  	_ =	shalt  }
0x57: {  	_ =	shalt  }
0x58: {  	_ =	shalt  }
0x59: {  	_ =	shalt  }
0x5a: {  	_ =	shalt  }
0x5b: {  	_ =	shalt  }
0x5c: {  	_ =	shalt  }
0x5d: {  	_ =	shalt  }
0x5e: {  	_ =	shalt  }
0x5f: {  	_ =	shalt  }
0x60: {  	_ =	shalt  }
0x61: {  	_ =	shalt  }
0x62: {  	_ =	shalt  }
0x63: {  	_ =	shalt  }
0x64: {  	_ =	shalt  }
0x65: {  	_ =	shalt  }
0x66: {  	_ =	shalt  }
0x67: {  	_ =	shalt  }
0x68: {  	_ =	shalt  }
0x69: {  	_ =	shalt  }
0x6a: {  	_ =	shalt  }
0x6b: {  	_ =	shalt  }
0x6c: {  	_ =	shalt  }
0x6d: {  	_ =	shalt  }
0x6e: {  	_ =	shalt  }
0x6f: {  	_ =	shalt  }
0x70: {  	_ =	shalt  }
0x71: {  	_ =	shalt  }
0x72: {  	_ =	shalt  }
0x73: {  	_ =	shalt  }
0x74: {  	_ =	shalt  }
0x75: {  	_ =	shalt  }
0x76: {  	_ =	shalt  }
0x77: {  	_ =	shalt  }
0x78: {  	_ =	shalt  }
0x79: {  	_ =	shalt  }
0x7a: {  	_ =	shalt  }
0x7b: {  	_ =	shalt  }
0x7c: {  	_ =	shalt  }
0x7d: {  	_ =	shalt  }
0x7e: {  	_ =	shalt  }
0x7f: {  	_ =	shalt  }
0x80: {  	_ =	shalt  }
0x81: {  	_ =	shalt  }
0x82: {  	_ =	shalt  }
0x83: {  	_ =	shalt  }
0x84: {  	_ =	shalt  }
0x85: {  	_ =	shalt  }
0x86: {  	_ =	shalt  }
0x87: {  	_ =	shalt  }
.Lfunc_end0:
.L_simem_size_0:
called_computation.4_lowered:
.L_overlay_start_0:
0x88: {  	s2 =	sld [smem:$0x3FD9]  }
0x89: {  	s3 =	sld [smem:$0x3FFE];
	_ =	sdelay $0x1  }
0x8a: {  	s1 =	srdreg.scid  }
0x8b: {  	s0 =	sand.u32 $0x1, s1  }
0x8c: {  	s17 =	sshll.u32 s0, $0xA;
	s2 =	sadd.s32 s3, s2  }
0x8d: {  	s2 =	sadd.s32 s2, s17  }
0x8e: {  	[smem:$0x3FBB] =	sst s2  }
0x8f: {  	_ = 	snop  }
0x90: {  	s18 =	sld [smem:$0x3FD0];
	(tm) =	ssettm $0x1  }
0x91: {  	s19 =	sld [smem:$0x3FFB];
	_ =	sdelay $0x3  }
0x92: {  	_ =	strace s19  }
0x93: {  	s2 =	sld [smem:$0x3FFC];
	_ =	sdelay $0x3  }
0x94: {  	_ =	strace s2  }
0x95: {  	s2 =	sld [smem:$0x3FFD];
	_ =	sdelay $0x3  }
0x96: {  	_ =	strace s2  }
0x97: {  	_ =	strace $0x8FFFFFFF  }
0x98: {  	s20 =	sld [smem:$0x3FDB];
	_ =	sdelay $0x1  }
0x99: {  	s4 =	simm.s32 $_scs_section_size  }
0x9a: {  	s5 =	simm.s32 $_size__tile_overlayer_lowered;
	s6 =	simm.s32 $_tile_overlayer_lowered  }
0x9b: {  	s7 =	simm.s32 $0x1BFF;
	s21 =	sshll.u32 s6, $0x1;
	s4 =	sadd.s32 s4, s20  }
0x9c: {  	s22 =	simm.s32 $0x0;
	s5 =	sshll.u32 s5, $0x1;
	s6 =	sadd.s32 s21, s4  }
0x9d: {  	[timem:s22], [sflag:s7] =	dma.local [hbm:s6], s5  }
0x9e: {  	_ =	swait.ge [sflag:s7], s5  }
0x9f: {  	s5 =	ssub.s32 $0x0, s5;
	[sflag:s7] =	ssyncset.done $0x0  }
0xa0: {  	[sflag:s7] =	ssyncadd.s32 s5;
	_ =	sdelay $0x1  }
0xa1: {  	s23 =	simm.s32 $0x1B8B  }
0xa2: {  	_ =	swait.ge [sflag:s23], $0x1  }
0xa3: {  	[sflag:s23] =	ssyncset.done $0x0  }
0xa4: {  	[sflag:s23] =	ssyncadd.s32 $0xFFFFFFFF  }
0xa5: {  	s5 =	sld [smem:$0x0]  }
0xa6: {  	s6 =	sand.u32 $0xFFFFFFFE, s1  }
0xa7: {  	p0 =	sne.s32 s1, s6  }
0xa8: {  	s6 =	sshll.u32 @p0 s6, $0xE  }
0xa9: {  	s6 =	sadd.s32 @p0 $0x11B8D, s6;
	s7 =	sshll.u32 @p0 s5, $0x11  }
0xaa: {  	s6 =	sor.u32 @p0 s7, s6  }
0xab: {  	[sflag:s6] =	ssyncadd.remote.s32 @p0 $0x1;
	_ =	sdelay $0x1  }
0xac: {  	s6 =	simm.s32 @p0 $0x1B8D  }
0xad: {  	_ =	swait.eq @p0 [sflag:s6], $0x1  }
0xae: {  	[sflag:s6] =	ssyncadd.s32 @p0 $0xFFFFFFFF  }
0xaf: {  	s7 =	sshll.u32 @!p0 s1, $0xE  }
0xb0: {  	s7 =	sor.u32 @!p0 $0x4000, s7;
	s6 =	simm.s32 @!p0 $0x1B8D  }
0xb1: {  	s5 =	sshll.u32 @!p0 s5, $0x11;
	s7 =	sadd.s32 @!p0 $0x11B8D, s7;
	_ =	swait.eq @!p0 [sflag:s6], $0x1  }
0xb2: {  	s5 =	sor.u32 @!p0 s5, s7;
	[sflag:s6] =	ssyncadd.s32 @!p0 $0xFFFFFFFF  }
0xb3: {  	s25 =	simm.s32 $0x1B8E;
	s24 =	sld [smem:$0x3FFE];
	[sflag:s5] =	ssyncadd.remote.s32 @!p0 $0x1  }
0xb4: {  	s26 =	simm.s32 $execute0_lowered;
	[smem:$0x3FD2] =	sst s25  }
0xb5: {  	s6 =	sshll.u32 s26, $0x1;
	_ =	strace $0x80000052;
	[dreg:$0x1] =	wrdreg $0xFFFFFFFF  }
0xb6: {  	s28 =	simm.s32 $_size_execute0_lowered;
	s4 =	sadd.s32 s4, s6;
	[dreg:$0x0] =	wrdreg $0x0  }
0xb7: {  	s6 =	sshll.u32 s28, $0x1;
	[dreg:$0x2] =	wrdreg s4  }
0xb8: {  	[dreg:$0x3] =	wrdreg s6  }
0xb9: {  	[dreg:$0x4] =	wrdreg $0xC0  }
0xba: {  	_ =	task [dreg:s22], $0x5FFFF  }
0xbb: {  	[dreg:$0x1] =	wrdreg $0xFFFFFFFF  }
0xbc: {  	[dreg:$0x0] =	wrdreg $0x60  }
0xbd: {  	[dreg:$0x2] =	wrdreg s24  }
0xbe: {  	[dreg:$0x3] =	wrdreg s18  }
0xbf: {  	[dreg:$0x4] =	wrdreg $0x134000  }
0xc0: {  	[dreg:$0x5] =	wrdreg $0xA  }
0xc1: {  	_ =	task.clear_ibuf [dreg:s22], $0x6FFFF;
	_ =	strace $0x90000052  }
0xc2: {  	s29 =	simm.s32 $0xA;
	_ =	strace $0x80000054  }
0xc3: {  	_ =	swait.ge [sflag:s29], $0x1  }
0xc4: {  	[sflag:s29] =	ssyncadd.s32 $0xFFFFFFFF  }
0xc5: {  	_ =	strace $0x90000054  }
0xc6: {  	_ =	sfence  }
0xc7: {  	s30 =	sld [smem:$0x0];
	_ =	sdelay $0x2  }
0xc8: {  	s31 =	sshll.u32 s1, $0xD;
	s1 =	sshrl.u32 s1, $0x2  }
0xc9: {  	s4 =	sand.u32 $0x4000, s31;
	s1 =	sadd.s32 s1, s30  }
0xca: {  	s0 =	sor.u32 s4, s0;
	s1 =	sshll.u32 s1, $0x11  }
0xcb: {  	s0 =	sor.u32 s1, s0  }
0xcc: {  	s0 =	sadd.s32 $0x8F2B, s0  }
0xcd: {  	[sflag:s0] =	ssyncadd.remote.s32 $0x1  }
0xce: {  	_ =	sfence.sel $0xFFFF  }
0xcf: {  	[dreg:$0x0] =	wrdreg $0xFFFFFFFF;
	(pc) =	sbr.abs _section_cstart, $3  }
0xd0: {  	[dreg:$0x1] =	wrdreg $0xFFFFFFFF  }
0xd1: {  	_ =	task.clear_ibuf [dreg:s22], $0x2FFFF;
	_ =	strace $0x9FFFFFFF  }
0xd2: {  	(tm) =	ssettm $0x7FFFFFFF  }
0xd3: {  	_ =	shalt  }
tec
execute0_lowered:
.L_overlay_start_1:
0x0: {  	(tag) =	ssettag $0x1  }
0x1: {  	s0 =	rddreg [dreg:$0x0]  }
0x2: {  	s3 =	rddreg [dreg:$0x2];
	s4 =	simm.s32 $0x0  }
0x3: {  	s24 =	stileid.u32;
	s1 =	srdreg.scid;
	s29 =	simm.s32 $0x3  }
0x4: {  	s31 =	simm.s32 $0x12000;
	s30 =	simm.s32 $0xE000;
	s2 =	smul.u32 $0xA00, s24  }
0x5: {  	[smem:$0x7FF] =	sst s4;
	s1 =	sand.u32 $0x1, s1;
	s8 =	smul.u32 $0x28000, s24  }
0x6: {  	s5 =	sadd.s32 $0x72600, s0;
	s19 =	smul.u32 $0xA000, s24;
	_ =	strace $0x80000053  }
0x7: {  	s6 =	ssub.s32 $0x2, s1;
	p0 =	seq.s32 s1, $0x1;
	s1 =	smul.u32 $0x9C400, s1  }
0x8: {  	s2 =	sadd.s32 s2, s0;
	s7 =	sshrl.u32 s6, $0x1;
	s0 =	sadd.s32 $0xC0A00, s0  }
0x9: {  	s21 =	sshrl.u32 s8, $0x2;
	s10 =	sor.u32 $0x1400, s19;
	s22 =	sadd.s32 $0x2800, s19  }
0xa: {  	s11 =	sadd.s32 $0x3C00, s19;
	s20 =	sadd.s32 $0x5000, s19;
	s26 =	sadd.s32 $0x6400, s19  }
0xb: {  	s6 =	ssub.s32 s6, s7;
	s9 =	sadd.s32 $0x6200, s2;
	s8 =	sadd.s32 s21, s3  }
0xc: {  	s12 =	sadd.s32 s1, s19;
	s23 =	sadd.s32 s1, s22;
	s13 =	sadd.s32 s1, s11  }
0xd: {  	s14 =	sadd.s32 s1, s20;
	s15 =	sadd.s32 s1, s26;
	s7 =	sadd.s32 $0x8C00, s19  }
0xe: {  	s18 =	sadd.s32 s22, s3;
	s20 =	sadd.s32 s20, s3;
	[dreg:$0x4] =	wrdreg s9  }
0xf: {  	s6 =	smax.u32 s6, $0x1;
	s9 =	sadd.s32 s10, s3;
	s10 =	sadd.s32 s1, s10  }
0x10: {  	s12 =	sshrl.u32 s12, $0x3;
	s25 =	sshrl.u32 s13, $0x3;
	s14 =	sshrl.u32 s14, $0x3  }
0x11: {  	s15 =	sshrl.u32 s15, $0x3;
	s22 =	sadd.s32 $0x6400, s8;
	s28 =	sadd.s32 $0x8C00, s8  }
0x12: {  	[dreg:$0x5] =	wrdreg s6;
	s10 =	sshrl.u32 s10, $0x3;
	s12 =	sadd.s32 s0, s12  }
0x13: {  	s13 =	sadd.s32 s0, s25;
	s14 =	sadd.s32 s0, s14;
	s15 =	sadd.s32 s0, s15  }
0x14: {  	s6 =	simm.s32 $0x2;
	[dreg:$0x6] =	wrdreg s12;
	s10 =	sadd.s32 s0, s10  }
0x15: {  	[dreg:$0x7] =	wrdreg s10;
	s10 =	sshrl.u32 s23, $0x3;
	s23 =	sadd.s32 $0x7800, s19  }
0x16: {  	s19 =	sadd.s32 s11, s3;
	s16 =	sadd.s32 s1, s23;
	s1 =	sadd.s32 s1, s7  }
0x17: {  	s10 =	sadd.s32 s0, s10;
	s16 =	sshrl.u32 s16, $0x3;
	s1 =	sshrl.u32 s1, $0x3  }
0x18: {  	s16 =	sadd.s32 s0, s16;
	s17 =	sadd.s32 s0, s1;
	s0 =	simm.s32 $0x10200  }
0x19: {  	[dreg:$0x8] =	wrdreg s10;
	s1 =	sadd.s32 s23, s3;
	s0 =	simm.s32 @!p0 $0x1A200  }
0x1a: {  	p0 =	seq.s32 s24, $0xF;
	s21 =	sadd.s32 s0, s2;
	s0 =	sadd.s32 s26, s3  }
0x1b: {  	s2 =	sadd.s32 s7, s3;
	s24 =	sshrl.u32 @!p0 s1, $0x3;
	s26 =	sadd.s32 $0x7800, s8  }
0x1c: {  	s1 =	simm.s32 $0x1;
	s7 =	simm.s32 $0x0;
	s23 =	sshrl.u32 @!p0 s0, $0x3  }
0x1d: {  	s25 =	sshrl.u32 @!p0 s2, $0x3;
	s0 =	simm.s32 $0x7D;
	s2 =	simm.s32 $0xA000  }
.LBB2_1:
0x1e: {  	s10 =	rddreg [dreg:$0x4]  }
0x1f: {  	[tilespmem:s4], [sflag:$0x3] =	stream.linear.gather [hbm4b:s10+s4], $0x5000, $0x38;
	[tilespmem:$0x1D080] =	vst v63  }
0x20: {  	_ =	swait.ge [sflag:s29], $0x5000  }
0x21: {  	[sflag:s29] =	ssyncset.done $0x0  }
0x22: {  	s11 =	simm.s32 $0x5000;
	[sflag:s29] =	ssyncadd.s32 $0xFFFFB000  }
0x23: {  	[tilespmem:s11], [sflag:$0x3] =	stream.linear.gather [hbm4b:s21+s4], $0x5000, $0x38;
	[tilespmem:$0x1D080] =	vst v63  }
0x24: {  	_ =	swait.ge [sflag:s29], $0x5000  }
0x25: {  	[sflag:s29] =	ssyncset.done $0x0  }
0x26: {  	[sflag:s29] =	ssyncadd.s32 $0xFFFFB000  }
0x27: {  	s12 =	rddreg [dreg:$0x1]  }
0x28: {  	[tilespmem:s31], [sflag:$0x3] =	stream.linear.gather [hbm4b:s12+s4], $0x1400, $0x38;
	[tilespmem:$0x1D080] =	vst v63  }
0x29: {  	_ =	swait.ge [sflag:s29], $0x1400  }
0x2a: {  	[sflag:s29] =	ssyncset.done $0x0  }
0x2b: {  	[sflag:s29] =	ssyncadd.s32 $0xFFFFEC00  }
0x2c: {  	[spmem:s8] =	stream.linear.scatter [tilespmem:s31], [sflag:$0x3], $0x1400, $0x38;
	[tilespmem:$0x1D080] =	vst v63  }
0x2d: {  	_ =	swait.ge [sflag:s29], $0x1400  }
0x2e: {  	[sflag:s29] =	ssyncset.done $0x0  }
0x2f: {  	[sflag:s29] =	ssyncadd.s32 $0xFFFFEC00  }
0x30: {  	[spmem:s9] =	stream.linear.scatter [tilespmem:s31], [sflag:$0x3], $0x1400, $0x38;
	[tilespmem:$0x1D080] =	vst v63  }
0x31: {  	_ =	swait.ge [sflag:s29], $0x1400  }
0x32: {  	[sflag:s29] =	ssyncset.done $0x0  }
0x33: {  	[sflag:s29] =	ssyncadd.s32 $0xFFFFEC00  }
0x34: {  	[spmem:s18] =	stream.linear.scatter [tilespmem:s31], [sflag:$0x3], $0x1400, $0x38;
	[tilespmem:$0x1D080] =	vst v63  }
0x35: {  	_ =	swait.ge [sflag:s29], $0x1400  }
0x36: {  	[sflag:s29] =	ssyncset.done $0x0  }
0x37: {  	[sflag:s29] =	ssyncadd.s32 $0xFFFFEC00  }
0x38: {  	[spmem:s19] =	stream.linear.scatter [tilespmem:s31], [sflag:$0x3], $0x1400, $0x38;
	[tilespmem:$0x1D080] =	vst v63  }
0x39: {  	_ =	swait.ge [sflag:s29], $0x1400  }
0x3a: {  	[sflag:s29] =	ssyncset.done $0x0  }
0x3b: {  	[sflag:s29] =	ssyncadd.s32 $0xFFFFEC00  }
0x3c: {  	[spmem:s20] =	stream.linear.scatter [tilespmem:s31], [sflag:$0x3], $0x1400, $0x38;
	[tilespmem:$0x1D080] =	vst v63  }
0x3d: {  	_ =	swait.ge [sflag:s29], $0x1400  }
0x3e: {  	[sflag:s29] =	ssyncset.done $0x0  }
0x3f: {  	s10 =	simm.s32 @!p0 $0x12000;
	s11 =	simm.s32 @!p0 $0x3;
	[sflag:s29] =	ssyncadd.s32 $0xFFFFEC00  }
0x40: {  	[spmem:s22] =	stream.linear.scatter @!p0 [tilespmem:s10], [sflag:$0x3], $0x1400, $0x38;
	[tilespmem:$0x1D080] =	vst v63  }
0x41: {  	_ =	swait.ge @!p0 [sflag:s11], $0x1400  }
0x42: {  	[sflag:s11] =	ssyncset.done @!p0 $0x0  }
0x43: {  	[sflag:s11] =	ssyncadd.s32 @!p0 $0xFFFFEC00  }
0x44: {  	[spmem:s26] =	stream.linear.scatter @!p0 [tilespmem:s10], [sflag:$0x3], $0x1400, $0x38;
	[tilespmem:$0x1D080] =	vst v63  }
0x45: {  	_ =	swait.ge @!p0 [sflag:s11], $0x1400  }
0x46: {  	[sflag:s11] =	ssyncset.done @!p0 $0x0  }
0x47: {  	[sflag:s11] =	ssyncadd.s32 @!p0 $0xFFFFEC00  }
0x48: {  	[spmem:s28] =	stream.linear.scatter @!p0 [tilespmem:s10], [sflag:$0x3], $0x1400, $0x38;
	[tilespmem:$0x1D080] =	vst v63  }
0x49: {  	_ =	swait.ge @!p0 [sflag:s11], $0x1400  }
0x4a: {  	[sflag:s11] =	ssyncset.done @!p0 $0x0  }
0x4b: {  	[sflag:s11] =	ssyncadd.s32 @!p0 $0xFFFFEC00  }
0x4c: {  	[bflag:$0x0] =	sbarrier.arrive $0xFFFF  }
0x4d: {  	[tilespmem:s2], [sflag:$0x1] =	stream.indirect.gather [hbm4b:s5+s0], $0x80, s4, s0, $0xb8;
	[tilespmem:$0x1D080] =	vst v63  }
0x4e: {  	s11 =	simm.s32 $0x80  }
0x4f: {  	[tilespmem:s30], [sflag:$0x2] =	stream.indirect.gather [hbm4b:s5+s0], $0x80, s11, s0, $0xb8;
	[tilespmem:$0x1D080] =	vst v63  }
0x50: {  	_ =	swait.ge [sflag:s1], $0x3E80  }
0x51: {  	[sflag:s1] =	ssyncset.done $0x0  }
0x52: {  	s12 =	simm.s32 $0x5000;
	[sflag:s1] =	ssyncadd.s32 $0xFFFFC180  }
0x53: {  	[spmem:s3] =	stream.indirect.scatter.add.f32 [tilespmem:s2], [sflag:$0x3], $0x80, s12, s0, $0xb8;
	[tilespmem:$0x1D080] =	vst v63  }
0x54: {  	_ =	swait.ge [sflag:s29], $0x3E80  }
0x55: {  	[sflag:s29] =	ssyncset.done $0x0  }
0x56: {  	s11 =	simm.s32 $0x100;
	[sflag:s29] =	ssyncadd.s32 $0xFFFFC180  }
0x57: {  	[tilespmem:s2], [sflag:$0x1] =	stream.indirect.gather [hbm4b:s5+s0], $0x80, s11, s0, $0xb8;
	[tilespmem:$0x1D080] =	vst v63  }
0x58: {  	_ =	swait.ge [sflag:s6], $0x3E80  }
0x59: {  	[sflag:s6] =	ssyncset.done $0x0  }
0x5a: {  	s12 =	simm.s32 $0x5080;
	[sflag:s6] =	ssyncadd.s32 $0xFFFFC180  }
0x5b: {  	[spmem:s3] =	stream.indirect.scatter.add.f32 [tilespmem:s30], [sflag:$0x3], $0x80, s12, s0, $0xb8;
	[tilespmem:$0x1D080] =	vst v63  }
0x5c: {  	_ =	swait.ge [sflag:s29], $0x3E80  }
0x5d: {  	[sflag:s29] =	ssyncset.done $0x0  }
0x5e: {  	s10 =	simm.s32 $0x400;
	s11 =	simm.s32 $0x180;
	[sflag:s29] =	ssyncadd.s32 $0xFFFFC180  }
.LBB2_2:
0x5f: {  	[tilespmem:s30], [sflag:$0x2] =	stream.indirect.gather [hbm4b:s5+s0], $0x80, s11, s0, $0xb8;
	[tilespmem:$0x1D080] =	vst v63  }
0x60: {  	s11 =	smov.u32 s10  }
0x61: {  	p1 =	sne.s32 s10, $0x13800;
	s10 =	sadd.s32 $0x400, s10;
	_ =	swait.ge [sflag:s1], $0x3E80  }
0x62: {  	s11 =	sshra.s32 s11, $0x2;
	[sflag:s1] =	ssyncset.done $0x0  }
0x63: {  	s12 =	sadd.s32 $0x5000, s11;
	[sflag:s1] =	ssyncadd.s32 $0xFFFFC180  }
0x64: {  	[spmem:s3] =	stream.indirect.scatter.add.f32 [tilespmem:s2], [sflag:$0x3], $0x80, s12, s0, $0xb8;
	[tilespmem:$0x1D080] =	vst v63  }
0x65: {  	_ =	swait.ge [sflag:s29], $0x3E80  }
0x66: {  	[sflag:s29] =	ssyncset.done $0x0  }
0x67: {  	s12 =	sadd.s32 $0x100, s11;
	[sflag:s29] =	ssyncadd.s32 $0xFFFFC180  }
0x68: {  	[tilespmem:s2], [sflag:$0x1] =	stream.indirect.gather [hbm4b:s5+s0], $0x80, s12, s0, $0xb8;
	[tilespmem:$0x1D080] =	vst v63  }
0x69: {  	_ =	swait.ge [sflag:s6], $0x3E80  }
0x6a: {  	[sflag:s6] =	ssyncset.done $0x0  }
.Ltmp0:
0x6b: {  	s12 =	sadd.s32 $0x5080, s11;
	[sflag:s6] =	ssyncadd.s32 $0xFFFFC180;
	(pc) =	sbr.rel @p1 .LBB2_2-.Ltmp0, $4  }
0x6c: {  	[spmem:s3] =	stream.indirect.scatter.add.f32 [tilespmem:s30], [sflag:$0x3], $0x80, s12, s0, $0xb8;
	[tilespmem:$0x1D080] =	vst v63  }
0x6d: {  	_ =	swait.ge [sflag:s29], $0x3E80  }
0x6e: {  	[sflag:s29] =	ssyncset.done $0x0  }
0x6f: {  	s11 =	sadd.s32 $0x180, s11;
	[sflag:s29] =	ssyncadd.s32 $0xFFFFC180  }
0x70: {  	[tilespmem:s30], [sflag:$0x2] =	stream.indirect.gather [hbm4b:s5+s0], $0x80, s11, s0, $0xb8;
	[tilespmem:$0x1D080] =	vst v63  }
0x71: {  	_ =	swait.ge [sflag:s1], $0x3E80  }
0x72: {  	[sflag:s1] =	ssyncset.done $0x0  }
0x73: {  	s10 =	simm.s32 $0x9F00;
	[sflag:s1] =	ssyncadd.s32 $0xFFFFC180  }
0x74: {  	[spmem:s3] =	stream.indirect.scatter.add.f32 [tilespmem:s2], [sflag:$0x3], $0x80, s10, s0, $0xb8;
	[tilespmem:$0x1D080] =	vst v63  }
0x75: {  	_ =	swait.ge [sflag:s29], $0x3E80  }
0x76: {  	[sflag:s29] =	ssyncset.done $0x0  }
0x77: {  	[sflag:s29] =	ssyncadd.s32 $0xFFFFC180  }
0x78: {  	_ =	swait.ge [sflag:s6], $0x3E80  }
0x79: {  	[sflag:s6] =	ssyncset.done $0x0  }
0x7a: {  	s12 =	simm.s32 $0x9F80;
	[sflag:s6] =	ssyncadd.s32 $0xFFFFC180  }
0x7b: {  	[spmem:s3] =	stream.indirect.scatter.add.f32 [tilespmem:s30], [sflag:$0x3], $0x80, s12, s0, $0xb8;
	[tilespmem:$0x1D080] =	vst v63  }
0x7c: {  	_ =	swait.ge [sflag:s29], $0x3E80  }
0x7d: {  	[sflag:s29] =	ssyncset.done $0x0  }
0x7e: {  	s11 =	stileid.u32;
	[sflag:s29] =	ssyncadd.s32 $0xFFFFC180  }
0x7f: {  	s10 =	sshll.u32 s11, $0x6;
	[bflag:$0x0] =	sbarrier.arrive $0xFFFF  }
0x80: {  	s11 =	sshrl.u32 s8, $0x3;
	s10 =	sor.u32 $0x1C03, s10;
	s12 =	rddreg [dreg:$0x6]  }
0x81: {  	[hbm:s12], [sflag:s10] =	dma.local [spmem:s11], $0x280  }
0x82: {  	_ =	swait.ge [sflag:s29], $0x280  }
0x83: {  	[sflag:s29] =	ssyncset.done $0x0  }
0x84: {  	s11 =	sshrl.u32 s9, $0x3;
	s12 =	rddreg [dreg:$0x7];
	[sflag:s29] =	ssyncadd.s32 $0xFFFFFD80  }
0x85: {  	[hbm:s12], [sflag:s10] =	dma.local [spmem:s11], $0x280  }
0x86: {  	_ =	swait.ge [sflag:s29], $0x280  }
0x87: {  	[sflag:s29] =	ssyncset.done $0x0  }
0x88: {  	s11 =	sshrl.u32 s18, $0x3;
	s12 =	rddreg [dreg:$0x8];
	[sflag:s29] =	ssyncadd.s32 $0xFFFFFD80  }
0x89: {  	[hbm:s12], [sflag:s10] =	dma.local [spmem:s11], $0x280  }
0x8a: {  	_ =	swait.ge [sflag:s29], $0x280  }
0x8b: {  	[sflag:s29] =	ssyncset.done $0x0  }
0x8c: {  	s12 =	sshrl.u32 s19, $0x3;
	[sflag:s29] =	ssyncadd.s32 $0xFFFFFD80  }
0x8d: {  	[hbm:s13], [sflag:s10] =	dma.local [spmem:s12], $0x280  }
0x8e: {  	_ =	swait.ge [sflag:s29], $0x280  }
0x8f: {  	[sflag:s29] =	ssyncset.done $0x0  }
0x90: {  	s12 =	sshrl.u32 s20, $0x3;
	[sflag:s29] =	ssyncadd.s32 $0xFFFFFD80  }
0x91: {  	[hbm:s14], [sflag:s10] =	dma.local [spmem:s12], $0x280  }
0x92: {  	_ =	swait.ge [sflag:s29], $0x280  }
0x93: {  	[sflag:s29] =	ssyncset.done $0x0  }
0x94: {  	s11 =	simm.s32 @!p0 $0x3;
	[sflag:s29] =	ssyncadd.s32 $0xFFFFFD80  }
0x95: {  	[hbm:s15], [sflag:s10] =	dma.local @!p0 [spmem:s23], $0x280  }
0x96: {  	_ =	swait.ge @!p0 [sflag:s11], $0x280  }
0x97: {  	[sflag:s11] =	ssyncset.done @!p0 $0x0  }
0x98: {  	[sflag:s11] =	ssyncadd.s32 @!p0 $0xFFFFFD80  }
0x99: {  	[hbm:s16], [sflag:s10] =	dma.local @!p0 [spmem:s24], $0x280  }
0x9a: {  	_ =	swait.ge @!p0 [sflag:s11], $0x280  }
0x9b: {  	[sflag:s11] =	ssyncset.done @!p0 $0x0  }
0x9c: {  	[sflag:s11] =	ssyncadd.s32 @!p0 $0xFFFFFD80  }
0x9d: {  	[hbm:s17], [sflag:s10] =	dma.local @!p0 [spmem:s25], $0x280  }
0x9e: {  	_ =	swait.ge @!p0 [sflag:s11], $0x280  }
0x9f: {  	s7 =	sadd.s32 $0x1, s7;
	s12 =	rddreg [dreg:$0x5]  }
0xa0: {  	p1 =	sne.s32 s7, s12  }
.Ltmp1:
0xa1: {  	_ = 	snop;
	(pc) =	sbr.rel @p1 .LBB2_1-.Ltmp1, $3  }
0xa2: {  	_ =	sdelay $0x1  }
0xa3: {  	[sflag:s11] =	ssyncset.done @!p0 $0x0  }
0xa4: {  	[sflag:s11] =	ssyncadd.s32 @!p0 $0xFFFFFD80  }
0xa5: {  	_ =	sfence.sel $0x180000  }
0xa6: {  	[bflag:$0x0] =	sbarrier.arrive $0xFFFF  }
0xa7: {  	_ =	strace $0x90000053  }
0xa8: {  	s0 =	stileid.u32;
	[bflag:$0x2] =	sbarrier.arrive $0xFFFF  }
0xa9: {  	p0 =	sne.s32 s0, $0x0;
	s0 =	rddreg [dreg:$0x3]  }
0xaa: {  	s0 =	sadd.s32 @!p0 $0x100000, s0  }
0xab: {  	[sflag:s0] =	ssyncadd.tile.s32 @!p0 $0x1;
	_ =	shalt  }
.Lfunc_end2:
_tile_overlayer_lowered:
.L_overlay_start_2:
0xac: {  	(tag) =	ssettag $0x2  }
0xad: {  	s0 =	rddreg [dreg:$0x0];
	s2 =	stileid.u32  }
0xae: {  	s1 =	rddreg [dreg:$0x1];
	p0 =	sne.s32 s2, $0x0  }
0xaf: {  	s3 =	rddreg [dreg:$0x2];
	[bflag:$0x3] =	sbarrier.arrive $0xFFFF;
	s2 =	simm.s32 @!p0 $0x1C03  }
0xb0: {  	[timem:s3], [sflag:s2] =	dma.local @!p0 [hbm:s0], s1  }
0xb1: {  	s0 =	simm.s32 @!p0 $0x3  }
0xb2: {  	_ =	swait.ge @!p0 [sflag:s0], s1  }
0xb3: {  	s1 =	ssub.s32 @!p0 $0x0, s1;
	[sflag:s0] =	ssyncset.done @!p0 $0x0  }
0xb4: {  	[sflag:s0] =	ssyncadd.s32 @!p0 s1  }
0xb5: {  	[bflag:$0x3] =	sbarrier.arrive $0xFFFF  }
0xb6: {  	_ =	shalt  }

// kernel: _impl.28.cloned.1.call-start
scs
__scs_entry_jumppad:
0x0: {  	(pc) =	sbr.rel $0x88, $3  }
0x1: {  	(tag) =	ssettag $0x0;
	lr =	simm.s32 $0x1  }
0x2: {  	[smem:$0x3F94] =	sst lr;
	_ =	strace $0xD0000000  }
0x3: {  	_ = 	snop  }
0x4: {  	_ = 	snop  }
0x5: {  	_ = 	snop  }
0x6: {  	_ = 	snop  }
0x7: {  	_ = 	snop  }
__scs_overlays_trampoline_lowered:
0x8: {  	[smem:$0x3FA3] =	sst s0  }
0x9: {  	[smem:$0x3FA4] =	sst s1  }
0xa: {  	[smem:$0x3FA5] =	sst s2  }
0xb: {  	[smem:$0x3FA6] =	sst s3  }
0xc: {  	[smem:$0x3FA7] =	sst s4  }
0xd: {  	[smem:$0x3FA8] =	sst s5  }
0xe: {  	[smem:$0x3FA9] =	sst s6  }
0xf: {  	[smem:$0x3FAA] =	sst s7  }
0x10: {  	[smem:$0x3FAB] =	sst s8  }
0x11: {  	[smem:$0x3FAC] =	sst s9;
	s0 =	simm.s32 @!p0 $0x0  }
0x12: {  	s1 =	sld [smem:$0x3F92];
	s0 =	simm.s32 @p0 $0x1  }
0x13: {  	[smem:$0x3FAD] =	sst s0;
	s0 =	simm.s32 @!p1 $0x0  }
0x14: {  	s2 =	sld [smem:$0x3F91];
	s0 =	simm.s32 @p1 $0x1  }
0x15: {  	[smem:$0x3FAE] =	sst s0;
	s0 =	simm.s32 @!p2 $0x0  }
0x16: {  	s3 =	sld [smem:$0x3FDB];
	s0 =	simm.s32 @p2 $0x1  }
0x17: {  	s4 =	simm.s32 $0x1BF5;
	[smem:$0x3FB0] =	sst s0  }
0x18: {  	s0 =	sld [smem:$0x3F93];
	_ =	swait.ge [sflag:s4], $0x0  }
0x19: {  	s7 =	sld [smem:$0x3F94]  }
0x1a: {  	s8 =	sadd.s32 $0xFFFFE003, lr  }
0x1b: {  	s9 =	sadd.s32 $0xFFFFFEF7, lr;
	s5 =	simm.s32 $0xFFFFFFFF;
	p2 =	slt.u32 s8, $0xFFFFF086  }
0x1c: {  	p1 =	slt.u32 s9, $0xF7A;
	s5 =	simm.s32 @!p2 $0x0  }
0x1d: {  	s5 =	simm.s32 @p1 $0x1;
	p0 =	seq.s32 s7, s2  }
0x1e: {  	s7 =	smul.u32 @!p0 $0xF7A, s2;
	p2 =	seq.s32 @!p0 s5, $0x0  }
0x1f: {  	s9 =	smul.u32 $0xF7A, s1;
	s8 =	simm.s32 @!p0 $0x1BF5;
	p2 =	por !p2, p0  }
0x20: {  	[sflag:s8] =	ssyncset.s32 @!p0 $0xFFFFF086;
	s6 =	sadd.s32 @!p0 s3, s7;
	s7 =	simm.s32 @!p0 $0x108  }
0x21: {  	s3 =	sadd.s32 s3, s9;
	s6 =	sadd.s32 @!p0 $0x88, s6;
	s7 =	simm.s32 @p2 $0x1082  }
0x22: {  	[simem:s7], [sflag:s8] =	dma.local @!p0 [hbm:s6], $0xF7A  }
0x23: {  	s9 =	sor.u32 $0xD0000000, s2;
	s6 =	simm.s32 $0x108;
	_ =	swait.ge @!p0 [sflag:s8], $0x0  }
0x24: {  	s3 =	sadd.s32 $0x88, s3;
	s6 =	simm.s32 @!p1 $0x1082;
	[sflag:s4] =	ssyncset.s32 $0xFFFFF086  }
0x25: {  	[simem:s6], [sflag:s4] =	dma.local [hbm:s3], $0xF7A  }
0x26: {  	[smem:$0x3F94] =	sst s1;
	(tag) =	ssettag s2;
	_ =	strace s9  }
0x27: {  	s1 =	sld [smem:$0x3FA4]  }
0x28: {  	s2 =	sld [smem:$0x3FA5]  }
0x29: {  	s4 =	sld [smem:$0x3FA7]  }
0x2a: {  	p0 =	seq.s32 s5, $0x0;
	s5 =	sld [smem:$0x3FA8]  }
0x2b: {  	s6 =	sld [smem:$0x3FA9]  }
0x2c: {  	s7 =	sld [smem:$0x3FAA]  }
0x2d: {  	s3 =	simm.s32 $0x108;
	s8 =	sld [smem:$0x3FAB]  }
0x2e: {  	s3 =	simm.s32 @!p0 $0x1082;
	s9 =	sld [smem:$0x3FAC]  }
0x2f: {  	lr =	sadd.s32 s0, s3;
	s0 =	sld [smem:$0x3FA3]  }
0x30: {  	s3 =	sld [smem:$0x3FA6]  }
0x31: {  	[smem:$0x3FAF] =	sst s10  }
0x32: {  	s10 =	sld [smem:$0x3FAD];
	_ =	sdelay $0x3  }
0x33: {  	p0 =	seq.s32 s10, $0x1;
	s10 =	sld [smem:$0x3FAF];
	_ =	sdelay $0x3  }
0x34: {  	[smem:$0x3FAF] =	sst s10  }
0x35: {  	s10 =	sld [smem:$0x3FAE];
	_ =	sdelay $0x3  }
0x36: {  	p1 =	seq.s32 s10, $0x1;
	s10 =	sld [smem:$0x3FAF];
	_ =	sdelay $0x3  }
0x37: {  	[smem:$0x3FAF] =	sst s10  }
0x38: {  	s10 =	sld [smem:$0x3FB0]  }
0x39: {  	_ = 	snop;
	(pc) =	sbr.ind lr, $3  }
0x3a: {  	_ = 	snop  }
0x3b: {  	_ = 	snop  }
0x3c: {  	p2 =	seq.s32 s10, $0x1;
	s10 =	sld [smem:$0x3FAF]  }
0x3d: {  	_ =	shalt  }
0x3e: {  	_ =	shalt  }
0x3f: {  	_ =	shalt  }
0x40: {  	_ =	shalt  }
0x41: {  	_ =	shalt  }
0x42: {  	_ =	shalt  }
0x43: {  	_ =	shalt  }
0x44: {  	_ =	shalt  }
0x45: {  	_ =	shalt  }
0x46: {  	_ =	shalt  }
0x47: {  	_ =	shalt  }
0x48: {  	_ =	shalt  }
0x49: {  	_ =	shalt  }
0x4a: {  	_ =	shalt  }
0x4b: {  	_ =	shalt  }
0x4c: {  	_ =	shalt  }
0x4d: {  	_ =	shalt  }
0x4e: {  	_ =	shalt  }
0x4f: {  	_ =	shalt  }
0x50: {  	_ =	shalt  }
0x51: {  	_ =	shalt  }
0x52: {  	_ =	shalt  }
0x53: {  	_ =	shalt  }
0x54: {  	_ =	shalt  }
0x55: {  	_ =	shalt  }
0x56: {  	_ =	shalt  }
0x57: {  	_ =	shalt  }
0x58: {  	_ =	shalt  }
0x59: {  	_ =	shalt  }
0x5a: {  	_ =	shalt  }
0x5b: {  	_ =	shalt  }
0x5c: {  	_ =	shalt  }
0x5d: {  	_ =	shalt  }
0x5e: {  	_ =	shalt  }
0x5f: {  	_ =	shalt  }
0x60: {  	_ =	shalt  }
0x61: {  	_ =	shalt  }
0x62: {  	_ =	shalt  }
0x63: {  	_ =	shalt  }
0x64: {  	_ =	shalt  }
0x65: {  	_ =	shalt  }
0x66: {  	_ =	shalt  }
0x67: {  	_ =	shalt  }
0x68: {  	_ =	shalt  }
0x69: {  	_ =	shalt  }
0x6a: {  	_ =	shalt  }
0x6b: {  	_ =	shalt  }
0x6c: {  	_ =	shalt  }
0x6d: {  	_ =	shalt  }
0x6e: {  	_ =	shalt  }
0x6f: {  	_ =	shalt  }
0x70: {  	_ =	shalt  }
0x71: {  	_ =	shalt  }
0x72: {  	_ =	shalt  }
0x73: {  	_ =	shalt  }
0x74: {  	_ =	shalt  }
0x75: {  	_ =	shalt  }
0x76: {  	_ =	shalt  }
0x77: {  	_ =	shalt  }
0x78: {  	_ =	shalt  }
0x79: {  	_ =	shalt  }
0x7a: {  	_ =	shalt  }
0x7b: {  	_ =	shalt  }
0x7c: {  	_ =	shalt  }
0x7d: {  	_ =	shalt  }
0x7e: {  	_ =	shalt  }
0x7f: {  	_ =	shalt  }
0x80: {  	_ =	shalt  }
0x81: {  	_ =	shalt  }
0x82: {  	_ =	shalt  }
0x83: {  	_ =	shalt  }
0x84: {  	_ =	shalt  }
0x85: {  	_ =	shalt  }
0x86: {  	_ =	shalt  }
0x87: {  	_ =	shalt  }
.Lfunc_end0:
.L_simem_size_0:
called_computation.5_lowered:
.L_overlay_start_0:
0x88: {  	s2 =	sld [smem:$0x3FD9]  }
0x89: {  	s3 =	sld [smem:$0x3FFE];
	_ =	sdelay $0x1  }
0x8a: {  	s1 =	srdreg.scid  }
0x8b: {  	s0 =	sand.u32 $0x1, s1  }
0x8c: {  	s17 =	sshll.u32 s0, $0xA;
	s2 =	sadd.s32 s3, s2  }
0x8d: {  	s2 =	sadd.s32 s2, s17  }
0x8e: {  	[smem:$0x3FBB] =	sst s2  }
0x8f: {  	_ = 	snop  }
0x90: {  	s2 =	sld [smem:$0x3FC7]  }
0x91: {  	s18 =	sld [smem:$0x3FD0];
	(tm) =	ssettm $0x1  }
0x92: {  	s4 =	sld [smem:$0x3FFB];
	_ =	sdelay $0x3  }
0x93: {  	_ =	strace s4  }
0x94: {  	s4 =	sld [smem:$0x3FFC];
	_ =	sdelay $0x3  }
0x95: {  	_ =	strace s4  }
0x96: {  	s4 =	sld [smem:$0x3FFD];
	_ =	sdelay $0x3  }
0x97: {  	_ =	strace s4  }
0x98: {  	_ =	strace $0x8FFFFFFF  }
0x99: {  	s19 =	sld [smem:$0x3FDB];
	_ =	sdelay $0x1  }
0x9a: {  	s5 =	simm.s32 $_scs_section_size  }
0x9b: {  	s6 =	simm.s32 $_size__tile_overlayer_lowered;
	s7 =	simm.s32 $_tile_overlayer_lowered  }
0x9c: {  	s22 =	simm.s32 $0x1BFF;
	s21 =	sshll.u32 s7, $0x1;
	s4 =	sadd.s32 s5, s19  }
0x9d: {  	s8 =	simm.s32 $0x0;
	s20 =	sshll.u32 s6, $0x1;
	s6 =	sadd.s32 s21, s4  }
0x9e: {  	[timem:s8], [sflag:s22] =	dma.local [hbm:s6], s20  }
0x9f: {  	_ =	swait.ge [sflag:s22], s20  }
0xa0: {  	s5 =	ssub.s32 $0x0, s20;
	[sflag:s22] =	ssyncset.done $0x0  }
0xa1: {  	[sflag:s22] =	ssyncadd.s32 s5;
	_ =	sdelay $0x1  }
0xa2: {  	s23 =	simm.s32 $0x1B8B  }
0xa3: {  	_ =	swait.ge [sflag:s23], $0x1  }
0xa4: {  	[sflag:s23] =	ssyncset.done $0x0  }
0xa5: {  	s25 =	simm.s32 $0x1B8E;
	s24 =	sld [smem:$0x3FFE];
	[sflag:s23] =	ssyncadd.s32 $0xFFFFFFFF  }
0xa6: {  	s26 =	simm.s32 $execute0_lowered;
	[smem:$0x3FD2] =	sst s25  }
0xa7: {  	s6 =	sshll.u32 s26, $0x1;
	_ =	strace $0x80000055;
	[dreg:$0x1] =	wrdreg $0xFFFFFFFF  }
0xa8: {  	s28 =	simm.s32 $_size_execute0_lowered;
	s4 =	sadd.s32 s4, s6;
	[dreg:$0x0] =	wrdreg $0x0  }
0xa9: {  	s6 =	sshll.u32 s28, $0x1;
	[dreg:$0x2] =	wrdreg s4  }
0xaa: {  	[dreg:$0x3] =	wrdreg s6  }
0xab: {  	[dreg:$0x4] =	wrdreg $0xC0  }
0xac: {  	_ =	task [dreg:s8], $0x5FFFF  }
0xad: {  	[dreg:$0x1] =	wrdreg $0xFFFFFFFF  }
0xae: {  	[dreg:$0x0] =	wrdreg $0x60  }
0xaf: {  	[dreg:$0x2] =	wrdreg s24  }
0xb0: {  	[dreg:$0x3] =	wrdreg s2  }
0xb1: {  	[dreg:$0x4] =	wrdreg s18  }
0xb2: {  	[dreg:$0x5] =	wrdreg $0x9  }
0xb3: {  	_ =	task.clear_ibuf [dreg:s8], $0x6FFFF;
	_ =	strace $0x90000055  }
0xb4: {  	s29 =	simm.s32 $0x9;
	_ =	strace $0x80000057  }
0xb5: {  	_ =	swait.ge [sflag:s29], $0x1  }
0xb6: {  	[sflag:s29] =	ssyncadd.s32 $0xFFFFFFFF  }
0xb7: {  	_ =	strace $0x90000057  }
0xb8: {  	_ =	sfence  }
0xb9: {  	s30 =	sld [smem:$0x0];
	_ =	sdelay $0x2  }
0xba: {  	s31 =	sshll.u32 s1, $0xD;
	s1 =	sshrl.u32 s1, $0x2  }
0xbb: {  	s3 =	sand.u32 $0x4000, s31;
	s1 =	sadd.s32 s1, s30  }
0xbc: {  	s0 =	sor.u32 s3, s0;
	s1 =	sshll.u32 s1, $0x11  }
0xbd: {  	s0 =	sor.u32 s1, s0  }
0xbe: {  	s0 =	sadd.s32 $0x8F2B, s0  }
0xbf: {  	[sflag:s0] =	ssyncadd.remote.s32 $0x1  }
0xc0: {  	_ =	sfence.sel $0xFFFF  }
0xc1: {  	[dreg:$0x0] =	wrdreg $0xFFFFFFFF;
	(pc) =	sbr.abs _section_cstart, $3  }
0xc2: {  	[dreg:$0x1] =	wrdreg $0xFFFFFFFF  }
0xc3: {  	_ =	task.clear_ibuf [dreg:s8], $0x2FFFF;
	_ =	strace $0x9FFFFFFF  }
0xc4: {  	(tm) =	ssettm $0x7FFFFFFF  }
0xc5: {  	_ =	shalt  }
tec
execute0_lowered:
.L_overlay_start_1:
0x0: {  	(tag) =	ssettag $0x1  }
0x1: {  	s0 =	srdreg.scid;
	s7 =	rddreg [dreg:$0x0]  }
0x2: {  	s8 =	rddreg [dreg:$0x1];
	s5 =	sand.u32 $0x1, s0  }
0x3: {  	s4 =	simm.s32 $0x1;
	s0 =	stileid.u32;
	s1 =	sshll.u32 s5, $0x4  }
0x4: {  	s2 =	rddreg [dreg:$0x2];
	s6 =	sand.u32 $0x7, s0;
	s1 =	sor.u32 s0, s1  }
0x5: {  	s3 =	simm.s32 $0x0;
	p0 =	sne.s32 s6, $0x0;
	p1 =	seq.s32 s1, $0x0  }
0x6: {  	[smem:$0x7FF] =	sst s3;
	s11 =	sadd.s32 $0x72600, s7;
	p0 =	por !p0, !p1  }
0x7: {  	s5 =	ssub.s32 $0x2, s5;
	s10 =	sshll.u32 s6, $0xE;
	p0 =	por !p0, !p0  }
0x8: {  	s12 =	smul.u32 $0x27000, s6;
	s9 =	sshrl.u32 s1, $0x3;
	s4 =	simm.s32 @!p0 $0x0  }
0x9: {  	s28 =	sshrl.u32 s5, $0x1;
	s6 =	smul.u32 $0x9C, s6;
	s4 =	ssub.s32 s9, s4  }
0xa: {  	s1 =	rddreg [dreg:$0x3];
	_ =	strace $0x80000056;
	s26 =	smul.u32 $0x138800, s4  }
0xb: {  	s29 =	ssub.s32 s5, s28;
	s5 =	sadd.s32 s8, s6;
	s9 =	sshll.u32 s4, $0x11  }
0xc: {  	s4 =	simm.s32 $0x1;
	s9 =	sor.u32 s10, s9;
	s10 =	sadd.s32 s12, s26  }
0xd: {  	s9 =	sshrl.u32 s9, $0x3;
	s12 =	simm.s32 $0x0;
	s30 =	sshrl.u32 s10, $0x3  }
0xe: {  	s9 =	sadd.s32 s9, s7;
	s10 =	sadd.s32 $0x13C00, s10;
	s6 =	sadd.s32 s11, s30  }
0xf: {  	s31 =	sshrl.u32 s10, $0x3;
	s8 =	sadd.s32 $0x6200, s9;
	s9 =	smax.u32 s29, $0x1  }
0x10: {  	s10 =	simm.s32 $0x13C00;
	s7 =	sadd.s32 s11, s31;
	s11 =	simm.s32 $0x14100  }
.LBB2_1:
0x11: {  	[tilespmem:s10], [sflag:$0x1] =	stream.linear.gather [hbm4b:s5+s3], $0x4F0, $0x38;
	[tilespmem:$0x18100] =	vst v63  }
0x12: {  	_ =	swait.ge [sflag:s4], $0x4F0  }
0x13: {  	[sflag:s4] =	ssyncset.done $0x0  }
0x14: {  	[sflag:s4] =	ssyncadd.s32 $0xFFFFFB10  }
0x15: {  	[tilespmem:s11], [sflag:$0x1] =	stream.linear.gather [hbm4b:s2+s3], $0x4000, $0x38;
	[tilespmem:$0x18100] =	vst v63  }
0x16: {  	_ =	swait.ge [sflag:s4], $0x4000  }
0x17: {  	[sflag:s4] =	ssyncset.done $0x0  }
0x18: {  	[sflag:s4] =	ssyncadd.s32 $0xFFFFC000  }
0x19: {  	[tilespmem:s3], [sflag:$0x1] =	stream.linear.gather [hbm4b:s6+s3], $0x13C00, $0x38;
	[tilespmem:$0x18100] =	vst v63  }
0x1a: {  	_ =	swait.ge [sflag:s4], $0x13C00  }
0x1b: {  	[sflag:s4] =	ssyncset.done $0x0  }
0x1c: {  	s13 =	simm.s32 $0x0;
	[sflag:s4] =	ssyncadd.s32 $0xFFFEC400  }
0x1d: {  	v0 =	vld [tilespmem:s13+$0x13C00];
	_ =	sdelay $0x4  }
0x1e: {  	(v2sf) =	vpush v0, $0x0;
	_ =	sdelay $0xe  }
0x1f: {  	s14 =	spop (v2sf)  }
0x20: {  	s13 =	simm.s32 $0x40;
	s14 =	sshll.u32 s14, $0x9  }
0x21: {  	v0 =	vld [tilespmem:s13+$0xFFFFFFC0];
	s14 =	sshra.s32 s14, $0x2  }
0x22: {  	v1 =	vld [tilespmem:s14+$0x14100];
	_ =	sdelay $0x4  }
0x23: {  	v0 =	vmax.f32 v1, v0  }
0x24: {  	[tilespmem:s14+$0x14100] =	vst v0;
	v0 =	vld [tilespmem:s14+$0x14110]  }
0x25: {  	v1 =	vld [tilespmem:s13+$0xFFFFFFD0];
	_ =	sdelay $0x4  }
0x26: {  	v0 =	vmax.f32 v0, v1  }
0x27: {  	[tilespmem:s14+$0x14110] =	vst v0;
	v0 =	vld [tilespmem:s14+$0x14120]  }
0x28: {  	v1 =	vld [tilespmem:s13+$0xFFFFFFE0];
	_ =	sdelay $0x4  }
0x29: {  	v0 =	vmax.f32 v0, v1  }
0x2a: {  	[tilespmem:s14+$0x14120] =	vst v0;
	v0 =	vld [tilespmem:s14+$0x14130]  }
0x2b: {  	v1 =	vld [tilespmem:s13+$0xFFFFFFF0];
	_ =	sdelay $0x4  }
0x2c: {  	v0 =	vmax.f32 v0, v1  }
0x2d: {  	[tilespmem:s14+$0x14130] =	vst v0;
	v0 =	vld [tilespmem:s14+$0x14140]  }
0x2e: {  	v1 =	vld [tilespmem:s13+$0x0];
	_ =	sdelay $0x4  }
0x2f: {  	v0 =	vmax.f32 v0, v1  }
0x30: {  	[tilespmem:s14+$0x14140] =	vst v0;
	v0 =	vld [tilespmem:s14+$0x14150]  }
0x31: {  	v1 =	vld [tilespmem:s13+$0x10];
	_ =	sdelay $0x4  }
0x32: {  	v0 =	vmax.f32 v0, v1  }
0x33: {  	[tilespmem:s14+$0x14150] =	vst v0;
	v0 =	vld [tilespmem:s14+$0x14160]  }
0x34: {  	v1 =	vld [tilespmem:s13+$0x20];
	_ =	sdelay $0x4  }
0x35: {  	v0 =	vmax.f32 v0, v1  }
0x36: {  	[tilespmem:s14+$0x14160] =	vst v0;
	v0 =	vld [tilespmem:s14+$0x14170]  }
0x37: {  	v1 =	vld [tilespmem:s13+$0x30];
	_ =	sdelay $0x4  }
0x38: {  	s15 =	simm.s32 $0x4;
	s17 =	simm.s32 $0x8;
	v0 =	vmax.f32 v0, v1  }
.LBB2_2:
0x39: {  	s18 =	sshra.s32 s15, $0x2  }
0x3a: {  	[tilespmem:s14+$0x14170] =	vst v0;
	s13 =	sadd.s32 $0x80, s13;
	s15 =	smov.u32 s17;
	s16 =	sadd.s32 $0x4, s17  }
0x3b: {  	p0 =	sne.s32 s17, $0x9DC;
	v0 =	vld [tilespmem:s18+$0x13C00];
	_ =	sdelay $0x4  }
0x3c: {  	(v2sf) =	vpush v0, $0x0;
	_ =	sdelay $0xe  }
0x3d: {  	s14 =	spop (v2sf)  }
0x3e: {  	s14 =	sshll.u32 s14, $0x9  }
0x3f: {  	v0 =	vld [tilespmem:s13+$0xFFFFFFC0];
	s14 =	sshra.s32 s14, $0x2  }
0x40: {  	v1 =	vld [tilespmem:s14+$0x14100];
	_ =	sdelay $0x4  }
0x41: {  	v0 =	vmax.f32 v1, v0  }
0x42: {  	[tilespmem:s14+$0x14100] =	vst v0;
	v0 =	vld [tilespmem:s14+$0x14110]  }
0x43: {  	v1 =	vld [tilespmem:s13+$0xFFFFFFD0];
	_ =	sdelay $0x4  }
0x44: {  	v0 =	vmax.f32 v0, v1  }
0x45: {  	[tilespmem:s14+$0x14110] =	vst v0;
	v0 =	vld [tilespmem:s14+$0x14120]  }
0x46: {  	v1 =	vld [tilespmem:s13+$0xFFFFFFE0];
	_ =	sdelay $0x4  }
0x47: {  	v0 =	vmax.f32 v0, v1  }
0x48: {  	[tilespmem:s14+$0x14120] =	vst v0;
	v0 =	vld [tilespmem:s14+$0x14130]  }
0x49: {  	v1 =	vld [tilespmem:s13+$0xFFFFFFF0];
	_ =	sdelay $0x4  }
0x4a: {  	v0 =	vmax.f32 v0, v1  }
0x4b: {  	[tilespmem:s14+$0x14130] =	vst v0;
	v0 =	vld [tilespmem:s14+$0x14140]  }
0x4c: {  	v1 =	vld [tilespmem:s13+$0x0];
	_ =	sdelay $0x4  }
0x4d: {  	v0 =	vmax.f32 v0, v1  }
0x4e: {  	[tilespmem:s14+$0x14140] =	vst v0;
	v0 =	vld [tilespmem:s14+$0x14150]  }
0x4f: {  	v1 =	vld [tilespmem:s13+$0x10];
	_ =	sdelay $0x4  }
0x50: {  	v0 =	vmax.f32 v0, v1  }
0x51: {  	[tilespmem:s14+$0x14150] =	vst v0;
	v0 =	vld [tilespmem:s14+$0x14160]  }
0x52: {  	v1 =	vld [tilespmem:s13+$0x20];
	_ =	sdelay $0x4  }
0x53: {  	v0 =	vmax.f32 v0, v1  }
0x54: {  	[tilespmem:s14+$0x14160] =	vst v0;
	v0 =	vld [tilespmem:s14+$0x14170]  }
0x55: {  	v1 =	vld [tilespmem:s13+$0x30]  }
.Ltmp0:
0x56: {  	(pc) =	sbr.rel @p0 .LBB2_2-.Ltmp0, $2  }
0x57: {  	_ =	sdelay $0x2  }
0x58: {  	s17 =	smov.u32 s16;
	v0 =	vmax.f32 v0, v1  }
0x59: {  	s15 =	sshra.s32 s15, $0x2;
	[tilespmem:s14+$0x14170] =	vst v0  }
0x5a: {  	v0 =	vld [tilespmem:s15+$0x13C00];
	_ =	sdelay $0x4  }
0x5b: {  	(v2sf) =	vpush v0, $0x0;
	_ =	sdelay $0xe  }
0x5c: {  	s28 =	spop (v2sf)  }
0x5d: {  	s13 =	sadd.s32 $0x80, s13;
	s14 =	sshll.u32 s28, $0x9  }
0x5e: {  	v0 =	vld [tilespmem:s13+$0xFFFFFFC0];
	s14 =	sshra.s32 s14, $0x2  }
0x5f: {  	v1 =	vld [tilespmem:s14+$0x14100];
	_ =	sdelay $0x4  }
0x60: {  	v0 =	vmax.f32 v1, v0  }
0x61: {  	[tilespmem:s14+$0x14100] =	vst v0;
	v0 =	vld [tilespmem:s14+$0x14110]  }
0x62: {  	v1 =	vld [tilespmem:s13+$0xFFFFFFD0];
	_ =	sdelay $0x4  }
0x63: {  	v0 =	vmax.f32 v0, v1  }
0x64: {  	[tilespmem:s14+$0x14110] =	vst v0;
	v0 =	vld [tilespmem:s14+$0x14120]  }
0x65: {  	v1 =	vld [tilespmem:s13+$0xFFFFFFE0];
	_ =	sdelay $0x4  }
0x66: {  	v0 =	vmax.f32 v0, v1  }
0x67: {  	[tilespmem:s14+$0x14120] =	vst v0;
	v0 =	vld [tilespmem:s14+$0x14130]  }
0x68: {  	v1 =	vld [tilespmem:s13+$0xFFFFFFF0];
	_ =	sdelay $0x4  }
0x69: {  	v0 =	vmax.f32 v0, v1  }
0x6a: {  	[tilespmem:s14+$0x14130] =	vst v0;
	v0 =	vld [tilespmem:s14+$0x14140]  }
0x6b: {  	v1 =	vld [tilespmem:s13+$0x0];
	_ =	sdelay $0x4  }
0x6c: {  	v0 =	vmax.f32 v0, v1  }
0x6d: {  	[tilespmem:s14+$0x14140] =	vst v0;
	v0 =	vld [tilespmem:s14+$0x14150]  }
0x6e: {  	v1 =	vld [tilespmem:s13+$0x10];
	_ =	sdelay $0x4  }
0x6f: {  	v0 =	vmax.f32 v0, v1  }
0x70: {  	[tilespmem:s14+$0x14150] =	vst v0;
	v0 =	vld [tilespmem:s14+$0x14160]  }
0x71: {  	v1 =	vld [tilespmem:s13+$0x20];
	_ =	sdelay $0x4  }
0x72: {  	v0 =	vmax.f32 v0, v1  }
0x73: {  	[tilespmem:s14+$0x14160] =	vst v0;
	v0 =	vld [tilespmem:s14+$0x14170]  }
0x74: {  	v1 =	vld [tilespmem:s13+$0x30];
	_ =	sdelay $0x4  }
0x75: {  	v0 =	vmax.f32 v0, v1  }
0x76: {  	s29 =	simm.s32 $0x0;
	[tilespmem:s14+$0x14170] =	vst v0  }
0x77: {  	[tilespmem:s29], [sflag:$0x1] =	stream.linear.gather [hbm4b:s7+s29], $0x13C00, $0x38;
	[tilespmem:$0x18100] =	vst v63  }
0x78: {  	_ =	swait.ge [sflag:s4], $0x13C00  }
0x79: {  	[sflag:s4] =	ssyncset.done $0x0  }
0x7a: {  	s30 =	simm.s32 $0x0;
	[sflag:s4] =	ssyncadd.s32 $0xFFFEC400  }
0x7b: {  	v0 =	vld [tilespmem:s30+$0x13E78];
	_ =	sdelay $0x4  }
0x7c: {  	(v2sf) =	vpush v0, $0x0;
	_ =	sdelay $0xe  }
0x7d: {  	s31 =	spop (v2sf)  }
0x7e: {  	s13 =	simm.s32 $0x40;
	s14 =	sshll.u32 s31, $0x9  }
0x7f: {  	v0 =	vld [tilespmem:s13+$0xFFFFFFC0];
	s14 =	sshra.s32 s14, $0x2  }
0x80: {  	v1 =	vld [tilespmem:s14+$0x14100];
	_ =	sdelay $0x4  }
0x81: {  	v0 =	vmax.f32 v1, v0  }
0x82: {  	[tilespmem:s14+$0x14100] =	vst v0;
	v0 =	vld [tilespmem:s14+$0x14110]  }
0x83: {  	v1 =	vld [tilespmem:s13+$0xFFFFFFD0];
	_ =	sdelay $0x4  }
0x84: {  	v0 =	vmax.f32 v0, v1  }
0x85: {  	[tilespmem:s14+$0x14110] =	vst v0;
	v0 =	vld [tilespmem:s14+$0x14120]  }
0x86: {  	v1 =	vld [tilespmem:s13+$0xFFFFFFE0];
	_ =	sdelay $0x4  }
0x87: {  	v0 =	vmax.f32 v0, v1  }
0x88: {  	[tilespmem:s14+$0x14120] =	vst v0;
	v0 =	vld [tilespmem:s14+$0x14130]  }
0x89: {  	v1 =	vld [tilespmem:s13+$0xFFFFFFF0];
	_ =	sdelay $0x4  }
0x8a: {  	v0 =	vmax.f32 v0, v1  }
0x8b: {  	[tilespmem:s14+$0x14130] =	vst v0;
	v0 =	vld [tilespmem:s14+$0x14140]  }
0x8c: {  	v1 =	vld [tilespmem:s13+$0x0];
	_ =	sdelay $0x4  }
0x8d: {  	v0 =	vmax.f32 v0, v1  }
0x8e: {  	[tilespmem:s14+$0x14140] =	vst v0;
	v0 =	vld [tilespmem:s14+$0x14150]  }
0x8f: {  	v1 =	vld [tilespmem:s13+$0x10];
	_ =	sdelay $0x4  }
0x90: {  	v0 =	vmax.f32 v0, v1  }
0x91: {  	[tilespmem:s14+$0x14150] =	vst v0;
	v0 =	vld [tilespmem:s14+$0x14160]  }
0x92: {  	v1 =	vld [tilespmem:s13+$0x20];
	_ =	sdelay $0x4  }
0x93: {  	v0 =	vmax.f32 v0, v1  }
0x94: {  	[tilespmem:s14+$0x14160] =	vst v0;
	v0 =	vld [tilespmem:s14+$0x14170]  }
0x95: {  	v1 =	vld [tilespmem:s13+$0x30];
	_ =	sdelay $0x4  }
0x96: {  	s17 =	simm.s32 $0x8;
	s15 =	simm.s32 $0x4;
	v0 =	vmax.f32 v0, v1  }
.LBB2_4:
0x97: {  	s18 =	sshra.s32 s15, $0x2  }
0x98: {  	[tilespmem:s14+$0x14170] =	vst v0;
	s13 =	sadd.s32 $0x80, s13;
	s15 =	smov.u32 s17;
	s16 =	sadd.s32 $0x4, s17  }
0x99: {  	p0 =	sne.s32 s17, $0x9DC;
	v0 =	vld [tilespmem:s18+$0x13E78];
	_ =	sdelay $0x4  }
0x9a: {  	(v2sf) =	vpush v0, $0x0;
	_ =	sdelay $0xe  }
0x9b: {  	s14 =	spop (v2sf)  }
0x9c: {  	s14 =	sshll.u32 s14, $0x9  }
0x9d: {  	v0 =	vld [tilespmem:s13+$0xFFFFFFC0];
	s14 =	sshra.s32 s14, $0x2  }
0x9e: {  	v1 =	vld [tilespmem:s14+$0x14100];
	_ =	sdelay $0x4  }
0x9f: {  	v0 =	vmax.f32 v1, v0  }
0xa0: {  	[tilespmem:s14+$0x14100] =	vst v0;
	v0 =	vld [tilespmem:s14+$0x14110]  }
0xa1: {  	v1 =	vld [tilespmem:s13+$0xFFFFFFD0];
	_ =	sdelay $0x4  }
0xa2: {  	v0 =	vmax.f32 v0, v1  }
0xa3: {  	[tilespmem:s14+$0x14110] =	vst v0;
	v0 =	vld [tilespmem:s14+$0x14120]  }
0xa4: {  	v1 =	vld [tilespmem:s13+$0xFFFFFFE0];
	_ =	sdelay $0x4  }
0xa5: {  	v0 =	vmax.f32 v0, v1  }
0xa6: {  	[tilespmem:s14+$0x14120] =	vst v0;
	v0 =	vld [tilespmem:s14+$0x14130]  }
0xa7: {  	v1 =	vld [tilespmem:s13+$0xFFFFFFF0];
	_ =	sdelay $0x4  }
0xa8: {  	v0 =	vmax.f32 v0, v1  }
0xa9: {  	[tilespmem:s14+$0x14130] =	vst v0;
	v0 =	vld [tilespmem:s14+$0x14140]  }
0xaa: {  	v1 =	vld [tilespmem:s13+$0x0];
	_ =	sdelay $0x4  }
0xab: {  	v0 =	vmax.f32 v0, v1  }
0xac: {  	[tilespmem:s14+$0x14140] =	vst v0;
	v0 =	vld [tilespmem:s14+$0x14150]  }
0xad: {  	v1 =	vld [tilespmem:s13+$0x10];
	_ =	sdelay $0x4  }
0xae: {  	v0 =	vmax.f32 v0, v1  }
0xaf: {  	[tilespmem:s14+$0x14150] =	vst v0;
	v0 =	vld [tilespmem:s14+$0x14160]  }
0xb0: {  	v1 =	vld [tilespmem:s13+$0x20];
	_ =	sdelay $0x4  }
0xb1: {  	v0 =	vmax.f32 v0, v1  }
0xb2: {  	[tilespmem:s14+$0x14160] =	vst v0;
	v0 =	vld [tilespmem:s14+$0x14170]  }
0xb3: {  	v1 =	vld [tilespmem:s13+$0x30]  }
.Ltmp1:
0xb4: {  	(pc) =	sbr.rel @p0 .LBB2_4-.Ltmp1, $2  }
0xb5: {  	_ =	sdelay $0x2  }
0xb6: {  	s17 =	smov.u32 s16;
	v0 =	vmax.f32 v0, v1  }
0xb7: {  	s15 =	sshra.s32 s15, $0x2;
	[tilespmem:s14+$0x14170] =	vst v0  }
0xb8: {  	v0 =	vld [tilespmem:s15+$0x13E78];
	_ =	sdelay $0x4  }
0xb9: {  	(v2sf) =	vpush v0, $0x0;
	_ =	sdelay $0xe  }
0xba: {  	s31 =	spop (v2sf)  }
0xbb: {  	s13 =	sadd.s32 $0x80, s13;
	s14 =	sshll.u32 s31, $0x9  }
0xbc: {  	v49 =	vld [tilespmem:s13+$0xFFFFFFC0];
	s14 =	sshra.s32 s14, $0x2  }
0xbd: {  	v1 =	vld [tilespmem:s14+$0x14100];
	_ =	sdelay $0x4  }
0xbe: {  	v0 =	vmax.f32 v1, v49  }
0xbf: {  	v50 =	vld [tilespmem:s14+$0x14110];
	[tilespmem:s14+$0x14100] =	vst v0  }
0xc0: {  	v51 =	vld [tilespmem:s13+$0xFFFFFFD0];
	_ =	sdelay $0x4  }
0xc1: {  	v0 =	vmax.f32 v50, v51  }
0xc2: {  	v52 =	vld [tilespmem:s14+$0x14120];
	[tilespmem:s14+$0x14110] =	vst v0  }
0xc3: {  	v53 =	vld [tilespmem:s13+$0xFFFFFFE0];
	_ =	sdelay $0x4  }
0xc4: {  	v0 =	vmax.f32 v52, v53  }
0xc5: {  	v54 =	vld [tilespmem:s14+$0x14130];
	[tilespmem:s14+$0x14120] =	vst v0  }
0xc6: {  	v55 =	vld [tilespmem:s13+$0xFFFFFFF0];
	_ =	sdelay $0x4  }
0xc7: {  	v0 =	vmax.f32 v54, v55  }
0xc8: {  	v56 =	vld [tilespmem:s14+$0x14140];
	[tilespmem:s14+$0x14130] =	vst v0  }
0xc9: {  	v57 =	vld [tilespmem:s13+$0x0];
	_ =	sdelay $0x4  }
0xca: {  	v0 =	vmax.f32 v56, v57  }
0xcb: {  	v58 =	vld [tilespmem:s14+$0x14150];
	[tilespmem:s14+$0x14140] =	vst v0  }
0xcc: {  	v59 =	vld [tilespmem:s13+$0x10];
	_ =	sdelay $0x4  }
0xcd: {  	v0 =	vmax.f32 v58, v59  }
0xce: {  	v60 =	vld [tilespmem:s14+$0x14160];
	[tilespmem:s14+$0x14150] =	vst v0  }
0xcf: {  	v61 =	vld [tilespmem:s13+$0x20];
	_ =	sdelay $0x4  }
0xd0: {  	v0 =	vmax.f32 v60, v61  }
0xd1: {  	v62 =	vld [tilespmem:s14+$0x14170];
	[tilespmem:s14+$0x14160] =	vst v0  }
0xd2: {  	v63 =	vld [tilespmem:s13+$0x30];
	_ =	sdelay $0x3  }
0xd3: {  	s12 =	sadd.s32 $0x1, s12  }
0xd4: {  	p0 =	sne.s32 s12, s9;
	v0 =	vmax.f32 v62, v63  }
.Ltmp2:
0xd5: {  	[tilespmem:s14+$0x14170] =	vst v0;
	(pc) =	sbr.rel @p0 .LBB2_1-.Ltmp2, $4  }
0xd6: {  	[hbm4b:s8+s3] =	stream.linear.scatter [tilespmem:s11], [sflag:$0x1], $0x4000, $0x38;
	[tilespmem:$0x18100] =	vst v63  }
0xd7: {  	_ =	swait.ge [sflag:s4], $0x4000  }
0xd8: {  	[sflag:s4] =	ssyncset.done $0x0  }
0xd9: {  	[sflag:s4] =	ssyncadd.s32 $0xFFFFC000  }
0xda: {  	_ =	sfence.sel $0x180000  }
0xdb: {  	[bflag:$0x0] =	sbarrier.arrive $0xFFFF  }
0xdc: {  	p0 =	sne.s32 s0, $0x0;
	_ =	strace $0x90000056  }
0xdd: {  	s0 =	sadd.s32 @!p0 $0x100000, s1;
	[bflag:$0x2] =	sbarrier.arrive $0xFFFF  }
0xde: {  	[sflag:s0] =	ssyncadd.tile.s32 @!p0 $0x1;
	_ =	shalt  }
.Lfunc_end2:
_tile_overlayer_lowered:
.L_overlay_start_2:
0xdf: {  	(tag) =	ssettag $0x2  }
0xe0: {  	s0 =	rddreg [dreg:$0x0];
	s2 =	stileid.u32  }
0xe1: {  	s1 =	rddreg [dreg:$0x1];
	p0 =	sne.s32 s2, $0x0  }
0xe2: {  	s3 =	rddreg [dreg:$0x2];
	[bflag:$0x3] =	sbarrier.arrive $0xFFFF;
	s2 =	simm.s32 @!p0 $0x1C01  }
0xe3: {  	[timem:s3], [sflag:s2] =	dma.local @!p0 [hbm:s0], s1  }
0xe4: {  	s0 =	simm.s32 @!p0 $0x1  }
0xe5: {  	_ =	swait.ge @!p0 [sflag:s0], s1  }
0xe6: {  	s1 =	ssub.s32 @!p0 $0x0, s1;
	[sflag:s0] =	ssyncset.done @!p0 $0x0  }
0xe7: {  	[sflag:s0] =	ssyncadd.s32 @!p0 s1  }
0xe8: {  	[bflag:$0x3] =	sbarrier.arrive $0xFFFF  }
0xe9: {  	_ =	shalt  }

</sc_bundles>
